<compile_context>
chip_gen: v7x
topology: tpu7x:2x2x1
jax: 0.10.2.dev20260603
libtpu: 0.0.44.dev20260713+nightly
codegen_flags: <defaults>
</compile_context>

<pallas_src>
import functools

import jax
import jax.numpy as jnp
from jax import lax
from jax.experimental import pallas as pl
from jax.experimental.pallas import tpu as pltpu
from jax.experimental.pallas import tpu_sc as plsc

_NC = 2
_NS = 16
_NW = _NC * _NS

_CH = 16
_NBUF = 2


def _sc_span_gather(feat, wemb2, idxp, *, S, H, WD, B, n_total):
    OUT_D = 2 * H + WD
    spw = n_total // _NW
    nchunk = spw // _CH
    wpb = (n_total // B) // spw
    mesh = plsc.VectorSubcoreMesh(core_axis_name="c", subcore_axis_name="s")

    @functools.partial(
        pl.kernel,
        out_type=jax.ShapeDtypeStruct((n_total, OUT_D), jnp.float32),
        mesh=mesh,
        compiler_params=pltpu.CompilerParams(use_tc_tiling_on_sc=True),
        scratch_types=[
            pltpu.VMEM((3, spw), jnp.int32),
            [pltpu.VMEM((_CH,), jnp.int32) for _ in range(_NBUF)],
            [pltpu.VMEM((_CH, OUT_D), jnp.float32) for _ in range(_NBUF)],
            [pltpu.VMEM((_CH, 2 * WD), jnp.float32) for _ in range(_NBUF)],
            [pltpu.SemaphoreType.DMA for _ in range(_NBUF)],
            [pltpu.SemaphoreType.DMA for _ in range(_NBUF)],
        ],
    )
    def k(feat_hbm, wemb_hbm, idx_hbm, out_hbm, idxw, widx, obuf, wbuf,
          semG, semS):
        wid = lax.axis_index("s") * _NC + lax.axis_index("c")
        base = wid * spw
        b_s = (wid // wpb) * S

        pltpu.sync_copy(idx_hbm.at[:, pl.ds(base, spw)], idxw)

        def scat_desc(c, b):
            return pltpu.make_async_copy(
                obuf[b], out_hbm.at[pl.ds(base + c * _CH, _CH)], semS[b])

        def gath_descs(c, b):
            co = c * _CH
            return (
                pltpu.make_async_copy(
                    feat_hbm.at[idxw.at[0, pl.ds(co, _CH)]],
                    obuf[b].at[:, pl.ds(0, H)], semG[b]),
                pltpu.make_async_copy(
                    feat_hbm.at[idxw.at[1, pl.ds(co, _CH)]],
                    obuf[b].at[:, pl.ds(H, H)], semG[b]),
                pltpu.make_async_copy(wemb_hbm.at[widx[b]], wbuf[b], semG[b]),
            )

        def issue_gathers(c, b):
            wvec = idxw[2, pl.ds(c * _CH, _CH)]
            widx[b][...] = lax.shift_right_logical(wvec, 1)
            for d in gath_descs(c, b):
                d.start()

        issue_gathers(0, 0)

        def sub(c, b):
            for d in gath_descs(c, b):
                d.wait()

            @pl.when(c + 1 < nchunk)
            def _(b=b):
                @pl.when(c >= 1)
                def _(b=b):
                    scat_desc(c + 1, b ^ 1).wait()
                issue_gathers(c + 1, b ^ 1)

            co = c * _CH
            wvec = idxw[2, pl.ds(co, _CH)]
            evec = idxw[1, pl.ds(co, _CH)] - b_s
            z = jnp.zeros((16,), jnp.float32)
            for j in range(_CH):
                off = (wvec[j] & 1) * WD
                for kk in range(WD // 16):
                    obuf[b][j, pl.ds(2 * H + kk * 16, 16)] = (
                        wbuf[b][j, pl.ds(off + kk * 16, 16)])

                @pl.when(evec[j] <= 0)
                def _zero(j=j, b=b):
                    def zrow(kk, _):
                        obuf[b][j, pl.ds(kk * 16, 16)] = z
                        return 0
                    lax.fori_loop(0, OUT_D // 16, zrow, 0)

            scat_desc(c, b).start()

        def body(t, _):
            for b in range(_NBUF):
                sub(t * _NBUF + b, b)
            return 0

        lax.fori_loop(0, nchunk // _NBUF, body, 0)
        for b in range(_NBUF):
            scat_desc(0, b).wait()

    return k(feat, wemb2, idxp)


def kernel(features, clause_candidates, width_embedding):
    B, S, H = features.shape
    N = clause_candidates.shape[1]
    WD = width_embedding.shape[1]

    cc = clause_candidates.astype(jnp.int32)
    starts = cc[:, :, 0]
    ends = cc[:, :, 1]
    boff = (jnp.arange(B, dtype=jnp.int32) * S)[:, None]
    idxp = jnp.stack([
        (starts + boff).reshape(B * N),
        (ends + boff).reshape(B * N),
        (ends - starts).reshape(B * N),
    ])

    out = _sc_span_gather(
        features.reshape(B * S, H),
        width_embedding.reshape(-1, 2 * WD),
        idxp, S=S, H=H, WD=WD, B=B, n_total=B * N,
    )
    return out.reshape(B, N, 2 * H + WD)

# --- scband reference (transcript-rebuilt; emitter-appended) ---
"""Pipeline reference for scband-ecpextraction-module-10170482557588 (READ-ONLY COPY).

The authoritative reference and input builder live on the scoring server;
editing this copy changes nothing except your own understanding.
"""

import jax, jax.numpy as jnp
import numpy as np

B, S, H = 4, 4096, 1024
NUM_SPANS = 1024
NUM_WIDTH = 4096
WIDTH_DIM = 64


def setup_inputs(seed: int = 0) -> dict:
    key = jax.random.key(seed)
    k1, k2, k3 = jax.random.split(key, 3)
    features = jax.random.normal(k1, (B, S, H), dtype=jnp.float32)
    # sorted along last axis so start <= end and widths < NUM_WIDTH
    clause_candidates = jnp.sort(
        jax.random.randint(k2, (B, NUM_SPANS, 2), 0, S, dtype=jnp.int64), axis=-1
    )
    width_embedding = jax.random.normal(k3, (NUM_WIDTH, WIDTH_DIM), dtype=jnp.float32) * 0.02
    return {
        "features": features,
        "clause_candidates": clause_candidates,
        "width_embedding": width_embedding,
    }


def reference(features, clause_candidates, width_embedding):
    # EndpointSpanExtractor with combination 'x,y' + span width embeddings
    span_starts = clause_candidates[:, :, 0]  # [B, N]
    span_ends = clause_candidates[:, :, 1]    # [B, N]

    # batched_index_select: gather start/end token embeddings
    start_embeddings = jnp.take_along_axis(features, span_starts[:, :, None], axis=1)  # [B, N, H]
    end_embeddings = jnp.take_along_axis(features, span_ends[:, :, None], axis=1)      # [B, N, H]

    combined = jnp.concatenate([start_embeddings, end_embeddings], axis=-1)  # [B, N, 2H]

    # span width embedding lookup (no bucketing)
    span_widths = span_ends - span_starts  # [B, N]
    span_width_embeddings = jnp.take(width_embedding, span_widths, axis=0)  # [B, N, WIDTH_DIM]
    combined = jnp.concatenate([combined, span_width_embeddings], axis=-1)  # [B, N, 2H+WIDTH_DIM]

    # clause_mask = (clause_candidates[:, :, 1] > 0).float(); applied inside extractor
    clause_mask = (span_ends > 0).astype(jnp.float32)
    endpoint_span_embeddings = combined * clause_mask[:, :, None]
    return endpoint_span_embeddings

if __name__ == "__main__":
    import jax
    _d = setup_inputs()
    print(jax.jit(kernel)(*tuple(_d.values())))

</pallas_src>

<mosaic_0001>
#map = affine_map<(d0, d1) -> (0, 0)>
module attributes {stable_mosaic.version = 14 : i64} {
  func.func @k(%arg0: i32, %arg1: i32, %arg2: memref<16384x1024xf32, #tpu.memory_space<hbm>>, %arg3: memref<2048x128xf32, #tpu.memory_space<hbm>>, %arg4: memref<3x4096xi32, #tpu.memory_space<hbm>>, %arg5: memref<4096x2112xf32, #tpu.memory_space<hbm>>, %arg6: memref<3x128xi32, #tpu.memory_space<vmem>>, %arg7: memref<16xi32, #tpu.memory_space<vmem>>, %arg8: memref<16xi32, #tpu.memory_space<vmem>>, %arg9: memref<16x2112xf32, #tpu.memory_space<vmem>>, %arg10: memref<16x2112xf32, #tpu.memory_space<vmem>>, %arg11: memref<16x128xf32, #tpu.memory_space<vmem>>, %arg12: memref<16x128xf32, #tpu.memory_space<vmem>>, %arg13: memref<!tpu.dma_semaphore, #tpu.memory_space<semaphore_mem>>, %arg14: memref<!tpu.dma_semaphore, #tpu.memory_space<semaphore_mem>>, %arg15: memref<!tpu.dma_semaphore, #tpu.memory_space<semaphore_mem>>, %arg16: memref<!tpu.dma_semaphore, #tpu.memory_space<semaphore_mem>>) attributes {dimension_semantics = [#tpu.dimension_semantics<core_parallel>, #tpu.dimension_semantics<subcore_parallel>], iteration_bounds = array<i64: 2, 16>, scalar_prefetch = 0 : i64, scratch_operands = 11 : i64, tpu.core_type = #tpu.core_type<sc_vector_subcore>, window_params = [{transform_indices = #map}, {transform_indices = #map}, {transform_indices = #map}, {transform_indices = #map}]} {
    %mul3A = arith.constant 2 : i32
    %mul3A_0 = arith.muli %arg1, %mul3A : i32
    %add3A = arith.addi %mul3A_0, %arg0 : i32
    %mul3A_1 = arith.constant 128 : i32
    %mul3A_2 = arith.muli %add3A, %mul3A_1 : i32
    %jit3A = arith.constant 8 : i32
    %div3A = arith.divsi %add3A, %jit3A : i32
    %sign3A = arith.constant 0 : i32
    %sign3A_3 = arith.cmpi sgt, %add3A, %sign3A : i32
    %sign3A_4 = arith.extui %sign3A_3 : i1 to i32
    %sign3A_5 = arith.constant 0 : i32
    %sign3A_6 = arith.cmpi slt, %add3A, %sign3A_5 : i32
    %sign3A_7 = arith.extui %sign3A_6 : i1 to i32
    %sign3A_8 = arith.subi %sign3A_4, %sign3A_7 : i32
    %sign3A_9 = arith.constant 0 : i32
    %sign3A_10 = arith.cmpi sgt, %jit3A, %sign3A_9 : i32
    %sign3A_11 = arith.extui %sign3A_10 : i1 to i32
    %sign3A_12 = arith.constant 0 : i32
    %sign3A_13 = arith.cmpi slt, %jit3A, %sign3A_12 : i32
    %sign3A_14 = arith.extui %sign3A_13 : i1 to i32
    %sign3A_15 = arith.subi %sign3A_11, %sign3A_14 : i32
    %ne3A = arith.cmpi ne, %sign3A_8, %sign3A_15 : i32
    %rem3A = arith.remsi %add3A, %jit3A : i32
    %ne3A_16 = arith.constant 0 : i32
    %ne3A_17 = arith.cmpi ne, %rem3A, %ne3A_16 : i32
    %and3A = arith.andi %ne3A, %ne3A_17 : i1
    %sub3A = arith.constant 1 : i32
    %sub3A_18 = arith.subi %div3A, %sub3A : i32
    %select_n3A = arith.select %and3A, %sub3A_18, %div3A : i32
    %mul3A_19 = arith.constant 4096 : i32
    %mul3A_20 = arith.muli %select_n3A, %mul3A_19 : i32
    "tpu.region"() ({
      %run_scoped3A = tpu.sem_alloc : memref<!tpu.dma_semaphore, #tpu.memory_space<semaphore_mem>>
      %dma_start3A_69 = arith.constant 0 : i32
      %dma_start3A_70 = tpu.memref_slice %arg4[%dma_start3A_69, %mul3A_2] : memref<3x4096xi32, #tpu.memory_space<hbm>> -> memref<3x128xi32, #tpu.memory_space<hbm>>
      %dma_start3A_71 = arith.constant 0 : i32
      %dma_start3A_72 = tpu.memref_slice %arg4[%dma_start3A_71, %mul3A_2] : memref<3x4096xi32, #tpu.memory_space<hbm>> -> memref<3x128xi32, #tpu.memory_space<hbm>>
      tpu.enqueue_dma source(%dma_start3A_72 : memref<3x128xi32, #tpu.memory_space<hbm>>) target(%arg6 : memref<3x128xi32, #tpu.memory_space<vmem>>) target_semaphore(%run_scoped3A : memref<!tpu.dma_semaphore, #tpu.memory_space<semaphore_mem>>)
      %dma_wait3A_73 = arith.constant 0 : i32
      %dma_wait3A_74 = tpu.memref_slice %arg4[%dma_wait3A_73, %mul3A_2] : memref<3x4096xi32, #tpu.memory_space<hbm>> -> memref<3x128xi32, #tpu.memory_space<hbm>>
      %dma_wait3A_75 = arith.constant 0 : i32
      %dma_wait3A_76 = tpu.memref_slice %arg4[%dma_wait3A_75, %mul3A_2] : memref<3x4096xi32, #tpu.memory_space<hbm>> -> memref<3x128xi32, #tpu.memory_space<hbm>>
      tpu.wait_dma2 semaphore(%run_scoped3A : memref<!tpu.dma_semaphore, #tpu.memory_space<semaphore_mem>>) src(%dma_wait3A_76 : memref<3x128xi32, #tpu.memory_space<hbm>>) dst(%arg6 : memref<3x128xi32, #tpu.memory_space<vmem>>)
      tpu.yield
    }) : () -> ()
    %get3A = arith.constant 2 : i32
    %get3A_21 = arith.index_cast %get3A : i32 to index
    %get3A_22 = arith.constant 0 : index
    %get3A_23 = tpu.vector_load %arg6[%get3A_21, %get3A_22] {strides = array<i32>} : memref<3x128xi32, #tpu.memory_space<vmem>>, vector<1x16xi32>,
    %get3A_24 = vector.shape_cast %get3A_23 : vector<1x16xi32> to vector<16xi32>
    %shift_right_logical3A = arith.constant 1 : i32
    %shift_right_logical3A_25 = vector.broadcast %shift_right_logical3A : i32 to vector<16xi32>
    %shift_right_logical3A_26 = arith.shrui %get3A_24, %shift_right_logical3A_25 : vector<16xi32>
    %swap3A = arith.constant 0 : index
    %swap3A_27 = tpu.vector_load %arg7[%swap3A] {strides = array<i32>} : memref<16xi32, #tpu.memory_space<vmem>>, vector<16xi32>,
    %swap3A_28 = vector.shape_cast %swap3A_27 : vector<16xi32> to vector<16xi32>
    %swap3A_29 = vector.shape_cast %shift_right_logical3A_26 : vector<16xi32> to vector<16xi32>
    tpu.vector_store %arg7[%swap3A], %swap3A_29 {strides = array<i32>} : memref<16xi32, #tpu.memory_space<vmem>>, vector<16xi32>,
    %dma_start3A = arith.constant 0 : i32
    %dma_start3A_30 = arith.constant 0 : i32
    %dma_start3A_31 = arith.constant 0 : i32
    %dma_start3A_32 = tpu.memref_slice %arg9[%dma_start3A_30, %dma_start3A_31] : memref<16x2112xf32, #tpu.memory_space<vmem>> -> memref<16x1024xf32, #tpu.memory_space<vmem>>
    %dma_start3A_33 = arith.constant 0 : i32
    %dma_start3A_34 = tpu.memref_slice %arg6[%dma_start3A, %dma_start3A_33] : memref<3x128xi32, #tpu.memory_space<vmem>> -> memref<1x16xi32, #tpu.memory_space<vmem>>
    %dma_start3A_35 = tpu.memref_squeeze %dma_start3A_34 : memref<1x16xi32, #tpu.memory_space<vmem>> -> memref<16xi32, #tpu.memory_space<vmem>>
    %dma_start3A_36 = arith.constant 0 : i32
    %dma_start3A_37 = arith.constant 0 : i32
    %dma_start3A_38 = tpu.memref_slice %arg2[%dma_start3A_36, %dma_start3A_37] : memref<16384x1024xf32, #tpu.memory_space<hbm>> -> memref<16384x1024xf32, #tpu.memory_space<hbm>>
    tpu.enqueue_indirect_dma source(%dma_start3A_38 : memref<16384x1024xf32, #tpu.memory_space<hbm>>) target(%dma_start3A_32 : memref<16x1024xf32, #tpu.memory_space<vmem>>) offsets(%dma_start3A_35 : memref<16xi32, #tpu.memory_space<vmem>>) semaphore(%arg13 : memref<!tpu.dma_semaphore, #tpu.memory_space<semaphore_mem>>)
    %dma_start3A_39 = arith.constant 1 : i32
    %dma_start3A_40 = arith.constant 0 : i32
    %dma_start3A_41 = arith.constant 1024 : i32
    %dma_start3A_42 = tpu.memref_slice %arg9[%dma_start3A_40, %dma_start3A_41] : memref<16x2112xf32, #tpu.memory_space<vmem>> -> memref<16x1024xf32, #tpu.memory_space<vmem>>
    %dma_start3A_43 = arith.constant 0 : i32
    %dma_start3A_44 = tpu.memref_slice %arg6[%dma_start3A_39, %dma_start3A_43] : memref<3x128xi32, #tpu.memory_space<vmem>> -> memref<1x16xi32, #tpu.memory_space<vmem>>
    %dma_start3A_45 = tpu.memref_squeeze %dma_start3A_44 : memref<1x16xi32, #tpu.memory_space<vmem>> -> memref<16xi32, #tpu.memory_space<vmem>>
    %dma_start3A_46 = arith.constant 0 : i32
    %dma_start3A_47 = arith.constant 0 : i32
    %dma_start3A_48 = tpu.memref_slice %arg2[%dma_start3A_46, %dma_start3A_47] : memref<16384x1024xf32, #tpu.memory_space<hbm>> -> memref<16384x1024xf32, #tpu.memory_space<hbm>>
    tpu.enqueue_indirect_dma source(%dma_start3A_48 : memref<16384x1024xf32, #tpu.memory_space<hbm>>) target(%dma_start3A_42 : memref<16x1024xf32, #tpu.memory_space<vmem>>) offsets(%dma_start3A_45 : memref<16xi32, #tpu.memory_space<vmem>>) semaphore(%arg13 : memref<!tpu.dma_semaphore, #tpu.memory_space<semaphore_mem>>)
    %dma_start3A_49 = arith.constant 0 : i32
    %dma_start3A_50 = arith.constant 0 : i32
    %dma_start3A_51 = tpu.memref_slice %arg3[%dma_start3A_49, %dma_start3A_50] : memref<2048x128xf32, #tpu.memory_space<hbm>> -> memref<2048x128xf32, #tpu.memory_space<hbm>>
    tpu.enqueue_indirect_dma source(%dma_start3A_51 : memref<2048x128xf32, #tpu.memory_space<hbm>>) target(%arg11 : memref<16x128xf32, #tpu.memory_space<vmem>>) offsets(%arg7 : memref<16xi32, #tpu.memory_space<vmem>>) semaphore(%arg13 : memref<!tpu.dma_semaphore, #tpu.memory_space<semaphore_mem>>)
    %scan3A = arith.constant 0 : i32
    %scan3A_52 = arith.constant 0 : i32
    %scan3A_53 = arith.constant 4 : i32
    %scan3A_54 = arith.addi %scan3A_52, %scan3A_53 : i32
    %scan3A_55 = arith.constant 1 : i32
    %scan3A_56 = scf.for %scan3A_69 = %scan3A_52 to %scan3A_54 step %scan3A_55 iter_args(%scan3A_70 = %scan3A) -> (i32)  : i32 {
      %mul3A_71 = arith.constant 2 : i32
      %mul3A_72 = arith.muli %scan3A_69, %mul3A_71 : i32
      %add3A_73 = arith.constant 0 : i32
      %add3A_74 = arith.addi %mul3A_72, %add3A_73 : i32
      %mul3A_75 = arith.constant 16 : i32
      %mul3A_76 = arith.muli %add3A_74, %mul3A_75 : i32
      %dma_wait3A_77 = arith.constant 0 : i32
      %dma_wait3A_78 = arith.constant 0 : i32
      %dma_wait3A_79 = arith.constant 0 : i32
      %dma_wait3A_80 = tpu.memref_slice %arg9[%dma_wait3A_78, %dma_wait3A_79] : memref<16x2112xf32, #tpu.memory_space<vmem>> -> memref<16x1024xf32, #tpu.memory_space<vmem>>
      %dma_wait3A_81 = tpu.memref_slice %arg6[%dma_wait3A_77, %mul3A_76] : memref<3x128xi32, #tpu.memory_space<vmem>> -> memref<1x16xi32, #tpu.memory_space<vmem>>
      %dma_wait3A_82 = tpu.memref_squeeze %dma_wait3A_81 : memref<1x16xi32, #tpu.memory_space<vmem>> -> memref<16xi32, #tpu.memory_space<vmem>>
      %dma_wait3A_83 = arith.constant 0 : i32
      %dma_wait3A_84 = arith.constant 0 : i32
      %dma_wait3A_85 = tpu.memref_slice %arg2[%dma_wait3A_83, %dma_wait3A_84] : memref<16384x1024xf32, #tpu.memory_space<hbm>> -> memref<16384x1024xf32, #tpu.memory_space<hbm>>
      tpu.wait_indirect_dma semaphore(%arg13 : memref<!tpu.dma_semaphore, #tpu.memory_space<semaphore_mem>>) src(%dma_wait3A_85 : memref<16384x1024xf32, #tpu.memory_space<hbm>>) dst(%dma_wait3A_80 : memref<16x1024xf32, #tpu.memory_space<vmem>>)
      %dma_wait3A_86 = arith.constant 1 : i32
      %dma_wait3A_87 = arith.constant 0 : i32
      %dma_wait3A_88 = arith.constant 1024 : i32
      %dma_wait3A_89 = tpu.memref_slice %arg9[%dma_wait3A_87, %dma_wait3A_88] : memref<16x2112xf32, #tpu.memory_space<vmem>> -> memref<16x1024xf32, #tpu.memory_space<vmem>>
      %dma_wait3A_90 = tpu.memref_slice %arg6[%dma_wait3A_86, %mul3A_76] : memref<3x128xi32, #tpu.memory_space<vmem>> -> memref<1x16xi32, #tpu.memory_space<vmem>>
      %dma_wait3A_91 = tpu.memref_squeeze %dma_wait3A_90 : memref<1x16xi32, #tpu.memory_space<vmem>> -> memref<16xi32, #tpu.memory_space<vmem>>
      %dma_wait3A_92 = arith.constant 0 : i32
      %dma_wait3A_93 = arith.constant 0 : i32
      %dma_wait3A_94 = tpu.memref_slice %arg2[%dma_wait3A_92, %dma_wait3A_93] : memref<16384x1024xf32, #tpu.memory_space<hbm>> -> memref<16384x1024xf32, #tpu.memory_space<hbm>>
      tpu.wait_indirect_dma semaphore(%arg13 : memref<!tpu.dma_semaphore, #tpu.memory_space<semaphore_mem>>) src(%dma_wait3A_94 : memref<16384x1024xf32, #tpu.memory_space<hbm>>) dst(%dma_wait3A_89 : memref<16x1024xf32, #tpu.memory_space<vmem>>)
      %dma_wait3A_95 = arith.constant 0 : i32
      %dma_wait3A_96 = arith.constant 0 : i32
      %dma_wait3A_97 = tpu.memref_slice %arg3[%dma_wait3A_95, %dma_wait3A_96] : memref<2048x128xf32, #tpu.memory_space<hbm>> -> memref<2048x128xf32, #tpu.memory_space<hbm>>
      tpu.wait_indirect_dma semaphore(%arg13 : memref<!tpu.dma_semaphore, #tpu.memory_space<semaphore_mem>>) src(%dma_wait3A_97 : memref<2048x128xf32, #tpu.memory_space<hbm>>) dst(%arg11 : memref<16x128xf32, #tpu.memory_space<vmem>>)
      %add3A_98 = arith.constant 1 : i32
      %add3A_99 = arith.addi %add3A_74, %add3A_98 : i32
      %lt3A = arith.constant 8 : i32
      %lt3A_100 = arith.cmpi slt, %add3A_99, %lt3A : i32
      %convert_element_type3A = arith.extui %lt3A_100 : i1 to i32
      %cond3A = arith.constant 0 : i32
      %cond3A_101 = arith.cmpi ne, %convert_element_type3A, %cond3A : i32
      scf.if %cond3A_101 {
        %ge3A = arith.constant 1 : i32
        %ge3A_2259 = arith.cmpi sge, %add3A_74, %ge3A : i32
        %convert_element_type3A_2260 = arith.extui %ge3A_2259 : i1 to i32
        %cond3A_2261 = arith.constant 0 : i32
        %cond3A_2262 = arith.cmpi ne, %convert_element_type3A_2260, %cond3A_2261 : i32
        scf.if %cond3A_2262 {
          %add3A_2302 = arith.constant 1 : i32
          %add3A_2303 = arith.addi %add3A_74, %add3A_2302 : i32
          %mul3A_2304 = arith.constant 16 : i32
          %mul3A_2305 = arith.muli %add3A_2303, %mul3A_2304 : i32
          %add3A_2306 = arith.addi %mul3A_2, %mul3A_2305 : i32
          %dma_wait3A_2307 = arith.constant 0 : i32
          %dma_wait3A_2308 = tpu.memref_slice %arg5[%add3A_2306, %dma_wait3A_2307] : memref<4096x2112xf32, #tpu.memory_space<hbm>> -> memref<16x2112xf32, #tpu.memory_space<hbm>>
          %dma_wait3A_2309 = arith.constant 0 : i32
          %dma_wait3A_2310 = tpu.memref_slice %arg5[%add3A_2306, %dma_wait3A_2309] : memref<4096x2112xf32, #tpu.memory_space<hbm>> -> memref<16x2112xf32, #tpu.memory_space<hbm>>
          tpu.wait_dma2 semaphore(%arg16 : memref<!tpu.dma_semaphore, #tpu.memory_space<semaphore_mem>>) src(%arg10 : memref<16x2112xf32, #tpu.memory_space<vmem>>) dst(%dma_wait3A_2310 : memref<16x2112xf32, #tpu.memory_space<hbm>>)
        } else {
        }
        %add3A_2263 = arith.constant 1 : i32
        %add3A_2264 = arith.addi %add3A_74, %add3A_2263 : i32
        %mul3A_2265 = arith.constant 16 : i32
        %mul3A_2266 = arith.muli %add3A_2264, %mul3A_2265 : i32
        %get3A_2267 = arith.constant 2 : i32
        %get3A_2268 = arith.index_cast %get3A_2267 : i32 to index
        %get3A_2269 = arith.index_cast %mul3A_2266 : i32 to index
        %get3A_2270 = tpu.vector_load %arg6[%get3A_2268, %get3A_2269] {strides = array<i32>} : memref<3x128xi32, #tpu.memory_space<vmem>>, vector<1x16xi32>,
        %get3A_2271 = vector.shape_cast %get3A_2270 : vector<1x16xi32> to vector<16xi32>
        %shift_right_logical3A_2272 = arith.constant 1 : i32
        %shift_right_logical3A_2273 = vector.broadcast %shift_right_logical3A_2272 : i32 to vector<16xi32>
        %shift_right_logical3A_2274 = arith.shrui %get3A_2271, %shift_right_logical3A_2273 : vector<16xi32>
        %swap3A_2275 = arith.constant 0 : index
        %swap3A_2276 = tpu.vector_load %arg8[%swap3A_2275] {strides = array<i32>} : memref<16xi32, #tpu.memory_space<vmem>>, vector<16xi32>,
        %swap3A_2277 = vector.shape_cast %swap3A_2276 : vector<16xi32> to vector<16xi32>
        %swap3A_2278 = vector.shape_cast %shift_right_logical3A_2274 : vector<16xi32> to vector<16xi32>
        tpu.vector_store %arg8[%swap3A_2275], %swap3A_2278 {strides = array<i32>} : memref<16xi32, #tpu.memory_space<vmem>>, vector<16xi32>,
        %mul3A_2279 = arith.constant 16 : i32
        %mul3A_2280 = arith.muli %add3A_2264, %mul3A_2279 : i32
        %dma_start3A_2281 = arith.constant 0 : i32
        %dma_start3A_2282 = arith.constant 0 : i32
        %dma_start3A_2283 = arith.constant 0 : i32
        %dma_start3A_2284 = tpu.memref_slice %arg10[%dma_start3A_2282, %dma_start3A_2283] : memref<16x2112xf32, #tpu.memory_space<vmem>> -> memref<16x1024xf32, #tpu.memory_space<vmem>>
        %dma_start3A_2285 = tpu.memref_slice %arg6[%dma_start3A_2281, %mul3A_2280] : memref<3x128xi32, #tpu.memory_space<vmem>> -> memref<1x16xi32, #tpu.memory_space<vmem>>
        %dma_start3A_2286 = tpu.memref_squeeze %dma_start3A_2285 : memref<1x16xi32, #tpu.memory_space<vmem>> -> memref<16xi32, #tpu.memory_space<vmem>>
        %dma_start3A_2287 = arith.constant 0 : i32
        %dma_start3A_2288 = arith.constant 0 : i32
        %dma_start3A_2289 = tpu.memref_slice %arg2[%dma_start3A_2287, %dma_start3A_2288] : memref<16384x1024xf32, #tpu.memory_space<hbm>> -> memref<16384x1024xf32, #tpu.memory_space<hbm>>
        tpu.enqueue_indirect_dma source(%dma_start3A_2289 : memref<16384x1024xf32, #tpu.memory_space<hbm>>) target(%dma_start3A_2284 : memref<16x1024xf32, #tpu.memory_space<vmem>>) offsets(%dma_start3A_2286 : memref<16xi32, #tpu.memory_space<vmem>>) semaphore(%arg14 : memref<!tpu.dma_semaphore, #tpu.memory_space<semaphore_mem>>)
        %dma_start3A_2290 = arith.constant 1 : i32
        %dma_start3A_2291 = arith.constant 0 : i32
        %dma_start3A_2292 = arith.constant 1024 : i32
        %dma_start3A_2293 = tpu.memref_slice %arg10[%dma_start3A_2291, %dma_start3A_2292] : memref<16x2112xf32, #tpu.memory_space<vmem>> -> memref<16x1024xf32, #tpu.memory_space<vmem>>
        %dma_start3A_2294 = tpu.memref_slice %arg6[%dma_start3A_2290, %mul3A_2280] : memref<3x128xi32, #tpu.memory_space<vmem>> -> memref<1x16xi32, #tpu.memory_space<vmem>>
        %dma_start3A_2295 = tpu.memref_squeeze %dma_start3A_2294 : memref<1x16xi32, #tpu.memory_space<vmem>> -> memref<16xi32, #tpu.memory_space<vmem>>
        %dma_start3A_2296 = arith.constant 0 : i32
        %dma_start3A_2297 = arith.constant 0 : i32
        %dma_start3A_2298 = tpu.memref_slice %arg2[%dma_start3A_2296, %dma_start3A_2297] : memref<16384x1024xf32, #tpu.memory_space<hbm>> -> memref<16384x1024xf32, #tpu.memory_space<hbm>>
        tpu.enqueue_indirect_dma source(%dma_start3A_2298 : memref<16384x1024xf32, #tpu.memory_space<hbm>>) target(%dma_start3A_2293 : memref<16x1024xf32, #tpu.memory_space<vmem>>) offsets(%dma_start3A_2295 : memref<16xi32, #tpu.memory_space<vmem>>) semaphore(%arg14 : memref<!tpu.dma_semaphore, #tpu.memory_space<semaphore_mem>>)
        %dma_start3A_2299 = arith.constant 0 : i32
        %dma_start3A_2300 = arith.constant 0 : i32
        %dma_start3A_2301 = tpu.memref_slice %arg3[%dma_start3A_2299, %dma_start3A_2300] : memref<2048x128xf32, #tpu.memory_space<hbm>> -> memref<2048x128xf32, #tpu.memory_space<hbm>>
        tpu.enqueue_indirect_dma source(%dma_start3A_2301 : memref<2048x128xf32, #tpu.memory_space<hbm>>) target(%arg12 : memref<16x128xf32, #tpu.memory_space<vmem>>) offsets(%arg8 : memref<16xi32, #tpu.memory_space<vmem>>) semaphore(%arg14 : memref<!tpu.dma_semaphore, #tpu.memory_space<semaphore_mem>>)
      } else {
      }
      %mul3A_102 = arith.constant 16 : i32
      %mul3A_103 = arith.muli %add3A_74, %mul3A_102 : i32
      %get3A_104 = arith.constant 2 : i32
      %get3A_105 = arith.index_cast %get3A_104 : i32 to index
      %get3A_106 = arith.index_cast %mul3A_103 : i32 to index
      %get3A_107 = tpu.vector_load %arg6[%get3A_105, %get3A_106] {strides = array<i32>} : memref<3x128xi32, #tpu.memory_space<vmem>>, vector<1x16xi32>,
      %get3A_108 = vector.shape_cast %get3A_107 : vector<1x16xi32> to vector<16xi32>
      %get3A_109 = arith.constant 1 : i32
      %get3A_110 = arith.index_cast %get3A_109 : i32 to index
      %get3A_111 = arith.index_cast %mul3A_103 : i32 to index
      %get3A_112 = tpu.vector_load %arg6[%get3A_110, %get3A_111] {strides = array<i32>} : memref<3x128xi32, #tpu.memory_space<vmem>>, vector<1x16xi32>,
      %get3A_113 = vector.shape_cast %get3A_112 : vector<1x16xi32> to vector<16xi32>
      %sub3A_114 = vector.broadcast %mul3A_20 : i32 to vector<16xi32>
      %sub3A_115 = arith.subi %get3A_113, %sub3A_114 : vector<16xi32>
      %broadcast_in_dim3A = arith.constant 0.000000e+00 : f32
      %broadcast_in_dim3A_116 = vector.broadcast %broadcast_in_dim3A : f32 to vector<16xf32>
      %slice3A = vector.extract_strided_slice %get3A_108 {offsets = [0], sizes = [1], strides = [1]} : vector<16xi32> to vector<1xi32>
      %squeeze3A = vector.extract %slice3A[0] : i32 from vector<1xi32>
      %and3A_117 = arith.constant 1 : i32
      %and3A_118 = arith.andi %squeeze3A, %and3A_117 : i32
      %mul3A_119 = arith.constant 64 : i32
      %mul3A_120 = arith.muli %and3A_118, %mul3A_119 : i32
      %add3A_121 = arith.constant 0 : i32
      %add3A_122 = arith.addi %mul3A_120, %add3A_121 : i32
      %get3A_123 = arith.constant 0 : i32
      %get3A_124 = arith.index_cast %get3A_123 : i32 to index
      %get3A_125 = arith.index_cast %add3A_122 : i32 to index
      %get3A_126 = tpu.vector_load %arg11[%get3A_124, %get3A_125] {strides = array<i32>} : memref<16x128xf32, #tpu.memory_space<vmem>>, vector<1x16xf32>,
      %get3A_127 = vector.shape_cast %get3A_126 : vector<1x16xf32> to vector<16xf32>
      %swap3A_128 = arith.constant 0 : i32
      %swap3A_129 = arith.index_cast %swap3A_128 : i32 to index
      %swap3A_130 = arith.constant 2048 : index
      %swap3A_131 = tpu.vector_load %arg9[%swap3A_129, %swap3A_130] {strides = array<i32>} : memref<16x2112xf32, #tpu.memory_space<vmem>>, vector<1x16xf32>,
      %swap3A_132 = vector.shape_cast %swap3A_131 : vector<1x16xf32> to vector<16xf32>
      %swap3A_133 = vector.shape_cast %get3A_127 : vector<16xf32> to vector<1x16xf32>
      tpu.vector_store %arg9[%swap3A_129, %swap3A_130], %swap3A_133 {strides = array<i32>} : memref<16x2112xf32, #tpu.memory_space<vmem>>, vector<1x16xf32>,
      %add3A_134 = arith.constant 16 : i32
      %add3A_135 = arith.addi %mul3A_120, %add3A_134 : i32
      %get3A_136 = arith.constant 0 : i32
      %get3A_137 = arith.index_cast %get3A_136 : i32 to index
      %get3A_138 = arith.index_cast %add3A_135 : i32 to index
      %get3A_139 = tpu.vector_load %arg11[%get3A_137, %get3A_138] {strides = array<i32>} : memref<16x128xf32, #tpu.memory_space<vmem>>, vector<1x16xf32>,
      %get3A_140 = vector.shape_cast %get3A_139 : vector<1x16xf32> to vector<16xf32>
      %swap3A_141 = arith.constant 0 : i32
      %swap3A_142 = arith.index_cast %swap3A_141 : i32 to index
      %swap3A_143 = arith.constant 2064 : index
      %swap3A_144 = tpu.vector_load %arg9[%swap3A_142, %swap3A_143] {strides = array<i32>} : memref<16x2112xf32, #tpu.memory_space<vmem>>, vector<1x16xf32>,
      %swap3A_145 = vector.shape_cast %swap3A_144 : vector<1x16xf32> to vector<16xf32>
      %swap3A_146 = vector.shape_cast %get3A_140 : vector<16xf32> to vector<1x16xf32>
      tpu.vector_store %arg9[%swap3A_142, %swap3A_143], %swap3A_146 {strides = array<i32>} : memref<16x2112xf32, #tpu.memory_space<vmem>>, vector<1x16xf32>,
      %add3A_147 = arith.constant 32 : i32
      %add3A_148 = arith.addi %mul3A_120, %add3A_147 : i32
      %get3A_149 = arith.constant 0 : i32
      %get3A_150 = arith.index_cast %get3A_149 : i32 to index
      %get3A_151 = arith.index_cast %add3A_148 : i32 to index
      %get3A_152 = tpu.vector_load %arg11[%get3A_150, %get3A_151] {strides = array<i32>} : memref<16x128xf32, #tpu.memory_space<vmem>>, vector<1x16xf32>,
      %get3A_153 = vector.shape_cast %get3A_152 : vector<1x16xf32> to vector<16xf32>
      %swap3A_154 = arith.constant 0 : i32
      %swap3A_155 = arith.index_cast %swap3A_154 : i32 to index
      %swap3A_156 = arith.constant 2080 : index
      %swap3A_157 = tpu.vector_load %arg9[%swap3A_155, %swap3A_156] {strides = array<i32>} : memref<16x2112xf32, #tpu.memory_space<vmem>>, vector<1x16xf32>,
      %swap3A_158 = vector.shape_cast %swap3A_157 : vector<1x16xf32> to vector<16xf32>
      %swap3A_159 = vector.shape_cast %get3A_153 : vector<16xf32> to vector<1x16xf32>
      tpu.vector_store %arg9[%swap3A_155, %swap3A_156], %swap3A_159 {strides = array<i32>} : memref<16x2112xf32, #tpu.memory_space<vmem>>, vector<1x16xf32>,
      %add3A_160 = arith.constant 48 : i32
      %add3A_161 = arith.addi %mul3A_120, %add3A_160 : i32
      %get3A_162 = arith.constant 0 : i32
      %get3A_163 = arith.index_cast %get3A_162 : i32 to index
      %get3A_164 = arith.index_cast %add3A_161 : i32 to index
      %get3A_165 = tpu.vector_load %arg11[%get3A_163, %get3A_164] {strides = array<i32>} : memref<16x128xf32, #tpu.memory_space<vmem>>, vector<1x16xf32>,
      %get3A_166 = vector.shape_cast %get3A_165 : vector<1x16xf32> to vector<16xf32>
      %swap3A_167 = arith.constant 0 : i32
      %swap3A_168 = arith.index_cast %swap3A_167 : i32 to index
      %swap3A_169 = arith.constant 2096 : index
      %swap3A_170 = tpu.vector_load %arg9[%swap3A_168, %swap3A_169] {strides = array<i32>} : memref<16x2112xf32, #tpu.memory_space<vmem>>, vector<1x16xf32>,
      %swap3A_171 = vector.shape_cast %swap3A_170 : vector<1x16xf32> to vector<16xf32>
      %swap3A_172 = vector.shape_cast %get3A_166 : vector<16xf32> to vector<1x16xf32>
      tpu.vector_store %arg9[%swap3A_168, %swap3A_169], %swap3A_172 {strides = array<i32>} : memref<16x2112xf32, #tpu.memory_space<vmem>>, vector<1x16xf32>,
      %slice3A_173 = vector.extract_strided_slice %sub3A_115 {offsets = [0], sizes = [1], strides = [1]} : vector<16xi32> to vector<1xi32>
      %squeeze3A_174 = vector.extract %slice3A_173[0] : i32 from vector<1xi32>
      %le3A = arith.constant 0 : i32
      %le3A_175 = arith.cmpi sle, %squeeze3A_174, %le3A : i32
      %convert_element_type3A_176 = arith.extui %le3A_175 : i1 to i32
      %cond3A_177 = arith.constant 0 : i32
      %cond3A_178 = arith.cmpi ne, %convert_element_type3A_176, %cond3A_177 : i32
      scf.if %cond3A_178 {
        %scan3A_2259 = arith.constant 0 : i32
        %scan3A_2260 = arith.constant 0 : i32
        %scan3A_2261 = arith.constant 132 : i32
        %scan3A_2262 = arith.addi %scan3A_2260, %scan3A_2261 : i32
        %scan3A_2263 = arith.constant 1 : i32
        %scan3A_2264 = scf.for %scan3A_2266 = %scan3A_2260 to %scan3A_2262 step %scan3A_2263 iter_args(%scan3A_2267 = %scan3A_2259) -> (i32)  : i32 {
          %mul3A_2268 = arith.constant 16 : i32
          %mul3A_2269 = arith.muli %scan3A_2266, %mul3A_2268 : i32
          %swap3A_2270 = arith.constant 0 : i32
          %swap3A_2271 = arith.index_cast %swap3A_2270 : i32 to index
          %swap3A_2272 = arith.index_cast %mul3A_2269 : i32 to index
          %swap3A_2273 = tpu.vector_load %arg9[%swap3A_2271, %swap3A_2272] {strides = array<i32>} : memref<16x2112xf32, #tpu.memory_space<vmem>>, vector<1x16xf32>,
          %swap3A_2274 = vector.shape_cast %swap3A_2273 : vector<1x16xf32> to vector<16xf32>
          %swap3A_2275 = vector.shape_cast %broadcast_in_dim3A_116 : vector<16xf32> to vector<1x16xf32>
          tpu.vector_store %arg9[%swap3A_2271, %swap3A_2272], %swap3A_2275 {strides = array<i32>} : memref<16x2112xf32, #tpu.memory_space<vmem>>, vector<1x16xf32>,
          %scan3A_2276 = arith.constant 0 : i32
          scf.yield %scan3A_2276 : i32
        }
        %scan3A_2265 = arith.constant 132 : i32
      } else {
      }
      %slice3A_179 = vector.extract_strided_slice %get3A_108 {offsets = [1], sizes = [1], strides = [1]} : vector<16xi32> to vector<1xi32>
      %squeeze3A_180 = vector.extract %slice3A_179[0] : i32 from vector<1xi32>
      %and3A_181 = arith.constant 1 : i32
      %and3A_182 = arith.andi %squeeze3A_180, %and3A_181 : i32
      %mul3A_183 = arith.constant 64 : i32
      %mul3A_184 = arith.muli %and3A_182, %mul3A_183 : i32
      %add3A_185 = arith.constant 0 : i32
      %add3A_186 = arith.addi %mul3A_184, %add3A_185 : i32
      %get3A_187 = arith.constant 1 : i32
      %get3A_188 = arith.index_cast %get3A_187 : i32 to index
      %get3A_189 = arith.index_cast %add3A_186 : i32 to index
      %get3A_190 = tpu.vector_load %arg11[%get3A_188, %get3A_189] {strides = array<i32>} : memref<16x128xf32, #tpu.memory_space<vmem>>, vector<1x16xf32>,
      %get3A_191 = vector.shape_cast %get3A_190 : vector<1x16xf32> to vector<16xf32>
      %swap3A_192 = arith.constant 1 : i32
      %swap3A_193 = arith.index_cast %swap3A_192 : i32 to index
      %swap3A_194 = arith.constant 2048 : index
      %swap3A_195 = tpu.vector_load %arg9[%swap3A_193, %swap3A_194] {strides = array<i32>} : memref<16x2112xf32, #tpu.memory_space<vmem>>, vector<1x16xf32>,
      %swap3A_196 = vector.shape_cast %swap3A_195 : vector<1x16xf32> to vector<16xf32>
      %swap3A_197 = vector.shape_cast %get3A_191 : vector<16xf32> to vector<1x16xf32>
      tpu.vector_store %arg9[%swap3A_193, %swap3A_194], %swap3A_197 {strides = array<i32>} : memref<16x2112xf32, #tpu.memory_space<vmem>>, vector<1x16xf32>,
      %add3A_198 = arith.constant 16 : i32
      %add3A_199 = arith.addi %mul3A_184, %add3A_198 : i32
      %get3A_200 = arith.constant 1 : i32
      %get3A_201 = arith.index_cast %get3A_200 : i32 to index
      %get3A_202 = arith.index_cast %add3A_199 : i32 to index
      %get3A_203 = tpu.vector_load %arg11[%get3A_201, %get3A_202] {strides = array<i32>} : memref<16x128xf32, #tpu.memory_space<vmem>>, vector<1x16xf32>,
      %get3A_204 = vector.shape_cast %get3A_203 : vector<1x16xf32> to vector<16xf32>
      %swap3A_205 = arith.constant 1 : i32
      %swap3A_206 = arith.index_cast %swap3A_205 : i32 to index
      %swap3A_207 = arith.constant 2064 : index
      %swap3A_208 = tpu.vector_load %arg9[%swap3A_206, %swap3A_207] {strides = array<i32>} : memref<16x2112xf32, #tpu.memory_space<vmem>>, vector<1x16xf32>,
      %swap3A_209 = vector.shape_cast %swap3A_208 : vector<1x16xf32> to vector<16xf32>
      %swap3A_210 = vector.shape_cast %get3A_204 : vector<16xf32> to vector<1x16xf32>
      tpu.vector_store %arg9[%swap3A_206, %swap3A_207], %swap3A_210 {strides = array<i32>} : memref<16x2112xf32, #tpu.memory_space<vmem>>, vector<1x16xf32>,
      %add3A_211 = arith.constant 32 : i32
      %add3A_212 = arith.addi %mul3A_184, %add3A_211 : i32
      %get3A_213 = arith.constant 1 : i32
      %get3A_214 = arith.index_cast %get3A_213 : i32 to index
      %get3A_215 = arith.index_cast %add3A_212 : i32 to index
      %get3A_216 = tpu.vector_load %arg11[%get3A_214, %get3A_215] {strides = array<i32>} : memref<16x128xf32, #tpu.memory_space<vmem>>, vector<1x16xf32>,
      %get3A_217 = vector.shape_cast %get3A_216 : vector<1x16xf32> to vector<16xf32>
      %swap3A_218 = arith.constant 1 : i32
      %swap3A_219 = arith.index_cast %swap3A_218 : i32 to index
      %swap3A_220 = arith.constant 2080 : index
      %swap3A_221 = tpu.vector_load %arg9[%swap3A_219, %swap3A_220] {strides = array<i32>} : memref<16x2112xf32, #tpu.memory_space<vmem>>, vector<1x16xf32>,
      %swap3A_222 = vector.shape_cast %swap3A_221 : vector<1x16xf32> to vector<16xf32>
      %swap3A_223 = vector.shape_cast %get3A_217 : vector<16xf32> to vector<1x16xf32>
      tpu.vector_store %arg9[%swap3A_219, %swap3A_220], %swap3A_223 {strides = array<i32>} : memref<16x2112xf32, #tpu.memory_space<vmem>>, vector<1x16xf32>,
      %add3A_224 = arith.constant 48 : i32
      %add3A_225 = arith.addi %mul3A_184, %add3A_224 : i32
      %get3A_226 = arith.constant 1 : i32
      %get3A_227 = arith.index_cast %get3A_226 : i32 to index
      %get3A_228 = arith.index_cast %add3A_225 : i32 to index
      %get3A_229 = tpu.vector_load %arg11[%get3A_227, %get3A_228] {strides = array<i32>} : memref<16x128xf32, #tpu.memory_space<vmem>>, vector<1x16xf32>,
      %get3A_230 = vector.shape_cast %get3A_229 : vector<1x16xf32> to vector<16xf32>
      %swap3A_231 = arith.constant 1 : i32
      %swap3A_232 = arith.index_cast %swap3A_231 : i32 to index
      %swap3A_233 = arith.constant 2096 : index
      %swap3A_234 = tpu.vector_load %arg9[%swap3A_232, %swap3A_233] {strides = array<i32>} : memref<16x2112xf32, #tpu.memory_space<vmem>>, vector<1x16xf32>,
      %swap3A_235 = vector.shape_cast %swap3A_234 : vector<1x16xf32> to vector<16xf32>
      %swap3A_236 = vector.shape_cast %get3A_230 : vector<16xf32> to vector<1x16xf32>
      tpu.vector_store %arg9[%swap3A_232, %swap3A_233], %swap3A_236 {strides = array<i32>} : memref<16x2112xf32, #tpu.memory_space<vmem>>, vector<1x16xf32>,
      %slice3A_237 = vector.extract_strided_slice %sub3A_115 {offsets = [1], sizes = [1], strides = [1]} : vector<16xi32> to vector<1xi32>
      %squeeze3A_238 = vector.extract %slice3A_237[0] : i32 from vector<1xi32>
      %le3A_239 = arith.constant 0 : i32
      %le3A_240 = arith.cmpi sle, %squeeze3A_238, %le3A_239 : i32
      %convert_element_type3A_241 = arith.extui %le3A_240 : i1 to i32
      %cond3A_242 = arith.constant 0 : i32
      %cond3A_243 = arith.cmpi ne, %convert_element_type3A_241, %cond3A_242 : i32
      scf.if %cond3A_243 {
        %scan3A_2259 = arith.constant 0 : i32
        %scan3A_2260 = arith.constant 0 : i32
        %scan3A_2261 = arith.constant 132 : i32
        %scan3A_2262 = arith.addi %scan3A_2260, %scan3A_2261 : i32
        %scan3A_2263 = arith.constant 1 : i32
        %scan3A_2264 = scf.for %scan3A_2266 = %scan3A_2260 to %scan3A_2262 step %scan3A_2263 iter_args(%scan3A_2267 = %scan3A_2259) -> (i32)  : i32 {
          %mul3A_2268 = arith.constant 16 : i32
          %mul3A_2269 = arith.muli %scan3A_2266, %mul3A_2268 : i32
          %swap3A_2270 = arith.constant 1 : i32
          %swap3A_2271 = arith.index_cast %swap3A_2270 : i32 to index
          %swap3A_2272 = arith.index_cast %mul3A_2269 : i32 to index
          %swap3A_2273 = tpu.vector_load %arg9[%swap3A_2271, %swap3A_2272] {strides = array<i32>} : memref<16x2112xf32, #tpu.memory_space<vmem>>, vector<1x16xf32>,
          %swap3A_2274 = vector.shape_cast %swap3A_2273 : vector<1x16xf32> to vector<16xf32>
          %swap3A_2275 = vector.shape_cast %broadcast_in_dim3A_116 : vector<16xf32> to vector<1x16xf32>
          tpu.vector_store %arg9[%swap3A_2271, %swap3A_2272], %swap3A_2275 {strides = array<i32>} : memref<16x2112xf32, #tpu.memory_space<vmem>>, vector<1x16xf32>,
          %scan3A_2276 = arith.constant 0 : i32
          scf.yield %scan3A_2276 : i32
        }
        %scan3A_2265 = arith.constant 132 : i32
      } else {
      }
      %slice3A_244 = vector.extract_strided_slice %get3A_108 {offsets = [2], sizes = [1], strides = [1]} : vector<16xi32> to vector<1xi32>
      %squeeze3A_245 = vector.extract %slice3A_244[0] : i32 from vector<1xi32>
      %and3A_246 = arith.constant 1 : i32
      %and3A_247 = arith.andi %squeeze3A_245, %and3A_246 : i32
      %mul3A_248 = arith.constant 64 : i32
      %mul3A_249 = arith.muli %and3A_247, %mul3A_248 : i32
      %add3A_250 = arith.constant 0 : i32
      %add3A_251 = arith.addi %mul3A_249, %add3A_250 : i32
      %get3A_252 = arith.constant 2 : i32
      %get3A_253 = arith.index_cast %get3A_252 : i32 to index
      %get3A_254 = arith.index_cast %add3A_251 : i32 to index
      %get3A_255 = tpu.vector_load %arg11[%get3A_253, %get3A_254] {strides = array<i32>} : memref<16x128xf32, #tpu.memory_space<vmem>>, vector<1x16xf32>,
      %get3A_256 = vector.shape_cast %get3A_255 : vector<1x16xf32> to vector<16xf32>
      %swap3A_257 = arith.constant 2 : i32
      %swap3A_258 = arith.index_cast %swap3A_257 : i32 to index
      %swap3A_259 = arith.constant 2048 : index
      %swap3A_260 = tpu.vector_load %arg9[%swap3A_258, %swap3A_259] {strides = array<i32>} : memref<16x2112xf32, #tpu.memory_space<vmem>>, vector<1x16xf32>,
      %swap3A_261 = vector.shape_cast %swap3A_260 : vector<1x16xf32> to vector<16xf32>
      %swap3A_262 = vector.shape_cast %get3A_256 : vector<16xf32> to vector<1x16xf32>
      tpu.vector_store %arg9[%swap3A_258, %swap3A_259], %swap3A_262 {strides = array<i32>} : memref<16x2112xf32, #tpu.memory_space<vmem>>, vector<1x16xf32>,
      %add3A_263 = arith.constant 16 : i32
      %add3A_264 = arith.addi %mul3A_249, %add3A_263 : i32
      %get3A_265 = arith.constant 2 : i32
      %get3A_266 = arith.index_cast %get3A_265 : i32 to index
      %get3A_267 = arith.index_cast %add3A_264 : i32 to index
      %get3A_268 = tpu.vector_load %arg11[%get3A_266, %get3A_267] {strides = array<i32>} : memref<16x128xf32, #tpu.memory_space<vmem>>, vector<1x16xf32>,
      %get3A_269 = vector.shape_cast %get3A_268 : vector<1x16xf32> to vector<16xf32>
      %swap3A_270 = arith.constant 2 : i32
      %swap3A_271 = arith.index_cast %swap3A_270 : i32 to index
      %swap3A_272 = arith.constant 2064 : index
      %swap3A_273 = tpu.vector_load %arg9[%swap3A_271, %swap3A_272] {strides = array<i32>} : memref<16x2112xf32, #tpu.memory_space<vmem>>, vector<1x16xf32>,
      %swap3A_274 = vector.shape_cast %swap3A_273 : vector<1x16xf32> to vector<16xf32>
      %swap3A_275 = vector.shape_cast %get3A_269 : vector<16xf32> to vector<1x16xf32>
      tpu.vector_store %arg9[%swap3A_271, %swap3A_272], %swap3A_275 {strides = array<i32>} : memref<16x2112xf32, #tpu.memory_space<vmem>>, vector<1x16xf32>,
      %add3A_276 = arith.constant 32 : i32
      %add3A_277 = arith.addi %mul3A_249, %add3A_276 : i32
      %get3A_278 = arith.constant 2 : i32
      %get3A_279 = arith.index_cast %get3A_278 : i32 to index
      %get3A_280 = arith.index_cast %add3A_277 : i32 to index
      %get3A_281 = tpu.vector_load %arg11[%get3A_279, %get3A_280] {strides = array<i32>} : memref<16x128xf32, #tpu.memory_space<vmem>>, vector<1x16xf32>,
      %get3A_282 = vector.shape_cast %get3A_281 : vector<1x16xf32> to vector<16xf32>
      %swap3A_283 = arith.constant 2 : i32
      %swap3A_284 = arith.index_cast %swap3A_283 : i32 to index
      %swap3A_285 = arith.constant 2080 : index
      %swap3A_286 = tpu.vector_load %arg9[%swap3A_284, %swap3A_285] {strides = array<i32>} : memref<16x2112xf32, #tpu.memory_space<vmem>>, vector<1x16xf32>,
      %swap3A_287 = vector.shape_cast %swap3A_286 : vector<1x16xf32> to vector<16xf32>
      %swap3A_288 = vector.shape_cast %get3A_282 : vector<16xf32> to vector<1x16xf32>
      tpu.vector_store %arg9[%swap3A_284, %swap3A_285], %swap3A_288 {strides = array<i32>} : memref<16x2112xf32, #tpu.memory_space<vmem>>, vector<1x16xf32>,
      %add3A_289 = arith.constant 48 : i32
      %add3A_290 = arith.addi %mul3A_249, %add3A_289 : i32
      %get3A_291 = arith.constant 2 : i32
      %get3A_292 = arith.index_cast %get3A_291 : i32 to index
      %get3A_293 = arith.index_cast %add3A_290 : i32 to index
      %get3A_294 = tpu.vector_load %arg11[%get3A_292, %get3A_293] {strides = array<i32>} : memref<16x128xf32, #tpu.memory_space<vmem>>, vector<1x16xf32>,
      %get3A_295 = vector.shape_cast %get3A_294 : vector<1x16xf32> to vector<16xf32>
      %swap3A_296 = arith.constant 2 : i32
      %swap3A_297 = arith.index_cast %swap3A_296 : i32 to index
      %swap3A_298 = arith.constant 2096 : index
      %swap3A_299 = tpu.vector_load %arg9[%swap3A_297, %swap3A_298] {strides = array<i32>} : memref<16x2112xf32, #tpu.memory_space<vmem>>, vector<1x16xf32>,
      %swap3A_300 = vector.shape_cast %swap3A_299 : vector<1x16xf32> to vector<16xf32>
      %swap3A_301 = vector.shape_cast %get3A_295 : vector<16xf32> to vector<1x16xf32>
      tpu.vector_store %arg9[%swap3A_297, %swap3A_298], %swap3A_301 {strides = array<i32>} : memref<16x2112xf32, #tpu.memory_space<vmem>>, vector<1x16xf32>,
      %slice3A_302 = vector.extract_strided_slice %sub3A_115 {offsets = [2], sizes = [1], strides = [1]} : vector<16xi32> to vector<1xi32>
      %squeeze3A_303 = vector.extract %slice3A_302[0] : i32 from vector<1xi32>
      %le3A_304 = arith.constant 0 : i32
      %le3A_305 = arith.cmpi sle, %squeeze3A_303, %le3A_304 : i32
      %convert_element_type3A_306 = arith.extui %le3A_305 : i1 to i32
      %cond3A_307 = arith.constant 0 : i32
      %cond3A_308 = arith.cmpi ne, %convert_element_type3A_306, %cond3A_307 : i32
      scf.if %cond3A_308 {
        %scan3A_2259 = arith.constant 0 : i32
        %scan3A_2260 = arith.constant 0 : i32
        %scan3A_2261 = arith.constant 132 : i32
        %scan3A_2262 = arith.addi %scan3A_2260, %scan3A_2261 : i32
        %scan3A_2263 = arith.constant 1 : i32
        %scan3A_2264 = scf.for %scan3A_2266 = %scan3A_2260 to %scan3A_2262 step %scan3A_2263 iter_args(%scan3A_2267 = %scan3A_2259) -> (i32)  : i32 {
          %mul3A_2268 = arith.constant 16 : i32
          %mul3A_2269 = arith.muli %scan3A_2266, %mul3A_2268 : i32
          %swap3A_2270 = arith.constant 2 : i32
          %swap3A_2271 = arith.index_cast %swap3A_2270 : i32 to index
          %swap3A_2272 = arith.index_cast %mul3A_2269 : i32 to index
          %swap3A_2273 = tpu.vector_load %arg9[%swap3A_2271, %swap3A_2272] {strides = array<i32>} : memref<16x2112xf32, #tpu.memory_space<vmem>>, vector<1x16xf32>,
          %swap3A_2274 = vector.shape_cast %swap3A_2273 : vector<1x16xf32> to vector<16xf32>
          %swap3A_2275 = vector.shape_cast %broadcast_in_dim3A_116 : vector<16xf32> to vector<1x16xf32>
          tpu.vector_store %arg9[%swap3A_2271, %swap3A_2272], %swap3A_2275 {strides = array<i32>} : memref<16x2112xf32, #tpu.memory_space<vmem>>, vector<1x16xf32>,
          %scan3A_2276 = arith.constant 0 : i32
          scf.yield %scan3A_2276 : i32
        }
        %scan3A_2265 = arith.constant 132 : i32
      } else {
      }
      %slice3A_309 = vector.extract_strided_slice %get3A_108 {offsets = [3], sizes = [1], strides = [1]} : vector<16xi32> to vector<1xi32>
      %squeeze3A_310 = vector.extract %slice3A_309[0] : i32 from vector<1xi32>
      %and3A_311 = arith.constant 1 : i32
      %and3A_312 = arith.andi %squeeze3A_310, %and3A_311 : i32
      %mul3A_313 = arith.constant 64 : i32
      %mul3A_314 = arith.muli %and3A_312, %mul3A_313 : i32
      %add3A_315 = arith.constant 0 : i32
      %add3A_316 = arith.addi %mul3A_314, %add3A_315 : i32
      %get3A_317 = arith.constant 3 : i32
      %get3A_318 = arith.index_cast %get3A_317 : i32 to index
      %get3A_319 = arith.index_cast %add3A_316 : i32 to index
      %get3A_320 = tpu.vector_load %arg11[%get3A_318, %get3A_319] {strides = array<i32>} : memref<16x128xf32, #tpu.memory_space<vmem>>, vector<1x16xf32>,
      %get3A_321 = vector.shape_cast %get3A_320 : vector<1x16xf32> to vector<16xf32>
      %swap3A_322 = arith.constant 3 : i32
      %swap3A_323 = arith.index_cast %swap3A_322 : i32 to index
      %swap3A_324 = arith.constant 2048 : index
      %swap3A_325 = tpu.vector_load %arg9[%swap3A_323, %swap3A_324] {strides = array<i32>} : memref<16x2112xf32, #tpu.memory_space<vmem>>, vector<1x16xf32>,
      %swap3A_326 = vector.shape_cast %swap3A_325 : vector<1x16xf32> to vector<16xf32>
      %swap3A_327 = vector.shape_cast %get3A_321 : vector<16xf32> to vector<1x16xf32>
      tpu.vector_store %arg9[%swap3A_323, %swap3A_324], %swap3A_327 {strides = array<i32>} : memref<16x2112xf32, #tpu.memory_space<vmem>>, vector<1x16xf32>,
      %add3A_328 = arith.constant 16 : i32
      %add3A_329 = arith.addi %mul3A_314, %add3A_328 : i32
      %get3A_330 = arith.constant 3 : i32
      %get3A_331 = arith.index_cast %get3A_330 : i32 to index
      %get3A_332 = arith.index_cast %add3A_329 : i32 to index
      %get3A_333 = tpu.vector_load %arg11[%get3A_331, %get3A_332] {strides = array<i32>} : memref<16x128xf32, #tpu.memory_space<vmem>>, vector<1x16xf32>,
      %get3A_334 = vector.shape_cast %get3A_333 : vector<1x16xf32> to vector<16xf32>
      %swap3A_335 = arith.constant 3 : i32
      %swap3A_336 = arith.index_cast %swap3A_335 : i32 to index
      %swap3A_337 = arith.constant 2064 : index
      %swap3A_338 = tpu.vector_load %arg9[%swap3A_336, %swap3A_337] {strides = array<i32>} : memref<16x2112xf32, #tpu.memory_space<vmem>>, vector<1x16xf32>,
      %swap3A_339 = vector.shape_cast %swap3A_338 : vector<1x16xf32> to vector<16xf32>
      %swap3A_340 = vector.shape_cast %get3A_334 : vector<16xf32> to vector<1x16xf32>
      tpu.vector_store %arg9[%swap3A_336, %swap3A_337], %swap3A_340 {strides = array<i32>} : memref<16x2112xf32, #tpu.memory_space<vmem>>, vector<1x16xf32>,
      %add3A_341 = arith.constant 32 : i32
      %add3A_342 = arith.addi %mul3A_314, %add3A_341 : i32
      %get3A_343 = arith.constant 3 : i32
      %get3A_344 = arith.index_cast %get3A_343 : i32 to index
      %get3A_345 = arith.index_cast %add3A_342 : i32 to index
      %get3A_346 = tpu.vector_load %arg11[%get3A_344, %get3A_345] {strides = array<i32>} : memref<16x128xf32, #tpu.memory_space<vmem>>, vector<1x16xf32>,
      %get3A_347 = vector.shape_cast %get3A_346 : vector<1x16xf32> to vector<16xf32>
      %swap3A_348 = arith.constant 3 : i32
      %swap3A_349 = arith.index_cast %swap3A_348 : i32 to index
      %swap3A_350 = arith.constant 2080 : index
      %swap3A_351 = tpu.vector_load %arg9[%swap3A_349, %swap3A_350] {strides = array<i32>} : memref<16x2112xf32, #tpu.memory_space<vmem>>, vector<1x16xf32>,
      %swap3A_352 = vector.shape_cast %swap3A_351 : vector<1x16xf32> to vector<16xf32>
      %swap3A_353 = vector.shape_cast %get3A_347 : vector<16xf32> to vector<1x16xf32>
      tpu.vector_store %arg9[%swap3A_349, %swap3A_350], %swap3A_353 {strides = array<i32>} : memref<16x2112xf32, #tpu.memory_space<vmem>>, vector<1x16xf32>,
      %add3A_354 = arith.constant 48 : i32
      %add3A_355 = arith.addi %mul3A_314, %add3A_354 : i32
      %get3A_356 = arith.constant 3 : i32
      %get3A_357 = arith.index_cast %get3A_356 : i32 to index
      %get3A_358 = arith.index_cast %add3A_355 : i32 to index
      %get3A_359 = tpu.vector_load %arg11[%get3A_357, %get3A_358] {strides = array<i32>} : memref<16x128xf32, #tpu.memory_space<vmem>>, vector<1x16xf32>,
      %get3A_360 = vector.shape_cast %get3A_359 : vector<1x16xf32> to vector<16xf32>
      %swap3A_361 = arith.constant 3 : i32
      %swap3A_362 = arith.index_cast %swap3A_361 : i32 to index
      %swap3A_363 = arith.constant 2096 : index
      %swap3A_364 = tpu.vector_load %arg9[%swap3A_362, %swap3A_363] {strides = array<i32>} : memref<16x2112xf32, #tpu.memory_space<vmem>>, vector<1x16xf32>,
      %swap3A_365 = vector.shape_cast %swap3A_364 : vector<1x16xf32> to vector<16xf32>
      %swap3A_366 = vector.shape_cast %get3A_360 : vector<16xf32> to vector<1x16xf32>
      tpu.vector_store %arg9[%swap3A_362, %swap3A_363], %swap3A_366 {strides = array<i32>} : memref<16x2112xf32, #tpu.memory_space<vmem>>, vector<1x16xf32>,
      %slice3A_367 = vector.extract_strided_slice %sub3A_115 {offsets = [3], sizes = [1], strides = [1]} : vector<16xi32> to vector<1xi32>
      %squeeze3A_368 = vector.extract %slice3A_367[0] : i32 from vector<1xi32>
      %le3A_369 = arith.constant 0 : i32
      %le3A_370 = arith.cmpi sle, %squeeze3A_368, %le3A_369 : i32
      %convert_element_type3A_371 = arith.extui %le3A_370 : i1 to i32
      %cond3A_372 = arith.constant 0 : i32
      %cond3A_373 = arith.cmpi ne, %convert_element_type3A_371, %cond3A_372 : i32
      scf.if %cond3A_373 {
        %scan3A_2259 = arith.constant 0 : i32
        %scan3A_2260 = arith.constant 0 : i32
        %scan3A_2261 = arith.constant 132 : i32
        %scan3A_2262 = arith.addi %scan3A_2260, %scan3A_2261 : i32
        %scan3A_2263 = arith.constant 1 : i32
        %scan3A_2264 = scf.for %scan3A_2266 = %scan3A_2260 to %scan3A_2262 step %scan3A_2263 iter_args(%scan3A_2267 = %scan3A_2259) -> (i32)  : i32 {
          %mul3A_2268 = arith.constant 16 : i32
          %mul3A_2269 = arith.muli %scan3A_2266, %mul3A_2268 : i32
          %swap3A_2270 = arith.constant 3 : i32
          %swap3A_2271 = arith.index_cast %swap3A_2270 : i32 to index
          %swap3A_2272 = arith.index_cast %mul3A_2269 : i32 to index
          %swap3A_2273 = tpu.vector_load %arg9[%swap3A_2271, %swap3A_2272] {strides = array<i32>} : memref<16x2112xf32, #tpu.memory_space<vmem>>, vector<1x16xf32>,
          %swap3A_2274 = vector.shape_cast %swap3A_2273 : vector<1x16xf32> to vector<16xf32>
          %swap3A_2275 = vector.shape_cast %broadcast_in_dim3A_116 : vector<16xf32> to vector<1x16xf32>
          tpu.vector_store %arg9[%swap3A_2271, %swap3A_2272], %swap3A_2275 {strides = array<i32>} : memref<16x2112xf32, #tpu.memory_space<vmem>>, vector<1x16xf32>,
          %scan3A_2276 = arith.constant 0 : i32
          scf.yield %scan3A_2276 : i32
        }
        %scan3A_2265 = arith.constant 132 : i32
      } else {
      }
      %slice3A_374 = vector.extract_strided_slice %get3A_108 {offsets = [4], sizes = [1], strides = [1]} : vector<16xi32> to vector<1xi32>
      %squeeze3A_375 = vector.extract %slice3A_374[0] : i32 from vector<1xi32>
      %and3A_376 = arith.constant 1 : i32
      %and3A_377 = arith.andi %squeeze3A_375, %and3A_376 : i32
      %mul3A_378 = arith.constant 64 : i32
      %mul3A_379 = arith.muli %and3A_377, %mul3A_378 : i32
      %add3A_380 = arith.constant 0 : i32
      %add3A_381 = arith.addi %mul3A_379, %add3A_380 : i32
      %get3A_382 = arith.constant 4 : i32
      %get3A_383 = arith.index_cast %get3A_382 : i32 to index
      %get3A_384 = arith.index_cast %add3A_381 : i32 to index
      %get3A_385 = tpu.vector_load %arg11[%get3A_383, %get3A_384] {strides = array<i32>} : memref<16x128xf32, #tpu.memory_space<vmem>>, vector<1x16xf32>,
      %get3A_386 = vector.shape_cast %get3A_385 : vector<1x16xf32> to vector<16xf32>
      %swap3A_387 = arith.constant 4 : i32
      %swap3A_388 = arith.index_cast %swap3A_387 : i32 to index
      %swap3A_389 = arith.constant 2048 : index
      %swap3A_390 = tpu.vector_load %arg9[%swap3A_388, %swap3A_389] {strides = array<i32>} : memref<16x2112xf32, #tpu.memory_space<vmem>>, vector<1x16xf32>,
      %swap3A_391 = vector.shape_cast %swap3A_390 : vector<1x16xf32> to vector<16xf32>
      %swap3A_392 = vector.shape_cast %get3A_386 : vector<16xf32> to vector<1x16xf32>
      tpu.vector_store %arg9[%swap3A_388, %swap3A_389], %swap3A_392 {strides = array<i32>} : memref<16x2112xf32, #tpu.memory_space<vmem>>, vector<1x16xf32>,
      %add3A_393 = arith.constant 16 : i32
      %add3A_394 = arith.addi %mul3A_379, %add3A_393 : i32
      %get3A_395 = arith.constant 4 : i32
      %get3A_396 = arith.index_cast %get3A_395 : i32 to index
      %get3A_397 = arith.index_cast %add3A_394 : i32 to index
      %get3A_398 = tpu.vector_load %arg11[%get3A_396, %get3A_397] {strides = array<i32>} : memref<16x128xf32, #tpu.memory_space<vmem>>, vector<1x16xf32>,
      %get3A_399 = vector.shape_cast %get3A_398 : vector<1x16xf32> to vector<16xf32>
      %swap3A_400 = arith.constant 4 : i32
      %swap3A_401 = arith.index_cast %swap3A_400 : i32 to index
      %swap3A_402 = arith.constant 2064 : index
      %swap3A_403 = tpu.vector_load %arg9[%swap3A_401, %swap3A_402] {strides = array<i32>} : memref<16x2112xf32, #tpu.memory_space<vmem>>, vector<1x16xf32>,
      %swap3A_404 = vector.shape_cast %swap3A_403 : vector<1x16xf32> to vector<16xf32>
      %swap3A_405 = vector.shape_cast %get3A_399 : vector<16xf32> to vector<1x16xf32>
      tpu.vector_store %arg9[%swap3A_401, %swap3A_402], %swap3A_405 {strides = array<i32>} : memref<16x2112xf32, #tpu.memory_space<vmem>>, vector<1x16xf32>,
      %add3A_406 = arith.constant 32 : i32
      %add3A_407 = arith.addi %mul3A_379, %add3A_406 : i32
      %get3A_408 = arith.constant 4 : i32
      %get3A_409 = arith.index_cast %get3A_408 : i32 to index
      %get3A_410 = arith.index_cast %add3A_407 : i32 to index
      %get3A_411 = tpu.vector_load %arg11[%get3A_409, %get3A_410] {strides = array<i32>} : memref<16x128xf32, #tpu.memory_space<vmem>>, vector<1x16xf32>,
      %get3A_412 = vector.shape_cast %get3A_411 : vector<1x16xf32> to vector<16xf32>
      %swap3A_413 = arith.constant 4 : i32
      %swap3A_414 = arith.index_cast %swap3A_413 : i32 to index
      %swap3A_415 = arith.constant 2080 : index
      %swap3A_416 = tpu.vector_load %arg9[%swap3A_414, %swap3A_415] {strides = array<i32>} : memref<16x2112xf32, #tpu.memory_space<vmem>>, vector<1x16xf32>,
      %swap3A_417 = vector.shape_cast %swap3A_416 : vector<1x16xf32> to vector<16xf32>
      %swap3A_418 = vector.shape_cast %get3A_412 : vector<16xf32> to vector<1x16xf32>
      tpu.vector_store %arg9[%swap3A_414, %swap3A_415], %swap3A_418 {strides = array<i32>} : memref<16x2112xf32, #tpu.memory_space<vmem>>, vector<1x16xf32>,
      %add3A_419 = arith.constant 48 : i32
      %add3A_420 = arith.addi %mul3A_379, %add3A_419 : i32
      %get3A_421 = arith.constant 4 : i32
      %get3A_422 = arith.index_cast %get3A_421 : i32 to index
      %get3A_423 = arith.index_cast %add3A_420 : i32 to index
      %get3A_424 = tpu.vector_load %arg11[%get3A_422, %get3A_423] {strides = array<i32>} : memref<16x128xf32, #tpu.memory_space<vmem>>, vector<1x16xf32>,
      %get3A_425 = vector.shape_cast %get3A_424 : vector<1x16xf32> to vector<16xf32>
      %swap3A_426 = arith.constant 4 : i32
      %swap3A_427 = arith.index_cast %swap3A_426 : i32 to index
      %swap3A_428 = arith.constant 2096 : index
      %swap3A_429 = tpu.vector_load %arg9[%swap3A_427, %swap3A_428] {strides = array<i32>} : memref<16x2112xf32, #tpu.memory_space<vmem>>, vector<1x16xf32>,
      %swap3A_430 = vector.shape_cast %swap3A_429 : vector<1x16xf32> to vector<16xf32>
      %swap3A_431 = vector.shape_cast %get3A_425 : vector<16xf32> to vector<1x16xf32>
      tpu.vector_store %arg9[%swap3A_427, %swap3A_428], %swap3A_431 {strides = array<i32>} : memref<16x2112xf32, #tpu.memory_space<vmem>>, vector<1x16xf32>,
      %slice3A_432 = vector.extract_strided_slice %sub3A_115 {offsets = [4], sizes = [1], strides = [1]} : vector<16xi32> to vector<1xi32>
      %squeeze3A_433 = vector.extract %slice3A_432[0] : i32 from vector<1xi32>
      %le3A_434 = arith.constant 0 : i32
      %le3A_435 = arith.cmpi sle, %squeeze3A_433, %le3A_434 : i32
      %convert_element_type3A_436 = arith.extui %le3A_435 : i1 to i32
      %cond3A_437 = arith.constant 0 : i32
      %cond3A_438 = arith.cmpi ne, %convert_element_type3A_436, %cond3A_437 : i32
      scf.if %cond3A_438 {
        %scan3A_2259 = arith.constant 0 : i32
        %scan3A_2260 = arith.constant 0 : i32
        %scan3A_2261 = arith.constant 132 : i32
        %scan3A_2262 = arith.addi %scan3A_2260, %scan3A_2261 : i32
        %scan3A_2263 = arith.constant 1 : i32
        %scan3A_2264 = scf.for %scan3A_2266 = %scan3A_2260 to %scan3A_2262 step %scan3A_2263 iter_args(%scan3A_2267 = %scan3A_2259) -> (i32)  : i32 {
          %mul3A_2268 = arith.constant 16 : i32
          %mul3A_2269 = arith.muli %scan3A_2266, %mul3A_2268 : i32
          %swap3A_2270 = arith.constant 4 : i32
          %swap3A_2271 = arith.index_cast %swap3A_2270 : i32 to index
          %swap3A_2272 = arith.index_cast %mul3A_2269 : i32 to index
          %swap3A_2273 = tpu.vector_load %arg9[%swap3A_2271, %swap3A_2272] {strides = array<i32>} : memref<16x2112xf32, #tpu.memory_space<vmem>>, vector<1x16xf32>,
          %swap3A_2274 = vector.shape_cast %swap3A_2273 : vector<1x16xf32> to vector<16xf32>
          %swap3A_2275 = vector.shape_cast %broadcast_in_dim3A_116 : vector<16xf32> to vector<1x16xf32>
          tpu.vector_store %arg9[%swap3A_2271, %swap3A_2272], %swap3A_2275 {strides = array<i32>} : memref<16x2112xf32, #tpu.memory_space<vmem>>, vector<1x16xf32>,
          %scan3A_2276 = arith.constant 0 : i32
          scf.yield %scan3A_2276 : i32
        }
        %scan3A_2265 = arith.constant 132 : i32
      } else {
      }
      %slice3A_439 = vector.extract_strided_slice %get3A_108 {offsets = [5], sizes = [1], strides = [1]} : vector<16xi32> to vector<1xi32>
      %squeeze3A_440 = vector.extract %slice3A_439[0] : i32 from vector<1xi32>
      %and3A_441 = arith.constant 1 : i32
      %and3A_442 = arith.andi %squeeze3A_440, %and3A_441 : i32
      %mul3A_443 = arith.constant 64 : i32
      %mul3A_444 = arith.muli %and3A_442, %mul3A_443 : i32
      %add3A_445 = arith.constant 0 : i32
      %add3A_446 = arith.addi %mul3A_444, %add3A_445 : i32
      %get3A_447 = arith.constant 5 : i32
      %get3A_448 = arith.index_cast %get3A_447 : i32 to index
      %get3A_449 = arith.index_cast %add3A_446 : i32 to index
      %get3A_450 = tpu.vector_load %arg11[%get3A_448, %get3A_449] {strides = array<i32>} : memref<16x128xf32, #tpu.memory_space<vmem>>, vector<1x16xf32>,
      %get3A_451 = vector.shape_cast %get3A_450 : vector<1x16xf32> to vector<16xf32>
      %swap3A_452 = arith.constant 5 : i32
      %swap3A_453 = arith.index_cast %swap3A_452 : i32 to index
      %swap3A_454 = arith.constant 2048 : index
      %swap3A_455 = tpu.vector_load %arg9[%swap3A_453, %swap3A_454] {strides = array<i32>} : memref<16x2112xf32, #tpu.memory_space<vmem>>, vector<1x16xf32>,
      %swap3A_456 = vector.shape_cast %swap3A_455 : vector<1x16xf32> to vector<16xf32>
      %swap3A_457 = vector.shape_cast %get3A_451 : vector<16xf32> to vector<1x16xf32>
      tpu.vector_store %arg9[%swap3A_453, %swap3A_454], %swap3A_457 {strides = array<i32>} : memref<16x2112xf32, #tpu.memory_space<vmem>>, vector<1x16xf32>,
      %add3A_458 = arith.constant 16 : i32
      %add3A_459 = arith.addi %mul3A_444, %add3A_458 : i32
      %get3A_460 = arith.constant 5 : i32
      %get3A_461 = arith.index_cast %get3A_460 : i32 to index
      %get3A_462 = arith.index_cast %add3A_459 : i32 to index
      %get3A_463 = tpu.vector_load %arg11[%get3A_461, %get3A_462] {strides = array<i32>} : memref<16x128xf32, #tpu.memory_space<vmem>>, vector<1x16xf32>,
      %get3A_464 = vector.shape_cast %get3A_463 : vector<1x16xf32> to vector<16xf32>
      %swap3A_465 = arith.constant 5 : i32
      %swap3A_466 = arith.index_cast %swap3A_465 : i32 to index
      %swap3A_467 = arith.constant 2064 : index
      %swap3A_468 = tpu.vector_load %arg9[%swap3A_466, %swap3A_467] {strides = array<i32>} : memref<16x2112xf32, #tpu.memory_space<vmem>>, vector<1x16xf32>,
      %swap3A_469 = vector.shape_cast %swap3A_468 : vector<1x16xf32> to vector<16xf32>
      %swap3A_470 = vector.shape_cast %get3A_464 : vector<16xf32> to vector<1x16xf32>
      tpu.vector_store %arg9[%swap3A_466, %swap3A_467], %swap3A_470 {strides = array<i32>} : memref<16x2112xf32, #tpu.memory_space<vmem>>, vector<1x16xf32>,
      %add3A_471 = arith.constant 32 : i32
      %add3A_472 = arith.addi %mul3A_444, %add3A_471 : i32
      %get3A_473 = arith.constant 5 : i32
      %get3A_474 = arith.index_cast %get3A_473 : i32 to index
      %get3A_475 = arith.index_cast %add3A_472 : i32 to index
      %get3A_476 = tpu.vector_load %arg11[%get3A_474, %get3A_475] {strides = array<i32>} : memref<16x128xf32, #tpu.memory_space<vmem>>, vector<1x16xf32>,
      %get3A_477 = vector.shape_cast %get3A_476 : vector<1x16xf32> to vector<16xf32>
      %swap3A_478 = arith.constant 5 : i32
      %swap3A_479 = arith.index_cast %swap3A_478 : i32 to index
      %swap3A_480 = arith.constant 2080 : index
      %swap3A_481 = tpu.vector_load %arg9[%swap3A_479, %swap3A_480] {strides = array<i32>} : memref<16x2112xf32, #tpu.memory_space<vmem>>, vector<1x16xf32>,
      %swap3A_482 = vector.shape_cast %swap3A_481 : vector<1x16xf32> to vector<16xf32>
      %swap3A_483 = vector.shape_cast %get3A_477 : vector<16xf32> to vector<1x16xf32>
      tpu.vector_store %arg9[%swap3A_479, %swap3A_480], %swap3A_483 {strides = array<i32>} : memref<16x2112xf32, #tpu.memory_space<vmem>>, vector<1x16xf32>,
      %add3A_484 = arith.constant 48 : i32
      %add3A_485 = arith.addi %mul3A_444, %add3A_484 : i32
      %get3A_486 = arith.constant 5 : i32
      %get3A_487 = arith.index_cast %get3A_486 : i32 to index
      %get3A_488 = arith.index_cast %add3A_485 : i32 to index
      %get3A_489 = tpu.vector_load %arg11[%get3A_487, %get3A_488] {strides = array<i32>} : memref<16x128xf32, #tpu.memory_space<vmem>>, vector<1x16xf32>,
      %get3A_490 = vector.shape_cast %get3A_489 : vector<1x16xf32> to vector<16xf32>
      %swap3A_491 = arith.constant 5 : i32
      %swap3A_492 = arith.index_cast %swap3A_491 : i32 to index
      %swap3A_493 = arith.constant 2096 : index
      %swap3A_494 = tpu.vector_load %arg9[%swap3A_492, %swap3A_493] {strides = array<i32>} : memref<16x2112xf32, #tpu.memory_space<vmem>>, vector<1x16xf32>,
      %swap3A_495 = vector.shape_cast %swap3A_494 : vector<1x16xf32> to vector<16xf32>
      %swap3A_496 = vector.shape_cast %get3A_490 : vector<16xf32> to vector<1x16xf32>
      tpu.vector_store %arg9[%swap3A_492, %swap3A_493], %swap3A_496 {strides = array<i32>} : memref<16x2112xf32, #tpu.memory_space<vmem>>, vector<1x16xf32>,
      %slice3A_497 = vector.extract_strided_slice %sub3A_115 {offsets = [5], sizes = [1], strides = [1]} : vector<16xi32> to vector<1xi32>
      %squeeze3A_498 = vector.extract %slice3A_497[0] : i32 from vector<1xi32>
      %le3A_499 = arith.constant 0 : i32
      %le3A_500 = arith.cmpi sle, %squeeze3A_498, %le3A_499 : i32
      %convert_element_type3A_501 = arith.extui %le3A_500 : i1 to i32
      %cond3A_502 = arith.constant 0 : i32
      %cond3A_503 = arith.cmpi ne, %convert_element_type3A_501, %cond3A_502 : i32
      scf.if %cond3A_503 {
        %scan3A_2259 = arith.constant 0 : i32
        %scan3A_2260 = arith.constant 0 : i32
        %scan3A_2261 = arith.constant 132 : i32
        %scan3A_2262 = arith.addi %scan3A_2260, %scan3A_2261 : i32
        %scan3A_2263 = arith.constant 1 : i32
        %scan3A_2264 = scf.for %scan3A_2266 = %scan3A_2260 to %scan3A_2262 step %scan3A_2263 iter_args(%scan3A_2267 = %scan3A_2259) -> (i32)  : i32 {
          %mul3A_2268 = arith.constant 16 : i32
          %mul3A_2269 = arith.muli %scan3A_2266, %mul3A_2268 : i32
          %swap3A_2270 = arith.constant 5 : i32
          %swap3A_2271 = arith.index_cast %swap3A_2270 : i32 to index
          %swap3A_2272 = arith.index_cast %mul3A_2269 : i32 to index
          %swap3A_2273 = tpu.vector_load %arg9[%swap3A_2271, %swap3A_2272] {strides = array<i32>} : memref<16x2112xf32, #tpu.memory_space<vmem>>, vector<1x16xf32>,
          %swap3A_2274 = vector.shape_cast %swap3A_2273 : vector<1x16xf32> to vector<16xf32>
          %swap3A_2275 = vector.shape_cast %broadcast_in_dim3A_116 : vector<16xf32> to vector<1x16xf32>
          tpu.vector_store %arg9[%swap3A_2271, %swap3A_2272], %swap3A_2275 {strides = array<i32>} : memref<16x2112xf32, #tpu.memory_space<vmem>>, vector<1x16xf32>,
          %scan3A_2276 = arith.constant 0 : i32
          scf.yield %scan3A_2276 : i32
        }
        %scan3A_2265 = arith.constant 132 : i32
      } else {
      }
      %slice3A_504 = vector.extract_strided_slice %get3A_108 {offsets = [6], sizes = [1], strides = [1]} : vector<16xi32> to vector<1xi32>
      %squeeze3A_505 = vector.extract %slice3A_504[0] : i32 from vector<1xi32>
      %and3A_506 = arith.constant 1 : i32
      %and3A_507 = arith.andi %squeeze3A_505, %and3A_506 : i32
      %mul3A_508 = arith.constant 64 : i32
      %mul3A_509 = arith.muli %and3A_507, %mul3A_508 : i32
      %add3A_510 = arith.constant 0 : i32
      %add3A_511 = arith.addi %mul3A_509, %add3A_510 : i32
      %get3A_512 = arith.constant 6 : i32
      %get3A_513 = arith.index_cast %get3A_512 : i32 to index
      %get3A_514 = arith.index_cast %add3A_511 : i32 to index
      %get3A_515 = tpu.vector_load %arg11[%get3A_513, %get3A_514] {strides = array<i32>} : memref<16x128xf32, #tpu.memory_space<vmem>>, vector<1x16xf32>,
      %get3A_516 = vector.shape_cast %get3A_515 : vector<1x16xf32> to vector<16xf32>
      %swap3A_517 = arith.constant 6 : i32
      %swap3A_518 = arith.index_cast %swap3A_517 : i32 to index
      %swap3A_519 = arith.constant 2048 : index
      %swap3A_520 = tpu.vector_load %arg9[%swap3A_518, %swap3A_519] {strides = array<i32>} : memref<16x2112xf32, #tpu.memory_space<vmem>>, vector<1x16xf32>,
      %swap3A_521 = vector.shape_cast %swap3A_520 : vector<1x16xf32> to vector<16xf32>
      %swap3A_522 = vector.shape_cast %get3A_516 : vector<16xf32> to vector<1x16xf32>
      tpu.vector_store %arg9[%swap3A_518, %swap3A_519], %swap3A_522 {strides = array<i32>} : memref<16x2112xf32, #tpu.memory_space<vmem>>, vector<1x16xf32>,
      %add3A_523 = arith.constant 16 : i32
      %add3A_524 = arith.addi %mul3A_509, %add3A_523 : i32
      %get3A_525 = arith.constant 6 : i32
      %get3A_526 = arith.index_cast %get3A_525 : i32 to index
      %get3A_527 = arith.index_cast %add3A_524 : i32 to index
      %get3A_528 = tpu.vector_load %arg11[%get3A_526, %get3A_527] {strides = array<i32>} : memref<16x128xf32, #tpu.memory_space<vmem>>, vector<1x16xf32>,
      %get3A_529 = vector.shape_cast %get3A_528 : vector<1x16xf32> to vector<16xf32>
      %swap3A_530 = arith.constant 6 : i32
      %swap3A_531 = arith.index_cast %swap3A_530 : i32 to index
      %swap3A_532 = arith.constant 2064 : index
      %swap3A_533 = tpu.vector_load %arg9[%swap3A_531, %swap3A_532] {strides = array<i32>} : memref<16x2112xf32, #tpu.memory_space<vmem>>, vector<1x16xf32>,
      %swap3A_534 = vector.shape_cast %swap3A_533 : vector<1x16xf32> to vector<16xf32>
      %swap3A_535 = vector.shape_cast %get3A_529 : vector<16xf32> to vector<1x16xf32>
      tpu.vector_store %arg9[%swap3A_531, %swap3A_532], %swap3A_535 {strides = array<i32>} : memref<16x2112xf32, #tpu.memory_space<vmem>>, vector<1x16xf32>,
      %add3A_536 = arith.constant 32 : i32
      %add3A_537 = arith.addi %mul3A_509, %add3A_536 : i32
      %get3A_538 = arith.constant 6 : i32
      %get3A_539 = arith.index_cast %get3A_538 : i32 to index
      %get3A_540 = arith.index_cast %add3A_537 : i32 to index
      %get3A_541 = tpu.vector_load %arg11[%get3A_539, %get3A_540] {strides = array<i32>} : memref<16x128xf32, #tpu.memory_space<vmem>>, vector<1x16xf32>,
      %get3A_542 = vector.shape_cast %get3A_541 : vector<1x16xf32> to vector<16xf32>
      %swap3A_543 = arith.constant 6 : i32
      %swap3A_544 = arith.index_cast %swap3A_543 : i32 to index
      %swap3A_545 = arith.constant 2080 : index
      %swap3A_546 = tpu.vector_load %arg9[%swap3A_544, %swap3A_545] {strides = array<i32>} : memref<16x2112xf32, #tpu.memory_space<vmem>>, vector<1x16xf32>,
      %swap3A_547 = vector.shape_cast %swap3A_546 : vector<1x16xf32> to vector<16xf32>
      %swap3A_548 = vector.shape_cast %get3A_542 : vector<16xf32> to vector<1x16xf32>
      tpu.vector_store %arg9[%swap3A_544, %swap3A_545], %swap3A_548 {strides = array<i32>} : memref<16x2112xf32, #tpu.memory_space<vmem>>, vector<1x16xf32>,
      %add3A_549 = arith.constant 48 : i32
      %add3A_550 = arith.addi %mul3A_509, %add3A_549 : i32
      %get3A_551 = arith.constant 6 : i32
      %get3A_552 = arith.index_cast %get3A_551 : i32 to index
      %get3A_553 = arith.index_cast %add3A_550 : i32 to index
      %get3A_554 = tpu.vector_load %arg11[%get3A_552, %get3A_553] {strides = array<i32>} : memref<16x128xf32, #tpu.memory_space<vmem>>, vector<1x16xf32>,
      %get3A_555 = vector.shape_cast %get3A_554 : vector<1x16xf32> to vector<16xf32>
      %swap3A_556 = arith.constant 6 : i32
      %swap3A_557 = arith.index_cast %swap3A_556 : i32 to index
      %swap3A_558 = arith.constant 2096 : index
      %swap3A_559 = tpu.vector_load %arg9[%swap3A_557, %swap3A_558] {strides = array<i32>} : memref<16x2112xf32, #tpu.memory_space<vmem>>, vector<1x16xf32>,
      %swap3A_560 = vector.shape_cast %swap3A_559 : vector<1x16xf32> to vector<16xf32>
      %swap3A_561 = vector.shape_cast %get3A_555 : vector<16xf32> to vector<1x16xf32>
      tpu.vector_store %arg9[%swap3A_557, %swap3A_558], %swap3A_561 {strides = array<i32>} : memref<16x2112xf32, #tpu.memory_space<vmem>>, vector<1x16xf32>,
      %slice3A_562 = vector.extract_strided_slice %sub3A_115 {offsets = [6], sizes = [1], strides = [1]} : vector<16xi32> to vector<1xi32>
      %squeeze3A_563 = vector.extract %slice3A_562[0] : i32 from vector<1xi32>
      %le3A_564 = arith.constant 0 : i32
      %le3A_565 = arith.cmpi sle, %squeeze3A_563, %le3A_564 : i32
      %convert_element_type3A_566 = arith.extui %le3A_565 : i1 to i32
      %cond3A_567 = arith.constant 0 : i32
      %cond3A_568 = arith.cmpi ne, %convert_element_type3A_566, %cond3A_567 : i32
      scf.if %cond3A_568 {
        %scan3A_2259 = arith.constant 0 : i32
        %scan3A_2260 = arith.constant 0 : i32
        %scan3A_2261 = arith.constant 132 : i32
        %scan3A_2262 = arith.addi %scan3A_2260, %scan3A_2261 : i32
        %scan3A_2263 = arith.constant 1 : i32
        %scan3A_2264 = scf.for %scan3A_2266 = %scan3A_2260 to %scan3A_2262 step %scan3A_2263 iter_args(%scan3A_2267 = %scan3A_2259) -> (i32)  : i32 {
          %mul3A_2268 = arith.constant 16 : i32
          %mul3A_2269 = arith.muli %scan3A_2266, %mul3A_2268 : i32
          %swap3A_2270 = arith.constant 6 : i32
          %swap3A_2271 = arith.index_cast %swap3A_2270 : i32 to index
          %swap3A_2272 = arith.index_cast %mul3A_2269 : i32 to index
          %swap3A_2273 = tpu.vector_load %arg9[%swap3A_2271, %swap3A_2272] {strides = array<i32>} : memref<16x2112xf32, #tpu.memory_space<vmem>>, vector<1x16xf32>,
          %swap3A_2274 = vector.shape_cast %swap3A_2273 : vector<1x16xf32> to vector<16xf32>
          %swap3A_2275 = vector.shape_cast %broadcast_in_dim3A_116 : vector<16xf32> to vector<1x16xf32>
          tpu.vector_store %arg9[%swap3A_2271, %swap3A_2272], %swap3A_2275 {strides = array<i32>} : memref<16x2112xf32, #tpu.memory_space<vmem>>, vector<1x16xf32>,
          %scan3A_2276 = arith.constant 0 : i32
          scf.yield %scan3A_2276 : i32
        }
        %scan3A_2265 = arith.constant 132 : i32
      } else {
      }
      %slice3A_569 = vector.extract_strided_slice %get3A_108 {offsets = [7], sizes = [1], strides = [1]} : vector<16xi32> to vector<1xi32>
      %squeeze3A_570 = vector.extract %slice3A_569[0] : i32 from vector<1xi32>
      %and3A_571 = arith.constant 1 : i32
      %and3A_572 = arith.andi %squeeze3A_570, %and3A_571 : i32
      %mul3A_573 = arith.constant 64 : i32
      %mul3A_574 = arith.muli %and3A_572, %mul3A_573 : i32
      %add3A_575 = arith.constant 0 : i32
      %add3A_576 = arith.addi %mul3A_574, %add3A_575 : i32
      %get3A_577 = arith.constant 7 : i32
      %get3A_578 = arith.index_cast %get3A_577 : i32 to index
      %get3A_579 = arith.index_cast %add3A_576 : i32 to index
      %get3A_580 = tpu.vector_load %arg11[%get3A_578, %get3A_579] {strides = array<i32>} : memref<16x128xf32, #tpu.memory_space<vmem>>, vector<1x16xf32>,
      %get3A_581 = vector.shape_cast %get3A_580 : vector<1x16xf32> to vector<16xf32>
      %swap3A_582 = arith.constant 7 : i32
      %swap3A_583 = arith.index_cast %swap3A_582 : i32 to index
      %swap3A_584 = arith.constant 2048 : index
      %swap3A_585 = tpu.vector_load %arg9[%swap3A_583, %swap3A_584] {strides = array<i32>} : memref<16x2112xf32, #tpu.memory_space<vmem>>, vector<1x16xf32>,
      %swap3A_586 = vector.shape_cast %swap3A_585 : vector<1x16xf32> to vector<16xf32>
      %swap3A_587 = vector.shape_cast %get3A_581 : vector<16xf32> to vector<1x16xf32>
      tpu.vector_store %arg9[%swap3A_583, %swap3A_584], %swap3A_587 {strides = array<i32>} : memref<16x2112xf32, #tpu.memory_space<vmem>>, vector<1x16xf32>,
      %add3A_588 = arith.constant 16 : i32
      %add3A_589 = arith.addi %mul3A_574, %add3A_588 : i32
      %get3A_590 = arith.constant 7 : i32
      %get3A_591 = arith.index_cast %get3A_590 : i32 to index
      %get3A_592 = arith.index_cast %add3A_589 : i32 to index
      %get3A_593 = tpu.vector_load %arg11[%get3A_591, %get3A_592] {strides = array<i32>} : memref<16x128xf32, #tpu.memory_space<vmem>>, vector<1x16xf32>,
      %get3A_594 = vector.shape_cast %get3A_593 : vector<1x16xf32> to vector<16xf32>
      %swap3A_595 = arith.constant 7 : i32
      %swap3A_596 = arith.index_cast %swap3A_595 : i32 to index
      %swap3A_597 = arith.constant 2064 : index
      %swap3A_598 = tpu.vector_load %arg9[%swap3A_596, %swap3A_597] {strides = array<i32>} : memref<16x2112xf32, #tpu.memory_space<vmem>>, vector<1x16xf32>,
      %swap3A_599 = vector.shape_cast %swap3A_598 : vector<1x16xf32> to vector<16xf32>
      %swap3A_600 = vector.shape_cast %get3A_594 : vector<16xf32> to vector<1x16xf32>
      tpu.vector_store %arg9[%swap3A_596, %swap3A_597], %swap3A_600 {strides = array<i32>} : memref<16x2112xf32, #tpu.memory_space<vmem>>, vector<1x16xf32>,
      %add3A_601 = arith.constant 32 : i32
      %add3A_602 = arith.addi %mul3A_574, %add3A_601 : i32
      %get3A_603 = arith.constant 7 : i32
      %get3A_604 = arith.index_cast %get3A_603 : i32 to index
      %get3A_605 = arith.index_cast %add3A_602 : i32 to index
      %get3A_606 = tpu.vector_load %arg11[%get3A_604, %get3A_605] {strides = array<i32>} : memref<16x128xf32, #tpu.memory_space<vmem>>, vector<1x16xf32>,
      %get3A_607 = vector.shape_cast %get3A_606 : vector<1x16xf32> to vector<16xf32>
      %swap3A_608 = arith.constant 7 : i32
      %swap3A_609 = arith.index_cast %swap3A_608 : i32 to index
      %swap3A_610 = arith.constant 2080 : index
      %swap3A_611 = tpu.vector_load %arg9[%swap3A_609, %swap3A_610] {strides = array<i32>} : memref<16x2112xf32, #tpu.memory_space<vmem>>, vector<1x16xf32>,
      %swap3A_612 = vector.shape_cast %swap3A_611 : vector<1x16xf32> to vector<16xf32>
      %swap3A_613 = vector.shape_cast %get3A_607 : vector<16xf32> to vector<1x16xf32>
      tpu.vector_store %arg9[%swap3A_609, %swap3A_610], %swap3A_613 {strides = array<i32>} : memref<16x2112xf32, #tpu.memory_space<vmem>>, vector<1x16xf32>,
      %add3A_614 = arith.constant 48 : i32
      %add3A_615 = arith.addi %mul3A_574, %add3A_614 : i32
      %get3A_616 = arith.constant 7 : i32
      %get3A_617 = arith.index_cast %get3A_616 : i32 to index
      %get3A_618 = arith.index_cast %add3A_615 : i32 to index
      %get3A_619 = tpu.vector_load %arg11[%get3A_617, %get3A_618] {strides = array<i32>} : memref<16x128xf32, #tpu.memory_space<vmem>>, vector<1x16xf32>,
      %get3A_620 = vector.shape_cast %get3A_619 : vector<1x16xf32> to vector<16xf32>
      %swap3A_621 = arith.constant 7 : i32
      %swap3A_622 = arith.index_cast %swap3A_621 : i32 to index
      %swap3A_623 = arith.constant 2096 : index
      %swap3A_624 = tpu.vector_load %arg9[%swap3A_622, %swap3A_623] {strides = array<i32>} : memref<16x2112xf32, #tpu.memory_space<vmem>>, vector<1x16xf32>,
      %swap3A_625 = vector.shape_cast %swap3A_624 : vector<1x16xf32> to vector<16xf32>
      %swap3A_626 = vector.shape_cast %get3A_620 : vector<16xf32> to vector<1x16xf32>
      tpu.vector_store %arg9[%swap3A_622, %swap3A_623], %swap3A_626 {strides = array<i32>} : memref<16x2112xf32, #tpu.memory_space<vmem>>, vector<1x16xf32>,
      %slice3A_627 = vector.extract_strided_slice %sub3A_115 {offsets = [7], sizes = [1], strides = [1]} : vector<16xi32> to vector<1xi32>
      %squeeze3A_628 = vector.extract %slice3A_627[0] : i32 from vector<1xi32>
      %le3A_629 = arith.constant 0 : i32
      %le3A_630 = arith.cmpi sle, %squeeze3A_628, %le3A_629 : i32
      %convert_element_type3A_631 = arith.extui %le3A_630 : i1 to i32
      %cond3A_632 = arith.constant 0 : i32
      %cond3A_633 = arith.cmpi ne, %convert_element_type3A_631, %cond3A_632 : i32
      scf.if %cond3A_633 {
        %scan3A_2259 = arith.constant 0 : i32
        %scan3A_2260 = arith.constant 0 : i32
        %scan3A_2261 = arith.constant 132 : i32
        %scan3A_2262 = arith.addi %scan3A_2260, %scan3A_2261 : i32
        %scan3A_2263 = arith.constant 1 : i32
        %scan3A_2264 = scf.for %scan3A_2266 = %scan3A_2260 to %scan3A_2262 step %scan3A_2263 iter_args(%scan3A_2267 = %scan3A_2259) -> (i32)  : i32 {
          %mul3A_2268 = arith.constant 16 : i32
          %mul3A_2269 = arith.muli %scan3A_2266, %mul3A_2268 : i32
          %swap3A_2270 = arith.constant 7 : i32
          %swap3A_2271 = arith.index_cast %swap3A_2270 : i32 to index
          %swap3A_2272 = arith.index_cast %mul3A_2269 : i32 to index
          %swap3A_2273 = tpu.vector_load %arg9[%swap3A_2271, %swap3A_2272] {strides = array<i32>} : memref<16x2112xf32, #tpu.memory_space<vmem>>, vector<1x16xf32>,
          %swap3A_2274 = vector.shape_cast %swap3A_2273 : vector<1x16xf32> to vector<16xf32>
          %swap3A_2275 = vector.shape_cast %broadcast_in_dim3A_116 : vector<16xf32> to vector<1x16xf32>
          tpu.vector_store %arg9[%swap3A_2271, %swap3A_2272], %swap3A_2275 {strides = array<i32>} : memref<16x2112xf32, #tpu.memory_space<vmem>>, vector<1x16xf32>,
          %scan3A_2276 = arith.constant 0 : i32
          scf.yield %scan3A_2276 : i32
        }
        %scan3A_2265 = arith.constant 132 : i32
      } else {
      }
      %slice3A_634 = vector.extract_strided_slice %get3A_108 {offsets = [8], sizes = [1], strides = [1]} : vector<16xi32> to vector<1xi32>
      %squeeze3A_635 = vector.extract %slice3A_634[0] : i32 from vector<1xi32>
      %and3A_636 = arith.constant 1 : i32
      %and3A_637 = arith.andi %squeeze3A_635, %and3A_636 : i32
      %mul3A_638 = arith.constant 64 : i32
      %mul3A_639 = arith.muli %and3A_637, %mul3A_638 : i32
      %add3A_640 = arith.constant 0 : i32
      %add3A_641 = arith.addi %mul3A_639, %add3A_640 : i32
      %get3A_642 = arith.constant 8 : i32
      %get3A_643 = arith.index_cast %get3A_642 : i32 to index
      %get3A_644 = arith.index_cast %add3A_641 : i32 to index
      %get3A_645 = tpu.vector_load %arg11[%get3A_643, %get3A_644] {strides = array<i32>} : memref<16x128xf32, #tpu.memory_space<vmem>>, vector<1x16xf32>,
      %get3A_646 = vector.shape_cast %get3A_645 : vector<1x16xf32> to vector<16xf32>
      %swap3A_647 = arith.constant 8 : i32
      %swap3A_648 = arith.index_cast %swap3A_647 : i32 to index
      %swap3A_649 = arith.constant 2048 : index
      %swap3A_650 = tpu.vector_load %arg9[%swap3A_648, %swap3A_649] {strides = array<i32>} : memref<16x2112xf32, #tpu.memory_space<vmem>>, vector<1x16xf32>,
      %swap3A_651 = vector.shape_cast %swap3A_650 : vector<1x16xf32> to vector<16xf32>
      %swap3A_652 = vector.shape_cast %get3A_646 : vector<16xf32> to vector<1x16xf32>
      tpu.vector_store %arg9[%swap3A_648, %swap3A_649], %swap3A_652 {strides = array<i32>} : memref<16x2112xf32, #tpu.memory_space<vmem>>, vector<1x16xf32>,
      %add3A_653 = arith.constant 16 : i32
      %add3A_654 = arith.addi %mul3A_639, %add3A_653 : i32
      %get3A_655 = arith.constant 8 : i32
      %get3A_656 = arith.index_cast %get3A_655 : i32 to index
      %get3A_657 = arith.index_cast %add3A_654 : i32 to index
      %get3A_658 = tpu.vector_load %arg11[%get3A_656, %get3A_657] {strides = array<i32>} : memref<16x128xf32, #tpu.memory_space<vmem>>, vector<1x16xf32>,
      %get3A_659 = vector.shape_cast %get3A_658 : vector<1x16xf32> to vector<16xf32>
      %swap3A_660 = arith.constant 8 : i32
      %swap3A_661 = arith.index_cast %swap3A_660 : i32 to index
      %swap3A_662 = arith.constant 2064 : index
      %swap3A_663 = tpu.vector_load %arg9[%swap3A_661, %swap3A_662] {strides = array<i32>} : memref<16x2112xf32, #tpu.memory_space<vmem>>, vector<1x16xf32>,
      %swap3A_664 = vector.shape_cast %swap3A_663 : vector<1x16xf32> to vector<16xf32>
      %swap3A_665 = vector.shape_cast %get3A_659 : vector<16xf32> to vector<1x16xf32>
      tpu.vector_store %arg9[%swap3A_661, %swap3A_662], %swap3A_665 {strides = array<i32>} : memref<16x2112xf32, #tpu.memory_space<vmem>>, vector<1x16xf32>,
      %add3A_666 = arith.constant 32 : i32
      %add3A_667 = arith.addi %mul3A_639, %add3A_666 : i32
      %get3A_668 = arith.constant 8 : i32
      %get3A_669 = arith.index_cast %get3A_668 : i32 to index
      %get3A_670 = arith.index_cast %add3A_667 : i32 to index
      %get3A_671 = tpu.vector_load %arg11[%get3A_669, %get3A_670] {strides = array<i32>} : memref<16x128xf32, #tpu.memory_space<vmem>>, vector<1x16xf32>,
      %get3A_672 = vector.shape_cast %get3A_671 : vector<1x16xf32> to vector<16xf32>
      %swap3A_673 = arith.constant 8 : i32
      %swap3A_674 = arith.index_cast %swap3A_673 : i32 to index
      %swap3A_675 = arith.constant 2080 : index
      %swap3A_676 = tpu.vector_load %arg9[%swap3A_674, %swap3A_675] {strides = array<i32>} : memref<16x2112xf32, #tpu.memory_space<vmem>>, vector<1x16xf32>,
      %swap3A_677 = vector.shape_cast %swap3A_676 : vector<1x16xf32> to vector<16xf32>
      %swap3A_678 = vector.shape_cast %get3A_672 : vector<16xf32> to vector<1x16xf32>
      tpu.vector_store %arg9[%swap3A_674, %swap3A_675], %swap3A_678 {strides = array<i32>} : memref<16x2112xf32, #tpu.memory_space<vmem>>, vector<1x16xf32>,
      %add3A_679 = arith.constant 48 : i32
      %add3A_680 = arith.addi %mul3A_639, %add3A_679 : i32
      %get3A_681 = arith.constant 8 : i32
      %get3A_682 = arith.index_cast %get3A_681 : i32 to index
      %get3A_683 = arith.index_cast %add3A_680 : i32 to index
      %get3A_684 = tpu.vector_load %arg11[%get3A_682, %get3A_683] {strides = array<i32>} : memref<16x128xf32, #tpu.memory_space<vmem>>, vector<1x16xf32>,
      %get3A_685 = vector.shape_cast %get3A_684 : vector<1x16xf32> to vector<16xf32>
      %swap3A_686 = arith.constant 8 : i32
      %swap3A_687 = arith.index_cast %swap3A_686 : i32 to index
      %swap3A_688 = arith.constant 2096 : index
      %swap3A_689 = tpu.vector_load %arg9[%swap3A_687, %swap3A_688] {strides = array<i32>} : memref<16x2112xf32, #tpu.memory_space<vmem>>, vector<1x16xf32>,
      %swap3A_690 = vector.shape_cast %swap3A_689 : vector<1x16xf32> to vector<16xf32>
      %swap3A_691 = vector.shape_cast %get3A_685 : vector<16xf32> to vector<1x16xf32>
      tpu.vector_store %arg9[%swap3A_687, %swap3A_688], %swap3A_691 {strides = array<i32>} : memref<16x2112xf32, #tpu.memory_space<vmem>>, vector<1x16xf32>,
      %slice3A_692 = vector.extract_strided_slice %sub3A_115 {offsets = [8], sizes = [1], strides = [1]} : vector<16xi32> to vector<1xi32>
      %squeeze3A_693 = vector.extract %slice3A_692[0] : i32 from vector<1xi32>
      %le3A_694 = arith.constant 0 : i32
      %le3A_695 = arith.cmpi sle, %squeeze3A_693, %le3A_694 : i32
      %convert_element_type3A_696 = arith.extui %le3A_695 : i1 to i32
      %cond3A_697 = arith.constant 0 : i32
      %cond3A_698 = arith.cmpi ne, %convert_element_type3A_696, %cond3A_697 : i32
      scf.if %cond3A_698 {
        %scan3A_2259 = arith.constant 0 : i32
        %scan3A_2260 = arith.constant 0 : i32
        %scan3A_2261 = arith.constant 132 : i32
        %scan3A_2262 = arith.addi %scan3A_2260, %scan3A_2261 : i32
        %scan3A_2263 = arith.constant 1 : i32
        %scan3A_2264 = scf.for %scan3A_2266 = %scan3A_2260 to %scan3A_2262 step %scan3A_2263 iter_args(%scan3A_2267 = %scan3A_2259) -> (i32)  : i32 {
          %mul3A_2268 = arith.constant 16 : i32
          %mul3A_2269 = arith.muli %scan3A_2266, %mul3A_2268 : i32
          %swap3A_2270 = arith.constant 8 : i32
          %swap3A_2271 = arith.index_cast %swap3A_2270 : i32 to index
          %swap3A_2272 = arith.index_cast %mul3A_2269 : i32 to index
          %swap3A_2273 = tpu.vector_load %arg9[%swap3A_2271, %swap3A_2272] {strides = array<i32>} : memref<16x2112xf32, #tpu.memory_space<vmem>>, vector<1x16xf32>,
          %swap3A_2274 = vector.shape_cast %swap3A_2273 : vector<1x16xf32> to vector<16xf32>
          %swap3A_2275 = vector.shape_cast %broadcast_in_dim3A_116 : vector<16xf32> to vector<1x16xf32>
          tpu.vector_store %arg9[%swap3A_2271, %swap3A_2272], %swap3A_2275 {strides = array<i32>} : memref<16x2112xf32, #tpu.memory_space<vmem>>, vector<1x16xf32>,
          %scan3A_2276 = arith.constant 0 : i32
          scf.yield %scan3A_2276 : i32
        }
        %scan3A_2265 = arith.constant 132 : i32
      } else {
      }
      %slice3A_699 = vector.extract_strided_slice %get3A_108 {offsets = [9], sizes = [1], strides = [1]} : vector<16xi32> to vector<1xi32>
      %squeeze3A_700 = vector.extract %slice3A_699[0] : i32 from vector<1xi32>
      %and3A_701 = arith.constant 1 : i32
      %and3A_702 = arith.andi %squeeze3A_700, %and3A_701 : i32
      %mul3A_703 = arith.constant 64 : i32
      %mul3A_704 = arith.muli %and3A_702, %mul3A_703 : i32
      %add3A_705 = arith.constant 0 : i32
      %add3A_706 = arith.addi %mul3A_704, %add3A_705 : i32
      %get3A_707 = arith.constant 9 : i32
      %get3A_708 = arith.index_cast %get3A_707 : i32 to index
      %get3A_709 = arith.index_cast %add3A_706 : i32 to index
      %get3A_710 = tpu.vector_load %arg11[%get3A_708, %get3A_709] {strides = array<i32>} : memref<16x128xf32, #tpu.memory_space<vmem>>, vector<1x16xf32>,
      %get3A_711 = vector.shape_cast %get3A_710 : vector<1x16xf32> to vector<16xf32>
      %swap3A_712 = arith.constant 9 : i32
      %swap3A_713 = arith.index_cast %swap3A_712 : i32 to index
      %swap3A_714 = arith.constant 2048 : index
      %swap3A_715 = tpu.vector_load %arg9[%swap3A_713, %swap3A_714] {strides = array<i32>} : memref<16x2112xf32, #tpu.memory_space<vmem>>, vector<1x16xf32>,
      %swap3A_716 = vector.shape_cast %swap3A_715 : vector<1x16xf32> to vector<16xf32>
      %swap3A_717 = vector.shape_cast %get3A_711 : vector<16xf32> to vector<1x16xf32>
      tpu.vector_store %arg9[%swap3A_713, %swap3A_714], %swap3A_717 {strides = array<i32>} : memref<16x2112xf32, #tpu.memory_space<vmem>>, vector<1x16xf32>,
      %add3A_718 = arith.constant 16 : i32
      %add3A_719 = arith.addi %mul3A_704, %add3A_718 : i32
      %get3A_720 = arith.constant 9 : i32
      %get3A_721 = arith.index_cast %get3A_720 : i32 to index
      %get3A_722 = arith.index_cast %add3A_719 : i32 to index
      %get3A_723 = tpu.vector_load %arg11[%get3A_721, %get3A_722] {strides = array<i32>} : memref<16x128xf32, #tpu.memory_space<vmem>>, vector<1x16xf32>,
      %get3A_724 = vector.shape_cast %get3A_723 : vector<1x16xf32> to vector<16xf32>
      %swap3A_725 = arith.constant 9 : i32
      %swap3A_726 = arith.index_cast %swap3A_725 : i32 to index
      %swap3A_727 = arith.constant 2064 : index
      %swap3A_728 = tpu.vector_load %arg9[%swap3A_726, %swap3A_727] {strides = array<i32>} : memref<16x2112xf32, #tpu.memory_space<vmem>>, vector<1x16xf32>,
      %swap3A_729 = vector.shape_cast %swap3A_728 : vector<1x16xf32> to vector<16xf32>
      %swap3A_730 = vector.shape_cast %get3A_724 : vector<16xf32> to vector<1x16xf32>
      tpu.vector_store %arg9[%swap3A_726, %swap3A_727], %swap3A_730 {strides = array<i32>} : memref<16x2112xf32, #tpu.memory_space<vmem>>, vector<1x16xf32>,
      %add3A_731 = arith.constant 32 : i32
      %add3A_732 = arith.addi %mul3A_704, %add3A_731 : i32
      %get3A_733 = arith.constant 9 : i32
      %get3A_734 = arith.index_cast %get3A_733 : i32 to index
      %get3A_735 = arith.index_cast %add3A_732 : i32 to index
      %get3A_736 = tpu.vector_load %arg11[%get3A_734, %get3A_735] {strides = array<i32>} : memref<16x128xf32, #tpu.memory_space<vmem>>, vector<1x16xf32>,
      %get3A_737 = vector.shape_cast %get3A_736 : vector<1x16xf32> to vector<16xf32>
      %swap3A_738 = arith.constant 9 : i32
      %swap3A_739 = arith.index_cast %swap3A_738 : i32 to index
      %swap3A_740 = arith.constant 2080 : index
      %swap3A_741 = tpu.vector_load %arg9[%swap3A_739, %swap3A_740] {strides = array<i32>} : memref<16x2112xf32, #tpu.memory_space<vmem>>, vector<1x16xf32>,
      %swap3A_742 = vector.shape_cast %swap3A_741 : vector<1x16xf32> to vector<16xf32>
      %swap3A_743 = vector.shape_cast %get3A_737 : vector<16xf32> to vector<1x16xf32>
      tpu.vector_store %arg9[%swap3A_739, %swap3A_740], %swap3A_743 {strides = array<i32>} : memref<16x2112xf32, #tpu.memory_space<vmem>>, vector<1x16xf32>,
      %add3A_744 = arith.constant 48 : i32
      %add3A_745 = arith.addi %mul3A_704, %add3A_744 : i32
      %get3A_746 = arith.constant 9 : i32
      %get3A_747 = arith.index_cast %get3A_746 : i32 to index
      %get3A_748 = arith.index_cast %add3A_745 : i32 to index
      %get3A_749 = tpu.vector_load %arg11[%get3A_747, %get3A_748] {strides = array<i32>} : memref<16x128xf32, #tpu.memory_space<vmem>>, vector<1x16xf32>,
      %get3A_750 = vector.shape_cast %get3A_749 : vector<1x16xf32> to vector<16xf32>
      %swap3A_751 = arith.constant 9 : i32
      %swap3A_752 = arith.index_cast %swap3A_751 : i32 to index
      %swap3A_753 = arith.constant 2096 : index
      %swap3A_754 = tpu.vector_load %arg9[%swap3A_752, %swap3A_753] {strides = array<i32>} : memref<16x2112xf32, #tpu.memory_space<vmem>>, vector<1x16xf32>,
      %swap3A_755 = vector.shape_cast %swap3A_754 : vector<1x16xf32> to vector<16xf32>
      %swap3A_756 = vector.shape_cast %get3A_750 : vector<16xf32> to vector<1x16xf32>
      tpu.vector_store %arg9[%swap3A_752, %swap3A_753], %swap3A_756 {strides = array<i32>} : memref<16x2112xf32, #tpu.memory_space<vmem>>, vector<1x16xf32>,
      %slice3A_757 = vector.extract_strided_slice %sub3A_115 {offsets = [9], sizes = [1], strides = [1]} : vector<16xi32> to vector<1xi32>
      %squeeze3A_758 = vector.extract %slice3A_757[0] : i32 from vector<1xi32>
      %le3A_759 = arith.constant 0 : i32
      %le3A_760 = arith.cmpi sle, %squeeze3A_758, %le3A_759 : i32
      %convert_element_type3A_761 = arith.extui %le3A_760 : i1 to i32
      %cond3A_762 = arith.constant 0 : i32
      %cond3A_763 = arith.cmpi ne, %convert_element_type3A_761, %cond3A_762 : i32
      scf.if %cond3A_763 {
        %scan3A_2259 = arith.constant 0 : i32
        %scan3A_2260 = arith.constant 0 : i32
        %scan3A_2261 = arith.constant 132 : i32
        %scan3A_2262 = arith.addi %scan3A_2260, %scan3A_2261 : i32
        %scan3A_2263 = arith.constant 1 : i32
        %scan3A_2264 = scf.for %scan3A_2266 = %scan3A_2260 to %scan3A_2262 step %scan3A_2263 iter_args(%scan3A_2267 = %scan3A_2259) -> (i32)  : i32 {
          %mul3A_2268 = arith.constant 16 : i32
          %mul3A_2269 = arith.muli %scan3A_2266, %mul3A_2268 : i32
          %swap3A_2270 = arith.constant 9 : i32
          %swap3A_2271 = arith.index_cast %swap3A_2270 : i32 to index
          %swap3A_2272 = arith.index_cast %mul3A_2269 : i32 to index
          %swap3A_2273 = tpu.vector_load %arg9[%swap3A_2271, %swap3A_2272] {strides = array<i32>} : memref<16x2112xf32, #tpu.memory_space<vmem>>, vector<1x16xf32>,
          %swap3A_2274 = vector.shape_cast %swap3A_2273 : vector<1x16xf32> to vector<16xf32>
          %swap3A_2275 = vector.shape_cast %broadcast_in_dim3A_116 : vector<16xf32> to vector<1x16xf32>
          tpu.vector_store %arg9[%swap3A_2271, %swap3A_2272], %swap3A_2275 {strides = array<i32>} : memref<16x2112xf32, #tpu.memory_space<vmem>>, vector<1x16xf32>,
          %scan3A_2276 = arith.constant 0 : i32
          scf.yield %scan3A_2276 : i32
        }
        %scan3A_2265 = arith.constant 132 : i32
      } else {
      }
      %slice3A_764 = vector.extract_strided_slice %get3A_108 {offsets = [10], sizes = [1], strides = [1]} : vector<16xi32> to vector<1xi32>
      %squeeze3A_765 = vector.extract %slice3A_764[0] : i32 from vector<1xi32>
      %and3A_766 = arith.constant 1 : i32
      %and3A_767 = arith.andi %squeeze3A_765, %and3A_766 : i32
      %mul3A_768 = arith.constant 64 : i32
      %mul3A_769 = arith.muli %and3A_767, %mul3A_768 : i32
      %add3A_770 = arith.constant 0 : i32
      %add3A_771 = arith.addi %mul3A_769, %add3A_770 : i32
      %get3A_772 = arith.constant 10 : i32
      %get3A_773 = arith.index_cast %get3A_772 : i32 to index
      %get3A_774 = arith.index_cast %add3A_771 : i32 to index
      %get3A_775 = tpu.vector_load %arg11[%get3A_773, %get3A_774] {strides = array<i32>} : memref<16x128xf32, #tpu.memory_space<vmem>>, vector<1x16xf32>,
      %get3A_776 = vector.shape_cast %get3A_775 : vector<1x16xf32> to vector<16xf32>
      %swap3A_777 = arith.constant 10 : i32
      %swap3A_778 = arith.index_cast %swap3A_777 : i32 to index
      %swap3A_779 = arith.constant 2048 : index
      %swap3A_780 = tpu.vector_load %arg9[%swap3A_778, %swap3A_779] {strides = array<i32>} : memref<16x2112xf32, #tpu.memory_space<vmem>>, vector<1x16xf32>,
      %swap3A_781 = vector.shape_cast %swap3A_780 : vector<1x16xf32> to vector<16xf32>
      %swap3A_782 = vector.shape_cast %get3A_776 : vector<16xf32> to vector<1x16xf32>
      tpu.vector_store %arg9[%swap3A_778, %swap3A_779], %swap3A_782 {strides = array<i32>} : memref<16x2112xf32, #tpu.memory_space<vmem>>, vector<1x16xf32>,
      %add3A_783 = arith.constant 16 : i32
      %add3A_784 = arith.addi %mul3A_769, %add3A_783 : i32
      %get3A_785 = arith.constant 10 : i32
      %get3A_786 = arith.index_cast %get3A_785 : i32 to index
      %get3A_787 = arith.index_cast %add3A_784 : i32 to index
      %get3A_788 = tpu.vector_load %arg11[%get3A_786, %get3A_787] {strides = array<i32>} : memref<16x128xf32, #tpu.memory_space<vmem>>, vector<1x16xf32>,
      %get3A_789 = vector.shape_cast %get3A_788 : vector<1x16xf32> to vector<16xf32>
      %swap3A_790 = arith.constant 10 : i32
      %swap3A_791 = arith.index_cast %swap3A_790 : i32 to index
      %swap3A_792 = arith.constant 2064 : index
      %swap3A_793 = tpu.vector_load %arg9[%swap3A_791, %swap3A_792] {strides = array<i32>} : memref<16x2112xf32, #tpu.memory_space<vmem>>, vector<1x16xf32>,
      %swap3A_794 = vector.shape_cast %swap3A_793 : vector<1x16xf32> to vector<16xf32>
      %swap3A_795 = vector.shape_cast %get3A_789 : vector<16xf32> to vector<1x16xf32>
      tpu.vector_store %arg9[%swap3A_791, %swap3A_792], %swap3A_795 {strides = array<i32>} : memref<16x2112xf32, #tpu.memory_space<vmem>>, vector<1x16xf32>,
      %add3A_796 = arith.constant 32 : i32
      %add3A_797 = arith.addi %mul3A_769, %add3A_796 : i32
      %get3A_798 = arith.constant 10 : i32
      %get3A_799 = arith.index_cast %get3A_798 : i32 to index
      %get3A_800 = arith.index_cast %add3A_797 : i32 to index
      %get3A_801 = tpu.vector_load %arg11[%get3A_799, %get3A_800] {strides = array<i32>} : memref<16x128xf32, #tpu.memory_space<vmem>>, vector<1x16xf32>,
      %get3A_802 = vector.shape_cast %get3A_801 : vector<1x16xf32> to vector<16xf32>
      %swap3A_803 = arith.constant 10 : i32
      %swap3A_804 = arith.index_cast %swap3A_803 : i32 to index
      %swap3A_805 = arith.constant 2080 : index
      %swap3A_806 = tpu.vector_load %arg9[%swap3A_804, %swap3A_805] {strides = array<i32>} : memref<16x2112xf32, #tpu.memory_space<vmem>>, vector<1x16xf32>,
      %swap3A_807 = vector.shape_cast %swap3A_806 : vector<1x16xf32> to vector<16xf32>
      %swap3A_808 = vector.shape_cast %get3A_802 : vector<16xf32> to vector<1x16xf32>
      tpu.vector_store %arg9[%swap3A_804, %swap3A_805], %swap3A_808 {strides = array<i32>} : memref<16x2112xf32, #tpu.memory_space<vmem>>, vector<1x16xf32>,
      %add3A_809 = arith.constant 48 : i32
      %add3A_810 = arith.addi %mul3A_769, %add3A_809 : i32
      %get3A_811 = arith.constant 10 : i32
      %get3A_812 = arith.index_cast %get3A_811 : i32 to index
      %get3A_813 = arith.index_cast %add3A_810 : i32 to index
      %get3A_814 = tpu.vector_load %arg11[%get3A_812, %get3A_813] {strides = array<i32>} : memref<16x128xf32, #tpu.memory_space<vmem>>, vector<1x16xf32>,
      %get3A_815 = vector.shape_cast %get3A_814 : vector<1x16xf32> to vector<16xf32>
      %swap3A_816 = arith.constant 10 : i32
      %swap3A_817 = arith.index_cast %swap3A_816 : i32 to index
      %swap3A_818 = arith.constant 2096 : index
      %swap3A_819 = tpu.vector_load %arg9[%swap3A_817, %swap3A_818] {strides = array<i32>} : memref<16x2112xf32, #tpu.memory_space<vmem>>, vector<1x16xf32>,
      %swap3A_820 = vector.shape_cast %swap3A_819 : vector<1x16xf32> to vector<16xf32>
      %swap3A_821 = vector.shape_cast %get3A_815 : vector<16xf32> to vector<1x16xf32>
      tpu.vector_store %arg9[%swap3A_817, %swap3A_818], %swap3A_821 {strides = array<i32>} : memref<16x2112xf32, #tpu.memory_space<vmem>>, vector<1x16xf32>,
      %slice3A_822 = vector.extract_strided_slice %sub3A_115 {offsets = [10], sizes = [1], strides = [1]} : vector<16xi32> to vector<1xi32>
      %squeeze3A_823 = vector.extract %slice3A_822[0] : i32 from vector<1xi32>
      %le3A_824 = arith.constant 0 : i32
      %le3A_825 = arith.cmpi sle, %squeeze3A_823, %le3A_824 : i32
      %convert_element_type3A_826 = arith.extui %le3A_825 : i1 to i32
      %cond3A_827 = arith.constant 0 : i32
      %cond3A_828 = arith.cmpi ne, %convert_element_type3A_826, %cond3A_827 : i32
      scf.if %cond3A_828 {
        %scan3A_2259 = arith.constant 0 : i32
        %scan3A_2260 = arith.constant 0 : i32
        %scan3A_2261 = arith.constant 132 : i32
        %scan3A_2262 = arith.addi %scan3A_2260, %scan3A_2261 : i32
        %scan3A_2263 = arith.constant 1 : i32
        %scan3A_2264 = scf.for %scan3A_2266 = %scan3A_2260 to %scan3A_2262 step %scan3A_2263 iter_args(%scan3A_2267 = %scan3A_2259) -> (i32)  : i32 {
          %mul3A_2268 = arith.constant 16 : i32
          %mul3A_2269 = arith.muli %scan3A_2266, %mul3A_2268 : i32
          %swap3A_2270 = arith.constant 10 : i32
          %swap3A_2271 = arith.index_cast %swap3A_2270 : i32 to index
          %swap3A_2272 = arith.index_cast %mul3A_2269 : i32 to index
          %swap3A_2273 = tpu.vector_load %arg9[%swap3A_2271, %swap3A_2272] {strides = array<i32>} : memref<16x2112xf32, #tpu.memory_space<vmem>>, vector<1x16xf32>,
          %swap3A_2274 = vector.shape_cast %swap3A_2273 : vector<1x16xf32> to vector<16xf32>
          %swap3A_2275 = vector.shape_cast %broadcast_in_dim3A_116 : vector<16xf32> to vector<1x16xf32>
          tpu.vector_store %arg9[%swap3A_2271, %swap3A_2272], %swap3A_2275 {strides = array<i32>} : memref<16x2112xf32, #tpu.memory_space<vmem>>, vector<1x16xf32>,
          %scan3A_2276 = arith.constant 0 : i32
          scf.yield %scan3A_2276 : i32
        }
        %scan3A_2265 = arith.constant 132 : i32
      } else {
      }
      %slice3A_829 = vector.extract_strided_slice %get3A_108 {offsets = [11], sizes = [1], strides = [1]} : vector<16xi32> to vector<1xi32>
      %squeeze3A_830 = vector.extract %slice3A_829[0] : i32 from vector<1xi32>
      %and3A_831 = arith.constant 1 : i32
      %and3A_832 = arith.andi %squeeze3A_830, %and3A_831 : i32
      %mul3A_833 = arith.constant 64 : i32
      %mul3A_834 = arith.muli %and3A_832, %mul3A_833 : i32
      %add3A_835 = arith.constant 0 : i32
      %add3A_836 = arith.addi %mul3A_834, %add3A_835 : i32
      %get3A_837 = arith.constant 11 : i32
      %get3A_838 = arith.index_cast %get3A_837 : i32 to index
      %get3A_839 = arith.index_cast %add3A_836 : i32 to index
      %get3A_840 = tpu.vector_load %arg11[%get3A_838, %get3A_839] {strides = array<i32>} : memref<16x128xf32, #tpu.memory_space<vmem>>, vector<1x16xf32>,
      %get3A_841 = vector.shape_cast %get3A_840 : vector<1x16xf32> to vector<16xf32>
      %swap3A_842 = arith.constant 11 : i32
      %swap3A_843 = arith.index_cast %swap3A_842 : i32 to index
      %swap3A_844 = arith.constant 2048 : index
      %swap3A_845 = tpu.vector_load %arg9[%swap3A_843, %swap3A_844] {strides = array<i32>} : memref<16x2112xf32, #tpu.memory_space<vmem>>, vector<1x16xf32>,
      %swap3A_846 = vector.shape_cast %swap3A_845 : vector<1x16xf32> to vector<16xf32>
      %swap3A_847 = vector.shape_cast %get3A_841 : vector<16xf32> to vector<1x16xf32>
      tpu.vector_store %arg9[%swap3A_843, %swap3A_844], %swap3A_847 {strides = array<i32>} : memref<16x2112xf32, #tpu.memory_space<vmem>>, vector<1x16xf32>,
      %add3A_848 = arith.constant 16 : i32
      %add3A_849 = arith.addi %mul3A_834, %add3A_848 : i32
      %get3A_850 = arith.constant 11 : i32
      %get3A_851 = arith.index_cast %get3A_850 : i32 to index
      %get3A_852 = arith.index_cast %add3A_849 : i32 to index
      %get3A_853 = tpu.vector_load %arg11[%get3A_851, %get3A_852] {strides = array<i32>} : memref<16x128xf32, #tpu.memory_space<vmem>>, vector<1x16xf32>,
      %get3A_854 = vector.shape_cast %get3A_853 : vector<1x16xf32> to vector<16xf32>
      %swap3A_855 = arith.constant 11 : i32
      %swap3A_856 = arith.index_cast %swap3A_855 : i32 to index
      %swap3A_857 = arith.constant 2064 : index
      %swap3A_858 = tpu.vector_load %arg9[%swap3A_856, %swap3A_857] {strides = array<i32>} : memref<16x2112xf32, #tpu.memory_space<vmem>>, vector<1x16xf32>,
      %swap3A_859 = vector.shape_cast %swap3A_858 : vector<1x16xf32> to vector<16xf32>
      %swap3A_860 = vector.shape_cast %get3A_854 : vector<16xf32> to vector<1x16xf32>
      tpu.vector_store %arg9[%swap3A_856, %swap3A_857], %swap3A_860 {strides = array<i32>} : memref<16x2112xf32, #tpu.memory_space<vmem>>, vector<1x16xf32>,
      %add3A_861 = arith.constant 32 : i32
      %add3A_862 = arith.addi %mul3A_834, %add3A_861 : i32
      %get3A_863 = arith.constant 11 : i32
      %get3A_864 = arith.index_cast %get3A_863 : i32 to index
      %get3A_865 = arith.index_cast %add3A_862 : i32 to index
      %get3A_866 = tpu.vector_load %arg11[%get3A_864, %get3A_865] {strides = array<i32>} : memref<16x128xf32, #tpu.memory_space<vmem>>, vector<1x16xf32>,
      %get3A_867 = vector.shape_cast %get3A_866 : vector<1x16xf32> to vector<16xf32>
      %swap3A_868 = arith.constant 11 : i32
      %swap3A_869 = arith.index_cast %swap3A_868 : i32 to index
      %swap3A_870 = arith.constant 2080 : index
      %swap3A_871 = tpu.vector_load %arg9[%swap3A_869, %swap3A_870] {strides = array<i32>} : memref<16x2112xf32, #tpu.memory_space<vmem>>, vector<1x16xf32>,
      %swap3A_872 = vector.shape_cast %swap3A_871 : vector<1x16xf32> to vector<16xf32>
      %swap3A_873 = vector.shape_cast %get3A_867 : vector<16xf32> to vector<1x16xf32>
      tpu.vector_store %arg9[%swap3A_869, %swap3A_870], %swap3A_873 {strides = array<i32>} : memref<16x2112xf32, #tpu.memory_space<vmem>>, vector<1x16xf32>,
      %add3A_874 = arith.constant 48 : i32
      %add3A_875 = arith.addi %mul3A_834, %add3A_874 : i32
      %get3A_876 = arith.constant 11 : i32
      %get3A_877 = arith.index_cast %get3A_876 : i32 to index
      %get3A_878 = arith.index_cast %add3A_875 : i32 to index
      %get3A_879 = tpu.vector_load %arg11[%get3A_877, %get3A_878] {strides = array<i32>} : memref<16x128xf32, #tpu.memory_space<vmem>>, vector<1x16xf32>,
      %get3A_880 = vector.shape_cast %get3A_879 : vector<1x16xf32> to vector<16xf32>
      %swap3A_881 = arith.constant 11 : i32
      %swap3A_882 = arith.index_cast %swap3A_881 : i32 to index
      %swap3A_883 = arith.constant 2096 : index
      %swap3A_884 = tpu.vector_load %arg9[%swap3A_882, %swap3A_883] {strides = array<i32>} : memref<16x2112xf32, #tpu.memory_space<vmem>>, vector<1x16xf32>,
      %swap3A_885 = vector.shape_cast %swap3A_884 : vector<1x16xf32> to vector<16xf32>
      %swap3A_886 = vector.shape_cast %get3A_880 : vector<16xf32> to vector<1x16xf32>
      tpu.vector_store %arg9[%swap3A_882, %swap3A_883], %swap3A_886 {strides = array<i32>} : memref<16x2112xf32, #tpu.memory_space<vmem>>, vector<1x16xf32>,
      %slice3A_887 = vector.extract_strided_slice %sub3A_115 {offsets = [11], sizes = [1], strides = [1]} : vector<16xi32> to vector<1xi32>
      %squeeze3A_888 = vector.extract %slice3A_887[0] : i32 from vector<1xi32>
      %le3A_889 = arith.constant 0 : i32
      %le3A_890 = arith.cmpi sle, %squeeze3A_888, %le3A_889 : i32
      %convert_element_type3A_891 = arith.extui %le3A_890 : i1 to i32
      %cond3A_892 = arith.constant 0 : i32
      %cond3A_893 = arith.cmpi ne, %convert_element_type3A_891, %cond3A_892 : i32
      scf.if %cond3A_893 {
        %scan3A_2259 = arith.constant 0 : i32
        %scan3A_2260 = arith.constant 0 : i32
        %scan3A_2261 = arith.constant 132 : i32
        %scan3A_2262 = arith.addi %scan3A_2260, %scan3A_2261 : i32
        %scan3A_2263 = arith.constant 1 : i32
        %scan3A_2264 = scf.for %scan3A_2266 = %scan3A_2260 to %scan3A_2262 step %scan3A_2263 iter_args(%scan3A_2267 = %scan3A_2259) -> (i32)  : i32 {
          %mul3A_2268 = arith.constant 16 : i32
          %mul3A_2269 = arith.muli %scan3A_2266, %mul3A_2268 : i32
          %swap3A_2270 = arith.constant 11 : i32
          %swap3A_2271 = arith.index_cast %swap3A_2270 : i32 to index
          %swap3A_2272 = arith.index_cast %mul3A_2269 : i32 to index
          %swap3A_2273 = tpu.vector_load %arg9[%swap3A_2271, %swap3A_2272] {strides = array<i32>} : memref<16x2112xf32, #tpu.memory_space<vmem>>, vector<1x16xf32>,
          %swap3A_2274 = vector.shape_cast %swap3A_2273 : vector<1x16xf32> to vector<16xf32>
          %swap3A_2275 = vector.shape_cast %broadcast_in_dim3A_116 : vector<16xf32> to vector<1x16xf32>
          tpu.vector_store %arg9[%swap3A_2271, %swap3A_2272], %swap3A_2275 {strides = array<i32>} : memref<16x2112xf32, #tpu.memory_space<vmem>>, vector<1x16xf32>,
          %scan3A_2276 = arith.constant 0 : i32
          scf.yield %scan3A_2276 : i32
        }
        %scan3A_2265 = arith.constant 132 : i32
      } else {
      }
      %slice3A_894 = vector.extract_strided_slice %get3A_108 {offsets = [12], sizes = [1], strides = [1]} : vector<16xi32> to vector<1xi32>
      %squeeze3A_895 = vector.extract %slice3A_894[0] : i32 from vector<1xi32>
      %and3A_896 = arith.constant 1 : i32
      %and3A_897 = arith.andi %squeeze3A_895, %and3A_896 : i32
      %mul3A_898 = arith.constant 64 : i32
      %mul3A_899 = arith.muli %and3A_897, %mul3A_898 : i32
      %add3A_900 = arith.constant 0 : i32
      %add3A_901 = arith.addi %mul3A_899, %add3A_900 : i32
      %get3A_902 = arith.constant 12 : i32
      %get3A_903 = arith.index_cast %get3A_902 : i32 to index
      %get3A_904 = arith.index_cast %add3A_901 : i32 to index
      %get3A_905 = tpu.vector_load %arg11[%get3A_903, %get3A_904] {strides = array<i32>} : memref<16x128xf32, #tpu.memory_space<vmem>>, vector<1x16xf32>,
      %get3A_906 = vector.shape_cast %get3A_905 : vector<1x16xf32> to vector<16xf32>
      %swap3A_907 = arith.constant 12 : i32
      %swap3A_908 = arith.index_cast %swap3A_907 : i32 to index
      %swap3A_909 = arith.constant 2048 : index
      %swap3A_910 = tpu.vector_load %arg9[%swap3A_908, %swap3A_909] {strides = array<i32>} : memref<16x2112xf32, #tpu.memory_space<vmem>>, vector<1x16xf32>,
      %swap3A_911 = vector.shape_cast %swap3A_910 : vector<1x16xf32> to vector<16xf32>
      %swap3A_912 = vector.shape_cast %get3A_906 : vector<16xf32> to vector<1x16xf32>
      tpu.vector_store %arg9[%swap3A_908, %swap3A_909], %swap3A_912 {strides = array<i32>} : memref<16x2112xf32, #tpu.memory_space<vmem>>, vector<1x16xf32>,
      %add3A_913 = arith.constant 16 : i32
      %add3A_914 = arith.addi %mul3A_899, %add3A_913 : i32
      %get3A_915 = arith.constant 12 : i32
      %get3A_916 = arith.index_cast %get3A_915 : i32 to index
      %get3A_917 = arith.index_cast %add3A_914 : i32 to index
      %get3A_918 = tpu.vector_load %arg11[%get3A_916, %get3A_917] {strides = array<i32>} : memref<16x128xf32, #tpu.memory_space<vmem>>, vector<1x16xf32>,
      %get3A_919 = vector.shape_cast %get3A_918 : vector<1x16xf32> to vector<16xf32>
      %swap3A_920 = arith.constant 12 : i32
      %swap3A_921 = arith.index_cast %swap3A_920 : i32 to index
      %swap3A_922 = arith.constant 2064 : index
      %swap3A_923 = tpu.vector_load %arg9[%swap3A_921, %swap3A_922] {strides = array<i32>} : memref<16x2112xf32, #tpu.memory_space<vmem>>, vector<1x16xf32>,
      %swap3A_924 = vector.shape_cast %swap3A_923 : vector<1x16xf32> to vector<16xf32>
      %swap3A_925 = vector.shape_cast %get3A_919 : vector<16xf32> to vector<1x16xf32>
      tpu.vector_store %arg9[%swap3A_921, %swap3A_922], %swap3A_925 {strides = array<i32>} : memref<16x2112xf32, #tpu.memory_space<vmem>>, vector<1x16xf32>,
      %add3A_926 = arith.constant 32 : i32
      %add3A_927 = arith.addi %mul3A_899, %add3A_926 : i32
      %get3A_928 = arith.constant 12 : i32
      %get3A_929 = arith.index_cast %get3A_928 : i32 to index
      %get3A_930 = arith.index_cast %add3A_927 : i32 to index
      %get3A_931 = tpu.vector_load %arg11[%get3A_929, %get3A_930] {strides = array<i32>} : memref<16x128xf32, #tpu.memory_space<vmem>>, vector<1x16xf32>,
      %get3A_932 = vector.shape_cast %get3A_931 : vector<1x16xf32> to vector<16xf32>
      %swap3A_933 = arith.constant 12 : i32
      %swap3A_934 = arith.index_cast %swap3A_933 : i32 to index
      %swap3A_935 = arith.constant 2080 : index
      %swap3A_936 = tpu.vector_load %arg9[%swap3A_934, %swap3A_935] {strides = array<i32>} : memref<16x2112xf32, #tpu.memory_space<vmem>>, vector<1x16xf32>,
      %swap3A_937 = vector.shape_cast %swap3A_936 : vector<1x16xf32> to vector<16xf32>
      %swap3A_938 = vector.shape_cast %get3A_932 : vector<16xf32> to vector<1x16xf32>
      tpu.vector_store %arg9[%swap3A_934, %swap3A_935], %swap3A_938 {strides = array<i32>} : memref<16x2112xf32, #tpu.memory_space<vmem>>, vector<1x16xf32>,
      %add3A_939 = arith.constant 48 : i32
      %add3A_940 = arith.addi %mul3A_899, %add3A_939 : i32
      %get3A_941 = arith.constant 12 : i32
      %get3A_942 = arith.index_cast %get3A_941 : i32 to index
      %get3A_943 = arith.index_cast %add3A_940 : i32 to index
      %get3A_944 = tpu.vector_load %arg11[%get3A_942, %get3A_943] {strides = array<i32>} : memref<16x128xf32, #tpu.memory_space<vmem>>, vector<1x16xf32>,
      %get3A_945 = vector.shape_cast %get3A_944 : vector<1x16xf32> to vector<16xf32>
      %swap3A_946 = arith.constant 12 : i32
      %swap3A_947 = arith.index_cast %swap3A_946 : i32 to index
      %swap3A_948 = arith.constant 2096 : index
      %swap3A_949 = tpu.vector_load %arg9[%swap3A_947, %swap3A_948] {strides = array<i32>} : memref<16x2112xf32, #tpu.memory_space<vmem>>, vector<1x16xf32>,
      %swap3A_950 = vector.shape_cast %swap3A_949 : vector<1x16xf32> to vector<16xf32>
      %swap3A_951 = vector.shape_cast %get3A_945 : vector<16xf32> to vector<1x16xf32>
      tpu.vector_store %arg9[%swap3A_947, %swap3A_948], %swap3A_951 {strides = array<i32>} : memref<16x2112xf32, #tpu.memory_space<vmem>>, vector<1x16xf32>,
      %slice3A_952 = vector.extract_strided_slice %sub3A_115 {offsets = [12], sizes = [1], strides = [1]} : vector<16xi32> to vector<1xi32>
      %squeeze3A_953 = vector.extract %slice3A_952[0] : i32 from vector<1xi32>
      %le3A_954 = arith.constant 0 : i32
      %le3A_955 = arith.cmpi sle, %squeeze3A_953, %le3A_954 : i32
      %convert_element_type3A_956 = arith.extui %le3A_955 : i1 to i32
      %cond3A_957 = arith.constant 0 : i32
      %cond3A_958 = arith.cmpi ne, %convert_element_type3A_956, %cond3A_957 : i32
      scf.if %cond3A_958 {
        %scan3A_2259 = arith.constant 0 : i32
        %scan3A_2260 = arith.constant 0 : i32
        %scan3A_2261 = arith.constant 132 : i32
        %scan3A_2262 = arith.addi %scan3A_2260, %scan3A_2261 : i32
        %scan3A_2263 = arith.constant 1 : i32
        %scan3A_2264 = scf.for %scan3A_2266 = %scan3A_2260 to %scan3A_2262 step %scan3A_2263 iter_args(%scan3A_2267 = %scan3A_2259) -> (i32)  : i32 {
          %mul3A_2268 = arith.constant 16 : i32
          %mul3A_2269 = arith.muli %scan3A_2266, %mul3A_2268 : i32
          %swap3A_2270 = arith.constant 12 : i32
          %swap3A_2271 = arith.index_cast %swap3A_2270 : i32 to index
          %swap3A_2272 = arith.index_cast %mul3A_2269 : i32 to index
          %swap3A_2273 = tpu.vector_load %arg9[%swap3A_2271, %swap3A_2272] {strides = array<i32>} : memref<16x2112xf32, #tpu.memory_space<vmem>>, vector<1x16xf32>,
          %swap3A_2274 = vector.shape_cast %swap3A_2273 : vector<1x16xf32> to vector<16xf32>
          %swap3A_2275 = vector.shape_cast %broadcast_in_dim3A_116 : vector<16xf32> to vector<1x16xf32>
          tpu.vector_store %arg9[%swap3A_2271, %swap3A_2272], %swap3A_2275 {strides = array<i32>} : memref<16x2112xf32, #tpu.memory_space<vmem>>, vector<1x16xf32>,
          %scan3A_2276 = arith.constant 0 : i32
          scf.yield %scan3A_2276 : i32
        }
        %scan3A_2265 = arith.constant 132 : i32
      } else {
      }
      %slice3A_959 = vector.extract_strided_slice %get3A_108 {offsets = [13], sizes = [1], strides = [1]} : vector<16xi32> to vector<1xi32>
      %squeeze3A_960 = vector.extract %slice3A_959[0] : i32 from vector<1xi32>
      %and3A_961 = arith.constant 1 : i32
      %and3A_962 = arith.andi %squeeze3A_960, %and3A_961 : i32
      %mul3A_963 = arith.constant 64 : i32
      %mul3A_964 = arith.muli %and3A_962, %mul3A_963 : i32
      %add3A_965 = arith.constant 0 : i32
      %add3A_966 = arith.addi %mul3A_964, %add3A_965 : i32
      %get3A_967 = arith.constant 13 : i32
      %get3A_968 = arith.index_cast %get3A_967 : i32 to index
      %get3A_969 = arith.index_cast %add3A_966 : i32 to index
      %get3A_970 = tpu.vector_load %arg11[%get3A_968, %get3A_969] {strides = array<i32>} : memref<16x128xf32, #tpu.memory_space<vmem>>, vector<1x16xf32>,
      %get3A_971 = vector.shape_cast %get3A_970 : vector<1x16xf32> to vector<16xf32>
      %swap3A_972 = arith.constant 13 : i32
      %swap3A_973 = arith.index_cast %swap3A_972 : i32 to index
      %swap3A_974 = arith.constant 2048 : index
      %swap3A_975 = tpu.vector_load %arg9[%swap3A_973, %swap3A_974] {strides = array<i32>} : memref<16x2112xf32, #tpu.memory_space<vmem>>, vector<1x16xf32>,
      %swap3A_976 = vector.shape_cast %swap3A_975 : vector<1x16xf32> to vector<16xf32>
      %swap3A_977 = vector.shape_cast %get3A_971 : vector<16xf32> to vector<1x16xf32>
      tpu.vector_store %arg9[%swap3A_973, %swap3A_974], %swap3A_977 {strides = array<i32>} : memref<16x2112xf32, #tpu.memory_space<vmem>>, vector<1x16xf32>,
      %add3A_978 = arith.constant 16 : i32
      %add3A_979 = arith.addi %mul3A_964, %add3A_978 : i32
      %get3A_980 = arith.constant 13 : i32
      %get3A_981 = arith.index_cast %get3A_980 : i32 to index
      %get3A_982 = arith.index_cast %add3A_979 : i32 to index
      %get3A_983 = tpu.vector_load %arg11[%get3A_981, %get3A_982] {strides = array<i32>} : memref<16x128xf32, #tpu.memory_space<vmem>>, vector<1x16xf32>,
      %get3A_984 = vector.shape_cast %get3A_983 : vector<1x16xf32> to vector<16xf32>
      %swap3A_985 = arith.constant 13 : i32
      %swap3A_986 = arith.index_cast %swap3A_985 : i32 to index
      %swap3A_987 = arith.constant 2064 : index
      %swap3A_988 = tpu.vector_load %arg9[%swap3A_986, %swap3A_987] {strides = array<i32>} : memref<16x2112xf32, #tpu.memory_space<vmem>>, vector<1x16xf32>,
      %swap3A_989 = vector.shape_cast %swap3A_988 : vector<1x16xf32> to vector<16xf32>
      %swap3A_990 = vector.shape_cast %get3A_984 : vector<16xf32> to vector<1x16xf32>
      tpu.vector_store %arg9[%swap3A_986, %swap3A_987], %swap3A_990 {strides = array<i32>} : memref<16x2112xf32, #tpu.memory_space<vmem>>, vector<1x16xf32>,
      %add3A_991 = arith.constant 32 : i32
      %add3A_992 = arith.addi %mul3A_964, %add3A_991 : i32
      %get3A_993 = arith.constant 13 : i32
      %get3A_994 = arith.index_cast %get3A_993 : i32 to index
      %get3A_995 = arith.index_cast %add3A_992 : i32 to index
      %get3A_996 = tpu.vector_load %arg11[%get3A_994, %get3A_995] {strides = array<i32>} : memref<16x128xf32, #tpu.memory_space<vmem>>, vector<1x16xf32>,
      %get3A_997 = vector.shape_cast %get3A_996 : vector<1x16xf32> to vector<16xf32>
      %swap3A_998 = arith.constant 13 : i32
      %swap3A_999 = arith.index_cast %swap3A_998 : i32 to index
      %swap3A_1000 = arith.constant 2080 : index
      %swap3A_1001 = tpu.vector_load %arg9[%swap3A_999, %swap3A_1000] {strides = array<i32>} : memref<16x2112xf32, #tpu.memory_space<vmem>>, vector<1x16xf32>,
      %swap3A_1002 = vector.shape_cast %swap3A_1001 : vector<1x16xf32> to vector<16xf32>
      %swap3A_1003 = vector.shape_cast %get3A_997 : vector<16xf32> to vector<1x16xf32>
      tpu.vector_store %arg9[%swap3A_999, %swap3A_1000], %swap3A_1003 {strides = array<i32>} : memref<16x2112xf32, #tpu.memory_space<vmem>>, vector<1x16xf32>,
      %add3A_1004 = arith.constant 48 : i32
      %add3A_1005 = arith.addi %mul3A_964, %add3A_1004 : i32
      %get3A_1006 = arith.constant 13 : i32
      %get3A_1007 = arith.index_cast %get3A_1006 : i32 to index
      %get3A_1008 = arith.index_cast %add3A_1005 : i32 to index
      %get3A_1009 = tpu.vector_load %arg11[%get3A_1007, %get3A_1008] {strides = array<i32>} : memref<16x128xf32, #tpu.memory_space<vmem>>, vector<1x16xf32>,
      %get3A_1010 = vector.shape_cast %get3A_1009 : vector<1x16xf32> to vector<16xf32>
      %swap3A_1011 = arith.constant 13 : i32
      %swap3A_1012 = arith.index_cast %swap3A_1011 : i32 to index
      %swap3A_1013 = arith.constant 2096 : index
      %swap3A_1014 = tpu.vector_load %arg9[%swap3A_1012, %swap3A_1013] {strides = array<i32>} : memref<16x2112xf32, #tpu.memory_space<vmem>>, vector<1x16xf32>,
      %swap3A_1015 = vector.shape_cast %swap3A_1014 : vector<1x16xf32> to vector<16xf32>
      %swap3A_1016 = vector.shape_cast %get3A_1010 : vector<16xf32> to vector<1x16xf32>
      tpu.vector_store %arg9[%swap3A_1012, %swap3A_1013], %swap3A_1016 {strides = array<i32>} : memref<16x2112xf32, #tpu.memory_space<vmem>>, vector<1x16xf32>,
      %slice3A_1017 = vector.extract_strided_slice %sub3A_115 {offsets = [13], sizes = [1], strides = [1]} : vector<16xi32> to vector<1xi32>
      %squeeze3A_1018 = vector.extract %slice3A_1017[0] : i32 from vector<1xi32>
      %le3A_1019 = arith.constant 0 : i32
      %le3A_1020 = arith.cmpi sle, %squeeze3A_1018, %le3A_1019 : i32
      %convert_element_type3A_1021 = arith.extui %le3A_1020 : i1 to i32
      %cond3A_1022 = arith.constant 0 : i32
      %cond3A_1023 = arith.cmpi ne, %convert_element_type3A_1021, %cond3A_1022 : i32
      scf.if %cond3A_1023 {
        %scan3A_2259 = arith.constant 0 : i32
        %scan3A_2260 = arith.constant 0 : i32
        %scan3A_2261 = arith.constant 132 : i32
        %scan3A_2262 = arith.addi %scan3A_2260, %scan3A_2261 : i32
        %scan3A_2263 = arith.constant 1 : i32
        %scan3A_2264 = scf.for %scan3A_2266 = %scan3A_2260 to %scan3A_2262 step %scan3A_2263 iter_args(%scan3A_2267 = %scan3A_2259) -> (i32)  : i32 {
          %mul3A_2268 = arith.constant 16 : i32
          %mul3A_2269 = arith.muli %scan3A_2266, %mul3A_2268 : i32
          %swap3A_2270 = arith.constant 13 : i32
          %swap3A_2271 = arith.index_cast %swap3A_2270 : i32 to index
          %swap3A_2272 = arith.index_cast %mul3A_2269 : i32 to index
          %swap3A_2273 = tpu.vector_load %arg9[%swap3A_2271, %swap3A_2272] {strides = array<i32>} : memref<16x2112xf32, #tpu.memory_space<vmem>>, vector<1x16xf32>,
          %swap3A_2274 = vector.shape_cast %swap3A_2273 : vector<1x16xf32> to vector<16xf32>
          %swap3A_2275 = vector.shape_cast %broadcast_in_dim3A_116 : vector<16xf32> to vector<1x16xf32>
          tpu.vector_store %arg9[%swap3A_2271, %swap3A_2272], %swap3A_2275 {strides = array<i32>} : memref<16x2112xf32, #tpu.memory_space<vmem>>, vector<1x16xf32>,
          %scan3A_2276 = arith.constant 0 : i32
          scf.yield %scan3A_2276 : i32
        }
        %scan3A_2265 = arith.constant 132 : i32
      } else {
      }
      %slice3A_1024 = vector.extract_strided_slice %get3A_108 {offsets = [14], sizes = [1], strides = [1]} : vector<16xi32> to vector<1xi32>
      %squeeze3A_1025 = vector.extract %slice3A_1024[0] : i32 from vector<1xi32>
      %and3A_1026 = arith.constant 1 : i32
      %and3A_1027 = arith.andi %squeeze3A_1025, %and3A_1026 : i32
      %mul3A_1028 = arith.constant 64 : i32
      %mul3A_1029 = arith.muli %and3A_1027, %mul3A_1028 : i32
      %add3A_1030 = arith.constant 0 : i32
      %add3A_1031 = arith.addi %mul3A_1029, %add3A_1030 : i32
      %get3A_1032 = arith.constant 14 : i32
      %get3A_1033 = arith.index_cast %get3A_1032 : i32 to index
      %get3A_1034 = arith.index_cast %add3A_1031 : i32 to index
      %get3A_1035 = tpu.vector_load %arg11[%get3A_1033, %get3A_1034] {strides = array<i32>} : memref<16x128xf32, #tpu.memory_space<vmem>>, vector<1x16xf32>,
      %get3A_1036 = vector.shape_cast %get3A_1035 : vector<1x16xf32> to vector<16xf32>
      %swap3A_1037 = arith.constant 14 : i32
      %swap3A_1038 = arith.index_cast %swap3A_1037 : i32 to index
      %swap3A_1039 = arith.constant 2048 : index
      %swap3A_1040 = tpu.vector_load %arg9[%swap3A_1038, %swap3A_1039] {strides = array<i32>} : memref<16x2112xf32, #tpu.memory_space<vmem>>, vector<1x16xf32>,
      %swap3A_1041 = vector.shape_cast %swap3A_1040 : vector<1x16xf32> to vector<16xf32>
      %swap3A_1042 = vector.shape_cast %get3A_1036 : vector<16xf32> to vector<1x16xf32>
      tpu.vector_store %arg9[%swap3A_1038, %swap3A_1039], %swap3A_1042 {strides = array<i32>} : memref<16x2112xf32, #tpu.memory_space<vmem>>, vector<1x16xf32>,
      %add3A_1043 = arith.constant 16 : i32
      %add3A_1044 = arith.addi %mul3A_1029, %add3A_1043 : i32
      %get3A_1045 = arith.constant 14 : i32
      %get3A_1046 = arith.index_cast %get3A_1045 : i32 to index
      %get3A_1047 = arith.index_cast %add3A_1044 : i32 to index
      %get3A_1048 = tpu.vector_load %arg11[%get3A_1046, %get3A_1047] {strides = array<i32>} : memref<16x128xf32, #tpu.memory_space<vmem>>, vector<1x16xf32>,
      %get3A_1049 = vector.shape_cast %get3A_1048 : vector<1x16xf32> to vector<16xf32>
      %swap3A_1050 = arith.constant 14 : i32
      %swap3A_1051 = arith.index_cast %swap3A_1050 : i32 to index
      %swap3A_1052 = arith.constant 2064 : index
      %swap3A_1053 = tpu.vector_load %arg9[%swap3A_1051, %swap3A_1052] {strides = array<i32>} : memref<16x2112xf32, #tpu.memory_space<vmem>>, vector<1x16xf32>,
      %swap3A_1054 = vector.shape_cast %swap3A_1053 : vector<1x16xf32> to vector<16xf32>
      %swap3A_1055 = vector.shape_cast %get3A_1049 : vector<16xf32> to vector<1x16xf32>
      tpu.vector_store %arg9[%swap3A_1051, %swap3A_1052], %swap3A_1055 {strides = array<i32>} : memref<16x2112xf32, #tpu.memory_space<vmem>>, vector<1x16xf32>,
      %add3A_1056 = arith.constant 32 : i32
      %add3A_1057 = arith.addi %mul3A_1029, %add3A_1056 : i32
      %get3A_1058 = arith.constant 14 : i32
      %get3A_1059 = arith.index_cast %get3A_1058 : i32 to index
      %get3A_1060 = arith.index_cast %add3A_1057 : i32 to index
      %get3A_1061 = tpu.vector_load %arg11[%get3A_1059, %get3A_1060] {strides = array<i32>} : memref<16x128xf32, #tpu.memory_space<vmem>>, vector<1x16xf32>,
      %get3A_1062 = vector.shape_cast %get3A_1061 : vector<1x16xf32> to vector<16xf32>
      %swap3A_1063 = arith.constant 14 : i32
      %swap3A_1064 = arith.index_cast %swap3A_1063 : i32 to index
      %swap3A_1065 = arith.constant 2080 : index
      %swap3A_1066 = tpu.vector_load %arg9[%swap3A_1064, %swap3A_1065] {strides = array<i32>} : memref<16x2112xf32, #tpu.memory_space<vmem>>, vector<1x16xf32>,
      %swap3A_1067 = vector.shape_cast %swap3A_1066 : vector<1x16xf32> to vector<16xf32>
      %swap3A_1068 = vector.shape_cast %get3A_1062 : vector<16xf32> to vector<1x16xf32>
      tpu.vector_store %arg9[%swap3A_1064, %swap3A_1065], %swap3A_1068 {strides = array<i32>} : memref<16x2112xf32, #tpu.memory_space<vmem>>, vector<1x16xf32>,
      %add3A_1069 = arith.constant 48 : i32
      %add3A_1070 = arith.addi %mul3A_1029, %add3A_1069 : i32
      %get3A_1071 = arith.constant 14 : i32
      %get3A_1072 = arith.index_cast %get3A_1071 : i32 to index
      %get3A_1073 = arith.index_cast %add3A_1070 : i32 to index
      %get3A_1074 = tpu.vector_load %arg11[%get3A_1072, %get3A_1073] {strides = array<i32>} : memref<16x128xf32, #tpu.memory_space<vmem>>, vector<1x16xf32>,
      %get3A_1075 = vector.shape_cast %get3A_1074 : vector<1x16xf32> to vector<16xf32>
      %swap3A_1076 = arith.constant 14 : i32
      %swap3A_1077 = arith.index_cast %swap3A_1076 : i32 to index
      %swap3A_1078 = arith.constant 2096 : index
      %swap3A_1079 = tpu.vector_load %arg9[%swap3A_1077, %swap3A_1078] {strides = array<i32>} : memref<16x2112xf32, #tpu.memory_space<vmem>>, vector<1x16xf32>,
      %swap3A_1080 = vector.shape_cast %swap3A_1079 : vector<1x16xf32> to vector<16xf32>
      %swap3A_1081 = vector.shape_cast %get3A_1075 : vector<16xf32> to vector<1x16xf32>
      tpu.vector_store %arg9[%swap3A_1077, %swap3A_1078], %swap3A_1081 {strides = array<i32>} : memref<16x2112xf32, #tpu.memory_space<vmem>>, vector<1x16xf32>,
      %slice3A_1082 = vector.extract_strided_slice %sub3A_115 {offsets = [14], sizes = [1], strides = [1]} : vector<16xi32> to vector<1xi32>
      %squeeze3A_1083 = vector.extract %slice3A_1082[0] : i32 from vector<1xi32>
      %le3A_1084 = arith.constant 0 : i32
      %le3A_1085 = arith.cmpi sle, %squeeze3A_1083, %le3A_1084 : i32
      %convert_element_type3A_1086 = arith.extui %le3A_1085 : i1 to i32
      %cond3A_1087 = arith.constant 0 : i32
      %cond3A_1088 = arith.cmpi ne, %convert_element_type3A_1086, %cond3A_1087 : i32
      scf.if %cond3A_1088 {
        %scan3A_2259 = arith.constant 0 : i32
        %scan3A_2260 = arith.constant 0 : i32
        %scan3A_2261 = arith.constant 132 : i32
        %scan3A_2262 = arith.addi %scan3A_2260, %scan3A_2261 : i32
        %scan3A_2263 = arith.constant 1 : i32
        %scan3A_2264 = scf.for %scan3A_2266 = %scan3A_2260 to %scan3A_2262 step %scan3A_2263 iter_args(%scan3A_2267 = %scan3A_2259) -> (i32)  : i32 {
          %mul3A_2268 = arith.constant 16 : i32
          %mul3A_2269 = arith.muli %scan3A_2266, %mul3A_2268 : i32
          %swap3A_2270 = arith.constant 14 : i32
          %swap3A_2271 = arith.index_cast %swap3A_2270 : i32 to index
          %swap3A_2272 = arith.index_cast %mul3A_2269 : i32 to index
          %swap3A_2273 = tpu.vector_load %arg9[%swap3A_2271, %swap3A_2272] {strides = array<i32>} : memref<16x2112xf32, #tpu.memory_space<vmem>>, vector<1x16xf32>,
          %swap3A_2274 = vector.shape_cast %swap3A_2273 : vector<1x16xf32> to vector<16xf32>
          %swap3A_2275 = vector.shape_cast %broadcast_in_dim3A_116 : vector<16xf32> to vector<1x16xf32>
          tpu.vector_store %arg9[%swap3A_2271, %swap3A_2272], %swap3A_2275 {strides = array<i32>} : memref<16x2112xf32, #tpu.memory_space<vmem>>, vector<1x16xf32>,
          %scan3A_2276 = arith.constant 0 : i32
          scf.yield %scan3A_2276 : i32
        }
        %scan3A_2265 = arith.constant 132 : i32
      } else {
      }
      %slice3A_1089 = vector.extract_strided_slice %get3A_108 {offsets = [15], sizes = [1], strides = [1]} : vector<16xi32> to vector<1xi32>
      %squeeze3A_1090 = vector.extract %slice3A_1089[0] : i32 from vector<1xi32>
      %and3A_1091 = arith.constant 1 : i32
      %and3A_1092 = arith.andi %squeeze3A_1090, %and3A_1091 : i32
      %mul3A_1093 = arith.constant 64 : i32
      %mul3A_1094 = arith.muli %and3A_1092, %mul3A_1093 : i32
      %add3A_1095 = arith.constant 0 : i32
      %add3A_1096 = arith.addi %mul3A_1094, %add3A_1095 : i32
      %get3A_1097 = arith.constant 15 : i32
      %get3A_1098 = arith.index_cast %get3A_1097 : i32 to index
      %get3A_1099 = arith.index_cast %add3A_1096 : i32 to index
      %get3A_1100 = tpu.vector_load %arg11[%get3A_1098, %get3A_1099] {strides = array<i32>} : memref<16x128xf32, #tpu.memory_space<vmem>>, vector<1x16xf32>,
      %get3A_1101 = vector.shape_cast %get3A_1100 : vector<1x16xf32> to vector<16xf32>
      %swap3A_1102 = arith.constant 15 : i32
      %swap3A_1103 = arith.index_cast %swap3A_1102 : i32 to index
      %swap3A_1104 = arith.constant 2048 : index
      %swap3A_1105 = tpu.vector_load %arg9[%swap3A_1103, %swap3A_1104] {strides = array<i32>} : memref<16x2112xf32, #tpu.memory_space<vmem>>, vector<1x16xf32>,
      %swap3A_1106 = vector.shape_cast %swap3A_1105 : vector<1x16xf32> to vector<16xf32>
      %swap3A_1107 = vector.shape_cast %get3A_1101 : vector<16xf32> to vector<1x16xf32>
      tpu.vector_store %arg9[%swap3A_1103, %swap3A_1104], %swap3A_1107 {strides = array<i32>} : memref<16x2112xf32, #tpu.memory_space<vmem>>, vector<1x16xf32>,
      %add3A_1108 = arith.constant 16 : i32
      %add3A_1109 = arith.addi %mul3A_1094, %add3A_1108 : i32
      %get3A_1110 = arith.constant 15 : i32
      %get3A_1111 = arith.index_cast %get3A_1110 : i32 to index
      %get3A_1112 = arith.index_cast %add3A_1109 : i32 to index
      %get3A_1113 = tpu.vector_load %arg11[%get3A_1111, %get3A_1112] {strides = array<i32>} : memref<16x128xf32, #tpu.memory_space<vmem>>, vector<1x16xf32>,
      %get3A_1114 = vector.shape_cast %get3A_1113 : vector<1x16xf32> to vector<16xf32>
      %swap3A_1115 = arith.constant 15 : i32
      %swap3A_1116 = arith.index_cast %swap3A_1115 : i32 to index
      %swap3A_1117 = arith.constant 2064 : index
      %swap3A_1118 = tpu.vector_load %arg9[%swap3A_1116, %swap3A_1117] {strides = array<i32>} : memref<16x2112xf32, #tpu.memory_space<vmem>>, vector<1x16xf32>,
      %swap3A_1119 = vector.shape_cast %swap3A_1118 : vector<1x16xf32> to vector<16xf32>
      %swap3A_1120 = vector.shape_cast %get3A_1114 : vector<16xf32> to vector<1x16xf32>
      tpu.vector_store %arg9[%swap3A_1116, %swap3A_1117], %swap3A_1120 {strides = array<i32>} : memref<16x2112xf32, #tpu.memory_space<vmem>>, vector<1x16xf32>,
      %add3A_1121 = arith.constant 32 : i32
      %add3A_1122 = arith.addi %mul3A_1094, %add3A_1121 : i32
      %get3A_1123 = arith.constant 15 : i32
      %get3A_1124 = arith.index_cast %get3A_1123 : i32 to index
      %get3A_1125 = arith.index_cast %add3A_1122 : i32 to index
      %get3A_1126 = tpu.vector_load %arg11[%get3A_1124, %get3A_1125] {strides = array<i32>} : memref<16x128xf32, #tpu.memory_space<vmem>>, vector<1x16xf32>,
      %get3A_1127 = vector.shape_cast %get3A_1126 : vector<1x16xf32> to vector<16xf32>
      %swap3A_1128 = arith.constant 15 : i32
      %swap3A_1129 = arith.index_cast %swap3A_1128 : i32 to index
      %swap3A_1130 = arith.constant 2080 : index
      %swap3A_1131 = tpu.vector_load %arg9[%swap3A_1129, %swap3A_1130] {strides = array<i32>} : memref<16x2112xf32, #tpu.memory_space<vmem>>, vector<1x16xf32>,
      %swap3A_1132 = vector.shape_cast %swap3A_1131 : vector<1x16xf32> to vector<16xf32>
      %swap3A_1133 = vector.shape_cast %get3A_1127 : vector<16xf32> to vector<1x16xf32>
      tpu.vector_store %arg9[%swap3A_1129, %swap3A_1130], %swap3A_1133 {strides = array<i32>} : memref<16x2112xf32, #tpu.memory_space<vmem>>, vector<1x16xf32>,
      %add3A_1134 = arith.constant 48 : i32
      %add3A_1135 = arith.addi %mul3A_1094, %add3A_1134 : i32
      %get3A_1136 = arith.constant 15 : i32
      %get3A_1137 = arith.index_cast %get3A_1136 : i32 to index
      %get3A_1138 = arith.index_cast %add3A_1135 : i32 to index
      %get3A_1139 = tpu.vector_load %arg11[%get3A_1137, %get3A_1138] {strides = array<i32>} : memref<16x128xf32, #tpu.memory_space<vmem>>, vector<1x16xf32>,
      %get3A_1140 = vector.shape_cast %get3A_1139 : vector<1x16xf32> to vector<16xf32>
      %swap3A_1141 = arith.constant 15 : i32
      %swap3A_1142 = arith.index_cast %swap3A_1141 : i32 to index
      %swap3A_1143 = arith.constant 2096 : index
      %swap3A_1144 = tpu.vector_load %arg9[%swap3A_1142, %swap3A_1143] {strides = array<i32>} : memref<16x2112xf32, #tpu.memory_space<vmem>>, vector<1x16xf32>,
      %swap3A_1145 = vector.shape_cast %swap3A_1144 : vector<1x16xf32> to vector<16xf32>
      %swap3A_1146 = vector.shape_cast %get3A_1140 : vector<16xf32> to vector<1x16xf32>
      tpu.vector_store %arg9[%swap3A_1142, %swap3A_1143], %swap3A_1146 {strides = array<i32>} : memref<16x2112xf32, #tpu.memory_space<vmem>>, vector<1x16xf32>,
      %slice3A_1147 = vector.extract_strided_slice %sub3A_115 {offsets = [15], sizes = [1], strides = [1]} : vector<16xi32> to vector<1xi32>
      %squeeze3A_1148 = vector.extract %slice3A_1147[0] : i32 from vector<1xi32>
      %le3A_1149 = arith.constant 0 : i32
      %le3A_1150 = arith.cmpi sle, %squeeze3A_1148, %le3A_1149 : i32
      %convert_element_type3A_1151 = arith.extui %le3A_1150 : i1 to i32
      %cond3A_1152 = arith.constant 0 : i32
      %cond3A_1153 = arith.cmpi ne, %convert_element_type3A_1151, %cond3A_1152 : i32
      scf.if %cond3A_1153 {
        %scan3A_2259 = arith.constant 0 : i32
        %scan3A_2260 = arith.constant 0 : i32
        %scan3A_2261 = arith.constant 132 : i32
        %scan3A_2262 = arith.addi %scan3A_2260, %scan3A_2261 : i32
        %scan3A_2263 = arith.constant 1 : i32
        %scan3A_2264 = scf.for %scan3A_2266 = %scan3A_2260 to %scan3A_2262 step %scan3A_2263 iter_args(%scan3A_2267 = %scan3A_2259) -> (i32)  : i32 {
          %mul3A_2268 = arith.constant 16 : i32
          %mul3A_2269 = arith.muli %scan3A_2266, %mul3A_2268 : i32
          %swap3A_2270 = arith.constant 15 : i32
          %swap3A_2271 = arith.index_cast %swap3A_2270 : i32 to index
          %swap3A_2272 = arith.index_cast %mul3A_2269 : i32 to index
          %swap3A_2273 = tpu.vector_load %arg9[%swap3A_2271, %swap3A_2272] {strides = array<i32>} : memref<16x2112xf32, #tpu.memory_space<vmem>>, vector<1x16xf32>,
          %swap3A_2274 = vector.shape_cast %swap3A_2273 : vector<1x16xf32> to vector<16xf32>
          %swap3A_2275 = vector.shape_cast %broadcast_in_dim3A_116 : vector<16xf32> to vector<1x16xf32>
          tpu.vector_store %arg9[%swap3A_2271, %swap3A_2272], %swap3A_2275 {strides = array<i32>} : memref<16x2112xf32, #tpu.memory_space<vmem>>, vector<1x16xf32>,
          %scan3A_2276 = arith.constant 0 : i32
          scf.yield %scan3A_2276 : i32
        }
        %scan3A_2265 = arith.constant 132 : i32
      } else {
      }
      %mul3A_1154 = arith.constant 16 : i32
      %mul3A_1155 = arith.muli %add3A_74, %mul3A_1154 : i32
      %add3A_1156 = arith.addi %mul3A_2, %mul3A_1155 : i32
      %dma_start3A_1157 = arith.constant 0 : i32
      %dma_start3A_1158 = tpu.memref_slice %arg5[%add3A_1156, %dma_start3A_1157] : memref<4096x2112xf32, #tpu.memory_space<hbm>> -> memref<16x2112xf32, #tpu.memory_space<hbm>>
      %dma_start3A_1159 = arith.constant 0 : i32
      %dma_start3A_1160 = tpu.memref_slice %arg5[%add3A_1156, %dma_start3A_1159] : memref<4096x2112xf32, #tpu.memory_space<hbm>> -> memref<16x2112xf32, #tpu.memory_space<hbm>>
      tpu.enqueue_dma source(%arg9 : memref<16x2112xf32, #tpu.memory_space<vmem>>) target(%dma_start3A_1160 : memref<16x2112xf32, #tpu.memory_space<hbm>>) target_semaphore(%arg15 : memref<!tpu.dma_semaphore, #tpu.memory_space<semaphore_mem>>)
      %mul3A_1161 = arith.constant 2 : i32
      %mul3A_1162 = arith.muli %scan3A_69, %mul3A_1161 : i32
      %add3A_1163 = arith.constant 1 : i32
      %add3A_1164 = arith.addi %mul3A_1162, %add3A_1163 : i32
      %mul3A_1165 = arith.constant 16 : i32
      %mul3A_1166 = arith.muli %add3A_1164, %mul3A_1165 : i32
      %dma_wait3A_1167 = arith.constant 0 : i32
      %dma_wait3A_1168 = arith.constant 0 : i32
      %dma_wait3A_1169 = arith.constant 0 : i32
      %dma_wait3A_1170 = tpu.memref_slice %arg10[%dma_wait3A_1168, %dma_wait3A_1169] : memref<16x2112xf32, #tpu.memory_space<vmem>> -> memref<16x1024xf32, #tpu.memory_space<vmem>>
      %dma_wait3A_1171 = tpu.memref_slice %arg6[%dma_wait3A_1167, %mul3A_1166] : memref<3x128xi32, #tpu.memory_space<vmem>> -> memref<1x16xi32, #tpu.memory_space<vmem>>
      %dma_wait3A_1172 = tpu.memref_squeeze %dma_wait3A_1171 : memref<1x16xi32, #tpu.memory_space<vmem>> -> memref<16xi32, #tpu.memory_space<vmem>>
      %dma_wait3A_1173 = arith.constant 0 : i32
      %dma_wait3A_1174 = arith.constant 0 : i32
      %dma_wait3A_1175 = tpu.memref_slice %arg2[%dma_wait3A_1173, %dma_wait3A_1174] : memref<16384x1024xf32, #tpu.memory_space<hbm>> -> memref<16384x1024xf32, #tpu.memory_space<hbm>>
      tpu.wait_indirect_dma semaphore(%arg14 : memref<!tpu.dma_semaphore, #tpu.memory_space<semaphore_mem>>) src(%dma_wait3A_1175 : memref<16384x1024xf32, #tpu.memory_space<hbm>>) dst(%dma_wait3A_1170 : memref<16x1024xf32, #tpu.memory_space<vmem>>)
      %dma_wait3A_1176 = arith.constant 1 : i32
      %dma_wait3A_1177 = arith.constant 0 : i32
      %dma_wait3A_1178 = arith.constant 1024 : i32
      %dma_wait3A_1179 = tpu.memref_slice %arg10[%dma_wait3A_1177, %dma_wait3A_1178] : memref<16x2112xf32, #tpu.memory_space<vmem>> -> memref<16x1024xf32, #tpu.memory_space<vmem>>
      %dma_wait3A_1180 = tpu.memref_slice %arg6[%dma_wait3A_1176, %mul3A_1166] : memref<3x128xi32, #tpu.memory_space<vmem>> -> memref<1x16xi32, #tpu.memory_space<vmem>>
      %dma_wait3A_1181 = tpu.memref_squeeze %dma_wait3A_1180 : memref<1x16xi32, #tpu.memory_space<vmem>> -> memref<16xi32, #tpu.memory_space<vmem>>
      %dma_wait3A_1182 = arith.constant 0 : i32
      %dma_wait3A_1183 = arith.constant 0 : i32
      %dma_wait3A_1184 = tpu.memref_slice %arg2[%dma_wait3A_1182, %dma_wait3A_1183] : memref<16384x1024xf32, #tpu.memory_space<hbm>> -> memref<16384x1024xf32, #tpu.memory_space<hbm>>
      tpu.wait_indirect_dma semaphore(%arg14 : memref<!tpu.dma_semaphore, #tpu.memory_space<semaphore_mem>>) src(%dma_wait3A_1184 : memref<16384x1024xf32, #tpu.memory_space<hbm>>) dst(%dma_wait3A_1179 : memref<16x1024xf32, #tpu.memory_space<vmem>>)
      %dma_wait3A_1185 = arith.constant 0 : i32
      %dma_wait3A_1186 = arith.constant 0 : i32
      %dma_wait3A_1187 = tpu.memref_slice %arg3[%dma_wait3A_1185, %dma_wait3A_1186] : memref<2048x128xf32, #tpu.memory_space<hbm>> -> memref<2048x128xf32, #tpu.memory_space<hbm>>
      tpu.wait_indirect_dma semaphore(%arg14 : memref<!tpu.dma_semaphore, #tpu.memory_space<semaphore_mem>>) src(%dma_wait3A_1187 : memref<2048x128xf32, #tpu.memory_space<hbm>>) dst(%arg12 : memref<16x128xf32, #tpu.memory_space<vmem>>)
      %add3A_1188 = arith.constant 1 : i32
      %add3A_1189 = arith.addi %add3A_1164, %add3A_1188 : i32
      %lt3A_1190 = arith.constant 8 : i32
      %lt3A_1191 = arith.cmpi slt, %add3A_1189, %lt3A_1190 : i32
      %convert_element_type3A_1192 = arith.extui %lt3A_1191 : i1 to i32
      %cond3A_1193 = arith.constant 0 : i32
      %cond3A_1194 = arith.cmpi ne, %convert_element_type3A_1192, %cond3A_1193 : i32
      scf.if %cond3A_1194 {
        %ge3A = arith.constant 1 : i32
        %ge3A_2259 = arith.cmpi sge, %add3A_1164, %ge3A : i32
        %convert_element_type3A_2260 = arith.extui %ge3A_2259 : i1 to i32
        %cond3A_2261 = arith.constant 0 : i32
        %cond3A_2262 = arith.cmpi ne, %convert_element_type3A_2260, %cond3A_2261 : i32
        scf.if %cond3A_2262 {
          %add3A_2302 = arith.constant 1 : i32
          %add3A_2303 = arith.addi %add3A_1164, %add3A_2302 : i32
          %mul3A_2304 = arith.constant 16 : i32
          %mul3A_2305 = arith.muli %add3A_2303, %mul3A_2304 : i32
          %add3A_2306 = arith.addi %mul3A_2, %mul3A_2305 : i32
          %dma_wait3A_2307 = arith.constant 0 : i32
          %dma_wait3A_2308 = tpu.memref_slice %arg5[%add3A_2306, %dma_wait3A_2307] : memref<4096x2112xf32, #tpu.memory_space<hbm>> -> memref<16x2112xf32, #tpu.memory_space<hbm>>
          %dma_wait3A_2309 = arith.constant 0 : i32
          %dma_wait3A_2310 = tpu.memref_slice %arg5[%add3A_2306, %dma_wait3A_2309] : memref<4096x2112xf32, #tpu.memory_space<hbm>> -> memref<16x2112xf32, #tpu.memory_space<hbm>>
          tpu.wait_dma2 semaphore(%arg15 : memref<!tpu.dma_semaphore, #tpu.memory_space<semaphore_mem>>) src(%arg9 : memref<16x2112xf32, #tpu.memory_space<vmem>>) dst(%dma_wait3A_2310 : memref<16x2112xf32, #tpu.memory_space<hbm>>)
        } else {
        }
        %add3A_2263 = arith.constant 1 : i32
        %add3A_2264 = arith.addi %add3A_1164, %add3A_2263 : i32
        %mul3A_2265 = arith.constant 16 : i32
        %mul3A_2266 = arith.muli %add3A_2264, %mul3A_2265 : i32
        %get3A_2267 = arith.constant 2 : i32
        %get3A_2268 = arith.index_cast %get3A_2267 : i32 to index
        %get3A_2269 = arith.index_cast %mul3A_2266 : i32 to index
        %get3A_2270 = tpu.vector_load %arg6[%get3A_2268, %get3A_2269] {strides = array<i32>} : memref<3x128xi32, #tpu.memory_space<vmem>>, vector<1x16xi32>,
        %get3A_2271 = vector.shape_cast %get3A_2270 : vector<1x16xi32> to vector<16xi32>
        %shift_right_logical3A_2272 = arith.constant 1 : i32
        %shift_right_logical3A_2273 = vector.broadcast %shift_right_logical3A_2272 : i32 to vector<16xi32>
        %shift_right_logical3A_2274 = arith.shrui %get3A_2271, %shift_right_logical3A_2273 : vector<16xi32>
        %swap3A_2275 = arith.constant 0 : index
        %swap3A_2276 = tpu.vector_load %arg7[%swap3A_2275] {strides = array<i32>} : memref<16xi32, #tpu.memory_space<vmem>>, vector<16xi32>,
        %swap3A_2277 = vector.shape_cast %swap3A_2276 : vector<16xi32> to vector<16xi32>
        %swap3A_2278 = vector.shape_cast %shift_right_logical3A_2274 : vector<16xi32> to vector<16xi32>
        tpu.vector_store %arg7[%swap3A_2275], %swap3A_2278 {strides = array<i32>} : memref<16xi32, #tpu.memory_space<vmem>>, vector<16xi32>,
        %mul3A_2279 = arith.constant 16 : i32
        %mul3A_2280 = arith.muli %add3A_2264, %mul3A_2279 : i32
        %dma_start3A_2281 = arith.constant 0 : i32
        %dma_start3A_2282 = arith.constant 0 : i32
        %dma_start3A_2283 = arith.constant 0 : i32
        %dma_start3A_2284 = tpu.memref_slice %arg9[%dma_start3A_2282, %dma_start3A_2283] : memref<16x2112xf32, #tpu.memory_space<vmem>> -> memref<16x1024xf32, #tpu.memory_space<vmem>>
        %dma_start3A_2285 = tpu.memref_slice %arg6[%dma_start3A_2281, %mul3A_2280] : memref<3x128xi32, #tpu.memory_space<vmem>> -> memref<1x16xi32, #tpu.memory_space<vmem>>
        %dma_start3A_2286 = tpu.memref_squeeze %dma_start3A_2285 : memref<1x16xi32, #tpu.memory_space<vmem>> -> memref<16xi32, #tpu.memory_space<vmem>>
        %dma_start3A_2287 = arith.constant 0 : i32
        %dma_start3A_2288 = arith.constant 0 : i32
        %dma_start3A_2289 = tpu.memref_slice %arg2[%dma_start3A_2287, %dma_start3A_2288] : memref<16384x1024xf32, #tpu.memory_space<hbm>> -> memref<16384x1024xf32, #tpu.memory_space<hbm>>
        tpu.enqueue_indirect_dma source(%dma_start3A_2289 : memref<16384x1024xf32, #tpu.memory_space<hbm>>) target(%dma_start3A_2284 : memref<16x1024xf32, #tpu.memory_space<vmem>>) offsets(%dma_start3A_2286 : memref<16xi32, #tpu.memory_space<vmem>>) semaphore(%arg13 : memref<!tpu.dma_semaphore, #tpu.memory_space<semaphore_mem>>)
        %dma_start3A_2290 = arith.constant 1 : i32
        %dma_start3A_2291 = arith.constant 0 : i32
        %dma_start3A_2292 = arith.constant 1024 : i32
        %dma_start3A_2293 = tpu.memref_slice %arg9[%dma_start3A_2291, %dma_start3A_2292] : memref<16x2112xf32, #tpu.memory_space<vmem>> -> memref<16x1024xf32, #tpu.memory_space<vmem>>
        %dma_start3A_2294 = tpu.memref_slice %arg6[%dma_start3A_2290, %mul3A_2280] : memref<3x128xi32, #tpu.memory_space<vmem>> -> memref<1x16xi32, #tpu.memory_space<vmem>>
        %dma_start3A_2295 = tpu.memref_squeeze %dma_start3A_2294 : memref<1x16xi32, #tpu.memory_space<vmem>> -> memref<16xi32, #tpu.memory_space<vmem>>
        %dma_start3A_2296 = arith.constant 0 : i32
        %dma_start3A_2297 = arith.constant 0 : i32
        %dma_start3A_2298 = tpu.memref_slice %arg2[%dma_start3A_2296, %dma_start3A_2297] : memref<16384x1024xf32, #tpu.memory_space<hbm>> -> memref<16384x1024xf32, #tpu.memory_space<hbm>>
        tpu.enqueue_indirect_dma source(%dma_start3A_2298 : memref<16384x1024xf32, #tpu.memory_space<hbm>>) target(%dma_start3A_2293 : memref<16x1024xf32, #tpu.memory_space<vmem>>) offsets(%dma_start3A_2295 : memref<16xi32, #tpu.memory_space<vmem>>) semaphore(%arg13 : memref<!tpu.dma_semaphore, #tpu.memory_space<semaphore_mem>>)
        %dma_start3A_2299 = arith.constant 0 : i32
        %dma_start3A_2300 = arith.constant 0 : i32
        %dma_start3A_2301 = tpu.memref_slice %arg3[%dma_start3A_2299, %dma_start3A_2300] : memref<2048x128xf32, #tpu.memory_space<hbm>> -> memref<2048x128xf32, #tpu.memory_space<hbm>>
        tpu.enqueue_indirect_dma source(%dma_start3A_2301 : memref<2048x128xf32, #tpu.memory_space<hbm>>) target(%arg11 : memref<16x128xf32, #tpu.memory_space<vmem>>) offsets(%arg7 : memref<16xi32, #tpu.memory_space<vmem>>) semaphore(%arg13 : memref<!tpu.dma_semaphore, #tpu.memory_space<semaphore_mem>>)
      } else {
      }
      %mul3A_1195 = arith.constant 16 : i32
      %mul3A_1196 = arith.muli %add3A_1164, %mul3A_1195 : i32
      %get3A_1197 = arith.constant 2 : i32
      %get3A_1198 = arith.index_cast %get3A_1197 : i32 to index
      %get3A_1199 = arith.index_cast %mul3A_1196 : i32 to index
      %get3A_1200 = tpu.vector_load %arg6[%get3A_1198, %get3A_1199] {strides = array<i32>} : memref<3x128xi32, #tpu.memory_space<vmem>>, vector<1x16xi32>,
      %get3A_1201 = vector.shape_cast %get3A_1200 : vector<1x16xi32> to vector<16xi32>
      %get3A_1202 = arith.constant 1 : i32
      %get3A_1203 = arith.index_cast %get3A_1202 : i32 to index
      %get3A_1204 = arith.index_cast %mul3A_1196 : i32 to index
      %get3A_1205 = tpu.vector_load %arg6[%get3A_1203, %get3A_1204] {strides = array<i32>} : memref<3x128xi32, #tpu.memory_space<vmem>>, vector<1x16xi32>,
      %get3A_1206 = vector.shape_cast %get3A_1205 : vector<1x16xi32> to vector<16xi32>
      %sub3A_1207 = vector.broadcast %mul3A_20 : i32 to vector<16xi32>
      %sub3A_1208 = arith.subi %get3A_1206, %sub3A_1207 : vector<16xi32>
      %broadcast_in_dim3A_1209 = arith.constant 0.000000e+00 : f32
      %broadcast_in_dim3A_1210 = vector.broadcast %broadcast_in_dim3A_1209 : f32 to vector<16xf32>
      %slice3A_1211 = vector.extract_strided_slice %get3A_1201 {offsets = [0], sizes = [1], strides = [1]} : vector<16xi32> to vector<1xi32>
      %squeeze3A_1212 = vector.extract %slice3A_1211[0] : i32 from vector<1xi32>
      %and3A_1213 = arith.constant 1 : i32
      %and3A_1214 = arith.andi %squeeze3A_1212, %and3A_1213 : i32
      %mul3A_1215 = arith.constant 64 : i32
      %mul3A_1216 = arith.muli %and3A_1214, %mul3A_1215 : i32
      %add3A_1217 = arith.constant 0 : i32
      %add3A_1218 = arith.addi %mul3A_1216, %add3A_1217 : i32
      %get3A_1219 = arith.constant 0 : i32
      %get3A_1220 = arith.index_cast %get3A_1219 : i32 to index
      %get3A_1221 = arith.index_cast %add3A_1218 : i32 to index
      %get3A_1222 = tpu.vector_load %arg12[%get3A_1220, %get3A_1221] {strides = array<i32>} : memref<16x128xf32, #tpu.memory_space<vmem>>, vector<1x16xf32>,
      %get3A_1223 = vector.shape_cast %get3A_1222 : vector<1x16xf32> to vector<16xf32>
      %swap3A_1224 = arith.constant 0 : i32
      %swap3A_1225 = arith.index_cast %swap3A_1224 : i32 to index
      %swap3A_1226 = arith.constant 2048 : index
      %swap3A_1227 = tpu.vector_load %arg10[%swap3A_1225, %swap3A_1226] {strides = array<i32>} : memref<16x2112xf32, #tpu.memory_space<vmem>>, vector<1x16xf32>,
      %swap3A_1228 = vector.shape_cast %swap3A_1227 : vector<1x16xf32> to vector<16xf32>
      %swap3A_1229 = vector.shape_cast %get3A_1223 : vector<16xf32> to vector<1x16xf32>
      tpu.vector_store %arg10[%swap3A_1225, %swap3A_1226], %swap3A_1229 {strides = array<i32>} : memref<16x2112xf32, #tpu.memory_space<vmem>>, vector<1x16xf32>,
      %add3A_1230 = arith.constant 16 : i32
      %add3A_1231 = arith.addi %mul3A_1216, %add3A_1230 : i32
      %get3A_1232 = arith.constant 0 : i32
      %get3A_1233 = arith.index_cast %get3A_1232 : i32 to index
      %get3A_1234 = arith.index_cast %add3A_1231 : i32 to index
      %get3A_1235 = tpu.vector_load %arg12[%get3A_1233, %get3A_1234] {strides = array<i32>} : memref<16x128xf32, #tpu.memory_space<vmem>>, vector<1x16xf32>,
      %get3A_1236 = vector.shape_cast %get3A_1235 : vector<1x16xf32> to vector<16xf32>
      %swap3A_1237 = arith.constant 0 : i32
      %swap3A_1238 = arith.index_cast %swap3A_1237 : i32 to index
      %swap3A_1239 = arith.constant 2064 : index
      %swap3A_1240 = tpu.vector_load %arg10[%swap3A_1238, %swap3A_1239] {strides = array<i32>} : memref<16x2112xf32, #tpu.memory_space<vmem>>, vector<1x16xf32>,
      %swap3A_1241 = vector.shape_cast %swap3A_1240 : vector<1x16xf32> to vector<16xf32>
      %swap3A_1242 = vector.shape_cast %get3A_1236 : vector<16xf32> to vector<1x16xf32>
      tpu.vector_store %arg10[%swap3A_1238, %swap3A_1239], %swap3A_1242 {strides = array<i32>} : memref<16x2112xf32, #tpu.memory_space<vmem>>, vector<1x16xf32>,
      %add3A_1243 = arith.constant 32 : i32
      %add3A_1244 = arith.addi %mul3A_1216, %add3A_1243 : i32
      %get3A_1245 = arith.constant 0 : i32
      %get3A_1246 = arith.index_cast %get3A_1245 : i32 to index
      %get3A_1247 = arith.index_cast %add3A_1244 : i32 to index
      %get3A_1248 = tpu.vector_load %arg12[%get3A_1246, %get3A_1247] {strides = array<i32>} : memref<16x128xf32, #tpu.memory_space<vmem>>, vector<1x16xf32>,
      %get3A_1249 = vector.shape_cast %get3A_1248 : vector<1x16xf32> to vector<16xf32>
      %swap3A_1250 = arith.constant 0 : i32
      %swap3A_1251 = arith.index_cast %swap3A_1250 : i32 to index
      %swap3A_1252 = arith.constant 2080 : index
      %swap3A_1253 = tpu.vector_load %arg10[%swap3A_1251, %swap3A_1252] {strides = array<i32>} : memref<16x2112xf32, #tpu.memory_space<vmem>>, vector<1x16xf32>,
      %swap3A_1254 = vector.shape_cast %swap3A_1253 : vector<1x16xf32> to vector<16xf32>
      %swap3A_1255 = vector.shape_cast %get3A_1249 : vector<16xf32> to vector<1x16xf32>
      tpu.vector_store %arg10[%swap3A_1251, %swap3A_1252], %swap3A_1255 {strides = array<i32>} : memref<16x2112xf32, #tpu.memory_space<vmem>>, vector<1x16xf32>,
      %add3A_1256 = arith.constant 48 : i32
      %add3A_1257 = arith.addi %mul3A_1216, %add3A_1256 : i32
      %get3A_1258 = arith.constant 0 : i32
      %get3A_1259 = arith.index_cast %get3A_1258 : i32 to index
      %get3A_1260 = arith.index_cast %add3A_1257 : i32 to index
      %get3A_1261 = tpu.vector_load %arg12[%get3A_1259, %get3A_1260] {strides = array<i32>} : memref<16x128xf32, #tpu.memory_space<vmem>>, vector<1x16xf32>,
      %get3A_1262 = vector.shape_cast %get3A_1261 : vector<1x16xf32> to vector<16xf32>
      %swap3A_1263 = arith.constant 0 : i32
      %swap3A_1264 = arith.index_cast %swap3A_1263 : i32 to index
      %swap3A_1265 = arith.constant 2096 : index
      %swap3A_1266 = tpu.vector_load %arg10[%swap3A_1264, %swap3A_1265] {strides = array<i32>} : memref<16x2112xf32, #tpu.memory_space<vmem>>, vector<1x16xf32>,
      %swap3A_1267 = vector.shape_cast %swap3A_1266 : vector<1x16xf32> to vector<16xf32>
      %swap3A_1268 = vector.shape_cast %get3A_1262 : vector<16xf32> to vector<1x16xf32>
      tpu.vector_store %arg10[%swap3A_1264, %swap3A_1265], %swap3A_1268 {strides = array<i32>} : memref<16x2112xf32, #tpu.memory_space<vmem>>, vector<1x16xf32>,
      %slice3A_1269 = vector.extract_strided_slice %sub3A_1208 {offsets = [0], sizes = [1], strides = [1]} : vector<16xi32> to vector<1xi32>
      %squeeze3A_1270 = vector.extract %slice3A_1269[0] : i32 from vector<1xi32>
      %le3A_1271 = arith.constant 0 : i32
      %le3A_1272 = arith.cmpi sle, %squeeze3A_1270, %le3A_1271 : i32
      %convert_element_type3A_1273 = arith.extui %le3A_1272 : i1 to i32
      %cond3A_1274 = arith.constant 0 : i32
      %cond3A_1275 = arith.cmpi ne, %convert_element_type3A_1273, %cond3A_1274 : i32
      scf.if %cond3A_1275 {
        %scan3A_2259 = arith.constant 0 : i32
        %scan3A_2260 = arith.constant 0 : i32
        %scan3A_2261 = arith.constant 132 : i32
        %scan3A_2262 = arith.addi %scan3A_2260, %scan3A_2261 : i32
        %scan3A_2263 = arith.constant 1 : i32
        %scan3A_2264 = scf.for %scan3A_2266 = %scan3A_2260 to %scan3A_2262 step %scan3A_2263 iter_args(%scan3A_2267 = %scan3A_2259) -> (i32)  : i32 {
          %mul3A_2268 = arith.constant 16 : i32
          %mul3A_2269 = arith.muli %scan3A_2266, %mul3A_2268 : i32
          %swap3A_2270 = arith.constant 0 : i32
          %swap3A_2271 = arith.index_cast %swap3A_2270 : i32 to index
          %swap3A_2272 = arith.index_cast %mul3A_2269 : i32 to index
          %swap3A_2273 = tpu.vector_load %arg10[%swap3A_2271, %swap3A_2272] {strides = array<i32>} : memref<16x2112xf32, #tpu.memory_space<vmem>>, vector<1x16xf32>,
          %swap3A_2274 = vector.shape_cast %swap3A_2273 : vector<1x16xf32> to vector<16xf32>
          %swap3A_2275 = vector.shape_cast %broadcast_in_dim3A_1210 : vector<16xf32> to vector<1x16xf32>
          tpu.vector_store %arg10[%swap3A_2271, %swap3A_2272], %swap3A_2275 {strides = array<i32>} : memref<16x2112xf32, #tpu.memory_space<vmem>>, vector<1x16xf32>,
          %scan3A_2276 = arith.constant 0 : i32
          scf.yield %scan3A_2276 : i32
        }
        %scan3A_2265 = arith.constant 132 : i32
      } else {
      }
      %slice3A_1276 = vector.extract_strided_slice %get3A_1201 {offsets = [1], sizes = [1], strides = [1]} : vector<16xi32> to vector<1xi32>
      %squeeze3A_1277 = vector.extract %slice3A_1276[0] : i32 from vector<1xi32>
      %and3A_1278 = arith.constant 1 : i32
      %and3A_1279 = arith.andi %squeeze3A_1277, %and3A_1278 : i32
      %mul3A_1280 = arith.constant 64 : i32
      %mul3A_1281 = arith.muli %and3A_1279, %mul3A_1280 : i32
      %add3A_1282 = arith.constant 0 : i32
      %add3A_1283 = arith.addi %mul3A_1281, %add3A_1282 : i32
      %get3A_1284 = arith.constant 1 : i32
      %get3A_1285 = arith.index_cast %get3A_1284 : i32 to index
      %get3A_1286 = arith.index_cast %add3A_1283 : i32 to index
      %get3A_1287 = tpu.vector_load %arg12[%get3A_1285, %get3A_1286] {strides = array<i32>} : memref<16x128xf32, #tpu.memory_space<vmem>>, vector<1x16xf32>,
      %get3A_1288 = vector.shape_cast %get3A_1287 : vector<1x16xf32> to vector<16xf32>
      %swap3A_1289 = arith.constant 1 : i32
      %swap3A_1290 = arith.index_cast %swap3A_1289 : i32 to index
      %swap3A_1291 = arith.constant 2048 : index
      %swap3A_1292 = tpu.vector_load %arg10[%swap3A_1290, %swap3A_1291] {strides = array<i32>} : memref<16x2112xf32, #tpu.memory_space<vmem>>, vector<1x16xf32>,
      %swap3A_1293 = vector.shape_cast %swap3A_1292 : vector<1x16xf32> to vector<16xf32>
      %swap3A_1294 = vector.shape_cast %get3A_1288 : vector<16xf32> to vector<1x16xf32>
      tpu.vector_store %arg10[%swap3A_1290, %swap3A_1291], %swap3A_1294 {strides = array<i32>} : memref<16x2112xf32, #tpu.memory_space<vmem>>, vector<1x16xf32>,
      %add3A_1295 = arith.constant 16 : i32
      %add3A_1296 = arith.addi %mul3A_1281, %add3A_1295 : i32
      %get3A_1297 = arith.constant 1 : i32
      %get3A_1298 = arith.index_cast %get3A_1297 : i32 to index
      %get3A_1299 = arith.index_cast %add3A_1296 : i32 to index
      %get3A_1300 = tpu.vector_load %arg12[%get3A_1298, %get3A_1299] {strides = array<i32>} : memref<16x128xf32, #tpu.memory_space<vmem>>, vector<1x16xf32>,
      %get3A_1301 = vector.shape_cast %get3A_1300 : vector<1x16xf32> to vector<16xf32>
      %swap3A_1302 = arith.constant 1 : i32
      %swap3A_1303 = arith.index_cast %swap3A_1302 : i32 to index
      %swap3A_1304 = arith.constant 2064 : index
      %swap3A_1305 = tpu.vector_load %arg10[%swap3A_1303, %swap3A_1304] {strides = array<i32>} : memref<16x2112xf32, #tpu.memory_space<vmem>>, vector<1x16xf32>,
      %swap3A_1306 = vector.shape_cast %swap3A_1305 : vector<1x16xf32> to vector<16xf32>
      %swap3A_1307 = vector.shape_cast %get3A_1301 : vector<16xf32> to vector<1x16xf32>
      tpu.vector_store %arg10[%swap3A_1303, %swap3A_1304], %swap3A_1307 {strides = array<i32>} : memref<16x2112xf32, #tpu.memory_space<vmem>>, vector<1x16xf32>,
      %add3A_1308 = arith.constant 32 : i32
      %add3A_1309 = arith.addi %mul3A_1281, %add3A_1308 : i32
      %get3A_1310 = arith.constant 1 : i32
      %get3A_1311 = arith.index_cast %get3A_1310 : i32 to index
      %get3A_1312 = arith.index_cast %add3A_1309 : i32 to index
      %get3A_1313 = tpu.vector_load %arg12[%get3A_1311, %get3A_1312] {strides = array<i32>} : memref<16x128xf32, #tpu.memory_space<vmem>>, vector<1x16xf32>,
      %get3A_1314 = vector.shape_cast %get3A_1313 : vector<1x16xf32> to vector<16xf32>
      %swap3A_1315 = arith.constant 1 : i32
      %swap3A_1316 = arith.index_cast %swap3A_1315 : i32 to index
      %swap3A_1317 = arith.constant 2080 : index
      %swap3A_1318 = tpu.vector_load %arg10[%swap3A_1316, %swap3A_1317] {strides = array<i32>} : memref<16x2112xf32, #tpu.memory_space<vmem>>, vector<1x16xf32>,
      %swap3A_1319 = vector.shape_cast %swap3A_1318 : vector<1x16xf32> to vector<16xf32>
      %swap3A_1320 = vector.shape_cast %get3A_1314 : vector<16xf32> to vector<1x16xf32>
      tpu.vector_store %arg10[%swap3A_1316, %swap3A_1317], %swap3A_1320 {strides = array<i32>} : memref<16x2112xf32, #tpu.memory_space<vmem>>, vector<1x16xf32>,
      %add3A_1321 = arith.constant 48 : i32
      %add3A_1322 = arith.addi %mul3A_1281, %add3A_1321 : i32
      %get3A_1323 = arith.constant 1 : i32
      %get3A_1324 = arith.index_cast %get3A_1323 : i32 to index
      %get3A_1325 = arith.index_cast %add3A_1322 : i32 to index
      %get3A_1326 = tpu.vector_load %arg12[%get3A_1324, %get3A_1325] {strides = array<i32>} : memref<16x128xf32, #tpu.memory_space<vmem>>, vector<1x16xf32>,
      %get3A_1327 = vector.shape_cast %get3A_1326 : vector<1x16xf32> to vector<16xf32>
      %swap3A_1328 = arith.constant 1 : i32
      %swap3A_1329 = arith.index_cast %swap3A_1328 : i32 to index
      %swap3A_1330 = arith.constant 2096 : index
      %swap3A_1331 = tpu.vector_load %arg10[%swap3A_1329, %swap3A_1330] {strides = array<i32>} : memref<16x2112xf32, #tpu.memory_space<vmem>>, vector<1x16xf32>,
      %swap3A_1332 = vector.shape_cast %swap3A_1331 : vector<1x16xf32> to vector<16xf32>
      %swap3A_1333 = vector.shape_cast %get3A_1327 : vector<16xf32> to vector<1x16xf32>
      tpu.vector_store %arg10[%swap3A_1329, %swap3A_1330], %swap3A_1333 {strides = array<i32>} : memref<16x2112xf32, #tpu.memory_space<vmem>>, vector<1x16xf32>,
      %slice3A_1334 = vector.extract_strided_slice %sub3A_1208 {offsets = [1], sizes = [1], strides = [1]} : vector<16xi32> to vector<1xi32>
      %squeeze3A_1335 = vector.extract %slice3A_1334[0] : i32 from vector<1xi32>
      %le3A_1336 = arith.constant 0 : i32
      %le3A_1337 = arith.cmpi sle, %squeeze3A_1335, %le3A_1336 : i32
      %convert_element_type3A_1338 = arith.extui %le3A_1337 : i1 to i32
      %cond3A_1339 = arith.constant 0 : i32
      %cond3A_1340 = arith.cmpi ne, %convert_element_type3A_1338, %cond3A_1339 : i32
      scf.if %cond3A_1340 {
        %scan3A_2259 = arith.constant 0 : i32
        %scan3A_2260 = arith.constant 0 : i32
        %scan3A_2261 = arith.constant 132 : i32
        %scan3A_2262 = arith.addi %scan3A_2260, %scan3A_2261 : i32
        %scan3A_2263 = arith.constant 1 : i32
        %scan3A_2264 = scf.for %scan3A_2266 = %scan3A_2260 to %scan3A_2262 step %scan3A_2263 iter_args(%scan3A_2267 = %scan3A_2259) -> (i32)  : i32 {
          %mul3A_2268 = arith.constant 16 : i32
          %mul3A_2269 = arith.muli %scan3A_2266, %mul3A_2268 : i32
          %swap3A_2270 = arith.constant 1 : i32
          %swap3A_2271 = arith.index_cast %swap3A_2270 : i32 to index
          %swap3A_2272 = arith.index_cast %mul3A_2269 : i32 to index
          %swap3A_2273 = tpu.vector_load %arg10[%swap3A_2271, %swap3A_2272] {strides = array<i32>} : memref<16x2112xf32, #tpu.memory_space<vmem>>, vector<1x16xf32>,
          %swap3A_2274 = vector.shape_cast %swap3A_2273 : vector<1x16xf32> to vector<16xf32>
          %swap3A_2275 = vector.shape_cast %broadcast_in_dim3A_1210 : vector<16xf32> to vector<1x16xf32>
          tpu.vector_store %arg10[%swap3A_2271, %swap3A_2272], %swap3A_2275 {strides = array<i32>} : memref<16x2112xf32, #tpu.memory_space<vmem>>, vector<1x16xf32>,
          %scan3A_2276 = arith.constant 0 : i32
          scf.yield %scan3A_2276 : i32
        }
        %scan3A_2265 = arith.constant 132 : i32
      } else {
      }
      %slice3A_1341 = vector.extract_strided_slice %get3A_1201 {offsets = [2], sizes = [1], strides = [1]} : vector<16xi32> to vector<1xi32>
      %squeeze3A_1342 = vector.extract %slice3A_1341[0] : i32 from vector<1xi32>
      %and3A_1343 = arith.constant 1 : i32
      %and3A_1344 = arith.andi %squeeze3A_1342, %and3A_1343 : i32
      %mul3A_1345 = arith.constant 64 : i32
      %mul3A_1346 = arith.muli %and3A_1344, %mul3A_1345 : i32
      %add3A_1347 = arith.constant 0 : i32
      %add3A_1348 = arith.addi %mul3A_1346, %add3A_1347 : i32
      %get3A_1349 = arith.constant 2 : i32
      %get3A_1350 = arith.index_cast %get3A_1349 : i32 to index
      %get3A_1351 = arith.index_cast %add3A_1348 : i32 to index
      %get3A_1352 = tpu.vector_load %arg12[%get3A_1350, %get3A_1351] {strides = array<i32>} : memref<16x128xf32, #tpu.memory_space<vmem>>, vector<1x16xf32>,
      %get3A_1353 = vector.shape_cast %get3A_1352 : vector<1x16xf32> to vector<16xf32>
      %swap3A_1354 = arith.constant 2 : i32
      %swap3A_1355 = arith.index_cast %swap3A_1354 : i32 to index
      %swap3A_1356 = arith.constant 2048 : index
      %swap3A_1357 = tpu.vector_load %arg10[%swap3A_1355, %swap3A_1356] {strides = array<i32>} : memref<16x2112xf32, #tpu.memory_space<vmem>>, vector<1x16xf32>,
      %swap3A_1358 = vector.shape_cast %swap3A_1357 : vector<1x16xf32> to vector<16xf32>
      %swap3A_1359 = vector.shape_cast %get3A_1353 : vector<16xf32> to vector<1x16xf32>
      tpu.vector_store %arg10[%swap3A_1355, %swap3A_1356], %swap3A_1359 {strides = array<i32>} : memref<16x2112xf32, #tpu.memory_space<vmem>>, vector<1x16xf32>,
      %add3A_1360 = arith.constant 16 : i32
      %add3A_1361 = arith.addi %mul3A_1346, %add3A_1360 : i32
      %get3A_1362 = arith.constant 2 : i32
      %get3A_1363 = arith.index_cast %get3A_1362 : i32 to index
      %get3A_1364 = arith.index_cast %add3A_1361 : i32 to index
      %get3A_1365 = tpu.vector_load %arg12[%get3A_1363, %get3A_1364] {strides = array<i32>} : memref<16x128xf32, #tpu.memory_space<vmem>>, vector<1x16xf32>,
      %get3A_1366 = vector.shape_cast %get3A_1365 : vector<1x16xf32> to vector<16xf32>
      %swap3A_1367 = arith.constant 2 : i32
      %swap3A_1368 = arith.index_cast %swap3A_1367 : i32 to index
      %swap3A_1369 = arith.constant 2064 : index
      %swap3A_1370 = tpu.vector_load %arg10[%swap3A_1368, %swap3A_1369] {strides = array<i32>} : memref<16x2112xf32, #tpu.memory_space<vmem>>, vector<1x16xf32>,
      %swap3A_1371 = vector.shape_cast %swap3A_1370 : vector<1x16xf32> to vector<16xf32>
      %swap3A_1372 = vector.shape_cast %get3A_1366 : vector<16xf32> to vector<1x16xf32>
      tpu.vector_store %arg10[%swap3A_1368, %swap3A_1369], %swap3A_1372 {strides = array<i32>} : memref<16x2112xf32, #tpu.memory_space<vmem>>, vector<1x16xf32>,
      %add3A_1373 = arith.constant 32 : i32
      %add3A_1374 = arith.addi %mul3A_1346, %add3A_1373 : i32
      %get3A_1375 = arith.constant 2 : i32
      %get3A_1376 = arith.index_cast %get3A_1375 : i32 to index
      %get3A_1377 = arith.index_cast %add3A_1374 : i32 to index
      %get3A_1378 = tpu.vector_load %arg12[%get3A_1376, %get3A_1377] {strides = array<i32>} : memref<16x128xf32, #tpu.memory_space<vmem>>, vector<1x16xf32>,
      %get3A_1379 = vector.shape_cast %get3A_1378 : vector<1x16xf32> to vector<16xf32>
      %swap3A_1380 = arith.constant 2 : i32
      %swap3A_1381 = arith.index_cast %swap3A_1380 : i32 to index
      %swap3A_1382 = arith.constant 2080 : index
      %swap3A_1383 = tpu.vector_load %arg10[%swap3A_1381, %swap3A_1382] {strides = array<i32>} : memref<16x2112xf32, #tpu.memory_space<vmem>>, vector<1x16xf32>,
      %swap3A_1384 = vector.shape_cast %swap3A_1383 : vector<1x16xf32> to vector<16xf32>
      %swap3A_1385 = vector.shape_cast %get3A_1379 : vector<16xf32> to vector<1x16xf32>
      tpu.vector_store %arg10[%swap3A_1381, %swap3A_1382], %swap3A_1385 {strides = array<i32>} : memref<16x2112xf32, #tpu.memory_space<vmem>>, vector<1x16xf32>,
      %add3A_1386 = arith.constant 48 : i32
      %add3A_1387 = arith.addi %mul3A_1346, %add3A_1386 : i32
      %get3A_1388 = arith.constant 2 : i32
      %get3A_1389 = arith.index_cast %get3A_1388 : i32 to index
      %get3A_1390 = arith.index_cast %add3A_1387 : i32 to index
      %get3A_1391 = tpu.vector_load %arg12[%get3A_1389, %get3A_1390] {strides = array<i32>} : memref<16x128xf32, #tpu.memory_space<vmem>>, vector<1x16xf32>,
      %get3A_1392 = vector.shape_cast %get3A_1391 : vector<1x16xf32> to vector<16xf32>
      %swap3A_1393 = arith.constant 2 : i32
      %swap3A_1394 = arith.index_cast %swap3A_1393 : i32 to index
      %swap3A_1395 = arith.constant 2096 : index
      %swap3A_1396 = tpu.vector_load %arg10[%swap3A_1394, %swap3A_1395] {strides = array<i32>} : memref<16x2112xf32, #tpu.memory_space<vmem>>, vector<1x16xf32>,
      %swap3A_1397 = vector.shape_cast %swap3A_1396 : vector<1x16xf32> to vector<16xf32>
      %swap3A_1398 = vector.shape_cast %get3A_1392 : vector<16xf32> to vector<1x16xf32>
      tpu.vector_store %arg10[%swap3A_1394, %swap3A_1395], %swap3A_1398 {strides = array<i32>} : memref<16x2112xf32, #tpu.memory_space<vmem>>, vector<1x16xf32>,
      %slice3A_1399 = vector.extract_strided_slice %sub3A_1208 {offsets = [2], sizes = [1], strides = [1]} : vector<16xi32> to vector<1xi32>
      %squeeze3A_1400 = vector.extract %slice3A_1399[0] : i32 from vector<1xi32>
      %le3A_1401 = arith.constant 0 : i32
      %le3A_1402 = arith.cmpi sle, %squeeze3A_1400, %le3A_1401 : i32
      %convert_element_type3A_1403 = arith.extui %le3A_1402 : i1 to i32
      %cond3A_1404 = arith.constant 0 : i32
      %cond3A_1405 = arith.cmpi ne, %convert_element_type3A_1403, %cond3A_1404 : i32
      scf.if %cond3A_1405 {
        %scan3A_2259 = arith.constant 0 : i32
        %scan3A_2260 = arith.constant 0 : i32
        %scan3A_2261 = arith.constant 132 : i32
        %scan3A_2262 = arith.addi %scan3A_2260, %scan3A_2261 : i32
        %scan3A_2263 = arith.constant 1 : i32
        %scan3A_2264 = scf.for %scan3A_2266 = %scan3A_2260 to %scan3A_2262 step %scan3A_2263 iter_args(%scan3A_2267 = %scan3A_2259) -> (i32)  : i32 {
          %mul3A_2268 = arith.constant 16 : i32
          %mul3A_2269 = arith.muli %scan3A_2266, %mul3A_2268 : i32
          %swap3A_2270 = arith.constant 2 : i32
          %swap3A_2271 = arith.index_cast %swap3A_2270 : i32 to index
          %swap3A_2272 = arith.index_cast %mul3A_2269 : i32 to index
          %swap3A_2273 = tpu.vector_load %arg10[%swap3A_2271, %swap3A_2272] {strides = array<i32>} : memref<16x2112xf32, #tpu.memory_space<vmem>>, vector<1x16xf32>,
          %swap3A_2274 = vector.shape_cast %swap3A_2273 : vector<1x16xf32> to vector<16xf32>
          %swap3A_2275 = vector.shape_cast %broadcast_in_dim3A_1210 : vector<16xf32> to vector<1x16xf32>
          tpu.vector_store %arg10[%swap3A_2271, %swap3A_2272], %swap3A_2275 {strides = array<i32>} : memref<16x2112xf32, #tpu.memory_space<vmem>>, vector<1x16xf32>,
          %scan3A_2276 = arith.constant 0 : i32
          scf.yield %scan3A_2276 : i32
        }
        %scan3A_2265 = arith.constant 132 : i32
      } else {
      }
      %slice3A_1406 = vector.extract_strided_slice %get3A_1201 {offsets = [3], sizes = [1], strides = [1]} : vector<16xi32> to vector<1xi32>
      %squeeze3A_1407 = vector.extract %slice3A_1406[0] : i32 from vector<1xi32>
      %and3A_1408 = arith.constant 1 : i32
      %and3A_1409 = arith.andi %squeeze3A_1407, %and3A_1408 : i32
      %mul3A_1410 = arith.constant 64 : i32
      %mul3A_1411 = arith.muli %and3A_1409, %mul3A_1410 : i32
      %add3A_1412 = arith.constant 0 : i32
      %add3A_1413 = arith.addi %mul3A_1411, %add3A_1412 : i32
      %get3A_1414 = arith.constant 3 : i32
      %get3A_1415 = arith.index_cast %get3A_1414 : i32 to index
      %get3A_1416 = arith.index_cast %add3A_1413 : i32 to index
      %get3A_1417 = tpu.vector_load %arg12[%get3A_1415, %get3A_1416] {strides = array<i32>} : memref<16x128xf32, #tpu.memory_space<vmem>>, vector<1x16xf32>,
      %get3A_1418 = vector.shape_cast %get3A_1417 : vector<1x16xf32> to vector<16xf32>
      %swap3A_1419 = arith.constant 3 : i32
      %swap3A_1420 = arith.index_cast %swap3A_1419 : i32 to index
      %swap3A_1421 = arith.constant 2048 : index
      %swap3A_1422 = tpu.vector_load %arg10[%swap3A_1420, %swap3A_1421] {strides = array<i32>} : memref<16x2112xf32, #tpu.memory_space<vmem>>, vector<1x16xf32>,
      %swap3A_1423 = vector.shape_cast %swap3A_1422 : vector<1x16xf32> to vector<16xf32>
      %swap3A_1424 = vector.shape_cast %get3A_1418 : vector<16xf32> to vector<1x16xf32>
      tpu.vector_store %arg10[%swap3A_1420, %swap3A_1421], %swap3A_1424 {strides = array<i32>} : memref<16x2112xf32, #tpu.memory_space<vmem>>, vector<1x16xf32>,
      %add3A_1425 = arith.constant 16 : i32
      %add3A_1426 = arith.addi %mul3A_1411, %add3A_1425 : i32
      %get3A_1427 = arith.constant 3 : i32
      %get3A_1428 = arith.index_cast %get3A_1427 : i32 to index
      %get3A_1429 = arith.index_cast %add3A_1426 : i32 to index
      %get3A_1430 = tpu.vector_load %arg12[%get3A_1428, %get3A_1429] {strides = array<i32>} : memref<16x128xf32, #tpu.memory_space<vmem>>, vector<1x16xf32>,
      %get3A_1431 = vector.shape_cast %get3A_1430 : vector<1x16xf32> to vector<16xf32>
      %swap3A_1432 = arith.constant 3 : i32
      %swap3A_1433 = arith.index_cast %swap3A_1432 : i32 to index
      %swap3A_1434 = arith.constant 2064 : index
      %swap3A_1435 = tpu.vector_load %arg10[%swap3A_1433, %swap3A_1434] {strides = array<i32>} : memref<16x2112xf32, #tpu.memory_space<vmem>>, vector<1x16xf32>,
      %swap3A_1436 = vector.shape_cast %swap3A_1435 : vector<1x16xf32> to vector<16xf32>
      %swap3A_1437 = vector.shape_cast %get3A_1431 : vector<16xf32> to vector<1x16xf32>
      tpu.vector_store %arg10[%swap3A_1433, %swap3A_1434], %swap3A_1437 {strides = array<i32>} : memref<16x2112xf32, #tpu.memory_space<vmem>>, vector<1x16xf32>,
      %add3A_1438 = arith.constant 32 : i32
      %add3A_1439 = arith.addi %mul3A_1411, %add3A_1438 : i32
      %get3A_1440 = arith.constant 3 : i32
      %get3A_1441 = arith.index_cast %get3A_1440 : i32 to index
      %get3A_1442 = arith.index_cast %add3A_1439 : i32 to index
      %get3A_1443 = tpu.vector_load %arg12[%get3A_1441, %get3A_1442] {strides = array<i32>} : memref<16x128xf32, #tpu.memory_space<vmem>>, vector<1x16xf32>,
      %get3A_1444 = vector.shape_cast %get3A_1443 : vector<1x16xf32> to vector<16xf32>
      %swap3A_1445 = arith.constant 3 : i32
      %swap3A_1446 = arith.index_cast %swap3A_1445 : i32 to index
      %swap3A_1447 = arith.constant 2080 : index
      %swap3A_1448 = tpu.vector_load %arg10[%swap3A_1446, %swap3A_1447] {strides = array<i32>} : memref<16x2112xf32, #tpu.memory_space<vmem>>, vector<1x16xf32>,
      %swap3A_1449 = vector.shape_cast %swap3A_1448 : vector<1x16xf32> to vector<16xf32>
      %swap3A_1450 = vector.shape_cast %get3A_1444 : vector<16xf32> to vector<1x16xf32>
      tpu.vector_store %arg10[%swap3A_1446, %swap3A_1447], %swap3A_1450 {strides = array<i32>} : memref<16x2112xf32, #tpu.memory_space<vmem>>, vector<1x16xf32>,
      %add3A_1451 = arith.constant 48 : i32
      %add3A_1452 = arith.addi %mul3A_1411, %add3A_1451 : i32
      %get3A_1453 = arith.constant 3 : i32
      %get3A_1454 = arith.index_cast %get3A_1453 : i32 to index
      %get3A_1455 = arith.index_cast %add3A_1452 : i32 to index
      %get3A_1456 = tpu.vector_load %arg12[%get3A_1454, %get3A_1455] {strides = array<i32>} : memref<16x128xf32, #tpu.memory_space<vmem>>, vector<1x16xf32>,
      %get3A_1457 = vector.shape_cast %get3A_1456 : vector<1x16xf32> to vector<16xf32>
      %swap3A_1458 = arith.constant 3 : i32
      %swap3A_1459 = arith.index_cast %swap3A_1458 : i32 to index
      %swap3A_1460 = arith.constant 2096 : index
      %swap3A_1461 = tpu.vector_load %arg10[%swap3A_1459, %swap3A_1460] {strides = array<i32>} : memref<16x2112xf32, #tpu.memory_space<vmem>>, vector<1x16xf32>,
      %swap3A_1462 = vector.shape_cast %swap3A_1461 : vector<1x16xf32> to vector<16xf32>
      %swap3A_1463 = vector.shape_cast %get3A_1457 : vector<16xf32> to vector<1x16xf32>
      tpu.vector_store %arg10[%swap3A_1459, %swap3A_1460], %swap3A_1463 {strides = array<i32>} : memref<16x2112xf32, #tpu.memory_space<vmem>>, vector<1x16xf32>,
      %slice3A_1464 = vector.extract_strided_slice %sub3A_1208 {offsets = [3], sizes = [1], strides = [1]} : vector<16xi32> to vector<1xi32>
      %squeeze3A_1465 = vector.extract %slice3A_1464[0] : i32 from vector<1xi32>
      %le3A_1466 = arith.constant 0 : i32
      %le3A_1467 = arith.cmpi sle, %squeeze3A_1465, %le3A_1466 : i32
      %convert_element_type3A_1468 = arith.extui %le3A_1467 : i1 to i32
      %cond3A_1469 = arith.constant 0 : i32
      %cond3A_1470 = arith.cmpi ne, %convert_element_type3A_1468, %cond3A_1469 : i32
      scf.if %cond3A_1470 {
        %scan3A_2259 = arith.constant 0 : i32
        %scan3A_2260 = arith.constant 0 : i32
        %scan3A_2261 = arith.constant 132 : i32
        %scan3A_2262 = arith.addi %scan3A_2260, %scan3A_2261 : i32
        %scan3A_2263 = arith.constant 1 : i32
        %scan3A_2264 = scf.for %scan3A_2266 = %scan3A_2260 to %scan3A_2262 step %scan3A_2263 iter_args(%scan3A_2267 = %scan3A_2259) -> (i32)  : i32 {
          %mul3A_2268 = arith.constant 16 : i32
          %mul3A_2269 = arith.muli %scan3A_2266, %mul3A_2268 : i32
          %swap3A_2270 = arith.constant 3 : i32
          %swap3A_2271 = arith.index_cast %swap3A_2270 : i32 to index
          %swap3A_2272 = arith.index_cast %mul3A_2269 : i32 to index
          %swap3A_2273 = tpu.vector_load %arg10[%swap3A_2271, %swap3A_2272] {strides = array<i32>} : memref<16x2112xf32, #tpu.memory_space<vmem>>, vector<1x16xf32>,
          %swap3A_2274 = vector.shape_cast %swap3A_2273 : vector<1x16xf32> to vector<16xf32>
          %swap3A_2275 = vector.shape_cast %broadcast_in_dim3A_1210 : vector<16xf32> to vector<1x16xf32>
          tpu.vector_store %arg10[%swap3A_2271, %swap3A_2272], %swap3A_2275 {strides = array<i32>} : memref<16x2112xf32, #tpu.memory_space<vmem>>, vector<1x16xf32>,
          %scan3A_2276 = arith.constant 0 : i32
          scf.yield %scan3A_2276 : i32
        }
        %scan3A_2265 = arith.constant 132 : i32
      } else {
      }
      %slice3A_1471 = vector.extract_strided_slice %get3A_1201 {offsets = [4], sizes = [1], strides = [1]} : vector<16xi32> to vector<1xi32>
      %squeeze3A_1472 = vector.extract %slice3A_1471[0] : i32 from vector<1xi32>
      %and3A_1473 = arith.constant 1 : i32
      %and3A_1474 = arith.andi %squeeze3A_1472, %and3A_1473 : i32
      %mul3A_1475 = arith.constant 64 : i32
      %mul3A_1476 = arith.muli %and3A_1474, %mul3A_1475 : i32
      %add3A_1477 = arith.constant 0 : i32
      %add3A_1478 = arith.addi %mul3A_1476, %add3A_1477 : i32
      %get3A_1479 = arith.constant 4 : i32
      %get3A_1480 = arith.index_cast %get3A_1479 : i32 to index
      %get3A_1481 = arith.index_cast %add3A_1478 : i32 to index
      %get3A_1482 = tpu.vector_load %arg12[%get3A_1480, %get3A_1481] {strides = array<i32>} : memref<16x128xf32, #tpu.memory_space<vmem>>, vector<1x16xf32>,
      %get3A_1483 = vector.shape_cast %get3A_1482 : vector<1x16xf32> to vector<16xf32>
      %swap3A_1484 = arith.constant 4 : i32
      %swap3A_1485 = arith.index_cast %swap3A_1484 : i32 to index
      %swap3A_1486 = arith.constant 2048 : index
      %swap3A_1487 = tpu.vector_load %arg10[%swap3A_1485, %swap3A_1486] {strides = array<i32>} : memref<16x2112xf32, #tpu.memory_space<vmem>>, vector<1x16xf32>,
      %swap3A_1488 = vector.shape_cast %swap3A_1487 : vector<1x16xf32> to vector<16xf32>
      %swap3A_1489 = vector.shape_cast %get3A_1483 : vector<16xf32> to vector<1x16xf32>
      tpu.vector_store %arg10[%swap3A_1485, %swap3A_1486], %swap3A_1489 {strides = array<i32>} : memref<16x2112xf32, #tpu.memory_space<vmem>>, vector<1x16xf32>,
      %add3A_1490 = arith.constant 16 : i32
      %add3A_1491 = arith.addi %mul3A_1476, %add3A_1490 : i32
      %get3A_1492 = arith.constant 4 : i32
      %get3A_1493 = arith.index_cast %get3A_1492 : i32 to index
      %get3A_1494 = arith.index_cast %add3A_1491 : i32 to index
      %get3A_1495 = tpu.vector_load %arg12[%get3A_1493, %get3A_1494] {strides = array<i32>} : memref<16x128xf32, #tpu.memory_space<vmem>>, vector<1x16xf32>,
      %get3A_1496 = vector.shape_cast %get3A_1495 : vector<1x16xf32> to vector<16xf32>
      %swap3A_1497 = arith.constant 4 : i32
      %swap3A_1498 = arith.index_cast %swap3A_1497 : i32 to index
      %swap3A_1499 = arith.constant 2064 : index
      %swap3A_1500 = tpu.vector_load %arg10[%swap3A_1498, %swap3A_1499] {strides = array<i32>} : memref<16x2112xf32, #tpu.memory_space<vmem>>, vector<1x16xf32>,
      %swap3A_1501 = vector.shape_cast %swap3A_1500 : vector<1x16xf32> to vector<16xf32>
      %swap3A_1502 = vector.shape_cast %get3A_1496 : vector<16xf32> to vector<1x16xf32>
      tpu.vector_store %arg10[%swap3A_1498, %swap3A_1499], %swap3A_1502 {strides = array<i32>} : memref<16x2112xf32, #tpu.memory_space<vmem>>, vector<1x16xf32>,
      %add3A_1503 = arith.constant 32 : i32
      %add3A_1504 = arith.addi %mul3A_1476, %add3A_1503 : i32
      %get3A_1505 = arith.constant 4 : i32
      %get3A_1506 = arith.index_cast %get3A_1505 : i32 to index
      %get3A_1507 = arith.index_cast %add3A_1504 : i32 to index
      %get3A_1508 = tpu.vector_load %arg12[%get3A_1506, %get3A_1507] {strides = array<i32>} : memref<16x128xf32, #tpu.memory_space<vmem>>, vector<1x16xf32>,
      %get3A_1509 = vector.shape_cast %get3A_1508 : vector<1x16xf32> to vector<16xf32>
      %swap3A_1510 = arith.constant 4 : i32
      %swap3A_1511 = arith.index_cast %swap3A_1510 : i32 to index
      %swap3A_1512 = arith.constant 2080 : index
      %swap3A_1513 = tpu.vector_load %arg10[%swap3A_1511, %swap3A_1512] {strides = array<i32>} : memref<16x2112xf32, #tpu.memory_space<vmem>>, vector<1x16xf32>,
      %swap3A_1514 = vector.shape_cast %swap3A_1513 : vector<1x16xf32> to vector<16xf32>
      %swap3A_1515 = vector.shape_cast %get3A_1509 : vector<16xf32> to vector<1x16xf32>
      tpu.vector_store %arg10[%swap3A_1511, %swap3A_1512], %swap3A_1515 {strides = array<i32>} : memref<16x2112xf32, #tpu.memory_space<vmem>>, vector<1x16xf32>,
      %add3A_1516 = arith.constant 48 : i32
      %add3A_1517 = arith.addi %mul3A_1476, %add3A_1516 : i32
      %get3A_1518 = arith.constant 4 : i32
      %get3A_1519 = arith.index_cast %get3A_1518 : i32 to index
      %get3A_1520 = arith.index_cast %add3A_1517 : i32 to index
      %get3A_1521 = tpu.vector_load %arg12[%get3A_1519, %get3A_1520] {strides = array<i32>} : memref<16x128xf32, #tpu.memory_space<vmem>>, vector<1x16xf32>,
      %get3A_1522 = vector.shape_cast %get3A_1521 : vector<1x16xf32> to vector<16xf32>
      %swap3A_1523 = arith.constant 4 : i32
      %swap3A_1524 = arith.index_cast %swap3A_1523 : i32 to index
      %swap3A_1525 = arith.constant 2096 : index
      %swap3A_1526 = tpu.vector_load %arg10[%swap3A_1524, %swap3A_1525] {strides = array<i32>} : memref<16x2112xf32, #tpu.memory_space<vmem>>, vector<1x16xf32>,
      %swap3A_1527 = vector.shape_cast %swap3A_1526 : vector<1x16xf32> to vector<16xf32>
      %swap3A_1528 = vector.shape_cast %get3A_1522 : vector<16xf32> to vector<1x16xf32>
      tpu.vector_store %arg10[%swap3A_1524, %swap3A_1525], %swap3A_1528 {strides = array<i32>} : memref<16x2112xf32, #tpu.memory_space<vmem>>, vector<1x16xf32>,
      %slice3A_1529 = vector.extract_strided_slice %sub3A_1208 {offsets = [4], sizes = [1], strides = [1]} : vector<16xi32> to vector<1xi32>
      %squeeze3A_1530 = vector.extract %slice3A_1529[0] : i32 from vector<1xi32>
      %le3A_1531 = arith.constant 0 : i32
      %le3A_1532 = arith.cmpi sle, %squeeze3A_1530, %le3A_1531 : i32
      %convert_element_type3A_1533 = arith.extui %le3A_1532 : i1 to i32
      %cond3A_1534 = arith.constant 0 : i32
      %cond3A_1535 = arith.cmpi ne, %convert_element_type3A_1533, %cond3A_1534 : i32
      scf.if %cond3A_1535 {
        %scan3A_2259 = arith.constant 0 : i32
        %scan3A_2260 = arith.constant 0 : i32
        %scan3A_2261 = arith.constant 132 : i32
        %scan3A_2262 = arith.addi %scan3A_2260, %scan3A_2261 : i32
        %scan3A_2263 = arith.constant 1 : i32
        %scan3A_2264 = scf.for %scan3A_2266 = %scan3A_2260 to %scan3A_2262 step %scan3A_2263 iter_args(%scan3A_2267 = %scan3A_2259) -> (i32)  : i32 {
          %mul3A_2268 = arith.constant 16 : i32
          %mul3A_2269 = arith.muli %scan3A_2266, %mul3A_2268 : i32
          %swap3A_2270 = arith.constant 4 : i32
          %swap3A_2271 = arith.index_cast %swap3A_2270 : i32 to index
          %swap3A_2272 = arith.index_cast %mul3A_2269 : i32 to index
          %swap3A_2273 = tpu.vector_load %arg10[%swap3A_2271, %swap3A_2272] {strides = array<i32>} : memref<16x2112xf32, #tpu.memory_space<vmem>>, vector<1x16xf32>,
          %swap3A_2274 = vector.shape_cast %swap3A_2273 : vector<1x16xf32> to vector<16xf32>
          %swap3A_2275 = vector.shape_cast %broadcast_in_dim3A_1210 : vector<16xf32> to vector<1x16xf32>
          tpu.vector_store %arg10[%swap3A_2271, %swap3A_2272], %swap3A_2275 {strides = array<i32>} : memref<16x2112xf32, #tpu.memory_space<vmem>>, vector<1x16xf32>,
          %scan3A_2276 = arith.constant 0 : i32
          scf.yield %scan3A_2276 : i32
        }
        %scan3A_2265 = arith.constant 132 : i32
      } else {
      }
      %slice3A_1536 = vector.extract_strided_slice %get3A_1201 {offsets = [5], sizes = [1], strides = [1]} : vector<16xi32> to vector<1xi32>
      %squeeze3A_1537 = vector.extract %slice3A_1536[0] : i32 from vector<1xi32>
      %and3A_1538 = arith.constant 1 : i32
      %and3A_1539 = arith.andi %squeeze3A_1537, %and3A_1538 : i32
      %mul3A_1540 = arith.constant 64 : i32
      %mul3A_1541 = arith.muli %and3A_1539, %mul3A_1540 : i32
      %add3A_1542 = arith.constant 0 : i32
      %add3A_1543 = arith.addi %mul3A_1541, %add3A_1542 : i32
      %get3A_1544 = arith.constant 5 : i32
      %get3A_1545 = arith.index_cast %get3A_1544 : i32 to index
      %get3A_1546 = arith.index_cast %add3A_1543 : i32 to index
      %get3A_1547 = tpu.vector_load %arg12[%get3A_1545, %get3A_1546] {strides = array<i32>} : memref<16x128xf32, #tpu.memory_space<vmem>>, vector<1x16xf32>,
      %get3A_1548 = vector.shape_cast %get3A_1547 : vector<1x16xf32> to vector<16xf32>
      %swap3A_1549 = arith.constant 5 : i32
      %swap3A_1550 = arith.index_cast %swap3A_1549 : i32 to index
      %swap3A_1551 = arith.constant 2048 : index
      %swap3A_1552 = tpu.vector_load %arg10[%swap3A_1550, %swap3A_1551] {strides = array<i32>} : memref<16x2112xf32, #tpu.memory_space<vmem>>, vector<1x16xf32>,
      %swap3A_1553 = vector.shape_cast %swap3A_1552 : vector<1x16xf32> to vector<16xf32>
      %swap3A_1554 = vector.shape_cast %get3A_1548 : vector<16xf32> to vector<1x16xf32>
      tpu.vector_store %arg10[%swap3A_1550, %swap3A_1551], %swap3A_1554 {strides = array<i32>} : memref<16x2112xf32, #tpu.memory_space<vmem>>, vector<1x16xf32>,
      %add3A_1555 = arith.constant 16 : i32
      %add3A_1556 = arith.addi %mul3A_1541, %add3A_1555 : i32
      %get3A_1557 = arith.constant 5 : i32
      %get3A_1558 = arith.index_cast %get3A_1557 : i32 to index
      %get3A_1559 = arith.index_cast %add3A_1556 : i32 to index
      %get3A_1560 = tpu.vector_load %arg12[%get3A_1558, %get3A_1559] {strides = array<i32>} : memref<16x128xf32, #tpu.memory_space<vmem>>, vector<1x16xf32>,
      %get3A_1561 = vector.shape_cast %get3A_1560 : vector<1x16xf32> to vector<16xf32>
      %swap3A_1562 = arith.constant 5 : i32
      %swap3A_1563 = arith.index_cast %swap3A_1562 : i32 to index
      %swap3A_1564 = arith.constant 2064 : index
      %swap3A_1565 = tpu.vector_load %arg10[%swap3A_1563, %swap3A_1564] {strides = array<i32>} : memref<16x2112xf32, #tpu.memory_space<vmem>>, vector<1x16xf32>,
      %swap3A_1566 = vector.shape_cast %swap3A_1565 : vector<1x16xf32> to vector<16xf32>
      %swap3A_1567 = vector.shape_cast %get3A_1561 : vector<16xf32> to vector<1x16xf32>
      tpu.vector_store %arg10[%swap3A_1563, %swap3A_1564], %swap3A_1567 {strides = array<i32>} : memref<16x2112xf32, #tpu.memory_space<vmem>>, vector<1x16xf32>,
      %add3A_1568 = arith.constant 32 : i32
      %add3A_1569 = arith.addi %mul3A_1541, %add3A_1568 : i32
      %get3A_1570 = arith.constant 5 : i32
      %get3A_1571 = arith.index_cast %get3A_1570 : i32 to index
      %get3A_1572 = arith.index_cast %add3A_1569 : i32 to index
      %get3A_1573 = tpu.vector_load %arg12[%get3A_1571, %get3A_1572] {strides = array<i32>} : memref<16x128xf32, #tpu.memory_space<vmem>>, vector<1x16xf32>,
      %get3A_1574 = vector.shape_cast %get3A_1573 : vector<1x16xf32> to vector<16xf32>
      %swap3A_1575 = arith.constant 5 : i32
      %swap3A_1576 = arith.index_cast %swap3A_1575 : i32 to index
      %swap3A_1577 = arith.constant 2080 : index
      %swap3A_1578 = tpu.vector_load %arg10[%swap3A_1576, %swap3A_1577] {strides = array<i32>} : memref<16x2112xf32, #tpu.memory_space<vmem>>, vector<1x16xf32>,
      %swap3A_1579 = vector.shape_cast %swap3A_1578 : vector<1x16xf32> to vector<16xf32>
      %swap3A_1580 = vector.shape_cast %get3A_1574 : vector<16xf32> to vector<1x16xf32>
      tpu.vector_store %arg10[%swap3A_1576, %swap3A_1577], %swap3A_1580 {strides = array<i32>} : memref<16x2112xf32, #tpu.memory_space<vmem>>, vector<1x16xf32>,
      %add3A_1581 = arith.constant 48 : i32
      %add3A_1582 = arith.addi %mul3A_1541, %add3A_1581 : i32
      %get3A_1583 = arith.constant 5 : i32
      %get3A_1584 = arith.index_cast %get3A_1583 : i32 to index
      %get3A_1585 = arith.index_cast %add3A_1582 : i32 to index
      %get3A_1586 = tpu.vector_load %arg12[%get3A_1584, %get3A_1585] {strides = array<i32>} : memref<16x128xf32, #tpu.memory_space<vmem>>, vector<1x16xf32>,
      %get3A_1587 = vector.shape_cast %get3A_1586 : vector<1x16xf32> to vector<16xf32>
      %swap3A_1588 = arith.constant 5 : i32
      %swap3A_1589 = arith.index_cast %swap3A_1588 : i32 to index
      %swap3A_1590 = arith.constant 2096 : index
      %swap3A_1591 = tpu.vector_load %arg10[%swap3A_1589, %swap3A_1590] {strides = array<i32>} : memref<16x2112xf32, #tpu.memory_space<vmem>>, vector<1x16xf32>,
      %swap3A_1592 = vector.shape_cast %swap3A_1591 : vector<1x16xf32> to vector<16xf32>
      %swap3A_1593 = vector.shape_cast %get3A_1587 : vector<16xf32> to vector<1x16xf32>
      tpu.vector_store %arg10[%swap3A_1589, %swap3A_1590], %swap3A_1593 {strides = array<i32>} : memref<16x2112xf32, #tpu.memory_space<vmem>>, vector<1x16xf32>,
      %slice3A_1594 = vector.extract_strided_slice %sub3A_1208 {offsets = [5], sizes = [1], strides = [1]} : vector<16xi32> to vector<1xi32>
      %squeeze3A_1595 = vector.extract %slice3A_1594[0] : i32 from vector<1xi32>
      %le3A_1596 = arith.constant 0 : i32
      %le3A_1597 = arith.cmpi sle, %squeeze3A_1595, %le3A_1596 : i32
      %convert_element_type3A_1598 = arith.extui %le3A_1597 : i1 to i32
      %cond3A_1599 = arith.constant 0 : i32
      %cond3A_1600 = arith.cmpi ne, %convert_element_type3A_1598, %cond3A_1599 : i32
      scf.if %cond3A_1600 {
        %scan3A_2259 = arith.constant 0 : i32
        %scan3A_2260 = arith.constant 0 : i32
        %scan3A_2261 = arith.constant 132 : i32
        %scan3A_2262 = arith.addi %scan3A_2260, %scan3A_2261 : i32
        %scan3A_2263 = arith.constant 1 : i32
        %scan3A_2264 = scf.for %scan3A_2266 = %scan3A_2260 to %scan3A_2262 step %scan3A_2263 iter_args(%scan3A_2267 = %scan3A_2259) -> (i32)  : i32 {
          %mul3A_2268 = arith.constant 16 : i32
          %mul3A_2269 = arith.muli %scan3A_2266, %mul3A_2268 : i32
          %swap3A_2270 = arith.constant 5 : i32
          %swap3A_2271 = arith.index_cast %swap3A_2270 : i32 to index
          %swap3A_2272 = arith.index_cast %mul3A_2269 : i32 to index
          %swap3A_2273 = tpu.vector_load %arg10[%swap3A_2271, %swap3A_2272] {strides = array<i32>} : memref<16x2112xf32, #tpu.memory_space<vmem>>, vector<1x16xf32>,
          %swap3A_2274 = vector.shape_cast %swap3A_2273 : vector<1x16xf32> to vector<16xf32>
          %swap3A_2275 = vector.shape_cast %broadcast_in_dim3A_1210 : vector<16xf32> to vector<1x16xf32>
          tpu.vector_store %arg10[%swap3A_2271, %swap3A_2272], %swap3A_2275 {strides = array<i32>} : memref<16x2112xf32, #tpu.memory_space<vmem>>, vector<1x16xf32>,
          %scan3A_2276 = arith.constant 0 : i32
          scf.yield %scan3A_2276 : i32
        }
        %scan3A_2265 = arith.constant 132 : i32
      } else {
      }
      %slice3A_1601 = vector.extract_strided_slice %get3A_1201 {offsets = [6], sizes = [1], strides = [1]} : vector<16xi32> to vector<1xi32>
      %squeeze3A_1602 = vector.extract %slice3A_1601[0] : i32 from vector<1xi32>
      %and3A_1603 = arith.constant 1 : i32
      %and3A_1604 = arith.andi %squeeze3A_1602, %and3A_1603 : i32
      %mul3A_1605 = arith.constant 64 : i32
      %mul3A_1606 = arith.muli %and3A_1604, %mul3A_1605 : i32
      %add3A_1607 = arith.constant 0 : i32
      %add3A_1608 = arith.addi %mul3A_1606, %add3A_1607 : i32
      %get3A_1609 = arith.constant 6 : i32
      %get3A_1610 = arith.index_cast %get3A_1609 : i32 to index
      %get3A_1611 = arith.index_cast %add3A_1608 : i32 to index
      %get3A_1612 = tpu.vector_load %arg12[%get3A_1610, %get3A_1611] {strides = array<i32>} : memref<16x128xf32, #tpu.memory_space<vmem>>, vector<1x16xf32>,
      %get3A_1613 = vector.shape_cast %get3A_1612 : vector<1x16xf32> to vector<16xf32>
      %swap3A_1614 = arith.constant 6 : i32
      %swap3A_1615 = arith.index_cast %swap3A_1614 : i32 to index
      %swap3A_1616 = arith.constant 2048 : index
      %swap3A_1617 = tpu.vector_load %arg10[%swap3A_1615, %swap3A_1616] {strides = array<i32>} : memref<16x2112xf32, #tpu.memory_space<vmem>>, vector<1x16xf32>,
      %swap3A_1618 = vector.shape_cast %swap3A_1617 : vector<1x16xf32> to vector<16xf32>
      %swap3A_1619 = vector.shape_cast %get3A_1613 : vector<16xf32> to vector<1x16xf32>
      tpu.vector_store %arg10[%swap3A_1615, %swap3A_1616], %swap3A_1619 {strides = array<i32>} : memref<16x2112xf32, #tpu.memory_space<vmem>>, vector<1x16xf32>,
      %add3A_1620 = arith.constant 16 : i32
      %add3A_1621 = arith.addi %mul3A_1606, %add3A_1620 : i32
      %get3A_1622 = arith.constant 6 : i32
      %get3A_1623 = arith.index_cast %get3A_1622 : i32 to index
      %get3A_1624 = arith.index_cast %add3A_1621 : i32 to index
      %get3A_1625 = tpu.vector_load %arg12[%get3A_1623, %get3A_1624] {strides = array<i32>} : memref<16x128xf32, #tpu.memory_space<vmem>>, vector<1x16xf32>,
      %get3A_1626 = vector.shape_cast %get3A_1625 : vector<1x16xf32> to vector<16xf32>
      %swap3A_1627 = arith.constant 6 : i32
      %swap3A_1628 = arith.index_cast %swap3A_1627 : i32 to index
      %swap3A_1629 = arith.constant 2064 : index
      %swap3A_1630 = tpu.vector_load %arg10[%swap3A_1628, %swap3A_1629] {strides = array<i32>} : memref<16x2112xf32, #tpu.memory_space<vmem>>, vector<1x16xf32>,
      %swap3A_1631 = vector.shape_cast %swap3A_1630 : vector<1x16xf32> to vector<16xf32>
      %swap3A_1632 = vector.shape_cast %get3A_1626 : vector<16xf32> to vector<1x16xf32>
      tpu.vector_store %arg10[%swap3A_1628, %swap3A_1629], %swap3A_1632 {strides = array<i32>} : memref<16x2112xf32, #tpu.memory_space<vmem>>, vector<1x16xf32>,
      %add3A_1633 = arith.constant 32 : i32
      %add3A_1634 = arith.addi %mul3A_1606, %add3A_1633 : i32
      %get3A_1635 = arith.constant 6 : i32
      %get3A_1636 = arith.index_cast %get3A_1635 : i32 to index
      %get3A_1637 = arith.index_cast %add3A_1634 : i32 to index
      %get3A_1638 = tpu.vector_load %arg12[%get3A_1636, %get3A_1637] {strides = array<i32>} : memref<16x128xf32, #tpu.memory_space<vmem>>, vector<1x16xf32>,
      %get3A_1639 = vector.shape_cast %get3A_1638 : vector<1x16xf32> to vector<16xf32>
      %swap3A_1640 = arith.constant 6 : i32
      %swap3A_1641 = arith.index_cast %swap3A_1640 : i32 to index
      %swap3A_1642 = arith.constant 2080 : index
      %swap3A_1643 = tpu.vector_load %arg10[%swap3A_1641, %swap3A_1642] {strides = array<i32>} : memref<16x2112xf32, #tpu.memory_space<vmem>>, vector<1x16xf32>,
      %swap3A_1644 = vector.shape_cast %swap3A_1643 : vector<1x16xf32> to vector<16xf32>
      %swap3A_1645 = vector.shape_cast %get3A_1639 : vector<16xf32> to vector<1x16xf32>
      tpu.vector_store %arg10[%swap3A_1641, %swap3A_1642], %swap3A_1645 {strides = array<i32>} : memref<16x2112xf32, #tpu.memory_space<vmem>>, vector<1x16xf32>,
      %add3A_1646 = arith.constant 48 : i32
      %add3A_1647 = arith.addi %mul3A_1606, %add3A_1646 : i32
      %get3A_1648 = arith.constant 6 : i32
      %get3A_1649 = arith.index_cast %get3A_1648 : i32 to index
      %get3A_1650 = arith.index_cast %add3A_1647 : i32 to index
      %get3A_1651 = tpu.vector_load %arg12[%get3A_1649, %get3A_1650] {strides = array<i32>} : memref<16x128xf32, #tpu.memory_space<vmem>>, vector<1x16xf32>,
      %get3A_1652 = vector.shape_cast %get3A_1651 : vector<1x16xf32> to vector<16xf32>
      %swap3A_1653 = arith.constant 6 : i32
      %swap3A_1654 = arith.index_cast %swap3A_1653 : i32 to index
      %swap3A_1655 = arith.constant 2096 : index
      %swap3A_1656 = tpu.vector_load %arg10[%swap3A_1654, %swap3A_1655] {strides = array<i32>} : memref<16x2112xf32, #tpu.memory_space<vmem>>, vector<1x16xf32>,
      %swap3A_1657 = vector.shape_cast %swap3A_1656 : vector<1x16xf32> to vector<16xf32>
      %swap3A_1658 = vector.shape_cast %get3A_1652 : vector<16xf32> to vector<1x16xf32>
      tpu.vector_store %arg10[%swap3A_1654, %swap3A_1655], %swap3A_1658 {strides = array<i32>} : memref<16x2112xf32, #tpu.memory_space<vmem>>, vector<1x16xf32>,
      %slice3A_1659 = vector.extract_strided_slice %sub3A_1208 {offsets = [6], sizes = [1], strides = [1]} : vector<16xi32> to vector<1xi32>
      %squeeze3A_1660 = vector.extract %slice3A_1659[0] : i32 from vector<1xi32>
      %le3A_1661 = arith.constant 0 : i32
      %le3A_1662 = arith.cmpi sle, %squeeze3A_1660, %le3A_1661 : i32
      %convert_element_type3A_1663 = arith.extui %le3A_1662 : i1 to i32
      %cond3A_1664 = arith.constant 0 : i32
      %cond3A_1665 = arith.cmpi ne, %convert_element_type3A_1663, %cond3A_1664 : i32
      scf.if %cond3A_1665 {
        %scan3A_2259 = arith.constant 0 : i32
        %scan3A_2260 = arith.constant 0 : i32
        %scan3A_2261 = arith.constant 132 : i32
        %scan3A_2262 = arith.addi %scan3A_2260, %scan3A_2261 : i32
        %scan3A_2263 = arith.constant 1 : i32
        %scan3A_2264 = scf.for %scan3A_2266 = %scan3A_2260 to %scan3A_2262 step %scan3A_2263 iter_args(%scan3A_2267 = %scan3A_2259) -> (i32)  : i32 {
          %mul3A_2268 = arith.constant 16 : i32
          %mul3A_2269 = arith.muli %scan3A_2266, %mul3A_2268 : i32
          %swap3A_2270 = arith.constant 6 : i32
          %swap3A_2271 = arith.index_cast %swap3A_2270 : i32 to index
          %swap3A_2272 = arith.index_cast %mul3A_2269 : i32 to index
          %swap3A_2273 = tpu.vector_load %arg10[%swap3A_2271, %swap3A_2272] {strides = array<i32>} : memref<16x2112xf32, #tpu.memory_space<vmem>>, vector<1x16xf32>,
          %swap3A_2274 = vector.shape_cast %swap3A_2273 : vector<1x16xf32> to vector<16xf32>
          %swap3A_2275 = vector.shape_cast %broadcast_in_dim3A_1210 : vector<16xf32> to vector<1x16xf32>
          tpu.vector_store %arg10[%swap3A_2271, %swap3A_2272], %swap3A_2275 {strides = array<i32>} : memref<16x2112xf32, #tpu.memory_space<vmem>>, vector<1x16xf32>,
          %scan3A_2276 = arith.constant 0 : i32
          scf.yield %scan3A_2276 : i32
        }
        %scan3A_2265 = arith.constant 132 : i32
      } else {
      }
      %slice3A_1666 = vector.extract_strided_slice %get3A_1201 {offsets = [7], sizes = [1], strides = [1]} : vector<16xi32> to vector<1xi32>
      %squeeze3A_1667 = vector.extract %slice3A_1666[0] : i32 from vector<1xi32>
      %and3A_1668 = arith.constant 1 : i32
      %and3A_1669 = arith.andi %squeeze3A_1667, %and3A_1668 : i32
      %mul3A_1670 = arith.constant 64 : i32
      %mul3A_1671 = arith.muli %and3A_1669, %mul3A_1670 : i32
      %add3A_1672 = arith.constant 0 : i32
      %add3A_1673 = arith.addi %mul3A_1671, %add3A_1672 : i32
      %get3A_1674 = arith.constant 7 : i32
      %get3A_1675 = arith.index_cast %get3A_1674 : i32 to index
      %get3A_1676 = arith.index_cast %add3A_1673 : i32 to index
      %get3A_1677 = tpu.vector_load %arg12[%get3A_1675, %get3A_1676] {strides = array<i32>} : memref<16x128xf32, #tpu.memory_space<vmem>>, vector<1x16xf32>,
      %get3A_1678 = vector.shape_cast %get3A_1677 : vector<1x16xf32> to vector<16xf32>
      %swap3A_1679 = arith.constant 7 : i32
      %swap3A_1680 = arith.index_cast %swap3A_1679 : i32 to index
      %swap3A_1681 = arith.constant 2048 : index
      %swap3A_1682 = tpu.vector_load %arg10[%swap3A_1680, %swap3A_1681] {strides = array<i32>} : memref<16x2112xf32, #tpu.memory_space<vmem>>, vector<1x16xf32>,
      %swap3A_1683 = vector.shape_cast %swap3A_1682 : vector<1x16xf32> to vector<16xf32>
      %swap3A_1684 = vector.shape_cast %get3A_1678 : vector<16xf32> to vector<1x16xf32>
      tpu.vector_store %arg10[%swap3A_1680, %swap3A_1681], %swap3A_1684 {strides = array<i32>} : memref<16x2112xf32, #tpu.memory_space<vmem>>, vector<1x16xf32>,
      %add3A_1685 = arith.constant 16 : i32
      %add3A_1686 = arith.addi %mul3A_1671, %add3A_1685 : i32
      %get3A_1687 = arith.constant 7 : i32
      %get3A_1688 = arith.index_cast %get3A_1687 : i32 to index
      %get3A_1689 = arith.index_cast %add3A_1686 : i32 to index
      %get3A_1690 = tpu.vector_load %arg12[%get3A_1688, %get3A_1689] {strides = array<i32>} : memref<16x128xf32, #tpu.memory_space<vmem>>, vector<1x16xf32>,
      %get3A_1691 = vector.shape_cast %get3A_1690 : vector<1x16xf32> to vector<16xf32>
      %swap3A_1692 = arith.constant 7 : i32
      %swap3A_1693 = arith.index_cast %swap3A_1692 : i32 to index
      %swap3A_1694 = arith.constant 2064 : index
      %swap3A_1695 = tpu.vector_load %arg10[%swap3A_1693, %swap3A_1694] {strides = array<i32>} : memref<16x2112xf32, #tpu.memory_space<vmem>>, vector<1x16xf32>,
      %swap3A_1696 = vector.shape_cast %swap3A_1695 : vector<1x16xf32> to vector<16xf32>
      %swap3A_1697 = vector.shape_cast %get3A_1691 : vector<16xf32> to vector<1x16xf32>
      tpu.vector_store %arg10[%swap3A_1693, %swap3A_1694], %swap3A_1697 {strides = array<i32>} : memref<16x2112xf32, #tpu.memory_space<vmem>>, vector<1x16xf32>,
      %add3A_1698 = arith.constant 32 : i32
      %add3A_1699 = arith.addi %mul3A_1671, %add3A_1698 : i32
      %get3A_1700 = arith.constant 7 : i32
      %get3A_1701 = arith.index_cast %get3A_1700 : i32 to index
      %get3A_1702 = arith.index_cast %add3A_1699 : i32 to index
      %get3A_1703 = tpu.vector_load %arg12[%get3A_1701, %get3A_1702] {strides = array<i32>} : memref<16x128xf32, #tpu.memory_space<vmem>>, vector<1x16xf32>,
      %get3A_1704 = vector.shape_cast %get3A_1703 : vector<1x16xf32> to vector<16xf32>
      %swap3A_1705 = arith.constant 7 : i32
      %swap3A_1706 = arith.index_cast %swap3A_1705 : i32 to index
      %swap3A_1707 = arith.constant 2080 : index
      %swap3A_1708 = tpu.vector_load %arg10[%swap3A_1706, %swap3A_1707] {strides = array<i32>} : memref<16x2112xf32, #tpu.memory_space<vmem>>, vector<1x16xf32>,
      %swap3A_1709 = vector.shape_cast %swap3A_1708 : vector<1x16xf32> to vector<16xf32>
      %swap3A_1710 = vector.shape_cast %get3A_1704 : vector<16xf32> to vector<1x16xf32>
      tpu.vector_store %arg10[%swap3A_1706, %swap3A_1707], %swap3A_1710 {strides = array<i32>} : memref<16x2112xf32, #tpu.memory_space<vmem>>, vector<1x16xf32>,
      %add3A_1711 = arith.constant 48 : i32
      %add3A_1712 = arith.addi %mul3A_1671, %add3A_1711 : i32
      %get3A_1713 = arith.constant 7 : i32
      %get3A_1714 = arith.index_cast %get3A_1713 : i32 to index
      %get3A_1715 = arith.index_cast %add3A_1712 : i32 to index
      %get3A_1716 = tpu.vector_load %arg12[%get3A_1714, %get3A_1715] {strides = array<i32>} : memref<16x128xf32, #tpu.memory_space<vmem>>, vector<1x16xf32>,
      %get3A_1717 = vector.shape_cast %get3A_1716 : vector<1x16xf32> to vector<16xf32>
      %swap3A_1718 = arith.constant 7 : i32
      %swap3A_1719 = arith.index_cast %swap3A_1718 : i32 to index
      %swap3A_1720 = arith.constant 2096 : index
      %swap3A_1721 = tpu.vector_load %arg10[%swap3A_1719, %swap3A_1720] {strides = array<i32>} : memref<16x2112xf32, #tpu.memory_space<vmem>>, vector<1x16xf32>,
      %swap3A_1722 = vector.shape_cast %swap3A_1721 : vector<1x16xf32> to vector<16xf32>
      %swap3A_1723 = vector.shape_cast %get3A_1717 : vector<16xf32> to vector<1x16xf32>
      tpu.vector_store %arg10[%swap3A_1719, %swap3A_1720], %swap3A_1723 {strides = array<i32>} : memref<16x2112xf32, #tpu.memory_space<vmem>>, vector<1x16xf32>,
      %slice3A_1724 = vector.extract_strided_slice %sub3A_1208 {offsets = [7], sizes = [1], strides = [1]} : vector<16xi32> to vector<1xi32>
      %squeeze3A_1725 = vector.extract %slice3A_1724[0] : i32 from vector<1xi32>
      %le3A_1726 = arith.constant 0 : i32
      %le3A_1727 = arith.cmpi sle, %squeeze3A_1725, %le3A_1726 : i32
      %convert_element_type3A_1728 = arith.extui %le3A_1727 : i1 to i32
      %cond3A_1729 = arith.constant 0 : i32
      %cond3A_1730 = arith.cmpi ne, %convert_element_type3A_1728, %cond3A_1729 : i32
      scf.if %cond3A_1730 {
        %scan3A_2259 = arith.constant 0 : i32
        %scan3A_2260 = arith.constant 0 : i32
        %scan3A_2261 = arith.constant 132 : i32
        %scan3A_2262 = arith.addi %scan3A_2260, %scan3A_2261 : i32
        %scan3A_2263 = arith.constant 1 : i32
        %scan3A_2264 = scf.for %scan3A_2266 = %scan3A_2260 to %scan3A_2262 step %scan3A_2263 iter_args(%scan3A_2267 = %scan3A_2259) -> (i32)  : i32 {
          %mul3A_2268 = arith.constant 16 : i32
          %mul3A_2269 = arith.muli %scan3A_2266, %mul3A_2268 : i32
          %swap3A_2270 = arith.constant 7 : i32
          %swap3A_2271 = arith.index_cast %swap3A_2270 : i32 to index
          %swap3A_2272 = arith.index_cast %mul3A_2269 : i32 to index
          %swap3A_2273 = tpu.vector_load %arg10[%swap3A_2271, %swap3A_2272] {strides = array<i32>} : memref<16x2112xf32, #tpu.memory_space<vmem>>, vector<1x16xf32>,
          %swap3A_2274 = vector.shape_cast %swap3A_2273 : vector<1x16xf32> to vector<16xf32>
          %swap3A_2275 = vector.shape_cast %broadcast_in_dim3A_1210 : vector<16xf32> to vector<1x16xf32>
          tpu.vector_store %arg10[%swap3A_2271, %swap3A_2272], %swap3A_2275 {strides = array<i32>} : memref<16x2112xf32, #tpu.memory_space<vmem>>, vector<1x16xf32>,
          %scan3A_2276 = arith.constant 0 : i32
          scf.yield %scan3A_2276 : i32
        }
        %scan3A_2265 = arith.constant 132 : i32
      } else {
      }
      %slice3A_1731 = vector.extract_strided_slice %get3A_1201 {offsets = [8], sizes = [1], strides = [1]} : vector<16xi32> to vector<1xi32>
      %squeeze3A_1732 = vector.extract %slice3A_1731[0] : i32 from vector<1xi32>
      %and3A_1733 = arith.constant 1 : i32
      %and3A_1734 = arith.andi %squeeze3A_1732, %and3A_1733 : i32
      %mul3A_1735 = arith.constant 64 : i32
      %mul3A_1736 = arith.muli %and3A_1734, %mul3A_1735 : i32
      %add3A_1737 = arith.constant 0 : i32
      %add3A_1738 = arith.addi %mul3A_1736, %add3A_1737 : i32
      %get3A_1739 = arith.constant 8 : i32
      %get3A_1740 = arith.index_cast %get3A_1739 : i32 to index
      %get3A_1741 = arith.index_cast %add3A_1738 : i32 to index
      %get3A_1742 = tpu.vector_load %arg12[%get3A_1740, %get3A_1741] {strides = array<i32>} : memref<16x128xf32, #tpu.memory_space<vmem>>, vector<1x16xf32>,
      %get3A_1743 = vector.shape_cast %get3A_1742 : vector<1x16xf32> to vector<16xf32>
      %swap3A_1744 = arith.constant 8 : i32
      %swap3A_1745 = arith.index_cast %swap3A_1744 : i32 to index
      %swap3A_1746 = arith.constant 2048 : index
      %swap3A_1747 = tpu.vector_load %arg10[%swap3A_1745, %swap3A_1746] {strides = array<i32>} : memref<16x2112xf32, #tpu.memory_space<vmem>>, vector<1x16xf32>,
      %swap3A_1748 = vector.shape_cast %swap3A_1747 : vector<1x16xf32> to vector<16xf32>
      %swap3A_1749 = vector.shape_cast %get3A_1743 : vector<16xf32> to vector<1x16xf32>
      tpu.vector_store %arg10[%swap3A_1745, %swap3A_1746], %swap3A_1749 {strides = array<i32>} : memref<16x2112xf32, #tpu.memory_space<vmem>>, vector<1x16xf32>,
      %add3A_1750 = arith.constant 16 : i32
      %add3A_1751 = arith.addi %mul3A_1736, %add3A_1750 : i32
      %get3A_1752 = arith.constant 8 : i32
      %get3A_1753 = arith.index_cast %get3A_1752 : i32 to index
      %get3A_1754 = arith.index_cast %add3A_1751 : i32 to index
      %get3A_1755 = tpu.vector_load %arg12[%get3A_1753, %get3A_1754] {strides = array<i32>} : memref<16x128xf32, #tpu.memory_space<vmem>>, vector<1x16xf32>,
      %get3A_1756 = vector.shape_cast %get3A_1755 : vector<1x16xf32> to vector<16xf32>
      %swap3A_1757 = arith.constant 8 : i32
      %swap3A_1758 = arith.index_cast %swap3A_1757 : i32 to index
      %swap3A_1759 = arith.constant 2064 : index
      %swap3A_1760 = tpu.vector_load %arg10[%swap3A_1758, %swap3A_1759] {strides = array<i32>} : memref<16x2112xf32, #tpu.memory_space<vmem>>, vector<1x16xf32>,
      %swap3A_1761 = vector.shape_cast %swap3A_1760 : vector<1x16xf32> to vector<16xf32>
      %swap3A_1762 = vector.shape_cast %get3A_1756 : vector<16xf32> to vector<1x16xf32>
      tpu.vector_store %arg10[%swap3A_1758, %swap3A_1759], %swap3A_1762 {strides = array<i32>} : memref<16x2112xf32, #tpu.memory_space<vmem>>, vector<1x16xf32>,
      %add3A_1763 = arith.constant 32 : i32
      %add3A_1764 = arith.addi %mul3A_1736, %add3A_1763 : i32
      %get3A_1765 = arith.constant 8 : i32
      %get3A_1766 = arith.index_cast %get3A_1765 : i32 to index
      %get3A_1767 = arith.index_cast %add3A_1764 : i32 to index
      %get3A_1768 = tpu.vector_load %arg12[%get3A_1766, %get3A_1767] {strides = array<i32>} : memref<16x128xf32, #tpu.memory_space<vmem>>, vector<1x16xf32>,
      %get3A_1769 = vector.shape_cast %get3A_1768 : vector<1x16xf32> to vector<16xf32>
      %swap3A_1770 = arith.constant 8 : i32
      %swap3A_1771 = arith.index_cast %swap3A_1770 : i32 to index
      %swap3A_1772 = arith.constant 2080 : index
      %swap3A_1773 = tpu.vector_load %arg10[%swap3A_1771, %swap3A_1772] {strides = array<i32>} : memref<16x2112xf32, #tpu.memory_space<vmem>>, vector<1x16xf32>,
      %swap3A_1774 = vector.shape_cast %swap3A_1773 : vector<1x16xf32> to vector<16xf32>
      %swap3A_1775 = vector.shape_cast %get3A_1769 : vector<16xf32> to vector<1x16xf32>
      tpu.vector_store %arg10[%swap3A_1771, %swap3A_1772], %swap3A_1775 {strides = array<i32>} : memref<16x2112xf32, #tpu.memory_space<vmem>>, vector<1x16xf32>,
      %add3A_1776 = arith.constant 48 : i32
      %add3A_1777 = arith.addi %mul3A_1736, %add3A_1776 : i32
      %get3A_1778 = arith.constant 8 : i32
      %get3A_1779 = arith.index_cast %get3A_1778 : i32 to index
      %get3A_1780 = arith.index_cast %add3A_1777 : i32 to index
      %get3A_1781 = tpu.vector_load %arg12[%get3A_1779, %get3A_1780] {strides = array<i32>} : memref<16x128xf32, #tpu.memory_space<vmem>>, vector<1x16xf32>,
      %get3A_1782 = vector.shape_cast %get3A_1781 : vector<1x16xf32> to vector<16xf32>
      %swap3A_1783 = arith.constant 8 : i32
      %swap3A_1784 = arith.index_cast %swap3A_1783 : i32 to index
      %swap3A_1785 = arith.constant 2096 : index
      %swap3A_1786 = tpu.vector_load %arg10[%swap3A_1784, %swap3A_1785] {strides = array<i32>} : memref<16x2112xf32, #tpu.memory_space<vmem>>, vector<1x16xf32>,
      %swap3A_1787 = vector.shape_cast %swap3A_1786 : vector<1x16xf32> to vector<16xf32>
      %swap3A_1788 = vector.shape_cast %get3A_1782 : vector<16xf32> to vector<1x16xf32>
      tpu.vector_store %arg10[%swap3A_1784, %swap3A_1785], %swap3A_1788 {strides = array<i32>} : memref<16x2112xf32, #tpu.memory_space<vmem>>, vector<1x16xf32>,
      %slice3A_1789 = vector.extract_strided_slice %sub3A_1208 {offsets = [8], sizes = [1], strides = [1]} : vector<16xi32> to vector<1xi32>
      %squeeze3A_1790 = vector.extract %slice3A_1789[0] : i32 from vector<1xi32>
      %le3A_1791 = arith.constant 0 : i32
      %le3A_1792 = arith.cmpi sle, %squeeze3A_1790, %le3A_1791 : i32
      %convert_element_type3A_1793 = arith.extui %le3A_1792 : i1 to i32
      %cond3A_1794 = arith.constant 0 : i32
      %cond3A_1795 = arith.cmpi ne, %convert_element_type3A_1793, %cond3A_1794 : i32
      scf.if %cond3A_1795 {
        %scan3A_2259 = arith.constant 0 : i32
        %scan3A_2260 = arith.constant 0 : i32
        %scan3A_2261 = arith.constant 132 : i32
        %scan3A_2262 = arith.addi %scan3A_2260, %scan3A_2261 : i32
        %scan3A_2263 = arith.constant 1 : i32
        %scan3A_2264 = scf.for %scan3A_2266 = %scan3A_2260 to %scan3A_2262 step %scan3A_2263 iter_args(%scan3A_2267 = %scan3A_2259) -> (i32)  : i32 {
          %mul3A_2268 = arith.constant 16 : i32
          %mul3A_2269 = arith.muli %scan3A_2266, %mul3A_2268 : i32
          %swap3A_2270 = arith.constant 8 : i32
          %swap3A_2271 = arith.index_cast %swap3A_2270 : i32 to index
          %swap3A_2272 = arith.index_cast %mul3A_2269 : i32 to index
          %swap3A_2273 = tpu.vector_load %arg10[%swap3A_2271, %swap3A_2272] {strides = array<i32>} : memref<16x2112xf32, #tpu.memory_space<vmem>>, vector<1x16xf32>,
          %swap3A_2274 = vector.shape_cast %swap3A_2273 : vector<1x16xf32> to vector<16xf32>
          %swap3A_2275 = vector.shape_cast %broadcast_in_dim3A_1210 : vector<16xf32> to vector<1x16xf32>
          tpu.vector_store %arg10[%swap3A_2271, %swap3A_2272], %swap3A_2275 {strides = array<i32>} : memref<16x2112xf32, #tpu.memory_space<vmem>>, vector<1x16xf32>,
          %scan3A_2276 = arith.constant 0 : i32
          scf.yield %scan3A_2276 : i32
        }
        %scan3A_2265 = arith.constant 132 : i32
      } else {
      }
      %slice3A_1796 = vector.extract_strided_slice %get3A_1201 {offsets = [9], sizes = [1], strides = [1]} : vector<16xi32> to vector<1xi32>
      %squeeze3A_1797 = vector.extract %slice3A_1796[0] : i32 from vector<1xi32>
      %and3A_1798 = arith.constant 1 : i32
      %and3A_1799 = arith.andi %squeeze3A_1797, %and3A_1798 : i32
      %mul3A_1800 = arith.constant 64 : i32
      %mul3A_1801 = arith.muli %and3A_1799, %mul3A_1800 : i32
      %add3A_1802 = arith.constant 0 : i32
      %add3A_1803 = arith.addi %mul3A_1801, %add3A_1802 : i32
      %get3A_1804 = arith.constant 9 : i32
      %get3A_1805 = arith.index_cast %get3A_1804 : i32 to index
      %get3A_1806 = arith.index_cast %add3A_1803 : i32 to index
      %get3A_1807 = tpu.vector_load %arg12[%get3A_1805, %get3A_1806] {strides = array<i32>} : memref<16x128xf32, #tpu.memory_space<vmem>>, vector<1x16xf32>,
      %get3A_1808 = vector.shape_cast %get3A_1807 : vector<1x16xf32> to vector<16xf32>
      %swap3A_1809 = arith.constant 9 : i32
      %swap3A_1810 = arith.index_cast %swap3A_1809 : i32 to index
      %swap3A_1811 = arith.constant 2048 : index
      %swap3A_1812 = tpu.vector_load %arg10[%swap3A_1810, %swap3A_1811] {strides = array<i32>} : memref<16x2112xf32, #tpu.memory_space<vmem>>, vector<1x16xf32>,
      %swap3A_1813 = vector.shape_cast %swap3A_1812 : vector<1x16xf32> to vector<16xf32>
      %swap3A_1814 = vector.shape_cast %get3A_1808 : vector<16xf32> to vector<1x16xf32>
      tpu.vector_store %arg10[%swap3A_1810, %swap3A_1811], %swap3A_1814 {strides = array<i32>} : memref<16x2112xf32, #tpu.memory_space<vmem>>, vector<1x16xf32>,
      %add3A_1815 = arith.constant 16 : i32
      %add3A_1816 = arith.addi %mul3A_1801, %add3A_1815 : i32
      %get3A_1817 = arith.constant 9 : i32
      %get3A_1818 = arith.index_cast %get3A_1817 : i32 to index
      %get3A_1819 = arith.index_cast %add3A_1816 : i32 to index
      %get3A_1820 = tpu.vector_load %arg12[%get3A_1818, %get3A_1819] {strides = array<i32>} : memref<16x128xf32, #tpu.memory_space<vmem>>, vector<1x16xf32>,
      %get3A_1821 = vector.shape_cast %get3A_1820 : vector<1x16xf32> to vector<16xf32>
      %swap3A_1822 = arith.constant 9 : i32
      %swap3A_1823 = arith.index_cast %swap3A_1822 : i32 to index
      %swap3A_1824 = arith.constant 2064 : index
      %swap3A_1825 = tpu.vector_load %arg10[%swap3A_1823, %swap3A_1824] {strides = array<i32>} : memref<16x2112xf32, #tpu.memory_space<vmem>>, vector<1x16xf32>,
      %swap3A_1826 = vector.shape_cast %swap3A_1825 : vector<1x16xf32> to vector<16xf32>
      %swap3A_1827 = vector.shape_cast %get3A_1821 : vector<16xf32> to vector<1x16xf32>
      tpu.vector_store %arg10[%swap3A_1823, %swap3A_1824], %swap3A_1827 {strides = array<i32>} : memref<16x2112xf32, #tpu.memory_space<vmem>>, vector<1x16xf32>,
      %add3A_1828 = arith.constant 32 : i32
      %add3A_1829 = arith.addi %mul3A_1801, %add3A_1828 : i32
      %get3A_1830 = arith.constant 9 : i32
      %get3A_1831 = arith.index_cast %get3A_1830 : i32 to index
      %get3A_1832 = arith.index_cast %add3A_1829 : i32 to index
      %get3A_1833 = tpu.vector_load %arg12[%get3A_1831, %get3A_1832] {strides = array<i32>} : memref<16x128xf32, #tpu.memory_space<vmem>>, vector<1x16xf32>,
      %get3A_1834 = vector.shape_cast %get3A_1833 : vector<1x16xf32> to vector<16xf32>
      %swap3A_1835 = arith.constant 9 : i32
      %swap3A_1836 = arith.index_cast %swap3A_1835 : i32 to index
      %swap3A_1837 = arith.constant 2080 : index
      %swap3A_1838 = tpu.vector_load %arg10[%swap3A_1836, %swap3A_1837] {strides = array<i32>} : memref<16x2112xf32, #tpu.memory_space<vmem>>, vector<1x16xf32>,
      %swap3A_1839 = vector.shape_cast %swap3A_1838 : vector<1x16xf32> to vector<16xf32>
      %swap3A_1840 = vector.shape_cast %get3A_1834 : vector<16xf32> to vector<1x16xf32>
      tpu.vector_store %arg10[%swap3A_1836, %swap3A_1837], %swap3A_1840 {strides = array<i32>} : memref<16x2112xf32, #tpu.memory_space<vmem>>, vector<1x16xf32>,
      %add3A_1841 = arith.constant 48 : i32
      %add3A_1842 = arith.addi %mul3A_1801, %add3A_1841 : i32
      %get3A_1843 = arith.constant 9 : i32
      %get3A_1844 = arith.index_cast %get3A_1843 : i32 to index
      %get3A_1845 = arith.index_cast %add3A_1842 : i32 to index
      %get3A_1846 = tpu.vector_load %arg12[%get3A_1844, %get3A_1845] {strides = array<i32>} : memref<16x128xf32, #tpu.memory_space<vmem>>, vector<1x16xf32>,
      %get3A_1847 = vector.shape_cast %get3A_1846 : vector<1x16xf32> to vector<16xf32>
      %swap3A_1848 = arith.constant 9 : i32
      %swap3A_1849 = arith.index_cast %swap3A_1848 : i32 to index
      %swap3A_1850 = arith.constant 2096 : index
      %swap3A_1851 = tpu.vector_load %arg10[%swap3A_1849, %swap3A_1850] {strides = array<i32>} : memref<16x2112xf32, #tpu.memory_space<vmem>>, vector<1x16xf32>,
      %swap3A_1852 = vector.shape_cast %swap3A_1851 : vector<1x16xf32> to vector<16xf32>
      %swap3A_1853 = vector.shape_cast %get3A_1847 : vector<16xf32> to vector<1x16xf32>
      tpu.vector_store %arg10[%swap3A_1849, %swap3A_1850], %swap3A_1853 {strides = array<i32>} : memref<16x2112xf32, #tpu.memory_space<vmem>>, vector<1x16xf32>,
      %slice3A_1854 = vector.extract_strided_slice %sub3A_1208 {offsets = [9], sizes = [1], strides = [1]} : vector<16xi32> to vector<1xi32>
      %squeeze3A_1855 = vector.extract %slice3A_1854[0] : i32 from vector<1xi32>
      %le3A_1856 = arith.constant 0 : i32
      %le3A_1857 = arith.cmpi sle, %squeeze3A_1855, %le3A_1856 : i32
      %convert_element_type3A_1858 = arith.extui %le3A_1857 : i1 to i32
      %cond3A_1859 = arith.constant 0 : i32
      %cond3A_1860 = arith.cmpi ne, %convert_element_type3A_1858, %cond3A_1859 : i32
      scf.if %cond3A_1860 {
        %scan3A_2259 = arith.constant 0 : i32
        %scan3A_2260 = arith.constant 0 : i32
        %scan3A_2261 = arith.constant 132 : i32
        %scan3A_2262 = arith.addi %scan3A_2260, %scan3A_2261 : i32
        %scan3A_2263 = arith.constant 1 : i32
        %scan3A_2264 = scf.for %scan3A_2266 = %scan3A_2260 to %scan3A_2262 step %scan3A_2263 iter_args(%scan3A_2267 = %scan3A_2259) -> (i32)  : i32 {
          %mul3A_2268 = arith.constant 16 : i32
          %mul3A_2269 = arith.muli %scan3A_2266, %mul3A_2268 : i32
          %swap3A_2270 = arith.constant 9 : i32
          %swap3A_2271 = arith.index_cast %swap3A_2270 : i32 to index
          %swap3A_2272 = arith.index_cast %mul3A_2269 : i32 to index
          %swap3A_2273 = tpu.vector_load %arg10[%swap3A_2271, %swap3A_2272] {strides = array<i32>} : memref<16x2112xf32, #tpu.memory_space<vmem>>, vector<1x16xf32>,
          %swap3A_2274 = vector.shape_cast %swap3A_2273 : vector<1x16xf32> to vector<16xf32>
          %swap3A_2275 = vector.shape_cast %broadcast_in_dim3A_1210 : vector<16xf32> to vector<1x16xf32>
          tpu.vector_store %arg10[%swap3A_2271, %swap3A_2272], %swap3A_2275 {strides = array<i32>} : memref<16x2112xf32, #tpu.memory_space<vmem>>, vector<1x16xf32>,
          %scan3A_2276 = arith.constant 0 : i32
          scf.yield %scan3A_2276 : i32
        }
        %scan3A_2265 = arith.constant 132 : i32
      } else {
      }
      %slice3A_1861 = vector.extract_strided_slice %get3A_1201 {offsets = [10], sizes = [1], strides = [1]} : vector<16xi32> to vector<1xi32>
      %squeeze3A_1862 = vector.extract %slice3A_1861[0] : i32 from vector<1xi32>
      %and3A_1863 = arith.constant 1 : i32
      %and3A_1864 = arith.andi %squeeze3A_1862, %and3A_1863 : i32
      %mul3A_1865 = arith.constant 64 : i32
      %mul3A_1866 = arith.muli %and3A_1864, %mul3A_1865 : i32
      %add3A_1867 = arith.constant 0 : i32
      %add3A_1868 = arith.addi %mul3A_1866, %add3A_1867 : i32
      %get3A_1869 = arith.constant 10 : i32
      %get3A_1870 = arith.index_cast %get3A_1869 : i32 to index
      %get3A_1871 = arith.index_cast %add3A_1868 : i32 to index
      %get3A_1872 = tpu.vector_load %arg12[%get3A_1870, %get3A_1871] {strides = array<i32>} : memref<16x128xf32, #tpu.memory_space<vmem>>, vector<1x16xf32>,
      %get3A_1873 = vector.shape_cast %get3A_1872 : vector<1x16xf32> to vector<16xf32>
      %swap3A_1874 = arith.constant 10 : i32
      %swap3A_1875 = arith.index_cast %swap3A_1874 : i32 to index
      %swap3A_1876 = arith.constant 2048 : index
      %swap3A_1877 = tpu.vector_load %arg10[%swap3A_1875, %swap3A_1876] {strides = array<i32>} : memref<16x2112xf32, #tpu.memory_space<vmem>>, vector<1x16xf32>,
      %swap3A_1878 = vector.shape_cast %swap3A_1877 : vector<1x16xf32> to vector<16xf32>
      %swap3A_1879 = vector.shape_cast %get3A_1873 : vector<16xf32> to vector<1x16xf32>
      tpu.vector_store %arg10[%swap3A_1875, %swap3A_1876], %swap3A_1879 {strides = array<i32>} : memref<16x2112xf32, #tpu.memory_space<vmem>>, vector<1x16xf32>,
      %add3A_1880 = arith.constant 16 : i32
      %add3A_1881 = arith.addi %mul3A_1866, %add3A_1880 : i32
      %get3A_1882 = arith.constant 10 : i32
      %get3A_1883 = arith.index_cast %get3A_1882 : i32 to index
      %get3A_1884 = arith.index_cast %add3A_1881 : i32 to index
      %get3A_1885 = tpu.vector_load %arg12[%get3A_1883, %get3A_1884] {strides = array<i32>} : memref<16x128xf32, #tpu.memory_space<vmem>>, vector<1x16xf32>,
      %get3A_1886 = vector.shape_cast %get3A_1885 : vector<1x16xf32> to vector<16xf32>
      %swap3A_1887 = arith.constant 10 : i32
      %swap3A_1888 = arith.index_cast %swap3A_1887 : i32 to index
      %swap3A_1889 = arith.constant 2064 : index
      %swap3A_1890 = tpu.vector_load %arg10[%swap3A_1888, %swap3A_1889] {strides = array<i32>} : memref<16x2112xf32, #tpu.memory_space<vmem>>, vector<1x16xf32>,
      %swap3A_1891 = vector.shape_cast %swap3A_1890 : vector<1x16xf32> to vector<16xf32>
      %swap3A_1892 = vector.shape_cast %get3A_1886 : vector<16xf32> to vector<1x16xf32>
      tpu.vector_store %arg10[%swap3A_1888, %swap3A_1889], %swap3A_1892 {strides = array<i32>} : memref<16x2112xf32, #tpu.memory_space<vmem>>, vector<1x16xf32>,
      %add3A_1893 = arith.constant 32 : i32
      %add3A_1894 = arith.addi %mul3A_1866, %add3A_1893 : i32
      %get3A_1895 = arith.constant 10 : i32
      %get3A_1896 = arith.index_cast %get3A_1895 : i32 to index
      %get3A_1897 = arith.index_cast %add3A_1894 : i32 to index
      %get3A_1898 = tpu.vector_load %arg12[%get3A_1896, %get3A_1897] {strides = array<i32>} : memref<16x128xf32, #tpu.memory_space<vmem>>, vector<1x16xf32>,
      %get3A_1899 = vector.shape_cast %get3A_1898 : vector<1x16xf32> to vector<16xf32>
      %swap3A_1900 = arith.constant 10 : i32
      %swap3A_1901 = arith.index_cast %swap3A_1900 : i32 to index
      %swap3A_1902 = arith.constant 2080 : index
      %swap3A_1903 = tpu.vector_load %arg10[%swap3A_1901, %swap3A_1902] {strides = array<i32>} : memref<16x2112xf32, #tpu.memory_space<vmem>>, vector<1x16xf32>,
      %swap3A_1904 = vector.shape_cast %swap3A_1903 : vector<1x16xf32> to vector<16xf32>
      %swap3A_1905 = vector.shape_cast %get3A_1899 : vector<16xf32> to vector<1x16xf32>
      tpu.vector_store %arg10[%swap3A_1901, %swap3A_1902], %swap3A_1905 {strides = array<i32>} : memref<16x2112xf32, #tpu.memory_space<vmem>>, vector<1x16xf32>,
      %add3A_1906 = arith.constant 48 : i32
      %add3A_1907 = arith.addi %mul3A_1866, %add3A_1906 : i32
      %get3A_1908 = arith.constant 10 : i32
      %get3A_1909 = arith.index_cast %get3A_1908 : i32 to index
      %get3A_1910 = arith.index_cast %add3A_1907 : i32 to index
      %get3A_1911 = tpu.vector_load %arg12[%get3A_1909, %get3A_1910] {strides = array<i32>} : memref<16x128xf32, #tpu.memory_space<vmem>>, vector<1x16xf32>,
      %get3A_1912 = vector.shape_cast %get3A_1911 : vector<1x16xf32> to vector<16xf32>
      %swap3A_1913 = arith.constant 10 : i32
      %swap3A_1914 = arith.index_cast %swap3A_1913 : i32 to index
      %swap3A_1915 = arith.constant 2096 : index
      %swap3A_1916 = tpu.vector_load %arg10[%swap3A_1914, %swap3A_1915] {strides = array<i32>} : memref<16x2112xf32, #tpu.memory_space<vmem>>, vector<1x16xf32>,
      %swap3A_1917 = vector.shape_cast %swap3A_1916 : vector<1x16xf32> to vector<16xf32>
      %swap3A_1918 = vector.shape_cast %get3A_1912 : vector<16xf32> to vector<1x16xf32>
      tpu.vector_store %arg10[%swap3A_1914, %swap3A_1915], %swap3A_1918 {strides = array<i32>} : memref<16x2112xf32, #tpu.memory_space<vmem>>, vector<1x16xf32>,
      %slice3A_1919 = vector.extract_strided_slice %sub3A_1208 {offsets = [10], sizes = [1], strides = [1]} : vector<16xi32> to vector<1xi32>
      %squeeze3A_1920 = vector.extract %slice3A_1919[0] : i32 from vector<1xi32>
      %le3A_1921 = arith.constant 0 : i32
      %le3A_1922 = arith.cmpi sle, %squeeze3A_1920, %le3A_1921 : i32
      %convert_element_type3A_1923 = arith.extui %le3A_1922 : i1 to i32
      %cond3A_1924 = arith.constant 0 : i32
      %cond3A_1925 = arith.cmpi ne, %convert_element_type3A_1923, %cond3A_1924 : i32
      scf.if %cond3A_1925 {
        %scan3A_2259 = arith.constant 0 : i32
        %scan3A_2260 = arith.constant 0 : i32
        %scan3A_2261 = arith.constant 132 : i32
        %scan3A_2262 = arith.addi %scan3A_2260, %scan3A_2261 : i32
        %scan3A_2263 = arith.constant 1 : i32
        %scan3A_2264 = scf.for %scan3A_2266 = %scan3A_2260 to %scan3A_2262 step %scan3A_2263 iter_args(%scan3A_2267 = %scan3A_2259) -> (i32)  : i32 {
          %mul3A_2268 = arith.constant 16 : i32
          %mul3A_2269 = arith.muli %scan3A_2266, %mul3A_2268 : i32
          %swap3A_2270 = arith.constant 10 : i32
          %swap3A_2271 = arith.index_cast %swap3A_2270 : i32 to index
          %swap3A_2272 = arith.index_cast %mul3A_2269 : i32 to index
          %swap3A_2273 = tpu.vector_load %arg10[%swap3A_2271, %swap3A_2272] {strides = array<i32>} : memref<16x2112xf32, #tpu.memory_space<vmem>>, vector<1x16xf32>,
          %swap3A_2274 = vector.shape_cast %swap3A_2273 : vector<1x16xf32> to vector<16xf32>
          %swap3A_2275 = vector.shape_cast %broadcast_in_dim3A_1210 : vector<16xf32> to vector<1x16xf32>
          tpu.vector_store %arg10[%swap3A_2271, %swap3A_2272], %swap3A_2275 {strides = array<i32>} : memref<16x2112xf32, #tpu.memory_space<vmem>>, vector<1x16xf32>,
          %scan3A_2276 = arith.constant 0 : i32
          scf.yield %scan3A_2276 : i32
        }
        %scan3A_2265 = arith.constant 132 : i32
      } else {
      }
      %slice3A_1926 = vector.extract_strided_slice %get3A_1201 {offsets = [11], sizes = [1], strides = [1]} : vector<16xi32> to vector<1xi32>
      %squeeze3A_1927 = vector.extract %slice3A_1926[0] : i32 from vector<1xi32>
      %and3A_1928 = arith.constant 1 : i32
      %and3A_1929 = arith.andi %squeeze3A_1927, %and3A_1928 : i32
      %mul3A_1930 = arith.constant 64 : i32
      %mul3A_1931 = arith.muli %and3A_1929, %mul3A_1930 : i32
      %add3A_1932 = arith.constant 0 : i32
      %add3A_1933 = arith.addi %mul3A_1931, %add3A_1932 : i32
      %get3A_1934 = arith.constant 11 : i32
      %get3A_1935 = arith.index_cast %get3A_1934 : i32 to index
      %get3A_1936 = arith.index_cast %add3A_1933 : i32 to index
      %get3A_1937 = tpu.vector_load %arg12[%get3A_1935, %get3A_1936] {strides = array<i32>} : memref<16x128xf32, #tpu.memory_space<vmem>>, vector<1x16xf32>,
      %get3A_1938 = vector.shape_cast %get3A_1937 : vector<1x16xf32> to vector<16xf32>
      %swap3A_1939 = arith.constant 11 : i32
      %swap3A_1940 = arith.index_cast %swap3A_1939 : i32 to index
      %swap3A_1941 = arith.constant 2048 : index
      %swap3A_1942 = tpu.vector_load %arg10[%swap3A_1940, %swap3A_1941] {strides = array<i32>} : memref<16x2112xf32, #tpu.memory_space<vmem>>, vector<1x16xf32>,
      %swap3A_1943 = vector.shape_cast %swap3A_1942 : vector<1x16xf32> to vector<16xf32>
      %swap3A_1944 = vector.shape_cast %get3A_1938 : vector<16xf32> to vector<1x16xf32>
      tpu.vector_store %arg10[%swap3A_1940, %swap3A_1941], %swap3A_1944 {strides = array<i32>} : memref<16x2112xf32, #tpu.memory_space<vmem>>, vector<1x16xf32>,
      %add3A_1945 = arith.constant 16 : i32
      %add3A_1946 = arith.addi %mul3A_1931, %add3A_1945 : i32
      %get3A_1947 = arith.constant 11 : i32
      %get3A_1948 = arith.index_cast %get3A_1947 : i32 to index
      %get3A_1949 = arith.index_cast %add3A_1946 : i32 to index
      %get3A_1950 = tpu.vector_load %arg12[%get3A_1948, %get3A_1949] {strides = array<i32>} : memref<16x128xf32, #tpu.memory_space<vmem>>, vector<1x16xf32>,
      %get3A_1951 = vector.shape_cast %get3A_1950 : vector<1x16xf32> to vector<16xf32>
      %swap3A_1952 = arith.constant 11 : i32
      %swap3A_1953 = arith.index_cast %swap3A_1952 : i32 to index
      %swap3A_1954 = arith.constant 2064 : index
      %swap3A_1955 = tpu.vector_load %arg10[%swap3A_1953, %swap3A_1954] {strides = array<i32>} : memref<16x2112xf32, #tpu.memory_space<vmem>>, vector<1x16xf32>,
      %swap3A_1956 = vector.shape_cast %swap3A_1955 : vector<1x16xf32> to vector<16xf32>
      %swap3A_1957 = vector.shape_cast %get3A_1951 : vector<16xf32> to vector<1x16xf32>
      tpu.vector_store %arg10[%swap3A_1953, %swap3A_1954], %swap3A_1957 {strides = array<i32>} : memref<16x2112xf32, #tpu.memory_space<vmem>>, vector<1x16xf32>,
      %add3A_1958 = arith.constant 32 : i32
      %add3A_1959 = arith.addi %mul3A_1931, %add3A_1958 : i32
      %get3A_1960 = arith.constant 11 : i32
      %get3A_1961 = arith.index_cast %get3A_1960 : i32 to index
      %get3A_1962 = arith.index_cast %add3A_1959 : i32 to index
      %get3A_1963 = tpu.vector_load %arg12[%get3A_1961, %get3A_1962] {strides = array<i32>} : memref<16x128xf32, #tpu.memory_space<vmem>>, vector<1x16xf32>,
      %get3A_1964 = vector.shape_cast %get3A_1963 : vector<1x16xf32> to vector<16xf32>
      %swap3A_1965 = arith.constant 11 : i32
      %swap3A_1966 = arith.index_cast %swap3A_1965 : i32 to index
      %swap3A_1967 = arith.constant 2080 : index
      %swap3A_1968 = tpu.vector_load %arg10[%swap3A_1966, %swap3A_1967] {strides = array<i32>} : memref<16x2112xf32, #tpu.memory_space<vmem>>, vector<1x16xf32>,
      %swap3A_1969 = vector.shape_cast %swap3A_1968 : vector<1x16xf32> to vector<16xf32>
      %swap3A_1970 = vector.shape_cast %get3A_1964 : vector<16xf32> to vector<1x16xf32>
      tpu.vector_store %arg10[%swap3A_1966, %swap3A_1967], %swap3A_1970 {strides = array<i32>} : memref<16x2112xf32, #tpu.memory_space<vmem>>, vector<1x16xf32>,
      %add3A_1971 = arith.constant 48 : i32
      %add3A_1972 = arith.addi %mul3A_1931, %add3A_1971 : i32
      %get3A_1973 = arith.constant 11 : i32
      %get3A_1974 = arith.index_cast %get3A_1973 : i32 to index
      %get3A_1975 = arith.index_cast %add3A_1972 : i32 to index
      %get3A_1976 = tpu.vector_load %arg12[%get3A_1974, %get3A_1975] {strides = array<i32>} : memref<16x128xf32, #tpu.memory_space<vmem>>, vector<1x16xf32>,
      %get3A_1977 = vector.shape_cast %get3A_1976 : vector<1x16xf32> to vector<16xf32>
      %swap3A_1978 = arith.constant 11 : i32
      %swap3A_1979 = arith.index_cast %swap3A_1978 : i32 to index
      %swap3A_1980 = arith.constant 2096 : index
      %swap3A_1981 = tpu.vector_load %arg10[%swap3A_1979, %swap3A_1980] {strides = array<i32>} : memref<16x2112xf32, #tpu.memory_space<vmem>>, vector<1x16xf32>,
      %swap3A_1982 = vector.shape_cast %swap3A_1981 : vector<1x16xf32> to vector<16xf32>
      %swap3A_1983 = vector.shape_cast %get3A_1977 : vector<16xf32> to vector<1x16xf32>
      tpu.vector_store %arg10[%swap3A_1979, %swap3A_1980], %swap3A_1983 {strides = array<i32>} : memref<16x2112xf32, #tpu.memory_space<vmem>>, vector<1x16xf32>,
      %slice3A_1984 = vector.extract_strided_slice %sub3A_1208 {offsets = [11], sizes = [1], strides = [1]} : vector<16xi32> to vector<1xi32>
      %squeeze3A_1985 = vector.extract %slice3A_1984[0] : i32 from vector<1xi32>
      %le3A_1986 = arith.constant 0 : i32
      %le3A_1987 = arith.cmpi sle, %squeeze3A_1985, %le3A_1986 : i32
      %convert_element_type3A_1988 = arith.extui %le3A_1987 : i1 to i32
      %cond3A_1989 = arith.constant 0 : i32
      %cond3A_1990 = arith.cmpi ne, %convert_element_type3A_1988, %cond3A_1989 : i32
      scf.if %cond3A_1990 {
        %scan3A_2259 = arith.constant 0 : i32
        %scan3A_2260 = arith.constant 0 : i32
        %scan3A_2261 = arith.constant 132 : i32
        %scan3A_2262 = arith.addi %scan3A_2260, %scan3A_2261 : i32
        %scan3A_2263 = arith.constant 1 : i32
        %scan3A_2264 = scf.for %scan3A_2266 = %scan3A_2260 to %scan3A_2262 step %scan3A_2263 iter_args(%scan3A_2267 = %scan3A_2259) -> (i32)  : i32 {
          %mul3A_2268 = arith.constant 16 : i32
          %mul3A_2269 = arith.muli %scan3A_2266, %mul3A_2268 : i32
          %swap3A_2270 = arith.constant 11 : i32
          %swap3A_2271 = arith.index_cast %swap3A_2270 : i32 to index
          %swap3A_2272 = arith.index_cast %mul3A_2269 : i32 to index
          %swap3A_2273 = tpu.vector_load %arg10[%swap3A_2271, %swap3A_2272] {strides = array<i32>} : memref<16x2112xf32, #tpu.memory_space<vmem>>, vector<1x16xf32>,
          %swap3A_2274 = vector.shape_cast %swap3A_2273 : vector<1x16xf32> to vector<16xf32>
          %swap3A_2275 = vector.shape_cast %broadcast_in_dim3A_1210 : vector<16xf32> to vector<1x16xf32>
          tpu.vector_store %arg10[%swap3A_2271, %swap3A_2272], %swap3A_2275 {strides = array<i32>} : memref<16x2112xf32, #tpu.memory_space<vmem>>, vector<1x16xf32>,
          %scan3A_2276 = arith.constant 0 : i32
          scf.yield %scan3A_2276 : i32
        }
        %scan3A_2265 = arith.constant 132 : i32
      } else {
      }
      %slice3A_1991 = vector.extract_strided_slice %get3A_1201 {offsets = [12], sizes = [1], strides = [1]} : vector<16xi32> to vector<1xi32>
      %squeeze3A_1992 = vector.extract %slice3A_1991[0] : i32 from vector<1xi32>
      %and3A_1993 = arith.constant 1 : i32
      %and3A_1994 = arith.andi %squeeze3A_1992, %and3A_1993 : i32
      %mul3A_1995 = arith.constant 64 : i32
      %mul3A_1996 = arith.muli %and3A_1994, %mul3A_1995 : i32
      %add3A_1997 = arith.constant 0 : i32
      %add3A_1998 = arith.addi %mul3A_1996, %add3A_1997 : i32
      %get3A_1999 = arith.constant 12 : i32
      %get3A_2000 = arith.index_cast %get3A_1999 : i32 to index
      %get3A_2001 = arith.index_cast %add3A_1998 : i32 to index
      %get3A_2002 = tpu.vector_load %arg12[%get3A_2000, %get3A_2001] {strides = array<i32>} : memref<16x128xf32, #tpu.memory_space<vmem>>, vector<1x16xf32>,
      %get3A_2003 = vector.shape_cast %get3A_2002 : vector<1x16xf32> to vector<16xf32>
      %swap3A_2004 = arith.constant 12 : i32
      %swap3A_2005 = arith.index_cast %swap3A_2004 : i32 to index
      %swap3A_2006 = arith.constant 2048 : index
      %swap3A_2007 = tpu.vector_load %arg10[%swap3A_2005, %swap3A_2006] {strides = array<i32>} : memref<16x2112xf32, #tpu.memory_space<vmem>>, vector<1x16xf32>,
      %swap3A_2008 = vector.shape_cast %swap3A_2007 : vector<1x16xf32> to vector<16xf32>
      %swap3A_2009 = vector.shape_cast %get3A_2003 : vector<16xf32> to vector<1x16xf32>
      tpu.vector_store %arg10[%swap3A_2005, %swap3A_2006], %swap3A_2009 {strides = array<i32>} : memref<16x2112xf32, #tpu.memory_space<vmem>>, vector<1x16xf32>,
      %add3A_2010 = arith.constant 16 : i32
      %add3A_2011 = arith.addi %mul3A_1996, %add3A_2010 : i32
      %get3A_2012 = arith.constant 12 : i32
      %get3A_2013 = arith.index_cast %get3A_2012 : i32 to index
      %get3A_2014 = arith.index_cast %add3A_2011 : i32 to index
      %get3A_2015 = tpu.vector_load %arg12[%get3A_2013, %get3A_2014] {strides = array<i32>} : memref<16x128xf32, #tpu.memory_space<vmem>>, vector<1x16xf32>,
      %get3A_2016 = vector.shape_cast %get3A_2015 : vector<1x16xf32> to vector<16xf32>
      %swap3A_2017 = arith.constant 12 : i32
      %swap3A_2018 = arith.index_cast %swap3A_2017 : i32 to index
      %swap3A_2019 = arith.constant 2064 : index
      %swap3A_2020 = tpu.vector_load %arg10[%swap3A_2018, %swap3A_2019] {strides = array<i32>} : memref<16x2112xf32, #tpu.memory_space<vmem>>, vector<1x16xf32>,
      %swap3A_2021 = vector.shape_cast %swap3A_2020 : vector<1x16xf32> to vector<16xf32>
      %swap3A_2022 = vector.shape_cast %get3A_2016 : vector<16xf32> to vector<1x16xf32>
      tpu.vector_store %arg10[%swap3A_2018, %swap3A_2019], %swap3A_2022 {strides = array<i32>} : memref<16x2112xf32, #tpu.memory_space<vmem>>, vector<1x16xf32>,
      %add3A_2023 = arith.constant 32 : i32
      %add3A_2024 = arith.addi %mul3A_1996, %add3A_2023 : i32
      %get3A_2025 = arith.constant 12 : i32
      %get3A_2026 = arith.index_cast %get3A_2025 : i32 to index
      %get3A_2027 = arith.index_cast %add3A_2024 : i32 to index
      %get3A_2028 = tpu.vector_load %arg12[%get3A_2026, %get3A_2027] {strides = array<i32>} : memref<16x128xf32, #tpu.memory_space<vmem>>, vector<1x16xf32>,
      %get3A_2029 = vector.shape_cast %get3A_2028 : vector<1x16xf32> to vector<16xf32>
      %swap3A_2030 = arith.constant 12 : i32
      %swap3A_2031 = arith.index_cast %swap3A_2030 : i32 to index
      %swap3A_2032 = arith.constant 2080 : index
      %swap3A_2033 = tpu.vector_load %arg10[%swap3A_2031, %swap3A_2032] {strides = array<i32>} : memref<16x2112xf32, #tpu.memory_space<vmem>>, vector<1x16xf32>,
      %swap3A_2034 = vector.shape_cast %swap3A_2033 : vector<1x16xf32> to vector<16xf32>
      %swap3A_2035 = vector.shape_cast %get3A_2029 : vector<16xf32> to vector<1x16xf32>
      tpu.vector_store %arg10[%swap3A_2031, %swap3A_2032], %swap3A_2035 {strides = array<i32>} : memref<16x2112xf32, #tpu.memory_space<vmem>>, vector<1x16xf32>,
      %add3A_2036 = arith.constant 48 : i32
      %add3A_2037 = arith.addi %mul3A_1996, %add3A_2036 : i32
      %get3A_2038 = arith.constant 12 : i32
      %get3A_2039 = arith.index_cast %get3A_2038 : i32 to index
      %get3A_2040 = arith.index_cast %add3A_2037 : i32 to index
      %get3A_2041 = tpu.vector_load %arg12[%get3A_2039, %get3A_2040] {strides = array<i32>} : memref<16x128xf32, #tpu.memory_space<vmem>>, vector<1x16xf32>,
      %get3A_2042 = vector.shape_cast %get3A_2041 : vector<1x16xf32> to vector<16xf32>
      %swap3A_2043 = arith.constant 12 : i32
      %swap3A_2044 = arith.index_cast %swap3A_2043 : i32 to index
      %swap3A_2045 = arith.constant 2096 : index
      %swap3A_2046 = tpu.vector_load %arg10[%swap3A_2044, %swap3A_2045] {strides = array<i32>} : memref<16x2112xf32, #tpu.memory_space<vmem>>, vector<1x16xf32>,
      %swap3A_2047 = vector.shape_cast %swap3A_2046 : vector<1x16xf32> to vector<16xf32>
      %swap3A_2048 = vector.shape_cast %get3A_2042 : vector<16xf32> to vector<1x16xf32>
      tpu.vector_store %arg10[%swap3A_2044, %swap3A_2045], %swap3A_2048 {strides = array<i32>} : memref<16x2112xf32, #tpu.memory_space<vmem>>, vector<1x16xf32>,
      %slice3A_2049 = vector.extract_strided_slice %sub3A_1208 {offsets = [12], sizes = [1], strides = [1]} : vector<16xi32> to vector<1xi32>
      %squeeze3A_2050 = vector.extract %slice3A_2049[0] : i32 from vector<1xi32>
      %le3A_2051 = arith.constant 0 : i32
      %le3A_2052 = arith.cmpi sle, %squeeze3A_2050, %le3A_2051 : i32
      %convert_element_type3A_2053 = arith.extui %le3A_2052 : i1 to i32
      %cond3A_2054 = arith.constant 0 : i32
      %cond3A_2055 = arith.cmpi ne, %convert_element_type3A_2053, %cond3A_2054 : i32
      scf.if %cond3A_2055 {
        %scan3A_2259 = arith.constant 0 : i32
        %scan3A_2260 = arith.constant 0 : i32
        %scan3A_2261 = arith.constant 132 : i32
        %scan3A_2262 = arith.addi %scan3A_2260, %scan3A_2261 : i32
        %scan3A_2263 = arith.constant 1 : i32
        %scan3A_2264 = scf.for %scan3A_2266 = %scan3A_2260 to %scan3A_2262 step %scan3A_2263 iter_args(%scan3A_2267 = %scan3A_2259) -> (i32)  : i32 {
          %mul3A_2268 = arith.constant 16 : i32
          %mul3A_2269 = arith.muli %scan3A_2266, %mul3A_2268 : i32
          %swap3A_2270 = arith.constant 12 : i32
          %swap3A_2271 = arith.index_cast %swap3A_2270 : i32 to index
          %swap3A_2272 = arith.index_cast %mul3A_2269 : i32 to index
          %swap3A_2273 = tpu.vector_load %arg10[%swap3A_2271, %swap3A_2272] {strides = array<i32>} : memref<16x2112xf32, #tpu.memory_space<vmem>>, vector<1x16xf32>,
          %swap3A_2274 = vector.shape_cast %swap3A_2273 : vector<1x16xf32> to vector<16xf32>
          %swap3A_2275 = vector.shape_cast %broadcast_in_dim3A_1210 : vector<16xf32> to vector<1x16xf32>
          tpu.vector_store %arg10[%swap3A_2271, %swap3A_2272], %swap3A_2275 {strides = array<i32>} : memref<16x2112xf32, #tpu.memory_space<vmem>>, vector<1x16xf32>,
          %scan3A_2276 = arith.constant 0 : i32
          scf.yield %scan3A_2276 : i32
        }
        %scan3A_2265 = arith.constant 132 : i32
      } else {
      }
      %slice3A_2056 = vector.extract_strided_slice %get3A_1201 {offsets = [13], sizes = [1], strides = [1]} : vector<16xi32> to vector<1xi32>
      %squeeze3A_2057 = vector.extract %slice3A_2056[0] : i32 from vector<1xi32>
      %and3A_2058 = arith.constant 1 : i32
      %and3A_2059 = arith.andi %squeeze3A_2057, %and3A_2058 : i32
      %mul3A_2060 = arith.constant 64 : i32
      %mul3A_2061 = arith.muli %and3A_2059, %mul3A_2060 : i32
      %add3A_2062 = arith.constant 0 : i32
      %add3A_2063 = arith.addi %mul3A_2061, %add3A_2062 : i32
      %get3A_2064 = arith.constant 13 : i32
      %get3A_2065 = arith.index_cast %get3A_2064 : i32 to index
      %get3A_2066 = arith.index_cast %add3A_2063 : i32 to index
      %get3A_2067 = tpu.vector_load %arg12[%get3A_2065, %get3A_2066] {strides = array<i32>} : memref<16x128xf32, #tpu.memory_space<vmem>>, vector<1x16xf32>,
      %get3A_2068 = vector.shape_cast %get3A_2067 : vector<1x16xf32> to vector<16xf32>
      %swap3A_2069 = arith.constant 13 : i32
      %swap3A_2070 = arith.index_cast %swap3A_2069 : i32 to index
      %swap3A_2071 = arith.constant 2048 : index
      %swap3A_2072 = tpu.vector_load %arg10[%swap3A_2070, %swap3A_2071] {strides = array<i32>} : memref<16x2112xf32, #tpu.memory_space<vmem>>, vector<1x16xf32>,
      %swap3A_2073 = vector.shape_cast %swap3A_2072 : vector<1x16xf32> to vector<16xf32>
      %swap3A_2074 = vector.shape_cast %get3A_2068 : vector<16xf32> to vector<1x16xf32>
      tpu.vector_store %arg10[%swap3A_2070, %swap3A_2071], %swap3A_2074 {strides = array<i32>} : memref<16x2112xf32, #tpu.memory_space<vmem>>, vector<1x16xf32>,
      %add3A_2075 = arith.constant 16 : i32
      %add3A_2076 = arith.addi %mul3A_2061, %add3A_2075 : i32
      %get3A_2077 = arith.constant 13 : i32
      %get3A_2078 = arith.index_cast %get3A_2077 : i32 to index
      %get3A_2079 = arith.index_cast %add3A_2076 : i32 to index
      %get3A_2080 = tpu.vector_load %arg12[%get3A_2078, %get3A_2079] {strides = array<i32>} : memref<16x128xf32, #tpu.memory_space<vmem>>, vector<1x16xf32>,
      %get3A_2081 = vector.shape_cast %get3A_2080 : vector<1x16xf32> to vector<16xf32>
      %swap3A_2082 = arith.constant 13 : i32
      %swap3A_2083 = arith.index_cast %swap3A_2082 : i32 to index
      %swap3A_2084 = arith.constant 2064 : index
      %swap3A_2085 = tpu.vector_load %arg10[%swap3A_2083, %swap3A_2084] {strides = array<i32>} : memref<16x2112xf32, #tpu.memory_space<vmem>>, vector<1x16xf32>,
      %swap3A_2086 = vector.shape_cast %swap3A_2085 : vector<1x16xf32> to vector<16xf32>
      %swap3A_2087 = vector.shape_cast %get3A_2081 : vector<16xf32> to vector<1x16xf32>
      tpu.vector_store %arg10[%swap3A_2083, %swap3A_2084], %swap3A_2087 {strides = array<i32>} : memref<16x2112xf32, #tpu.memory_space<vmem>>, vector<1x16xf32>,
      %add3A_2088 = arith.constant 32 : i32
      %add3A_2089 = arith.addi %mul3A_2061, %add3A_2088 : i32
      %get3A_2090 = arith.constant 13 : i32
      %get3A_2091 = arith.index_cast %get3A_2090 : i32 to index
      %get3A_2092 = arith.index_cast %add3A_2089 : i32 to index
      %get3A_2093 = tpu.vector_load %arg12[%get3A_2091, %get3A_2092] {strides = array<i32>} : memref<16x128xf32, #tpu.memory_space<vmem>>, vector<1x16xf32>,
      %get3A_2094 = vector.shape_cast %get3A_2093 : vector<1x16xf32> to vector<16xf32>
      %swap3A_2095 = arith.constant 13 : i32
      %swap3A_2096 = arith.index_cast %swap3A_2095 : i32 to index
      %swap3A_2097 = arith.constant 2080 : index
      %swap3A_2098 = tpu.vector_load %arg10[%swap3A_2096, %swap3A_2097] {strides = array<i32>} : memref<16x2112xf32, #tpu.memory_space<vmem>>, vector<1x16xf32>,
      %swap3A_2099 = vector.shape_cast %swap3A_2098 : vector<1x16xf32> to vector<16xf32>
      %swap3A_2100 = vector.shape_cast %get3A_2094 : vector<16xf32> to vector<1x16xf32>
      tpu.vector_store %arg10[%swap3A_2096, %swap3A_2097], %swap3A_2100 {strides = array<i32>} : memref<16x2112xf32, #tpu.memory_space<vmem>>, vector<1x16xf32>,
      %add3A_2101 = arith.constant 48 : i32
      %add3A_2102 = arith.addi %mul3A_2061, %add3A_2101 : i32
      %get3A_2103 = arith.constant 13 : i32
      %get3A_2104 = arith.index_cast %get3A_2103 : i32 to index
      %get3A_2105 = arith.index_cast %add3A_2102 : i32 to index
      %get3A_2106 = tpu.vector_load %arg12[%get3A_2104, %get3A_2105] {strides = array<i32>} : memref<16x128xf32, #tpu.memory_space<vmem>>, vector<1x16xf32>,
      %get3A_2107 = vector.shape_cast %get3A_2106 : vector<1x16xf32> to vector<16xf32>
      %swap3A_2108 = arith.constant 13 : i32
      %swap3A_2109 = arith.index_cast %swap3A_2108 : i32 to index
      %swap3A_2110 = arith.constant 2096 : index
      %swap3A_2111 = tpu.vector_load %arg10[%swap3A_2109, %swap3A_2110] {strides = array<i32>} : memref<16x2112xf32, #tpu.memory_space<vmem>>, vector<1x16xf32>,
      %swap3A_2112 = vector.shape_cast %swap3A_2111 : vector<1x16xf32> to vector<16xf32>
      %swap3A_2113 = vector.shape_cast %get3A_2107 : vector<16xf32> to vector<1x16xf32>
      tpu.vector_store %arg10[%swap3A_2109, %swap3A_2110], %swap3A_2113 {strides = array<i32>} : memref<16x2112xf32, #tpu.memory_space<vmem>>, vector<1x16xf32>,
      %slice3A_2114 = vector.extract_strided_slice %sub3A_1208 {offsets = [13], sizes = [1], strides = [1]} : vector<16xi32> to vector<1xi32>
      %squeeze3A_2115 = vector.extract %slice3A_2114[0] : i32 from vector<1xi32>
      %le3A_2116 = arith.constant 0 : i32
      %le3A_2117 = arith.cmpi sle, %squeeze3A_2115, %le3A_2116 : i32
      %convert_element_type3A_2118 = arith.extui %le3A_2117 : i1 to i32
      %cond3A_2119 = arith.constant 0 : i32
      %cond3A_2120 = arith.cmpi ne, %convert_element_type3A_2118, %cond3A_2119 : i32
      scf.if %cond3A_2120 {
        %scan3A_2259 = arith.constant 0 : i32
        %scan3A_2260 = arith.constant 0 : i32
        %scan3A_2261 = arith.constant 132 : i32
        %scan3A_2262 = arith.addi %scan3A_2260, %scan3A_2261 : i32
        %scan3A_2263 = arith.constant 1 : i32
        %scan3A_2264 = scf.for %scan3A_2266 = %scan3A_2260 to %scan3A_2262 step %scan3A_2263 iter_args(%scan3A_2267 = %scan3A_2259) -> (i32)  : i32 {
          %mul3A_2268 = arith.constant 16 : i32
          %mul3A_2269 = arith.muli %scan3A_2266, %mul3A_2268 : i32
          %swap3A_2270 = arith.constant 13 : i32
          %swap3A_2271 = arith.index_cast %swap3A_2270 : i32 to index
          %swap3A_2272 = arith.index_cast %mul3A_2269 : i32 to index
          %swap3A_2273 = tpu.vector_load %arg10[%swap3A_2271, %swap3A_2272] {strides = array<i32>} : memref<16x2112xf32, #tpu.memory_space<vmem>>, vector<1x16xf32>,
          %swap3A_2274 = vector.shape_cast %swap3A_2273 : vector<1x16xf32> to vector<16xf32>
          %swap3A_2275 = vector.shape_cast %broadcast_in_dim3A_1210 : vector<16xf32> to vector<1x16xf32>
          tpu.vector_store %arg10[%swap3A_2271, %swap3A_2272], %swap3A_2275 {strides = array<i32>} : memref<16x2112xf32, #tpu.memory_space<vmem>>, vector<1x16xf32>,
          %scan3A_2276 = arith.constant 0 : i32
          scf.yield %scan3A_2276 : i32
        }
        %scan3A_2265 = arith.constant 132 : i32
      } else {
      }
      %slice3A_2121 = vector.extract_strided_slice %get3A_1201 {offsets = [14], sizes = [1], strides = [1]} : vector<16xi32> to vector<1xi32>
      %squeeze3A_2122 = vector.extract %slice3A_2121[0] : i32 from vector<1xi32>
      %and3A_2123 = arith.constant 1 : i32
      %and3A_2124 = arith.andi %squeeze3A_2122, %and3A_2123 : i32
      %mul3A_2125 = arith.constant 64 : i32
      %mul3A_2126 = arith.muli %and3A_2124, %mul3A_2125 : i32
      %add3A_2127 = arith.constant 0 : i32
      %add3A_2128 = arith.addi %mul3A_2126, %add3A_2127 : i32
      %get3A_2129 = arith.constant 14 : i32
      %get3A_2130 = arith.index_cast %get3A_2129 : i32 to index
      %get3A_2131 = arith.index_cast %add3A_2128 : i32 to index
      %get3A_2132 = tpu.vector_load %arg12[%get3A_2130, %get3A_2131] {strides = array<i32>} : memref<16x128xf32, #tpu.memory_space<vmem>>, vector<1x16xf32>,
      %get3A_2133 = vector.shape_cast %get3A_2132 : vector<1x16xf32> to vector<16xf32>
      %swap3A_2134 = arith.constant 14 : i32
      %swap3A_2135 = arith.index_cast %swap3A_2134 : i32 to index
      %swap3A_2136 = arith.constant 2048 : index
      %swap3A_2137 = tpu.vector_load %arg10[%swap3A_2135, %swap3A_2136] {strides = array<i32>} : memref<16x2112xf32, #tpu.memory_space<vmem>>, vector<1x16xf32>,
      %swap3A_2138 = vector.shape_cast %swap3A_2137 : vector<1x16xf32> to vector<16xf32>
      %swap3A_2139 = vector.shape_cast %get3A_2133 : vector<16xf32> to vector<1x16xf32>
      tpu.vector_store %arg10[%swap3A_2135, %swap3A_2136], %swap3A_2139 {strides = array<i32>} : memref<16x2112xf32, #tpu.memory_space<vmem>>, vector<1x16xf32>,
      %add3A_2140 = arith.constant 16 : i32
      %add3A_2141 = arith.addi %mul3A_2126, %add3A_2140 : i32
      %get3A_2142 = arith.constant 14 : i32
      %get3A_2143 = arith.index_cast %get3A_2142 : i32 to index
      %get3A_2144 = arith.index_cast %add3A_2141 : i32 to index
      %get3A_2145 = tpu.vector_load %arg12[%get3A_2143, %get3A_2144] {strides = array<i32>} : memref<16x128xf32, #tpu.memory_space<vmem>>, vector<1x16xf32>,
      %get3A_2146 = vector.shape_cast %get3A_2145 : vector<1x16xf32> to vector<16xf32>
      %swap3A_2147 = arith.constant 14 : i32
      %swap3A_2148 = arith.index_cast %swap3A_2147 : i32 to index
      %swap3A_2149 = arith.constant 2064 : index
      %swap3A_2150 = tpu.vector_load %arg10[%swap3A_2148, %swap3A_2149] {strides = array<i32>} : memref<16x2112xf32, #tpu.memory_space<vmem>>, vector<1x16xf32>,
      %swap3A_2151 = vector.shape_cast %swap3A_2150 : vector<1x16xf32> to vector<16xf32>
      %swap3A_2152 = vector.shape_cast %get3A_2146 : vector<16xf32> to vector<1x16xf32>
      tpu.vector_store %arg10[%swap3A_2148, %swap3A_2149], %swap3A_2152 {strides = array<i32>} : memref<16x2112xf32, #tpu.memory_space<vmem>>, vector<1x16xf32>,
      %add3A_2153 = arith.constant 32 : i32
      %add3A_2154 = arith.addi %mul3A_2126, %add3A_2153 : i32
      %get3A_2155 = arith.constant 14 : i32
      %get3A_2156 = arith.index_cast %get3A_2155 : i32 to index
      %get3A_2157 = arith.index_cast %add3A_2154 : i32 to index
      %get3A_2158 = tpu.vector_load %arg12[%get3A_2156, %get3A_2157] {strides = array<i32>} : memref<16x128xf32, #tpu.memory_space<vmem>>, vector<1x16xf32>,
      %get3A_2159 = vector.shape_cast %get3A_2158 : vector<1x16xf32> to vector<16xf32>
      %swap3A_2160 = arith.constant 14 : i32
      %swap3A_2161 = arith.index_cast %swap3A_2160 : i32 to index
      %swap3A_2162 = arith.constant 2080 : index
      %swap3A_2163 = tpu.vector_load %arg10[%swap3A_2161, %swap3A_2162] {strides = array<i32>} : memref<16x2112xf32, #tpu.memory_space<vmem>>, vector<1x16xf32>,
      %swap3A_2164 = vector.shape_cast %swap3A_2163 : vector<1x16xf32> to vector<16xf32>
      %swap3A_2165 = vector.shape_cast %get3A_2159 : vector<16xf32> to vector<1x16xf32>
      tpu.vector_store %arg10[%swap3A_2161, %swap3A_2162], %swap3A_2165 {strides = array<i32>} : memref<16x2112xf32, #tpu.memory_space<vmem>>, vector<1x16xf32>,
      %add3A_2166 = arith.constant 48 : i32
      %add3A_2167 = arith.addi %mul3A_2126, %add3A_2166 : i32
      %get3A_2168 = arith.constant 14 : i32
      %get3A_2169 = arith.index_cast %get3A_2168 : i32 to index
      %get3A_2170 = arith.index_cast %add3A_2167 : i32 to index
      %get3A_2171 = tpu.vector_load %arg12[%get3A_2169, %get3A_2170] {strides = array<i32>} : memref<16x128xf32, #tpu.memory_space<vmem>>, vector<1x16xf32>,
      %get3A_2172 = vector.shape_cast %get3A_2171 : vector<1x16xf32> to vector<16xf32>
      %swap3A_2173 = arith.constant 14 : i32
      %swap3A_2174 = arith.index_cast %swap3A_2173 : i32 to index
      %swap3A_2175 = arith.constant 2096 : index
      %swap3A_2176 = tpu.vector_load %arg10[%swap3A_2174, %swap3A_2175] {strides = array<i32>} : memref<16x2112xf32, #tpu.memory_space<vmem>>, vector<1x16xf32>,
      %swap3A_2177 = vector.shape_cast %swap3A_2176 : vector<1x16xf32> to vector<16xf32>
      %swap3A_2178 = vector.shape_cast %get3A_2172 : vector<16xf32> to vector<1x16xf32>
      tpu.vector_store %arg10[%swap3A_2174, %swap3A_2175], %swap3A_2178 {strides = array<i32>} : memref<16x2112xf32, #tpu.memory_space<vmem>>, vector<1x16xf32>,
      %slice3A_2179 = vector.extract_strided_slice %sub3A_1208 {offsets = [14], sizes = [1], strides = [1]} : vector<16xi32> to vector<1xi32>
      %squeeze3A_2180 = vector.extract %slice3A_2179[0] : i32 from vector<1xi32>
      %le3A_2181 = arith.constant 0 : i32
      %le3A_2182 = arith.cmpi sle, %squeeze3A_2180, %le3A_2181 : i32
      %convert_element_type3A_2183 = arith.extui %le3A_2182 : i1 to i32
      %cond3A_2184 = arith.constant 0 : i32
      %cond3A_2185 = arith.cmpi ne, %convert_element_type3A_2183, %cond3A_2184 : i32
      scf.if %cond3A_2185 {
        %scan3A_2259 = arith.constant 0 : i32
        %scan3A_2260 = arith.constant 0 : i32
        %scan3A_2261 = arith.constant 132 : i32
        %scan3A_2262 = arith.addi %scan3A_2260, %scan3A_2261 : i32
        %scan3A_2263 = arith.constant 1 : i32
        %scan3A_2264 = scf.for %scan3A_2266 = %scan3A_2260 to %scan3A_2262 step %scan3A_2263 iter_args(%scan3A_2267 = %scan3A_2259) -> (i32)  : i32 {
          %mul3A_2268 = arith.constant 16 : i32
          %mul3A_2269 = arith.muli %scan3A_2266, %mul3A_2268 : i32
          %swap3A_2270 = arith.constant 14 : i32
          %swap3A_2271 = arith.index_cast %swap3A_2270 : i32 to index
          %swap3A_2272 = arith.index_cast %mul3A_2269 : i32 to index
          %swap3A_2273 = tpu.vector_load %arg10[%swap3A_2271, %swap3A_2272] {strides = array<i32>} : memref<16x2112xf32, #tpu.memory_space<vmem>>, vector<1x16xf32>,
          %swap3A_2274 = vector.shape_cast %swap3A_2273 : vector<1x16xf32> to vector<16xf32>
          %swap3A_2275 = vector.shape_cast %broadcast_in_dim3A_1210 : vector<16xf32> to vector<1x16xf32>
          tpu.vector_store %arg10[%swap3A_2271, %swap3A_2272], %swap3A_2275 {strides = array<i32>} : memref<16x2112xf32, #tpu.memory_space<vmem>>, vector<1x16xf32>,
          %scan3A_2276 = arith.constant 0 : i32
          scf.yield %scan3A_2276 : i32
        }
        %scan3A_2265 = arith.constant 132 : i32
      } else {
      }
      %slice3A_2186 = vector.extract_strided_slice %get3A_1201 {offsets = [15], sizes = [1], strides = [1]} : vector<16xi32> to vector<1xi32>
      %squeeze3A_2187 = vector.extract %slice3A_2186[0] : i32 from vector<1xi32>
      %and3A_2188 = arith.constant 1 : i32
      %and3A_2189 = arith.andi %squeeze3A_2187, %and3A_2188 : i32
      %mul3A_2190 = arith.constant 64 : i32
      %mul3A_2191 = arith.muli %and3A_2189, %mul3A_2190 : i32
      %add3A_2192 = arith.constant 0 : i32
      %add3A_2193 = arith.addi %mul3A_2191, %add3A_2192 : i32
      %get3A_2194 = arith.constant 15 : i32
      %get3A_2195 = arith.index_cast %get3A_2194 : i32 to index
      %get3A_2196 = arith.index_cast %add3A_2193 : i32 to index
      %get3A_2197 = tpu.vector_load %arg12[%get3A_2195, %get3A_2196] {strides = array<i32>} : memref<16x128xf32, #tpu.memory_space<vmem>>, vector<1x16xf32>,
      %get3A_2198 = vector.shape_cast %get3A_2197 : vector<1x16xf32> to vector<16xf32>
      %swap3A_2199 = arith.constant 15 : i32
      %swap3A_2200 = arith.index_cast %swap3A_2199 : i32 to index
      %swap3A_2201 = arith.constant 2048 : index
      %swap3A_2202 = tpu.vector_load %arg10[%swap3A_2200, %swap3A_2201] {strides = array<i32>} : memref<16x2112xf32, #tpu.memory_space<vmem>>, vector<1x16xf32>,
      %swap3A_2203 = vector.shape_cast %swap3A_2202 : vector<1x16xf32> to vector<16xf32>
      %swap3A_2204 = vector.shape_cast %get3A_2198 : vector<16xf32> to vector<1x16xf32>
      tpu.vector_store %arg10[%swap3A_2200, %swap3A_2201], %swap3A_2204 {strides = array<i32>} : memref<16x2112xf32, #tpu.memory_space<vmem>>, vector<1x16xf32>,
      %add3A_2205 = arith.constant 16 : i32
      %add3A_2206 = arith.addi %mul3A_2191, %add3A_2205 : i32
      %get3A_2207 = arith.constant 15 : i32
      %get3A_2208 = arith.index_cast %get3A_2207 : i32 to index
      %get3A_2209 = arith.index_cast %add3A_2206 : i32 to index
      %get3A_2210 = tpu.vector_load %arg12[%get3A_2208, %get3A_2209] {strides = array<i32>} : memref<16x128xf32, #tpu.memory_space<vmem>>, vector<1x16xf32>,
      %get3A_2211 = vector.shape_cast %get3A_2210 : vector<1x16xf32> to vector<16xf32>
      %swap3A_2212 = arith.constant 15 : i32
      %swap3A_2213 = arith.index_cast %swap3A_2212 : i32 to index
      %swap3A_2214 = arith.constant 2064 : index
      %swap3A_2215 = tpu.vector_load %arg10[%swap3A_2213, %swap3A_2214] {strides = array<i32>} : memref<16x2112xf32, #tpu.memory_space<vmem>>, vector<1x16xf32>,
      %swap3A_2216 = vector.shape_cast %swap3A_2215 : vector<1x16xf32> to vector<16xf32>
      %swap3A_2217 = vector.shape_cast %get3A_2211 : vector<16xf32> to vector<1x16xf32>
      tpu.vector_store %arg10[%swap3A_2213, %swap3A_2214], %swap3A_2217 {strides = array<i32>} : memref<16x2112xf32, #tpu.memory_space<vmem>>, vector<1x16xf32>,
      %add3A_2218 = arith.constant 32 : i32
      %add3A_2219 = arith.addi %mul3A_2191, %add3A_2218 : i32
      %get3A_2220 = arith.constant 15 : i32
      %get3A_2221 = arith.index_cast %get3A_2220 : i32 to index
      %get3A_2222 = arith.index_cast %add3A_2219 : i32 to index
      %get3A_2223 = tpu.vector_load %arg12[%get3A_2221, %get3A_2222] {strides = array<i32>} : memref<16x128xf32, #tpu.memory_space<vmem>>, vector<1x16xf32>,
      %get3A_2224 = vector.shape_cast %get3A_2223 : vector<1x16xf32> to vector<16xf32>
      %swap3A_2225 = arith.constant 15 : i32
      %swap3A_2226 = arith.index_cast %swap3A_2225 : i32 to index
      %swap3A_2227 = arith.constant 2080 : index
      %swap3A_2228 = tpu.vector_load %arg10[%swap3A_2226, %swap3A_2227] {strides = array<i32>} : memref<16x2112xf32, #tpu.memory_space<vmem>>, vector<1x16xf32>,
      %swap3A_2229 = vector.shape_cast %swap3A_2228 : vector<1x16xf32> to vector<16xf32>
      %swap3A_2230 = vector.shape_cast %get3A_2224 : vector<16xf32> to vector<1x16xf32>
      tpu.vector_store %arg10[%swap3A_2226, %swap3A_2227], %swap3A_2230 {strides = array<i32>} : memref<16x2112xf32, #tpu.memory_space<vmem>>, vector<1x16xf32>,
      %add3A_2231 = arith.constant 48 : i32
      %add3A_2232 = arith.addi %mul3A_2191, %add3A_2231 : i32
      %get3A_2233 = arith.constant 15 : i32
      %get3A_2234 = arith.index_cast %get3A_2233 : i32 to index
      %get3A_2235 = arith.index_cast %add3A_2232 : i32 to index
      %get3A_2236 = tpu.vector_load %arg12[%get3A_2234, %get3A_2235] {strides = array<i32>} : memref<16x128xf32, #tpu.memory_space<vmem>>, vector<1x16xf32>,
      %get3A_2237 = vector.shape_cast %get3A_2236 : vector<1x16xf32> to vector<16xf32>
      %swap3A_2238 = arith.constant 15 : i32
      %swap3A_2239 = arith.index_cast %swap3A_2238 : i32 to index
      %swap3A_2240 = arith.constant 2096 : index
      %swap3A_2241 = tpu.vector_load %arg10[%swap3A_2239, %swap3A_2240] {strides = array<i32>} : memref<16x2112xf32, #tpu.memory_space<vmem>>, vector<1x16xf32>,
      %swap3A_2242 = vector.shape_cast %swap3A_2241 : vector<1x16xf32> to vector<16xf32>
      %swap3A_2243 = vector.shape_cast %get3A_2237 : vector<16xf32> to vector<1x16xf32>
      tpu.vector_store %arg10[%swap3A_2239, %swap3A_2240], %swap3A_2243 {strides = array<i32>} : memref<16x2112xf32, #tpu.memory_space<vmem>>, vector<1x16xf32>,
      %slice3A_2244 = vector.extract_strided_slice %sub3A_1208 {offsets = [15], sizes = [1], strides = [1]} : vector<16xi32> to vector<1xi32>
      %squeeze3A_2245 = vector.extract %slice3A_2244[0] : i32 from vector<1xi32>
      %le3A_2246 = arith.constant 0 : i32
      %le3A_2247 = arith.cmpi sle, %squeeze3A_2245, %le3A_2246 : i32
      %convert_element_type3A_2248 = arith.extui %le3A_2247 : i1 to i32
      %cond3A_2249 = arith.constant 0 : i32
      %cond3A_2250 = arith.cmpi ne, %convert_element_type3A_2248, %cond3A_2249 : i32
      scf.if %cond3A_2250 {
        %scan3A_2259 = arith.constant 0 : i32
        %scan3A_2260 = arith.constant 0 : i32
        %scan3A_2261 = arith.constant 132 : i32
        %scan3A_2262 = arith.addi %scan3A_2260, %scan3A_2261 : i32
        %scan3A_2263 = arith.constant 1 : i32
        %scan3A_2264 = scf.for %scan3A_2266 = %scan3A_2260 to %scan3A_2262 step %scan3A_2263 iter_args(%scan3A_2267 = %scan3A_2259) -> (i32)  : i32 {
          %mul3A_2268 = arith.constant 16 : i32
          %mul3A_2269 = arith.muli %scan3A_2266, %mul3A_2268 : i32
          %swap3A_2270 = arith.constant 15 : i32
          %swap3A_2271 = arith.index_cast %swap3A_2270 : i32 to index
          %swap3A_2272 = arith.index_cast %mul3A_2269 : i32 to index
          %swap3A_2273 = tpu.vector_load %arg10[%swap3A_2271, %swap3A_2272] {strides = array<i32>} : memref<16x2112xf32, #tpu.memory_space<vmem>>, vector<1x16xf32>,
          %swap3A_2274 = vector.shape_cast %swap3A_2273 : vector<1x16xf32> to vector<16xf32>
          %swap3A_2275 = vector.shape_cast %broadcast_in_dim3A_1210 : vector<16xf32> to vector<1x16xf32>
          tpu.vector_store %arg10[%swap3A_2271, %swap3A_2272], %swap3A_2275 {strides = array<i32>} : memref<16x2112xf32, #tpu.memory_space<vmem>>, vector<1x16xf32>,
          %scan3A_2276 = arith.constant 0 : i32
          scf.yield %scan3A_2276 : i32
        }
        %scan3A_2265 = arith.constant 132 : i32
      } else {
      }
      %mul3A_2251 = arith.constant 16 : i32
      %mul3A_2252 = arith.muli %add3A_1164, %mul3A_2251 : i32
      %add3A_2253 = arith.addi %mul3A_2, %mul3A_2252 : i32
      %dma_start3A_2254 = arith.constant 0 : i32
      %dma_start3A_2255 = tpu.memref_slice %arg5[%add3A_2253, %dma_start3A_2254] : memref<4096x2112xf32, #tpu.memory_space<hbm>> -> memref<16x2112xf32, #tpu.memory_space<hbm>>
      %dma_start3A_2256 = arith.constant 0 : i32
      %dma_start3A_2257 = tpu.memref_slice %arg5[%add3A_2253, %dma_start3A_2256] : memref<4096x2112xf32, #tpu.memory_space<hbm>> -> memref<16x2112xf32, #tpu.memory_space<hbm>>
      tpu.enqueue_dma source(%arg10 : memref<16x2112xf32, #tpu.memory_space<vmem>>) target(%dma_start3A_2257 : memref<16x2112xf32, #tpu.memory_space<hbm>>) target_semaphore(%arg16 : memref<!tpu.dma_semaphore, #tpu.memory_space<semaphore_mem>>)
      %scan3A_2258 = arith.constant 0 : i32
      scf.yield %scan3A_2258 : i32
    }
    %scan3A_57 = arith.constant 4 : i32
    %add3A_58 = arith.constant 0 : i32
    %add3A_59 = arith.addi %mul3A_2, %add3A_58 : i32
    %dma_wait3A = arith.constant 0 : i32
    %dma_wait3A_60 = tpu.memref_slice %arg5[%add3A_59, %dma_wait3A] : memref<4096x2112xf32, #tpu.memory_space<hbm>> -> memref<16x2112xf32, #tpu.memory_space<hbm>>
    %dma_wait3A_61 = arith.constant 0 : i32
    %dma_wait3A_62 = tpu.memref_slice %arg5[%add3A_59, %dma_wait3A_61] : memref<4096x2112xf32, #tpu.memory_space<hbm>> -> memref<16x2112xf32, #tpu.memory_space<hbm>>
    tpu.wait_dma2 semaphore(%arg15 : memref<!tpu.dma_semaphore, #tpu.memory_space<semaphore_mem>>) src(%arg9 : memref<16x2112xf32, #tpu.memory_space<vmem>>) dst(%dma_wait3A_62 : memref<16x2112xf32, #tpu.memory_space<hbm>>)
    %add3A_63 = arith.constant 0 : i32
    %add3A_64 = arith.addi %mul3A_2, %add3A_63 : i32
    %dma_wait3A_65 = arith.constant 0 : i32
    %dma_wait3A_66 = tpu.memref_slice %arg5[%add3A_64, %dma_wait3A_65] : memref<4096x2112xf32, #tpu.memory_space<hbm>> -> memref<16x2112xf32, #tpu.memory_space<hbm>>
    %dma_wait3A_67 = arith.constant 0 : i32
    %dma_wait3A_68 = tpu.memref_slice %arg5[%add3A_64, %dma_wait3A_67] : memref<4096x2112xf32, #tpu.memory_space<hbm>> -> memref<16x2112xf32, #tpu.memory_space<hbm>>
    tpu.wait_dma2 semaphore(%arg16 : memref<!tpu.dma_semaphore, #tpu.memory_space<semaphore_mem>>) src(%arg10 : memref<16x2112xf32, #tpu.memory_space<vmem>>) dst(%dma_wait3A_68 : memref<16x2112xf32, #tpu.memory_space<hbm>>)
    return
  }
}

</mosaic_0001>

<sc_bundles>
// kernel: kernel.3.cloned.1.call-start
scs
__scs_entry_jumppad:
0x0: {  	(pc) =	sbr.rel $0x88, $3  }
0x1: {  	(tag) =	ssettag $0x0;
	lr =	simm.s32 $0x1  }
0x2: {  	[smem:$0x3F9E] =	sst lr;
	_ =	strace $0xD0000000  }
0x3: {  	_ = 	snop  }
0x4: {  	_ = 	snop  }
0x5: {  	_ = 	snop  }
0x6: {  	_ = 	snop  }
0x7: {  	_ = 	snop  }
__scs_overlays_trampoline_lowered:
0x8: {  	[smem:$0x3FAD] =	sst s0  }
0x9: {  	[smem:$0x3FAE] =	sst s1  }
0xa: {  	[smem:$0x3FAF] =	sst s2  }
0xb: {  	[smem:$0x3FB0] =	sst s3  }
0xc: {  	[smem:$0x3FB1] =	sst s4  }
0xd: {  	[smem:$0x3FB2] =	sst s5  }
0xe: {  	[smem:$0x3FB3] =	sst s6  }
0xf: {  	[smem:$0x3FB4] =	sst s7  }
0x10: {  	[smem:$0x3FB5] =	sst s8  }
0x11: {  	[smem:$0x3FB6] =	sst s9;
	s0 =	simm.s32 @!p0 $0x0  }
0x12: {  	s1 =	sld [smem:$0x3F9C];
	s0 =	simm.s32 @p0 $0x1  }
0x13: {  	[smem:$0x3FB7] =	sst s0;
	s0 =	simm.s32 @!p1 $0x0  }
0x14: {  	s2 =	sld [smem:$0x3F9B];
	s0 =	simm.s32 @p1 $0x1  }
0x15: {  	[smem:$0x3FB8] =	sst s0;
	s0 =	simm.s32 @!p2 $0x0  }
0x16: {  	s3 =	sld [smem:$0x3FDB];
	s0 =	simm.s32 @p2 $0x1  }
0x17: {  	s4 =	simm.s32 $0x1BF5;
	[smem:$0x3FBA] =	sst s0  }
0x18: {  	s0 =	sld [smem:$0x3F9D];
	_ =	swait.ge [sflag:s4], $0x0  }
0x19: {  	s7 =	sld [smem:$0x3F9E]  }
0x1a: {  	s8 =	sadd.s32 $0xFFFFE003, lr  }
0x1b: {  	s9 =	sadd.s32 $0xFFFFFEF7, lr;
	s5 =	simm.s32 $0xFFFFFFFF;
	p2 =	slt.u32 s8, $0xFFFFF086  }
0x1c: {  	p1 =	slt.u32 s9, $0xF7A;
	s5 =	simm.s32 @!p2 $0x0  }
0x1d: {  	s5 =	simm.s32 @p1 $0x1;
	p0 =	seq.s32 s7, s2  }
0x1e: {  	s7 =	smul.u32 @!p0 $0xF7A, s2;
	p2 =	seq.s32 @!p0 s5, $0x0  }
0x1f: {  	s9 =	smul.u32 $0xF7A, s1;
	s8 =	simm.s32 @!p0 $0x1BF5;
	p2 =	por !p2, p0  }
0x20: {  	[sflag:s8] =	ssyncset.s32 @!p0 $0xFFFFF086;
	s6 =	sadd.s32 @!p0 s3, s7;
	s7 =	simm.s32 @!p0 $0x108  }
0x21: {  	s3 =	sadd.s32 s3, s9;
	s6 =	sadd.s32 @!p0 $0x88, s6;
	s7 =	simm.s32 @p2 $0x1082  }
0x22: {  	[simem:s7], [sflag:s8] =	dma.local @!p0 [hbm:s6], $0xF7A  }
0x23: {  	s9 =	sor.u32 $0xD0000000, s2;
	s6 =	simm.s32 $0x108;
	_ =	swait.ge @!p0 [sflag:s8], $0x0  }
0x24: {  	s3 =	sadd.s32 $0x88, s3;
	s6 =	simm.s32 @!p1 $0x1082;
	[sflag:s4] =	ssyncset.s32 $0xFFFFF086  }
0x25: {  	[simem:s6], [sflag:s4] =	dma.local [hbm:s3], $0xF7A  }
0x26: {  	[smem:$0x3F9E] =	sst s1;
	(tag) =	ssettag s2;
	_ =	strace s9  }
0x27: {  	s1 =	sld [smem:$0x3FAE]  }
0x28: {  	s2 =	sld [smem:$0x3FAF]  }
0x29: {  	s4 =	sld [smem:$0x3FB1]  }
0x2a: {  	p0 =	seq.s32 s5, $0x0;
	s5 =	sld [smem:$0x3FB2]  }
0x2b: {  	s6 =	sld [smem:$0x3FB3]  }
0x2c: {  	s7 =	sld [smem:$0x3FB4]  }
0x2d: {  	s3 =	simm.s32 $0x108;
	s8 =	sld [smem:$0x3FB5]  }
0x2e: {  	s3 =	simm.s32 @!p0 $0x1082;
	s9 =	sld [smem:$0x3FB6]  }
0x2f: {  	lr =	sadd.s32 s0, s3;
	s0 =	sld [smem:$0x3FAD]  }
0x30: {  	s3 =	sld [smem:$0x3FB0]  }
0x31: {  	[smem:$0x3FB9] =	sst s10  }
0x32: {  	s10 =	sld [smem:$0x3FB7];
	_ =	sdelay $0x3  }
0x33: {  	p0 =	seq.s32 s10, $0x1;
	s10 =	sld [smem:$0x3FB9];
	_ =	sdelay $0x3  }
0x34: {  	[smem:$0x3FB9] =	sst s10  }
0x35: {  	s10 =	sld [smem:$0x3FB8];
	_ =	sdelay $0x3  }
0x36: {  	p1 =	seq.s32 s10, $0x1;
	s10 =	sld [smem:$0x3FB9];
	_ =	sdelay $0x3  }
0x37: {  	[smem:$0x3FB9] =	sst s10  }
0x38: {  	s10 =	sld [smem:$0x3FBA]  }
0x39: {  	_ = 	snop;
	(pc) =	sbr.ind lr, $3  }
0x3a: {  	_ = 	snop  }
0x3b: {  	_ = 	snop  }
0x3c: {  	p2 =	seq.s32 s10, $0x1;
	s10 =	sld [smem:$0x3FB9]  }
0x3d: {  	_ =	shalt  }
0x3e: {  	_ =	shalt  }
0x3f: {  	_ =	shalt  }
0x40: {  	_ =	shalt  }
0x41: {  	_ =	shalt  }
0x42: {  	_ =	shalt  }
0x43: {  	_ =	shalt  }
0x44: {  	_ =	shalt  }
0x45: {  	_ =	shalt  }
0x46: {  	_ =	shalt  }
0x47: {  	_ =	shalt  }
0x48: {  	_ =	shalt  }
0x49: {  	_ =	shalt  }
0x4a: {  	_ =	shalt  }
0x4b: {  	_ =	shalt  }
0x4c: {  	_ =	shalt  }
0x4d: {  	_ =	shalt  }
0x4e: {  	_ =	shalt  }
0x4f: {  	_ =	shalt  }
0x50: {  	_ =	shalt  }
0x51: {  	_ =	shalt  }
0x52: {  	_ =	shalt  }
0x53: {  	_ =	shalt  }
0x54: {  	_ =	shalt  }
0x55: {  	_ =	shalt  }
0x56: {  	_ =	shalt  }
0x57: {  	_ =	shalt  }
0x58: {  	_ =	shalt  }
0x59: {  	_ =	shalt  }
0x5a: {  	_ =	shalt  }
0x5b: {  	_ =	shalt  }
0x5c: {  	_ =	shalt  }
0x5d: {  	_ =	shalt  }
0x5e: {  	_ =	shalt  }
0x5f: {  	_ =	shalt  }
0x60: {  	_ =	shalt  }
0x61: {  	_ =	shalt  }
0x62: {  	_ =	shalt  }
0x63: {  	_ =	shalt  }
0x64: {  	_ =	shalt  }
0x65: {  	_ =	shalt  }
0x66: {  	_ =	shalt  }
0x67: {  	_ =	shalt  }
0x68: {  	_ =	shalt  }
0x69: {  	_ =	shalt  }
0x6a: {  	_ =	shalt  }
0x6b: {  	_ =	shalt  }
0x6c: {  	_ =	shalt  }
0x6d: {  	_ =	shalt  }
0x6e: {  	_ =	shalt  }
0x6f: {  	_ =	shalt  }
0x70: {  	_ =	shalt  }
0x71: {  	_ =	shalt  }
0x72: {  	_ =	shalt  }
0x73: {  	_ =	shalt  }
0x74: {  	_ =	shalt  }
0x75: {  	_ =	shalt  }
0x76: {  	_ =	shalt  }
0x77: {  	_ =	shalt  }
0x78: {  	_ =	shalt  }
0x79: {  	_ =	shalt  }
0x7a: {  	_ =	shalt  }
0x7b: {  	_ =	shalt  }
0x7c: {  	_ =	shalt  }
0x7d: {  	_ =	shalt  }
0x7e: {  	_ =	shalt  }
0x7f: {  	_ =	shalt  }
0x80: {  	_ =	shalt  }
0x81: {  	_ =	shalt  }
0x82: {  	_ =	shalt  }
0x83: {  	_ =	shalt  }
0x84: {  	_ =	shalt  }
0x85: {  	_ =	shalt  }
0x86: {  	_ =	shalt  }
0x87: {  	_ =	shalt  }
.Lfunc_end0:
.L_simem_size_0:
called_computation.1_lowered:
.L_overlay_start_0:
0x88: {  	s2 =	sld [smem:$0x3FD9]  }
0x89: {  	s3 =	sld [smem:$0x3FFE];
	_ =	sdelay $0x1  }
0x8a: {  	s1 =	srdreg.scid  }
0x8b: {  	s0 =	sand.u32 $0x1, s1  }
0x8c: {  	s17 =	sshll.u32 s0, $0xA;
	s2 =	sadd.s32 s3, s2  }
0x8d: {  	s2 =	sadd.s32 s2, s17  }
0x8e: {  	[smem:$0x3FC5] =	sst s2  }
0x8f: {  	_ = 	snop  }
0x90: {  	s2 =	sld [smem:$0x3FC9]  }
0x91: {  	s18 =	sld [smem:$0x3FD0];
	(tm) =	ssettm $0x1  }
0x92: {  	s4 =	sld [smem:$0x3FFB];
	_ =	sdelay $0x3  }
0x93: {  	_ =	strace s4  }
0x94: {  	s4 =	sld [smem:$0x3FFC];
	_ =	sdelay $0x3  }
0x95: {  	_ =	strace s4  }
0x96: {  	s4 =	sld [smem:$0x3FFD];
	_ =	sdelay $0x3  }
0x97: {  	_ =	strace s4  }
0x98: {  	_ =	strace $0x8FFFFFFF  }
0x99: {  	s19 =	sld [smem:$0x3FDB];
	_ =	sdelay $0x1  }
0x9a: {  	s5 =	simm.s32 $_scs_section_size  }
0x9b: {  	s6 =	simm.s32 $_size__tile_overlayer_lowered;
	s7 =	simm.s32 $_tile_overlayer_lowered  }
0x9c: {  	s22 =	simm.s32 $0x1BFF;
	s21 =	sshll.u32 s7, $0x1;
	s4 =	sadd.s32 s5, s19  }
0x9d: {  	s8 =	simm.s32 $0x0;
	s20 =	sshll.u32 s6, $0x1;
	s6 =	sadd.s32 s21, s4  }
0x9e: {  	[timem:s8], [sflag:s22] =	dma.local [hbm:s6], s20  }
0x9f: {  	_ =	swait.ge [sflag:s22], s20  }
0xa0: {  	s5 =	ssub.s32 $0x0, s20;
	[sflag:s22] =	ssyncset.done $0x0  }
0xa1: {  	[sflag:s22] =	ssyncadd.s32 s5;
	_ =	sdelay $0x1  }
0xa2: {  	s23 =	simm.s32 $0x1B8B  }
0xa3: {  	_ =	swait.ge [sflag:s23], $0x1  }
0xa4: {  	[sflag:s23] =	ssyncset.done $0x0  }
0xa5: {  	s25 =	simm.s32 $0x1B8E;
	s24 =	sld [smem:$0x3FFE];
	[sflag:s23] =	ssyncadd.s32 $0xFFFFFFFF  }
0xa6: {  	s26 =	simm.s32 $execute0_lowered;
	[smem:$0x3FD2] =	sst s25  }
0xa7: {  	s6 =	sshll.u32 s26, $0x1;
	_ =	strace $0x80000046;
	[dreg:$0x1] =	wrdreg $0xFFFFFFFF  }
0xa8: {  	s28 =	simm.s32 $_size_execute0_lowered;
	s4 =	sadd.s32 s4, s6;
	[dreg:$0x0] =	wrdreg $0x0  }
0xa9: {  	s6 =	sshll.u32 s28, $0x1;
	[dreg:$0x2] =	wrdreg s4  }
0xaa: {  	[dreg:$0x3] =	wrdreg s6  }
0xab: {  	[dreg:$0x4] =	wrdreg $0xC0  }
0xac: {  	_ =	task [dreg:s8], $0x5FFFF  }
0xad: {  	[dreg:$0x1] =	wrdreg $0xFFFFFFFF  }
0xae: {  	[dreg:$0x0] =	wrdreg $0x60  }
0xaf: {  	[dreg:$0x2] =	wrdreg s2  }
0xb0: {  	[dreg:$0x3] =	wrdreg s18  }
0xb1: {  	[dreg:$0x4] =	wrdreg s24  }
0xb2: {  	[dreg:$0x5] =	wrdreg $0x9  }
0xb3: {  	_ =	task.clear_ibuf [dreg:s8], $0x6FFFF;
	_ =	strace $0x90000046  }
0xb4: {  	s29 =	simm.s32 $0x9;
	_ =	strace $0x80000048  }
0xb5: {  	_ =	swait.ge [sflag:s29], $0x1  }
0xb6: {  	[sflag:s29] =	ssyncadd.s32 $0xFFFFFFFF  }
0xb7: {  	_ =	strace $0x90000048  }
0xb8: {  	_ =	sfence  }
0xb9: {  	s30 =	sld [smem:$0x0];
	_ =	sdelay $0x2  }
0xba: {  	s31 =	sshll.u32 s1, $0xD;
	s1 =	sshrl.u32 s1, $0x2  }
0xbb: {  	s3 =	sand.u32 $0x4000, s31;
	s1 =	sadd.s32 s1, s30  }
0xbc: {  	s0 =	sor.u32 s3, s0;
	s1 =	sshll.u32 s1, $0x11  }
0xbd: {  	s0 =	sor.u32 s1, s0  }
0xbe: {  	s0 =	sadd.s32 $0x8F2B, s0  }
0xbf: {  	[sflag:s0] =	ssyncadd.remote.s32 $0x1  }
0xc0: {  	_ =	sfence.sel $0xFFFF  }
0xc1: {  	[dreg:$0x0] =	wrdreg $0xFFFFFFFF;
	(pc) =	sbr.abs _section_cstart, $3  }
0xc2: {  	[dreg:$0x1] =	wrdreg $0xFFFFFFFF  }
0xc3: {  	_ =	task.clear_ibuf [dreg:s8], $0x2FFFF;
	_ =	strace $0x9FFFFFFF  }
0xc4: {  	(tm) =	ssettm $0x7FFFFFFF  }
0xc5: {  	_ =	shalt  }
tec
execute0_lowered:
.L_overlay_start_1:
0x0: {  	(tag) =	ssettag $0x1  }
0x1: {  	s1 =	rddreg [dreg:$0x0]  }
0x2: {  	s3 =	rddreg [dreg:$0x1];
	s0 =	srdreg.scid  }
0x3: {  	s9 =	stileid.u32;
	s2 =	rddreg [dreg:$0x2];
	s4 =	simm.s32 $0x0  }
0x4: {  	s15 =	simm.s32 $0x300;
	s13 =	simm.s32 $0x1;
	s11 =	simm.s32 $0x8B00  }
0x5: {  	s21 =	simm.s32 $0xAB00;
	s22 =	simm.s32 $0xB300;
	s23 =	simm.s32 $0xBB00  }
0x6: {  	s24 =	simm.s32 $0xC300;
	s28 =	simm.s32 $0xFF00;
	s29 =	simm.s32 $0x10700  }
0x7: {  	s30 =	simm.s32 $0x280;
	s31 =	simm.s32 $0x11B00;
	s16 =	simm.s32 $0x0  }
0x8: {  	s0 =	sand.u32 $0x1, s0;
	s5 =	sshll.u32 s9, $0x1;
	[smem:$0x7FF] =	sst s4  }
0x9: {  	s25 =	sshll.u32 s9, $0xA;
	s9 =	sadd.s32 $0x200, s1;
	s10 =	sadd.s32 $0x300, s1  }
0xa: {  	s6 =	sor.u32 s0, s5;
	s0 =	ssub.s32 $0x2, s0;
	_ =	strace $0x80000047  }
0xb: {  	s12 =	sand.u32 $0x3000, s25;
	s25 =	simm.s32 $0xEF00;
	s5 =	sshll.u32 s6, $0x6  }
.Ltmp0:
0xc: {  	s8 =	sshrl.u32 s0, $0x1;
	s6 =	sshll.u32 s6, $0x7;
	(pc) =	sbr.rel .LBB2_1-.Ltmp0, $4  }
0xd: {  	v0 =	vmov s12;
	s12 =	simm.s32 $0x3;
	s7 =	sadd.s32 s5, s2;
	s5 =	sadd.s32 $0x1400, s2  }
0xe: {  	v3 =	vlaneseq.u32;
	s0 =	ssub.s32 s0, s8;
	s8 =	sadd.s32 $0x100, s1;
	s26 =	sadd.s32 $0xC00, s7  }
0xf: {  	vm0 =	vmmov $0xffff;
	v4 =	vimm.f32 $0.0e+00;
	v2 =	vshrl.u32 v3, $0x3;
	s2 =	simm.s32 $0x10;
	s0 =	smax.u32 s0, $0x1;
	[dreg:$0x4] =	wrdreg s26  }
0x10: {  	v1 =	vand.u32 $0x7, v3;
	v3 =	vor.u32 $0x8, v3;
	v2 =	vmul.u32 $0x8, v2;
	[dreg:$0x5] =	wrdreg s0;
	s26 =	simm.s32 $0xF700;
	s0 =	simm.s32 $0x2  }
.LBB2_101:
0x11: {  	_ =	swait.ge [sflag:s12], $0x8800  }
0x12: {  	[sflag:s12] =	ssyncset.done $0x0  }
0x13: {  	s14 =	simm.s32 $0x4;
	[sflag:s12] =	ssyncadd.s32 $0xFFFF7800  }
0x14: {  	_ =	swait.ge [sflag:s14], $0x8800  }
0x15: {  	s16 =	rddreg [dreg:$0x6]  }
0x16: {  	s7 =	rddreg [dreg:$0x5];
	s16 =	sadd.s32 $0x1, s16  }
0x17: {  	p0 =	sne.s32 s16, s7  }
.Ltmp1:
0x18: {  	_ = 	snop;
	(pc) =	sbr.rel @!p0 .LBB2_102-.Ltmp1, $3  }
0x19: {  	_ =	sdelay $0x1  }
0x1a: {  	[sflag:s14] =	ssyncset.done $0x0  }
0x1b: {  	[sflag:s14] =	ssyncadd.s32 $0xFFFF7800  }
.LBB2_1:
0x1c: {  	s7 =	rddreg [dreg:$0x4];
	s14 =	simm.s32 $0x200;
	s18 =	simm.s32 $0x4000  }
0x1d: {  	[tilespmem:s4], [sflag:$0x5] =	stream.strided.gather [hbm4b:s7+s14], $0x0, s18, s14, $0x38;
	[tilespmem:$0x12300] =	vst v63  }
0x1e: {  	[dreg:$0x6] =	wrdreg s16;
	s19 =	simm.s32 $0x5  }
0x1f: {  	[tilespmem:s4], [sflag:$0x5] =	stream.linear.gather [hbm4b:s7+s4], $0x180, $0x38;
	[tilespmem:$0x12300] =	vst v63  }
0x20: {  	_ =	swait.ge [sflag:s19], $0x180  }
0x21: {  	[sflag:s19] =	ssyncset.done $0x0  }
0x22: {  	[sflag:s19] =	ssyncadd.s32 $0xFFFFFE80  }
0x23: {  	v5 =	vld [tilespmem:$0x0];
	_ =	sdelay $0x4  }
0x24: {  	v6 =	vshll.u32 v5, $0x3  }
0x25: {  	v5 =	vand.u32 $0x7, v5;
	v6 =	vand.u32 $0xFFFFFFC0, v6  }
0x26: {  	v5 =	vor.u32 v5, v6  }
0x27: {  	v6 =	vld [tilespmem:$0x100];
	v7 =	vperm.xlane v5, v1;
	_ =	sdelay $0x1  }
0x28: {  	v7 =	vadd.s32 v2, v7;
	_ =	sdelay $0x2  }
0x29: {  	v6 =	vshrl.u32 v6, $0x1  }
0x2a: {  	[tilespmem:$0x200] =	vst v6  }
0x2b: {  	[tilespmem:s15], [sflag:$0x1] =	stream.indirect_vreg.gather [hbm4b:s1+s4], $0x80, v7, vm0, $0xb8;
	[tilespmem:$0x12300] =	vst v63  }
0x2c: {  	s20 =	simm.s32 $0xB00;
	v5 =	vperm.xlane v5, v3  }
0x2d: {  	[tilespmem:s20], [sflag:$0x1] =	stream.indirect_vreg.gather [hbm4b:s8+s4], $0x80, v7, vm0, $0xb8;
	[tilespmem:$0x12300] =	vst v63  }
0x2e: {  	s16 =	simm.s32 $0x1300;
	v5 =	vadd.s32 v2, v5  }
0x2f: {  	[tilespmem:s16], [sflag:$0x1] =	stream.indirect_vreg.gather [hbm4b:s9+s4], $0x80, v7, vm0, $0xb8;
	[tilespmem:$0x12300] =	vst v63  }
0x30: {  	s17 =	simm.s32 $0x1B00  }
0x31: {  	[tilespmem:s17], [sflag:$0x1] =	stream.indirect_vreg.gather [hbm4b:s10+s4], $0x80, v7, vm0, $0xb8;
	[tilespmem:$0x12300] =	vst v63  }
0x32: {  	s18 =	simm.s32 $0x4700  }
0x33: {  	[tilespmem:s18], [sflag:$0x1] =	stream.indirect_vreg.gather [hbm4b:s1+s4], $0x80, v5, vm0, $0xb8;
	[tilespmem:$0x12300] =	vst v63  }
0x34: {  	s19 =	simm.s32 $0x4F00  }
0x35: {  	[tilespmem:s19], [sflag:$0x1] =	stream.indirect_vreg.gather [hbm4b:s8+s4], $0x80, v5, vm0, $0xb8;
	[tilespmem:$0x12300] =	vst v63  }
0x36: {  	s20 =	simm.s32 $0x5700  }
0x37: {  	[tilespmem:s20], [sflag:$0x1] =	stream.indirect_vreg.gather [hbm4b:s9+s4], $0x80, v5, vm0, $0xb8;
	[tilespmem:$0x12300] =	vst v63  }
0x38: {  	s16 =	simm.s32 $0x5F00  }
0x39: {  	[tilespmem:s16], [sflag:$0x1] =	stream.indirect_vreg.gather [hbm4b:s10+s4], $0x80, v5, vm0, $0xb8;
	[tilespmem:$0x12300] =	vst v63  }
0x3a: {  	v5 =	vld [tilespmem:$0x80];
	_ =	sdelay $0x4  }
0x3b: {  	v6 =	vshll.u32 v5, $0x3  }
0x3c: {  	v5 =	vand.u32 $0x7, v5;
	v6 =	vand.u32 $0xFFFFFFC0, v6  }
0x3d: {  	v5 =	vor.u32 v5, v6  }
0x3e: {  	v6 =	vperm.xlane v5, v1;
	_ =	sdelay $0x1  }
0x3f: {  	v6 =	vadd.s32 v2, v6;
	_ =	sdelay $0x3  }
0x40: {  	s17 =	simm.s32 $0x2300  }
0x41: {  	[tilespmem:s17], [sflag:$0x1] =	stream.indirect_vreg.gather [hbm4b:s1+s4], $0x80, v6, vm0, $0xb8;
	[tilespmem:$0x12300] =	vst v63  }
0x42: {  	s18 =	simm.s32 $0x2B00;
	v5 =	vperm.xlane v5, v3  }
0x43: {  	[tilespmem:s18], [sflag:$0x1] =	stream.indirect_vreg.gather [hbm4b:s8+s4], $0x80, v6, vm0, $0xb8;
	[tilespmem:$0x12300] =	vst v63  }
0x44: {  	s19 =	simm.s32 $0x3300;
	v5 =	vadd.s32 v2, v5  }
0x45: {  	[tilespmem:s19], [sflag:$0x1] =	stream.indirect_vreg.gather [hbm4b:s9+s4], $0x80, v6, vm0, $0xb8;
	[tilespmem:$0x12300] =	vst v63  }
0x46: {  	s20 =	simm.s32 $0x3B00  }
0x47: {  	[tilespmem:s20], [sflag:$0x1] =	stream.indirect_vreg.gather [hbm4b:s10+s4], $0x80, v6, vm0, $0xb8;
	[tilespmem:$0x12300] =	vst v63  }
0x48: {  	s16 =	simm.s32 $0x6700  }
0x49: {  	[tilespmem:s16], [sflag:$0x1] =	stream.indirect_vreg.gather [hbm4b:s1+s4], $0x80, v5, vm0, $0xb8;
	[tilespmem:$0x12300] =	vst v63  }
0x4a: {  	s17 =	simm.s32 $0x6F00  }
0x4b: {  	[tilespmem:s17], [sflag:$0x1] =	stream.indirect_vreg.gather [hbm4b:s8+s4], $0x80, v5, vm0, $0xb8;
	[tilespmem:$0x12300] =	vst v63  }
0x4c: {  	s18 =	simm.s32 $0x7700  }
0x4d: {  	[tilespmem:s18], [sflag:$0x1] =	stream.indirect_vreg.gather [hbm4b:s9+s4], $0x80, v5, vm0, $0xb8;
	[tilespmem:$0x12300] =	vst v63  }
.Ltmp2:
0x4e: {  	s19 =	simm.s32 $0x7F00;
	(pc) =	sbr.rel .LBB2_2-.Ltmp2, $4  }
0x4f: {  	[tilespmem:s19], [sflag:$0x1] =	stream.indirect_vreg.gather [hbm4b:s10+s4], $0x80, v5, vm0, $0xb8;
	[tilespmem:$0x12300] =	vst v63  }
0x50: {  	s20 =	simm.s32 $0x11300  }
0x51: {  	[tilespmem:s20], [sflag:$0x1] =	stream.indirect.gather [hbm4b:s3+s2], $0x80, s14, s2, $0xb8;
	[tilespmem:$0x12300] =	vst v63  }
0x52: {  	s14 =	simm.s32 $0x0  }
.LBB2_100:
0x53: {  	s14 =	sadd.s32 $0x1, s14  }
0x54: {  	s7 =	sor.u32 s6, s7;
	p0 =	sne.s32 s14, $0x4  }
.Ltmp3:
0x55: {  	s7 =	sshrl.u32 s7, $0x3;
	(pc) =	sbr.rel @!p0 .LBB2_101-.Ltmp3, $3  }
0x56: {  	s7 =	smul.u32 $0x880, s7;
	_ =	sdelay $0x1  }
0x57: {  	s7 =	sadd.s32 s5, s7  }
0x58: {  	[hbm4b:s7+s4] =	stream.linear.scatter [tilespmem:s11], [sflag:$0x4], $0x8800, $0x38;
	[tilespmem:$0x12300] =	vst v63  }
.LBB2_2:
0x59: {  	_ =	swait.ge [sflag:s13], $0x4000  }
0x5a: {  	[sflag:s13] =	ssyncset.done $0x0  }
0x5b: {  	[sflag:s13] =	ssyncadd.s32 $0xFFFFC000  }
0x5c: {  	_ =	swait.ge [sflag:s13], $0x4000  }
0x5d: {  	[sflag:s13] =	ssyncset.done $0x0  }
0x5e: {  	[sflag:s13] =	ssyncadd.s32 $0xFFFFC000  }
0x5f: {  	_ =	swait.ge [sflag:s13], $0x800  }
0x60: {  	p0 =	seq.s32 s14, $0x0;
	[sflag:s13] =	ssyncset.done $0x0  }
0x61: {  	s17 =	simm.s32 @!p0 $0x4;
	[sflag:s13] =	ssyncadd.s32 $0xFFFFF800  }
0x62: {  	_ =	swait.ge @!p0 [sflag:s17], $0x8800  }
0x63: {  	s16 =	sshll.u32 s14, $0x5;
	[sflag:s17] =	ssyncset.done @!p0 $0x0  }
0x64: {  	s7 =	sor.u32 $0x10, s16;
	[sflag:s17] =	ssyncadd.s32 @!p0 $0xFFFF7800  }
0x65: {  	v5 =	vld [tilespmem:s7+$0x100];
	_ =	sdelay $0x4  }
0x66: {  	v5 =	vshrl.u32 v5, $0x1  }
0x67: {  	[tilespmem:$0x280] =	vst v5  }
0x68: {  	v5 =	vld [tilespmem:s7+$0x0];
	_ =	sdelay $0x4  }
0x69: {  	v6 =	vshll.u32 v5, $0x3  }
0x6a: {  	v5 =	vand.u32 $0x7, v5;
	v6 =	vand.u32 $0xFFFFFFC0, v6  }
0x6b: {  	v5 =	vor.u32 v5, v6  }
0x6c: {  	v6 =	vperm.xlane v5, v1;
	_ =	sdelay $0x1  }
0x6d: {  	v6 =	vadd.s32 v2, v6;
	_ =	sdelay $0x3  }
0x6e: {  	s17 =	simm.s32 $0x0  }
0x6f: {  	[tilespmem:s11], [sflag:$0x2] =	stream.indirect_vreg.gather [hbm4b:s1+s17], $0x80, v6, vm0, $0xb8;
	[tilespmem:$0x12300] =	vst v63  }
0x70: {  	s18 =	simm.s32 $0x9300;
	v5 =	vperm.xlane v5, v3  }
0x71: {  	[tilespmem:s18], [sflag:$0x2] =	stream.indirect_vreg.gather [hbm4b:s8+s17], $0x80, v6, vm0, $0xb8;
	[tilespmem:$0x12300] =	vst v63  }
0x72: {  	s19 =	simm.s32 $0x9B00;
	v5 =	vadd.s32 v2, v5  }
0x73: {  	[tilespmem:s19], [sflag:$0x2] =	stream.indirect_vreg.gather [hbm4b:s9+s17], $0x80, v6, vm0, $0xb8;
	[tilespmem:$0x12300] =	vst v63  }
0x74: {  	s20 =	simm.s32 $0xA300  }
0x75: {  	[tilespmem:s20], [sflag:$0x2] =	stream.indirect_vreg.gather [hbm4b:s10+s17], $0x80, v6, vm0, $0xb8;
	[tilespmem:$0x12300] =	vst v63  }
0x76: {  	s19 =	simm.s32 $0xCF00  }
0x77: {  	[tilespmem:s19], [sflag:$0x2] =	stream.indirect_vreg.gather [hbm4b:s1+s17], $0x80, v5, vm0, $0xb8;
	[tilespmem:$0x12300] =	vst v63  }
0x78: {  	s20 =	simm.s32 $0xD700  }
0x79: {  	[tilespmem:s20], [sflag:$0x2] =	stream.indirect_vreg.gather [hbm4b:s8+s17], $0x80, v5, vm0, $0xb8;
	[tilespmem:$0x12300] =	vst v63  }
0x7a: {  	s19 =	simm.s32 $0xDF00  }
0x7b: {  	[tilespmem:s19], [sflag:$0x2] =	stream.indirect_vreg.gather [hbm4b:s9+s17], $0x80, v5, vm0, $0xb8;
	[tilespmem:$0x12300] =	vst v63  }
0x7c: {  	s20 =	simm.s32 $0xE700  }
0x7d: {  	[tilespmem:s20], [sflag:$0x2] =	stream.indirect_vreg.gather [hbm4b:s10+s17], $0x80, v5, vm0, $0xb8;
	[tilespmem:$0x12300] =	vst v63  }
0x7e: {  	v5 =	vld [tilespmem:s7+$0x80];
	_ =	sdelay $0x4  }
0x7f: {  	v6 =	vshll.u32 v5, $0x3  }
0x80: {  	v5 =	vand.u32 $0x7, v5;
	v6 =	vand.u32 $0xFFFFFFC0, v6  }
0x81: {  	v5 =	vor.u32 v5, v6  }
0x82: {  	v6 =	vperm.xlane v5, v1;
	_ =	sdelay $0x1  }
0x83: {  	v6 =	vadd.s32 v2, v6;
	_ =	sdelay $0x4  }
0x84: {  	[tilespmem:s21], [sflag:$0x2] =	stream.indirect_vreg.gather [hbm4b:s1+s17], $0x80, v6, vm0, $0xb8;
	[tilespmem:$0x12300] =	vst v63  }
0x85: {  	v5 =	vperm.xlane v5, v3  }
0x86: {  	[tilespmem:s22], [sflag:$0x2] =	stream.indirect_vreg.gather [hbm4b:s8+s17], $0x80, v6, vm0, $0xb8;
	[tilespmem:$0x12300] =	vst v63  }
0x87: {  	v5 =	vadd.s32 v2, v5  }
0x88: {  	[tilespmem:s23], [sflag:$0x2] =	stream.indirect_vreg.gather [hbm4b:s9+s17], $0x80, v6, vm0, $0xb8;
	[tilespmem:$0x12300] =	vst v63  }
0x89: {  	_ = 	snop  }
0x8a: {  	[tilespmem:s24], [sflag:$0x2] =	stream.indirect_vreg.gather [hbm4b:s10+s17], $0x80, v6, vm0, $0xb8;
	[tilespmem:$0x12300] =	vst v63  }
0x8b: {  	_ = 	snop  }
0x8c: {  	[tilespmem:s25], [sflag:$0x2] =	stream.indirect_vreg.gather [hbm4b:s1+s17], $0x80, v5, vm0, $0xb8;
	[tilespmem:$0x12300] =	vst v63  }
0x8d: {  	_ = 	snop  }
0x8e: {  	[tilespmem:s26], [sflag:$0x2] =	stream.indirect_vreg.gather [hbm4b:s8+s17], $0x80, v5, vm0, $0xb8;
	[tilespmem:$0x12300] =	vst v63  }
0x8f: {  	_ = 	snop  }
0x90: {  	[tilespmem:s28], [sflag:$0x2] =	stream.indirect_vreg.gather [hbm4b:s9+s17], $0x80, v5, vm0, $0xb8;
	[tilespmem:$0x12300] =	vst v63  }
0x91: {  	_ = 	snop  }
0x92: {  	[tilespmem:s29], [sflag:$0x2] =	stream.indirect_vreg.gather [hbm4b:s10+s17], $0x80, v5, vm0, $0xb8;
	[tilespmem:$0x12300] =	vst v63  }
0x93: {  	_ = 	snop  }
0x94: {  	[tilespmem:s31], [sflag:$0x2] =	stream.indirect.gather [hbm4b:s3+s2], $0x80, s30, s2, $0xb8;
	[tilespmem:$0x12300] =	vst v63  }
0x95: {  	v5 =	vld [tilespmem:s16+$0x100];
	_ =	sdelay $0x4  }
0x96: {  	(v2sf) =	vpush v5, $0x0;
	_ =	sdelay $0xd  }
0x97: {  	v6 =	vld [tilespmem:s16+$0x80]  }
0x98: {  	s19 =	spop (v2sf)  }
0x99: {  	s18 =	sshll.u32 s19, $0x6  }
0x9a: {  	s18 =	sand.u32 $0x40, s18  }
0x9b: {  	v7 =	vld [tilespmem:s18+$0x11300]  }
0x9c: {  	v6 =	vsub.s32 v6, v0  }
0x9d: {  	(v2sf) =	vpush v6, $0x0;
	_ =	sdelay $0x2  }
0x9e: {  	[tilespmem:$0x4300] =	vst v7  }
0x9f: {  	v7 =	vld [tilespmem:s18+$0x11310];
	_ =	sdelay $0x4  }
0xa0: {  	[tilespmem:$0x4310] =	vst v7  }
0xa1: {  	v7 =	vld [tilespmem:s18+$0x11320];
	_ =	sdelay $0x4  }
0xa2: {  	s20 =	spop (v2sf);
	[tilespmem:$0x4320] =	vst v7  }
0xa3: {  	p0 =	sgt.s32 s20, $0x0;
	v7 =	vld [tilespmem:s18+$0x11330]  }
.Ltmp4:
0xa4: {  	_ = 	snop;
	(pc) =	sbr.rel @p0 .LBB2_5-.Ltmp4, $2  }
0xa5: {  	_ =	sdelay $0x2  }
0xa6: {  	[tilespmem:$0x4330] =	vst v7  }
0xa7: {  	s18 =	sand.u32 $0x70, s17;
	s19 =	sand.u32 $0x7C00, s17  }
0xa8: {  	s19 =	sor.u32 s18, s19  }
0xa9: {  	s18 =	sadd.s32 $0x10, s17;
	[tilespmem:s19+$0x300] =	vst v4  }
.LBB2_4:
0xaa: {  	p0 =	sne.s32 s18, $0x830  }
.Ltmp5:
0xab: {  	_ = 	snop;
	(pc) =	sbr.rel @p0 .LBB2_4-.Ltmp5, $4  }
0xac: {  	s17 =	sadd.s32 $0x80, s17  }
0xad: {  	s19 =	sand.u32 $0x70, s18;
	s20 =	sand.u32 $0x7C00, s17  }
0xae: {  	s19 =	sor.u32 s19, s20  }
0xaf: {  	s18 =	sadd.s32 $0x10, s18;
	[tilespmem:s19+$0x300] =	vst v4  }
.LBB2_5:
0xb0: {  	(v2sf) =	vpush v5, $0x1;
	_ =	sdelay $0xe  }
0xb1: {  	s17 =	spop (v2sf)  }
0xb2: {  	s17 =	sshll.u32 s17, $0x6  }
0xb3: {  	s17 =	sand.u32 $0x40, s17  }
0xb4: {  	v7 =	vld [tilespmem:s17+$0x11380];
	_ =	sdelay $0x1  }
0xb5: {  	(v2sf) =	vpush v6, $0x1;
	_ =	sdelay $0x2  }
0xb6: {  	[tilespmem:$0x4380] =	vst v7  }
0xb7: {  	v7 =	vld [tilespmem:s17+$0x11390];
	_ =	sdelay $0x4  }
0xb8: {  	[tilespmem:$0x4390] =	vst v7  }
0xb9: {  	v7 =	vld [tilespmem:s17+$0x113A0];
	_ =	sdelay $0x4  }
0xba: {  	s20 =	spop (v2sf);
	[tilespmem:$0x43A0] =	vst v7  }
0xbb: {  	p0 =	sgt.s32 s20, $0x0;
	v7 =	vld [tilespmem:s17+$0x113B0]  }
.Ltmp6:
0xbc: {  	_ = 	snop;
	(pc) =	sbr.rel @p0 .LBB2_8-.Ltmp6, $2  }
0xbd: {  	_ =	sdelay $0x2  }
0xbe: {  	[tilespmem:$0x43B0] =	vst v7  }
0xbf: {  	s17 =	simm.s32 $0x0  }
0xc0: {  	s18 =	sand.u32 $0x70, s17;
	s19 =	sand.u32 $0x7C00, s17  }
0xc1: {  	s19 =	sor.u32 s18, s19  }
0xc2: {  	s18 =	simm.s32 $0x10;
	[tilespmem:s19+$0x380] =	vst v4  }
.LBB2_7:
0xc3: {  	p0 =	sne.s32 s18, $0x830  }
.Ltmp7:
0xc4: {  	_ = 	snop;
	(pc) =	sbr.rel @p0 .LBB2_7-.Ltmp7, $4  }
0xc5: {  	s17 =	sadd.s32 $0x80, s17  }
0xc6: {  	s19 =	sand.u32 $0x70, s18;
	s20 =	sand.u32 $0x7C00, s17  }
0xc7: {  	s19 =	sor.u32 s19, s20  }
0xc8: {  	s18 =	sadd.s32 $0x10, s18;
	[tilespmem:s19+$0x380] =	vst v4  }
.LBB2_8:
0xc9: {  	(v2sf) =	vpush v5, $0x2;
	_ =	sdelay $0xe  }
0xca: {  	s17 =	spop (v2sf)  }
0xcb: {  	s17 =	sshll.u32 s17, $0x6  }
0xcc: {  	s17 =	sand.u32 $0x40, s17  }
0xcd: {  	v7 =	vld [tilespmem:s17+$0x11400];
	_ =	sdelay $0x1  }
0xce: {  	(v2sf) =	vpush v6, $0x2;
	_ =	sdelay $0x2  }
0xcf: {  	[tilespmem:$0x4400] =	vst v7  }
0xd0: {  	v7 =	vld [tilespmem:s17+$0x11410];
	_ =	sdelay $0x4  }
0xd1: {  	[tilespmem:$0x4410] =	vst v7  }
0xd2: {  	v7 =	vld [tilespmem:s17+$0x11420];
	_ =	sdelay $0x4  }
0xd3: {  	s20 =	spop (v2sf);
	[tilespmem:$0x4420] =	vst v7  }
0xd4: {  	p0 =	sgt.s32 s20, $0x0;
	v7 =	vld [tilespmem:s17+$0x11430]  }
.Ltmp8:
0xd5: {  	_ = 	snop;
	(pc) =	sbr.rel @p0 .LBB2_11-.Ltmp8, $2  }
0xd6: {  	_ =	sdelay $0x2  }
0xd7: {  	[tilespmem:$0x4430] =	vst v7  }
0xd8: {  	s17 =	simm.s32 $0x0  }
0xd9: {  	s18 =	sand.u32 $0x70, s17;
	s19 =	sand.u32 $0x7C00, s17  }
0xda: {  	s19 =	sor.u32 s18, s19  }
0xdb: {  	s18 =	simm.s32 $0x10;
	[tilespmem:s19+$0x400] =	vst v4  }
.LBB2_10:
0xdc: {  	p0 =	sne.s32 s18, $0x830  }
.Ltmp9:
0xdd: {  	_ = 	snop;
	(pc) =	sbr.rel @p0 .LBB2_10-.Ltmp9, $4  }
0xde: {  	s17 =	sadd.s32 $0x80, s17  }
0xdf: {  	s19 =	sand.u32 $0x70, s18;
	s20 =	sand.u32 $0x7C00, s17  }
0xe0: {  	s19 =	sor.u32 s19, s20  }
0xe1: {  	s18 =	sadd.s32 $0x10, s18;
	[tilespmem:s19+$0x400] =	vst v4  }
.LBB2_11:
0xe2: {  	(v2sf) =	vpush v5, $0x3;
	_ =	sdelay $0xe  }
0xe3: {  	s17 =	spop (v2sf)  }
0xe4: {  	s17 =	sshll.u32 s17, $0x6  }
0xe5: {  	s17 =	sand.u32 $0x40, s17  }
0xe6: {  	v7 =	vld [tilespmem:s17+$0x11480];
	_ =	sdelay $0x1  }
0xe7: {  	(v2sf) =	vpush v6, $0x3;
	_ =	sdelay $0x2  }
0xe8: {  	[tilespmem:$0x4480] =	vst v7  }
0xe9: {  	v7 =	vld [tilespmem:s17+$0x11490];
	_ =	sdelay $0x4  }
0xea: {  	[tilespmem:$0x4490] =	vst v7  }
0xeb: {  	v7 =	vld [tilespmem:s17+$0x114A0];
	_ =	sdelay $0x4  }
0xec: {  	s20 =	spop (v2sf);
	[tilespmem:$0x44A0] =	vst v7  }
0xed: {  	p0 =	sgt.s32 s20, $0x0;
	v7 =	vld [tilespmem:s17+$0x114B0]  }
.Ltmp10:
0xee: {  	_ = 	snop;
	(pc) =	sbr.rel @p0 .LBB2_14-.Ltmp10, $2  }
0xef: {  	_ =	sdelay $0x2  }
0xf0: {  	[tilespmem:$0x44B0] =	vst v7  }
0xf1: {  	s17 =	simm.s32 $0x0  }
0xf2: {  	s18 =	sand.u32 $0x70, s17;
	s19 =	sand.u32 $0x7C00, s17  }
0xf3: {  	s19 =	sor.u32 s18, s19  }
0xf4: {  	s18 =	simm.s32 $0x10;
	[tilespmem:s19+$0x480] =	vst v4  }
.LBB2_13:
0xf5: {  	p0 =	sne.s32 s18, $0x830  }
.Ltmp11:
0xf6: {  	_ = 	snop;
	(pc) =	sbr.rel @p0 .LBB2_13-.Ltmp11, $4  }
0xf7: {  	s17 =	sadd.s32 $0x80, s17  }
0xf8: {  	s19 =	sand.u32 $0x70, s18;
	s20 =	sand.u32 $0x7C00, s17  }
0xf9: {  	s19 =	sor.u32 s19, s20  }
0xfa: {  	s18 =	sadd.s32 $0x10, s18;
	[tilespmem:s19+$0x480] =	vst v4  }
.LBB2_14:
0xfb: {  	(v2sf) =	vpush v5, $0x4;
	_ =	sdelay $0xe  }
0xfc: {  	s17 =	spop (v2sf)  }
0xfd: {  	s17 =	sshll.u32 s17, $0x6  }
0xfe: {  	s17 =	sand.u32 $0x40, s17  }
0xff: {  	v7 =	vld [tilespmem:s17+$0x11500];
	_ =	sdelay $0x1  }
0x100: {  	(v2sf) =	vpush v6, $0x4;
	_ =	sdelay $0x2  }
0x101: {  	[tilespmem:$0x4500] =	vst v7  }
0x102: {  	v7 =	vld [tilespmem:s17+$0x11510];
	_ =	sdelay $0x4  }
0x103: {  	[tilespmem:$0x4510] =	vst v7  }
0x104: {  	v7 =	vld [tilespmem:s17+$0x11520];
	_ =	sdelay $0x4  }
0x105: {  	s20 =	spop (v2sf);
	[tilespmem:$0x4520] =	vst v7  }
0x106: {  	p0 =	sgt.s32 s20, $0x0;
	v7 =	vld [tilespmem:s17+$0x11530]  }
.Ltmp12:
0x107: {  	_ = 	snop;
	(pc) =	sbr.rel @p0 .LBB2_17-.Ltmp12, $2  }
0x108: {  	_ =	sdelay $0x2  }
0x109: {  	[tilespmem:$0x4530] =	vst v7  }
0x10a: {  	s17 =	simm.s32 $0x0  }
0x10b: {  	s18 =	sand.u32 $0x70, s17;
	s19 =	sand.u32 $0x7C00, s17  }
0x10c: {  	s19 =	sor.u32 s18, s19  }
0x10d: {  	s18 =	simm.s32 $0x10;
	[tilespmem:s19+$0x500] =	vst v4  }
.LBB2_16:
0x10e: {  	p0 =	sne.s32 s18, $0x830  }
.Ltmp13:
0x10f: {  	_ = 	snop;
	(pc) =	sbr.rel @p0 .LBB2_16-.Ltmp13, $4  }
0x110: {  	s17 =	sadd.s32 $0x80, s17  }
0x111: {  	s19 =	sand.u32 $0x70, s18;
	s20 =	sand.u32 $0x7C00, s17  }
0x112: {  	s19 =	sor.u32 s19, s20  }
0x113: {  	s18 =	sadd.s32 $0x10, s18;
	[tilespmem:s19+$0x500] =	vst v4  }
.LBB2_17:
0x114: {  	(v2sf) =	vpush v5, $0x5;
	_ =	sdelay $0xe  }
0x115: {  	s17 =	spop (v2sf)  }
0x116: {  	s17 =	sshll.u32 s17, $0x6  }
0x117: {  	s17 =	sand.u32 $0x40, s17  }
0x118: {  	v7 =	vld [tilespmem:s17+$0x11580];
	_ =	sdelay $0x1  }
0x119: {  	(v2sf) =	vpush v6, $0x5;
	_ =	sdelay $0x2  }
0x11a: {  	[tilespmem:$0x4580] =	vst v7  }
0x11b: {  	v7 =	vld [tilespmem:s17+$0x11590];
	_ =	sdelay $0x4  }
0x11c: {  	[tilespmem:$0x4590] =	vst v7  }
0x11d: {  	v7 =	vld [tilespmem:s17+$0x115A0];
	_ =	sdelay $0x4  }
0x11e: {  	s20 =	spop (v2sf);
	[tilespmem:$0x45A0] =	vst v7  }
0x11f: {  	p0 =	sgt.s32 s20, $0x0;
	v7 =	vld [tilespmem:s17+$0x115B0]  }
.Ltmp14:
0x120: {  	_ = 	snop;
	(pc) =	sbr.rel @p0 .LBB2_20-.Ltmp14, $2  }
0x121: {  	_ =	sdelay $0x2  }
0x122: {  	[tilespmem:$0x45B0] =	vst v7  }
0x123: {  	s17 =	simm.s32 $0x0  }
0x124: {  	s18 =	sand.u32 $0x70, s17;
	s19 =	sand.u32 $0x7C00, s17  }
0x125: {  	s19 =	sor.u32 s18, s19  }
0x126: {  	s18 =	simm.s32 $0x10;
	[tilespmem:s19+$0x580] =	vst v4  }
.LBB2_19:
0x127: {  	p0 =	sne.s32 s18, $0x830  }
.Ltmp15:
0x128: {  	_ = 	snop;
	(pc) =	sbr.rel @p0 .LBB2_19-.Ltmp15, $4  }
0x129: {  	s17 =	sadd.s32 $0x80, s17  }
0x12a: {  	s19 =	sand.u32 $0x70, s18;
	s20 =	sand.u32 $0x7C00, s17  }
0x12b: {  	s19 =	sor.u32 s19, s20  }
0x12c: {  	s18 =	sadd.s32 $0x10, s18;
	[tilespmem:s19+$0x580] =	vst v4  }
.LBB2_20:
0x12d: {  	(v2sf) =	vpush v5, $0x6;
	_ =	sdelay $0xe  }
0x12e: {  	s17 =	spop (v2sf)  }
0x12f: {  	s17 =	sshll.u32 s17, $0x6  }
0x130: {  	s17 =	sand.u32 $0x40, s17  }
0x131: {  	v7 =	vld [tilespmem:s17+$0x11600];
	_ =	sdelay $0x1  }
0x132: {  	(v2sf) =	vpush v6, $0x6;
	_ =	sdelay $0x2  }
0x133: {  	[tilespmem:$0x4600] =	vst v7  }
0x134: {  	v7 =	vld [tilespmem:s17+$0x11610];
	_ =	sdelay $0x4  }
0x135: {  	[tilespmem:$0x4610] =	vst v7  }
0x136: {  	v7 =	vld [tilespmem:s17+$0x11620];
	_ =	sdelay $0x4  }
0x137: {  	s20 =	spop (v2sf);
	[tilespmem:$0x4620] =	vst v7  }
0x138: {  	p0 =	sgt.s32 s20, $0x0;
	v7 =	vld [tilespmem:s17+$0x11630]  }
.Ltmp16:
0x139: {  	_ = 	snop;
	(pc) =	sbr.rel @p0 .LBB2_23-.Ltmp16, $2  }
0x13a: {  	_ =	sdelay $0x2  }
0x13b: {  	[tilespmem:$0x4630] =	vst v7  }
0x13c: {  	s17 =	simm.s32 $0x0  }
0x13d: {  	s18 =	sand.u32 $0x70, s17;
	s19 =	sand.u32 $0x7C00, s17  }
0x13e: {  	s19 =	sor.u32 s18, s19  }
0x13f: {  	s18 =	simm.s32 $0x10;
	[tilespmem:s19+$0x600] =	vst v4  }
.LBB2_22:
0x140: {  	p0 =	sne.s32 s18, $0x830  }
.Ltmp17:
0x141: {  	_ = 	snop;
	(pc) =	sbr.rel @p0 .LBB2_22-.Ltmp17, $4  }
0x142: {  	s17 =	sadd.s32 $0x80, s17  }
0x143: {  	s19 =	sand.u32 $0x70, s18;
	s20 =	sand.u32 $0x7C00, s17  }
0x144: {  	s19 =	sor.u32 s19, s20  }
0x145: {  	s18 =	sadd.s32 $0x10, s18;
	[tilespmem:s19+$0x600] =	vst v4  }
.LBB2_23:
0x146: {  	(v2sf) =	vpush v5, $0x7;
	_ =	sdelay $0xe  }
0x147: {  	s17 =	spop (v2sf)  }
0x148: {  	s17 =	sshll.u32 s17, $0x6  }
0x149: {  	s17 =	sand.u32 $0x40, s17  }
0x14a: {  	v7 =	vld [tilespmem:s17+$0x11680];
	_ =	sdelay $0x1  }
0x14b: {  	(v2sf) =	vpush v6, $0x7;
	_ =	sdelay $0x2  }
0x14c: {  	[tilespmem:$0x4680] =	vst v7  }
0x14d: {  	v7 =	vld [tilespmem:s17+$0x11690];
	_ =	sdelay $0x4  }
0x14e: {  	[tilespmem:$0x4690] =	vst v7  }
0x14f: {  	v7 =	vld [tilespmem:s17+$0x116A0];
	_ =	sdelay $0x4  }
0x150: {  	s20 =	spop (v2sf);
	[tilespmem:$0x46A0] =	vst v7  }
0x151: {  	p0 =	sgt.s32 s20, $0x0;
	v7 =	vld [tilespmem:s17+$0x116B0]  }
.Ltmp18:
0x152: {  	_ = 	snop;
	(pc) =	sbr.rel @p0 .LBB2_26-.Ltmp18, $2  }
0x153: {  	_ =	sdelay $0x2  }
0x154: {  	[tilespmem:$0x46B0] =	vst v7  }
0x155: {  	s17 =	simm.s32 $0x0  }
0x156: {  	s18 =	sand.u32 $0x7, s17  }
0x157: {  	s18 =	sshll.u32 s18, $0x4  }
0x158: {  	s18 =	sadd.s32 $0x0, s18  }
0x159: {  	s19 =	sor.u32 $0x380, s18  }
0x15a: {  	s18 =	simm.s32 $0x10;
	[tilespmem:s19+$0x300] =	vst v4;
	s19 =	simm.s32 $0x1  }
.LBB2_25:
0x15b: {  	s20 =	sand.u32 $0x7, s19;
	p0 =	sne.s32 s18, $0x830;
	s18 =	sadd.s32 $0x10, s18  }
.Ltmp19:
0x15c: {  	s17 =	sadd.s32 $0x80, s17;
	s20 =	sshll.u32 s20, $0x4;
	(pc) =	sbr.rel @p0 .LBB2_25-.Ltmp19, $4  }
0x15d: {  	s20 =	sadd.s32 s20, s17  }
0x15e: {  	s20 =	sor.u32 $0x380, s20  }
0x15f: {  	[tilespmem:s20+$0x300] =	vst v4  }
0x160: {  	s19 =	sadd.s32 $0x1, s19  }
.LBB2_26:
0x161: {  	(v2sf) =	vpush v5, $0x8;
	_ =	sdelay $0xe  }
0x162: {  	s17 =	spop (v2sf)  }
0x163: {  	s17 =	sshll.u32 s17, $0x6  }
0x164: {  	s17 =	sand.u32 $0x40, s17  }
0x165: {  	v7 =	vld [tilespmem:s17+$0x11700];
	_ =	sdelay $0x1  }
0x166: {  	(v2sf) =	vpush v6, $0x8;
	_ =	sdelay $0x2  }
0x167: {  	[tilespmem:$0x8700] =	vst v7  }
0x168: {  	v7 =	vld [tilespmem:s17+$0x11710];
	_ =	sdelay $0x4  }
0x169: {  	[tilespmem:$0x8710] =	vst v7  }
0x16a: {  	v7 =	vld [tilespmem:s17+$0x11720];
	_ =	sdelay $0x4  }
0x16b: {  	s20 =	spop (v2sf);
	[tilespmem:$0x8720] =	vst v7  }
0x16c: {  	p0 =	sgt.s32 s20, $0x0;
	v7 =	vld [tilespmem:s17+$0x11730]  }
.Ltmp20:
0x16d: {  	_ = 	snop;
	(pc) =	sbr.rel @p0 .LBB2_29-.Ltmp20, $2  }
0x16e: {  	_ =	sdelay $0x2  }
0x16f: {  	[tilespmem:$0x8730] =	vst v7  }
0x170: {  	s17 =	simm.s32 $0x0  }
0x171: {  	s18 =	sand.u32 $0x70, s17;
	s19 =	sand.u32 $0x7C00, s17  }
0x172: {  	s19 =	sor.u32 s18, s19  }
0x173: {  	s18 =	simm.s32 $0x10;
	[tilespmem:s19+$0x4700] =	vst v4  }
.LBB2_28:
0x174: {  	p0 =	sne.s32 s18, $0x830  }
.Ltmp21:
0x175: {  	_ = 	snop;
	(pc) =	sbr.rel @p0 .LBB2_28-.Ltmp21, $4  }
0x176: {  	s17 =	sadd.s32 $0x80, s17  }
0x177: {  	s19 =	sand.u32 $0x70, s18;
	s20 =	sand.u32 $0x7C00, s17  }
0x178: {  	s19 =	sor.u32 s19, s20  }
0x179: {  	s18 =	sadd.s32 $0x10, s18;
	[tilespmem:s19+$0x4700] =	vst v4  }
.LBB2_29:
0x17a: {  	(v2sf) =	vpush v5, $0x9;
	_ =	sdelay $0xe  }
0x17b: {  	s17 =	spop (v2sf)  }
0x17c: {  	s17 =	sshll.u32 s17, $0x6  }
0x17d: {  	s17 =	sand.u32 $0x40, s17  }
0x17e: {  	v7 =	vld [tilespmem:s17+$0x11780];
	_ =	sdelay $0x1  }
0x17f: {  	(v2sf) =	vpush v6, $0x9;
	_ =	sdelay $0x2  }
0x180: {  	[tilespmem:$0x8780] =	vst v7  }
0x181: {  	v7 =	vld [tilespmem:s17+$0x11790];
	_ =	sdelay $0x4  }
0x182: {  	[tilespmem:$0x8790] =	vst v7  }
0x183: {  	v7 =	vld [tilespmem:s17+$0x117A0];
	_ =	sdelay $0x4  }
0x184: {  	s20 =	spop (v2sf);
	[tilespmem:$0x87A0] =	vst v7  }
0x185: {  	p0 =	sgt.s32 s20, $0x0;
	v7 =	vld [tilespmem:s17+$0x117B0]  }
.Ltmp22:
0x186: {  	_ = 	snop;
	(pc) =	sbr.rel @p0 .LBB2_32-.Ltmp22, $2  }
0x187: {  	_ =	sdelay $0x2  }
0x188: {  	[tilespmem:$0x87B0] =	vst v7  }
0x189: {  	s17 =	simm.s32 $0x0  }
0x18a: {  	s18 =	sand.u32 $0x70, s17;
	s19 =	sand.u32 $0x7C00, s17  }
0x18b: {  	s19 =	sor.u32 s18, s19  }
0x18c: {  	s18 =	simm.s32 $0x10;
	[tilespmem:s19+$0x4780] =	vst v4  }
.LBB2_31:
0x18d: {  	p0 =	sne.s32 s18, $0x830  }
.Ltmp23:
0x18e: {  	_ = 	snop;
	(pc) =	sbr.rel @p0 .LBB2_31-.Ltmp23, $4  }
0x18f: {  	s17 =	sadd.s32 $0x80, s17  }
0x190: {  	s19 =	sand.u32 $0x70, s18;
	s20 =	sand.u32 $0x7C00, s17  }
0x191: {  	s19 =	sor.u32 s19, s20  }
0x192: {  	s18 =	sadd.s32 $0x10, s18;
	[tilespmem:s19+$0x4780] =	vst v4  }
.LBB2_32:
0x193: {  	(v2sf) =	vpush v5, $0xA;
	_ =	sdelay $0xe  }
0x194: {  	s17 =	spop (v2sf)  }
0x195: {  	s17 =	sshll.u32 s17, $0x6  }
0x196: {  	s17 =	sand.u32 $0x40, s17  }
0x197: {  	v7 =	vld [tilespmem:s17+$0x11800];
	_ =	sdelay $0x1  }
0x198: {  	(v2sf) =	vpush v6, $0xA;
	_ =	sdelay $0x2  }
0x199: {  	[tilespmem:$0x8800] =	vst v7  }
0x19a: {  	v7 =	vld [tilespmem:s17+$0x11810];
	_ =	sdelay $0x4  }
0x19b: {  	[tilespmem:$0x8810] =	vst v7  }
0x19c: {  	v7 =	vld [tilespmem:s17+$0x11820];
	_ =	sdelay $0x4  }
0x19d: {  	s20 =	spop (v2sf);
	[tilespmem:$0x8820] =	vst v7  }
0x19e: {  	p0 =	sgt.s32 s20, $0x0;
	v7 =	vld [tilespmem:s17+$0x11830]  }
.Ltmp24:
0x19f: {  	_ = 	snop;
	(pc) =	sbr.rel @p0 .LBB2_35-.Ltmp24, $2  }
0x1a0: {  	_ =	sdelay $0x2  }
0x1a1: {  	[tilespmem:$0x8830] =	vst v7  }
0x1a2: {  	s17 =	simm.s32 $0x0  }
0x1a3: {  	s18 =	sand.u32 $0x70, s17;
	s19 =	sand.u32 $0x7C00, s17  }
0x1a4: {  	s19 =	sor.u32 s18, s19  }
0x1a5: {  	s18 =	simm.s32 $0x10;
	[tilespmem:s19+$0x4800] =	vst v4  }
.LBB2_34:
0x1a6: {  	p0 =	sne.s32 s18, $0x830  }
.Ltmp25:
0x1a7: {  	_ = 	snop;
	(pc) =	sbr.rel @p0 .LBB2_34-.Ltmp25, $4  }
0x1a8: {  	s17 =	sadd.s32 $0x80, s17  }
0x1a9: {  	s19 =	sand.u32 $0x70, s18;
	s20 =	sand.u32 $0x7C00, s17  }
0x1aa: {  	s19 =	sor.u32 s19, s20  }
0x1ab: {  	s18 =	sadd.s32 $0x10, s18;
	[tilespmem:s19+$0x4800] =	vst v4  }
.LBB2_35:
0x1ac: {  	(v2sf) =	vpush v5, $0xB;
	_ =	sdelay $0xe  }
0x1ad: {  	s17 =	spop (v2sf)  }
0x1ae: {  	s17 =	sshll.u32 s17, $0x6  }
0x1af: {  	s17 =	sand.u32 $0x40, s17  }
0x1b0: {  	v7 =	vld [tilespmem:s17+$0x11880];
	_ =	sdelay $0x1  }
0x1b1: {  	(v2sf) =	vpush v6, $0xB;
	_ =	sdelay $0x2  }
0x1b2: {  	[tilespmem:$0x8880] =	vst v7  }
0x1b3: {  	v7 =	vld [tilespmem:s17+$0x11890];
	_ =	sdelay $0x4  }
0x1b4: {  	[tilespmem:$0x8890] =	vst v7  }
0x1b5: {  	v7 =	vld [tilespmem:s17+$0x118A0];
	_ =	sdelay $0x4  }
0x1b6: {  	s20 =	spop (v2sf);
	[tilespmem:$0x88A0] =	vst v7  }
0x1b7: {  	p0 =	sgt.s32 s20, $0x0;
	v7 =	vld [tilespmem:s17+$0x118B0]  }
.Ltmp26:
0x1b8: {  	_ = 	snop;
	(pc) =	sbr.rel @p0 .LBB2_38-.Ltmp26, $2  }
0x1b9: {  	_ =	sdelay $0x2  }
0x1ba: {  	[tilespmem:$0x88B0] =	vst v7  }
0x1bb: {  	s17 =	simm.s32 $0x0  }
0x1bc: {  	s18 =	sand.u32 $0x70, s17;
	s19 =	sand.u32 $0x7C00, s17  }
0x1bd: {  	s19 =	sor.u32 s18, s19  }
0x1be: {  	s18 =	simm.s32 $0x10;
	[tilespmem:s19+$0x4880] =	vst v4  }
.LBB2_37:
0x1bf: {  	p0 =	sne.s32 s18, $0x830  }
.Ltmp27:
0x1c0: {  	_ = 	snop;
	(pc) =	sbr.rel @p0 .LBB2_37-.Ltmp27, $4  }
0x1c1: {  	s17 =	sadd.s32 $0x80, s17  }
0x1c2: {  	s19 =	sand.u32 $0x70, s18;
	s20 =	sand.u32 $0x7C00, s17  }
0x1c3: {  	s19 =	sor.u32 s19, s20  }
0x1c4: {  	s18 =	sadd.s32 $0x10, s18;
	[tilespmem:s19+$0x4880] =	vst v4  }
.LBB2_38:
0x1c5: {  	(v2sf) =	vpush v5, $0xC;
	_ =	sdelay $0xe  }
0x1c6: {  	s17 =	spop (v2sf)  }
0x1c7: {  	s17 =	sshll.u32 s17, $0x6  }
0x1c8: {  	s17 =	sand.u32 $0x40, s17  }
0x1c9: {  	v7 =	vld [tilespmem:s17+$0x11900];
	_ =	sdelay $0x1  }
0x1ca: {  	(v2sf) =	vpush v6, $0xC;
	_ =	sdelay $0x2  }
0x1cb: {  	[tilespmem:$0x8900] =	vst v7  }
0x1cc: {  	v7 =	vld [tilespmem:s17+$0x11910];
	_ =	sdelay $0x4  }
0x1cd: {  	[tilespmem:$0x8910] =	vst v7  }
0x1ce: {  	v7 =	vld [tilespmem:s17+$0x11920];
	_ =	sdelay $0x4  }
0x1cf: {  	s20 =	spop (v2sf);
	[tilespmem:$0x8920] =	vst v7  }
0x1d0: {  	p0 =	sgt.s32 s20, $0x0;
	v7 =	vld [tilespmem:s17+$0x11930]  }
.Ltmp28:
0x1d1: {  	_ = 	snop;
	(pc) =	sbr.rel @p0 .LBB2_41-.Ltmp28, $2  }
0x1d2: {  	_ =	sdelay $0x2  }
0x1d3: {  	[tilespmem:$0x8930] =	vst v7  }
0x1d4: {  	s17 =	simm.s32 $0x0  }
0x1d5: {  	s18 =	sand.u32 $0x70, s17;
	s19 =	sand.u32 $0x7C00, s17  }
0x1d6: {  	s19 =	sor.u32 s18, s19  }
0x1d7: {  	s18 =	simm.s32 $0x10;
	[tilespmem:s19+$0x4900] =	vst v4  }
.LBB2_40:
0x1d8: {  	p0 =	sne.s32 s18, $0x830  }
.Ltmp29:
0x1d9: {  	_ = 	snop;
	(pc) =	sbr.rel @p0 .LBB2_40-.Ltmp29, $4  }
0x1da: {  	s17 =	sadd.s32 $0x80, s17  }
0x1db: {  	s19 =	sand.u32 $0x70, s18;
	s20 =	sand.u32 $0x7C00, s17  }
0x1dc: {  	s19 =	sor.u32 s19, s20  }
0x1dd: {  	s18 =	sadd.s32 $0x10, s18;
	[tilespmem:s19+$0x4900] =	vst v4  }
.LBB2_41:
0x1de: {  	(v2sf) =	vpush v5, $0xD;
	_ =	sdelay $0xe  }
0x1df: {  	s17 =	spop (v2sf)  }
0x1e0: {  	s17 =	sshll.u32 s17, $0x6  }
0x1e1: {  	s17 =	sand.u32 $0x40, s17  }
0x1e2: {  	v7 =	vld [tilespmem:s17+$0x11980];
	_ =	sdelay $0x1  }
0x1e3: {  	(v2sf) =	vpush v6, $0xD;
	_ =	sdelay $0x2  }
0x1e4: {  	[tilespmem:$0x8980] =	vst v7  }
0x1e5: {  	v7 =	vld [tilespmem:s17+$0x11990];
	_ =	sdelay $0x4  }
0x1e6: {  	[tilespmem:$0x8990] =	vst v7  }
0x1e7: {  	v7 =	vld [tilespmem:s17+$0x119A0];
	_ =	sdelay $0x4  }
0x1e8: {  	s20 =	spop (v2sf);
	[tilespmem:$0x89A0] =	vst v7  }
0x1e9: {  	p0 =	sgt.s32 s20, $0x0;
	v7 =	vld [tilespmem:s17+$0x119B0]  }
.Ltmp30:
0x1ea: {  	_ = 	snop;
	(pc) =	sbr.rel @p0 .LBB2_44-.Ltmp30, $2  }
0x1eb: {  	_ =	sdelay $0x2  }
0x1ec: {  	[tilespmem:$0x89B0] =	vst v7  }
0x1ed: {  	s17 =	simm.s32 $0x0  }
0x1ee: {  	s18 =	sand.u32 $0x70, s17;
	s19 =	sand.u32 $0x7C00, s17  }
0x1ef: {  	s19 =	sor.u32 s18, s19  }
0x1f0: {  	s18 =	simm.s32 $0x10;
	[tilespmem:s19+$0x4980] =	vst v4  }
.LBB2_43:
0x1f1: {  	p0 =	sne.s32 s18, $0x830  }
.Ltmp31:
0x1f2: {  	_ = 	snop;
	(pc) =	sbr.rel @p0 .LBB2_43-.Ltmp31, $4  }
0x1f3: {  	s17 =	sadd.s32 $0x80, s17  }
0x1f4: {  	s19 =	sand.u32 $0x70, s18;
	s20 =	sand.u32 $0x7C00, s17  }
0x1f5: {  	s19 =	sor.u32 s19, s20  }
0x1f6: {  	s18 =	sadd.s32 $0x10, s18;
	[tilespmem:s19+$0x4980] =	vst v4  }
.LBB2_44:
0x1f7: {  	(v2sf) =	vpush v5, $0xE;
	_ =	sdelay $0xe  }
0x1f8: {  	s17 =	spop (v2sf)  }
0x1f9: {  	s17 =	sshll.u32 s17, $0x6  }
0x1fa: {  	s17 =	sand.u32 $0x40, s17  }
0x1fb: {  	v7 =	vld [tilespmem:s17+$0x11A00];
	_ =	sdelay $0x1  }
0x1fc: {  	(v2sf) =	vpush v6, $0xE;
	_ =	sdelay $0x2  }
0x1fd: {  	[tilespmem:$0x8A00] =	vst v7  }
0x1fe: {  	v7 =	vld [tilespmem:s17+$0x11A10];
	_ =	sdelay $0x4  }
0x1ff: {  	[tilespmem:$0x8A10] =	vst v7  }
0x200: {  	v7 =	vld [tilespmem:s17+$0x11A20];
	_ =	sdelay $0x4  }
0x201: {  	s20 =	spop (v2sf);
	[tilespmem:$0x8A20] =	vst v7  }
0x202: {  	p0 =	sgt.s32 s20, $0x0;
	v7 =	vld [tilespmem:s17+$0x11A30]  }
.Ltmp32:
0x203: {  	_ = 	snop;
	(pc) =	sbr.rel @p0 .LBB2_47-.Ltmp32, $2  }
0x204: {  	_ =	sdelay $0x2  }
0x205: {  	[tilespmem:$0x8A30] =	vst v7  }
0x206: {  	s17 =	simm.s32 $0x0  }
0x207: {  	s18 =	sand.u32 $0x70, s17;
	s19 =	sand.u32 $0x7C00, s17  }
0x208: {  	s19 =	sor.u32 s18, s19  }
0x209: {  	s18 =	simm.s32 $0x10;
	[tilespmem:s19+$0x4A00] =	vst v4  }
.LBB2_46:
0x20a: {  	p0 =	sne.s32 s18, $0x830  }
.Ltmp33:
0x20b: {  	_ = 	snop;
	(pc) =	sbr.rel @p0 .LBB2_46-.Ltmp33, $4  }
0x20c: {  	s17 =	sadd.s32 $0x80, s17  }
0x20d: {  	s19 =	sand.u32 $0x70, s18;
	s20 =	sand.u32 $0x7C00, s17  }
0x20e: {  	s19 =	sor.u32 s19, s20  }
0x20f: {  	s18 =	sadd.s32 $0x10, s18;
	[tilespmem:s19+$0x4A00] =	vst v4  }
.LBB2_47:
0x210: {  	(v2sf) =	vpush v5, $0xF;
	_ =	sdelay $0xe  }
0x211: {  	s17 =	spop (v2sf)  }
0x212: {  	s17 =	sshll.u32 s17, $0x6  }
0x213: {  	s17 =	sand.u32 $0x40, s17  }
0x214: {  	v5 =	vld [tilespmem:s17+$0x11A80];
	_ =	sdelay $0x1  }
0x215: {  	(v2sf) =	vpush v6, $0xF;
	_ =	sdelay $0x2  }
0x216: {  	[tilespmem:$0x8A80] =	vst v5  }
0x217: {  	v5 =	vld [tilespmem:s17+$0x11A90];
	_ =	sdelay $0x4  }
0x218: {  	[tilespmem:$0x8A90] =	vst v5  }
0x219: {  	v5 =	vld [tilespmem:s17+$0x11AA0];
	_ =	sdelay $0x4  }
0x21a: {  	s20 =	spop (v2sf);
	[tilespmem:$0x8AA0] =	vst v5  }
0x21b: {  	p0 =	sgt.s32 s20, $0x0;
	v5 =	vld [tilespmem:s17+$0x11AB0]  }
.Ltmp34:
0x21c: {  	_ = 	snop;
	(pc) =	sbr.rel @p0 .LBB2_50-.Ltmp34, $2  }
0x21d: {  	_ =	sdelay $0x2  }
0x21e: {  	[tilespmem:$0x8AB0] =	vst v5  }
0x21f: {  	s17 =	simm.s32 $0x0  }
0x220: {  	s18 =	sand.u32 $0x70, s17;
	s19 =	sand.u32 $0x7C00, s17  }
0x221: {  	s19 =	sor.u32 s18, s19  }
0x222: {  	s18 =	simm.s32 $0x10;
	[tilespmem:s19+$0x4A80] =	vst v4  }
.LBB2_49:
0x223: {  	p0 =	sne.s32 s18, $0x830  }
.Ltmp35:
0x224: {  	_ = 	snop;
	(pc) =	sbr.rel @p0 .LBB2_49-.Ltmp35, $4  }
0x225: {  	s17 =	sadd.s32 $0x80, s17  }
0x226: {  	s19 =	sand.u32 $0x70, s18;
	s20 =	sand.u32 $0x7C00, s17  }
0x227: {  	s19 =	sor.u32 s19, s20  }
0x228: {  	s18 =	sadd.s32 $0x10, s18;
	[tilespmem:s19+$0x4A80] =	vst v4  }
.LBB2_50:
0x229: {  	s17 =	sor.u32 s6, s16  }
0x22a: {  	s17 =	sshrl.u32 s17, $0x3  }
0x22b: {  	s17 =	smul.u32 $0x880, s17;
	_ =	sdelay $0x1  }
0x22c: {  	s17 =	sadd.s32 s5, s17  }
0x22d: {  	[hbm4b:s17+s4] =	stream.linear.scatter [tilespmem:s15], [sflag:$0x3], $0x8800, $0x38;
	[tilespmem:$0x12300] =	vst v63  }
0x22e: {  	_ =	swait.ge [sflag:s0], $0x4000  }
0x22f: {  	[sflag:s0] =	ssyncset.done $0x0  }
0x230: {  	[sflag:s0] =	ssyncadd.s32 $0xFFFFC000  }
0x231: {  	p0 =	seq.s32 s14, $0x3;
	_ =	swait.ge [sflag:s0], $0x4000  }
.Ltmp36:
0x232: {  	[sflag:s0] =	ssyncset.done $0x0;
	(pc) =	sbr.rel @p0 .LBB2_52-.Ltmp36, $4  }
0x233: {  	[sflag:s0] =	ssyncadd.s32 $0xFFFFC000  }
0x234: {  	_ =	swait.ge [sflag:s0], $0x800  }
0x235: {  	[sflag:s0] =	ssyncset.done $0x0  }
0x236: {  	[sflag:s0] =	ssyncadd.s32 $0xFFFFF800  }
0x237: {  	_ =	swait.ge [sflag:s12], $0x8800  }
0x238: {  	s17 =	sadd.s32 $0x20, s16;
	[sflag:s12] =	ssyncset.done $0x0  }
0x239: {  	s17 =	sand.u32 $0xE0, s17;
	[sflag:s12] =	ssyncadd.s32 $0xFFFF7800  }
0x23a: {  	v5 =	vld [tilespmem:s17+$0x100];
	_ =	sdelay $0x4  }
0x23b: {  	v5 =	vshrl.u32 v5, $0x1  }
0x23c: {  	[tilespmem:$0x200] =	vst v5  }
0x23d: {  	v5 =	vld [tilespmem:s16+$0x20];
	_ =	sdelay $0x4  }
0x23e: {  	v6 =	vshll.u32 v5, $0x3  }
0x23f: {  	v5 =	vand.u32 $0x7, v5;
	v6 =	vand.u32 $0xFFFFFFC0, v6  }
0x240: {  	v5 =	vor.u32 v5, v6  }
0x241: {  	v6 =	vperm.xlane v5, v1;
	_ =	sdelay $0x1  }
0x242: {  	v6 =	vadd.s32 v2, v6;
	_ =	sdelay $0x4  }
0x243: {  	[tilespmem:s15], [sflag:$0x1] =	stream.indirect_vreg.gather [hbm4b:s1+s4], $0x80, v6, vm0, $0xb8;
	[tilespmem:$0x12300] =	vst v63  }
0x244: {  	s18 =	simm.s32 $0xB00;
	v5 =	vperm.xlane v5, v3  }
0x245: {  	[tilespmem:s18], [sflag:$0x1] =	stream.indirect_vreg.gather [hbm4b:s8+s4], $0x80, v6, vm0, $0xb8;
	[tilespmem:$0x12300] =	vst v63  }
0x246: {  	s19 =	simm.s32 $0x1300;
	v5 =	vadd.s32 v2, v5  }
0x247: {  	[tilespmem:s19], [sflag:$0x1] =	stream.indirect_vreg.gather [hbm4b:s9+s4], $0x80, v6, vm0, $0xb8;
	[tilespmem:$0x12300] =	vst v63  }
0x248: {  	s20 =	simm.s32 $0x1B00  }
0x249: {  	[tilespmem:s20], [sflag:$0x1] =	stream.indirect_vreg.gather [hbm4b:s10+s4], $0x80, v6, vm0, $0xb8;
	[tilespmem:$0x12300] =	vst v63  }
0x24a: {  	s18 =	simm.s32 $0x4700  }
0x24b: {  	[tilespmem:s18], [sflag:$0x1] =	stream.indirect_vreg.gather [hbm4b:s1+s4], $0x80, v5, vm0, $0xb8;
	[tilespmem:$0x12300] =	vst v63  }
0x24c: {  	s19 =	simm.s32 $0x4F00  }
0x24d: {  	[tilespmem:s19], [sflag:$0x1] =	stream.indirect_vreg.gather [hbm4b:s8+s4], $0x80, v5, vm0, $0xb8;
	[tilespmem:$0x12300] =	vst v63  }
0x24e: {  	s20 =	simm.s32 $0x5700  }
0x24f: {  	[tilespmem:s20], [sflag:$0x1] =	stream.indirect_vreg.gather [hbm4b:s9+s4], $0x80, v5, vm0, $0xb8;
	[tilespmem:$0x12300] =	vst v63  }
0x250: {  	s18 =	simm.s32 $0x5F00  }
0x251: {  	[tilespmem:s18], [sflag:$0x1] =	stream.indirect_vreg.gather [hbm4b:s10+s4], $0x80, v5, vm0, $0xb8;
	[tilespmem:$0x12300] =	vst v63  }
0x252: {  	v5 =	vld [tilespmem:s17+$0x80];
	_ =	sdelay $0x4  }
0x253: {  	v6 =	vshll.u32 v5, $0x3  }
0x254: {  	v5 =	vand.u32 $0x7, v5;
	v6 =	vand.u32 $0xFFFFFFC0, v6  }
0x255: {  	v5 =	vor.u32 v5, v6  }
0x256: {  	v6 =	vperm.xlane v5, v1;
	_ =	sdelay $0x1  }
0x257: {  	v6 =	vadd.s32 v2, v6;
	_ =	sdelay $0x3  }
0x258: {  	s19 =	simm.s32 $0x2300  }
0x259: {  	[tilespmem:s19], [sflag:$0x1] =	stream.indirect_vreg.gather [hbm4b:s1+s4], $0x80, v6, vm0, $0xb8;
	[tilespmem:$0x12300] =	vst v63  }
0x25a: {  	s20 =	simm.s32 $0x2B00;
	v5 =	vperm.xlane v5, v3  }
0x25b: {  	[tilespmem:s20], [sflag:$0x1] =	stream.indirect_vreg.gather [hbm4b:s8+s4], $0x80, v6, vm0, $0xb8;
	[tilespmem:$0x12300] =	vst v63  }
0x25c: {  	s17 =	simm.s32 $0x3300;
	v5 =	vadd.s32 v2, v5  }
0x25d: {  	[tilespmem:s17], [sflag:$0x1] =	stream.indirect_vreg.gather [hbm4b:s9+s4], $0x80, v6, vm0, $0xb8;
	[tilespmem:$0x12300] =	vst v63  }
0x25e: {  	s18 =	simm.s32 $0x3B00  }
0x25f: {  	[tilespmem:s18], [sflag:$0x1] =	stream.indirect_vreg.gather [hbm4b:s10+s4], $0x80, v6, vm0, $0xb8;
	[tilespmem:$0x12300] =	vst v63  }
0x260: {  	s19 =	simm.s32 $0x6700  }
0x261: {  	[tilespmem:s19], [sflag:$0x1] =	stream.indirect_vreg.gather [hbm4b:s1+s4], $0x80, v5, vm0, $0xb8;
	[tilespmem:$0x12300] =	vst v63  }
0x262: {  	s20 =	simm.s32 $0x6F00  }
0x263: {  	[tilespmem:s20], [sflag:$0x1] =	stream.indirect_vreg.gather [hbm4b:s8+s4], $0x80, v5, vm0, $0xb8;
	[tilespmem:$0x12300] =	vst v63  }
0x264: {  	s17 =	simm.s32 $0x7700  }
0x265: {  	[tilespmem:s17], [sflag:$0x1] =	stream.indirect_vreg.gather [hbm4b:s9+s4], $0x80, v5, vm0, $0xb8;
	[tilespmem:$0x12300] =	vst v63  }
0x266: {  	s18 =	simm.s32 $0x7F00  }
0x267: {  	[tilespmem:s18], [sflag:$0x1] =	stream.indirect_vreg.gather [hbm4b:s10+s4], $0x80, v5, vm0, $0xb8;
	[tilespmem:$0x12300] =	vst v63  }
0x268: {  	s19 =	simm.s32 $0x200;
	s20 =	simm.s32 $0x11300  }
0x269: {  	[tilespmem:s20], [sflag:$0x1] =	stream.indirect.gather [hbm4b:s3+s2], $0x80, s19, s2, $0xb8;
	[tilespmem:$0x12300] =	vst v63  }
.LBB2_52:
0x26a: {  	v5 =	vld [tilespmem:s7+$0x100];
	_ =	sdelay $0x4  }
0x26b: {  	(v2sf) =	vpush v5, $0x0;
	_ =	sdelay $0xd  }
0x26c: {  	v6 =	vld [tilespmem:s7+$0x80]  }
0x26d: {  	s16 =	spop (v2sf)  }
0x26e: {  	s16 =	sshll.u32 s16, $0x6  }
0x26f: {  	s16 =	sand.u32 $0x40, s16  }
0x270: {  	v7 =	vld [tilespmem:s16+$0x11B00]  }
0x271: {  	v6 =	vsub.s32 v6, v0  }
0x272: {  	(v2sf) =	vpush v6, $0x0;
	_ =	sdelay $0x2  }
0x273: {  	[tilespmem:$0xCB00] =	vst v7  }
0x274: {  	v7 =	vld [tilespmem:s16+$0x11B10];
	_ =	sdelay $0x4  }
0x275: {  	[tilespmem:$0xCB10] =	vst v7  }
0x276: {  	v7 =	vld [tilespmem:s16+$0x11B20];
	_ =	sdelay $0x4  }
0x277: {  	s20 =	spop (v2sf);
	[tilespmem:$0xCB20] =	vst v7  }
0x278: {  	p0 =	sgt.s32 s20, $0x0;
	v7 =	vld [tilespmem:s16+$0x11B30]  }
.Ltmp37:
0x279: {  	_ = 	snop;
	(pc) =	sbr.rel @p0 .LBB2_55-.Ltmp37, $2  }
0x27a: {  	_ =	sdelay $0x2  }
0x27b: {  	[tilespmem:$0xCB30] =	vst v7  }
0x27c: {  	s16 =	simm.s32 $0x0  }
0x27d: {  	s17 =	sand.u32 $0x70, s16;
	s18 =	sand.u32 $0x7C00, s16  }
0x27e: {  	s18 =	sor.u32 s17, s18  }
0x27f: {  	s17 =	simm.s32 $0x10;
	[tilespmem:s18+$0x8B00] =	vst v4  }
.LBB2_54:
0x280: {  	p0 =	sne.s32 s17, $0x830  }
.Ltmp38:
0x281: {  	_ = 	snop;
	(pc) =	sbr.rel @p0 .LBB2_54-.Ltmp38, $4  }
0x282: {  	s16 =	sadd.s32 $0x80, s16  }
0x283: {  	s18 =	sand.u32 $0x70, s17;
	s19 =	sand.u32 $0x7C00, s16  }
0x284: {  	s18 =	sor.u32 s18, s19  }
0x285: {  	s17 =	sadd.s32 $0x10, s17;
	[tilespmem:s18+$0x8B00] =	vst v4  }
.LBB2_55:
0x286: {  	(v2sf) =	vpush v5, $0x1;
	_ =	sdelay $0xe  }
0x287: {  	s16 =	spop (v2sf)  }
0x288: {  	s16 =	sshll.u32 s16, $0x6  }
0x289: {  	s16 =	sand.u32 $0x40, s16  }
0x28a: {  	v7 =	vld [tilespmem:s16+$0x11B80];
	_ =	sdelay $0x1  }
0x28b: {  	(v2sf) =	vpush v6, $0x1;
	_ =	sdelay $0x2  }
0x28c: {  	[tilespmem:$0xCB80] =	vst v7  }
0x28d: {  	v7 =	vld [tilespmem:s16+$0x11B90];
	_ =	sdelay $0x4  }
0x28e: {  	[tilespmem:$0xCB90] =	vst v7  }
0x28f: {  	v7 =	vld [tilespmem:s16+$0x11BA0];
	_ =	sdelay $0x4  }
0x290: {  	s20 =	spop (v2sf);
	[tilespmem:$0xCBA0] =	vst v7  }
0x291: {  	p0 =	sgt.s32 s20, $0x0;
	v7 =	vld [tilespmem:s16+$0x11BB0]  }
.Ltmp39:
0x292: {  	_ = 	snop;
	(pc) =	sbr.rel @p0 .LBB2_58-.Ltmp39, $2  }
0x293: {  	_ =	sdelay $0x2  }
0x294: {  	[tilespmem:$0xCBB0] =	vst v7  }
0x295: {  	s16 =	simm.s32 $0x0  }
0x296: {  	s17 =	sand.u32 $0x70, s16;
	s18 =	sand.u32 $0x7C00, s16  }
0x297: {  	s18 =	sor.u32 s17, s18  }
0x298: {  	s17 =	simm.s32 $0x10;
	[tilespmem:s18+$0x8B80] =	vst v4  }
.LBB2_57:
0x299: {  	p0 =	sne.s32 s17, $0x830  }
.Ltmp40:
0x29a: {  	_ = 	snop;
	(pc) =	sbr.rel @p0 .LBB2_57-.Ltmp40, $4  }
0x29b: {  	s16 =	sadd.s32 $0x80, s16  }
0x29c: {  	s18 =	sand.u32 $0x70, s17;
	s19 =	sand.u32 $0x7C00, s16  }
0x29d: {  	s18 =	sor.u32 s18, s19  }
0x29e: {  	s17 =	sadd.s32 $0x10, s17;
	[tilespmem:s18+$0x8B80] =	vst v4  }
.LBB2_58:
0x29f: {  	(v2sf) =	vpush v5, $0x2;
	_ =	sdelay $0xe  }
0x2a0: {  	s16 =	spop (v2sf)  }
0x2a1: {  	s16 =	sshll.u32 s16, $0x6  }
0x2a2: {  	s16 =	sand.u32 $0x40, s16  }
0x2a3: {  	v7 =	vld [tilespmem:s16+$0x11C00];
	_ =	sdelay $0x1  }
0x2a4: {  	(v2sf) =	vpush v6, $0x2;
	_ =	sdelay $0x2  }
0x2a5: {  	[tilespmem:$0xCC00] =	vst v7  }
0x2a6: {  	v7 =	vld [tilespmem:s16+$0x11C10];
	_ =	sdelay $0x4  }
0x2a7: {  	[tilespmem:$0xCC10] =	vst v7  }
0x2a8: {  	v7 =	vld [tilespmem:s16+$0x11C20];
	_ =	sdelay $0x4  }
0x2a9: {  	s20 =	spop (v2sf);
	[tilespmem:$0xCC20] =	vst v7  }
0x2aa: {  	p0 =	sgt.s32 s20, $0x0;
	v7 =	vld [tilespmem:s16+$0x11C30]  }
.Ltmp41:
0x2ab: {  	_ = 	snop;
	(pc) =	sbr.rel @p0 .LBB2_61-.Ltmp41, $2  }
0x2ac: {  	_ =	sdelay $0x2  }
0x2ad: {  	[tilespmem:$0xCC30] =	vst v7  }
0x2ae: {  	s16 =	simm.s32 $0x0  }
0x2af: {  	s17 =	sand.u32 $0x70, s16;
	s18 =	sand.u32 $0x7C00, s16  }
0x2b0: {  	s18 =	sor.u32 s17, s18  }
0x2b1: {  	s17 =	simm.s32 $0x10;
	[tilespmem:s18+$0x8C00] =	vst v4  }
.LBB2_60:
0x2b2: {  	p0 =	sne.s32 s17, $0x830  }
.Ltmp42:
0x2b3: {  	_ = 	snop;
	(pc) =	sbr.rel @p0 .LBB2_60-.Ltmp42, $4  }
0x2b4: {  	s16 =	sadd.s32 $0x80, s16  }
0x2b5: {  	s18 =	sand.u32 $0x70, s17;
	s19 =	sand.u32 $0x7C00, s16  }
0x2b6: {  	s18 =	sor.u32 s18, s19  }
0x2b7: {  	s17 =	sadd.s32 $0x10, s17;
	[tilespmem:s18+$0x8C00] =	vst v4  }
.LBB2_61:
0x2b8: {  	(v2sf) =	vpush v5, $0x3;
	_ =	sdelay $0xe  }
0x2b9: {  	s16 =	spop (v2sf)  }
0x2ba: {  	s16 =	sshll.u32 s16, $0x6  }
0x2bb: {  	s16 =	sand.u32 $0x40, s16  }
0x2bc: {  	v7 =	vld [tilespmem:s16+$0x11C80];
	_ =	sdelay $0x1  }
0x2bd: {  	(v2sf) =	vpush v6, $0x3;
	_ =	sdelay $0x2  }
0x2be: {  	[tilespmem:$0xCC80] =	vst v7  }
0x2bf: {  	v7 =	vld [tilespmem:s16+$0x11C90];
	_ =	sdelay $0x4  }
0x2c0: {  	[tilespmem:$0xCC90] =	vst v7  }
0x2c1: {  	v7 =	vld [tilespmem:s16+$0x11CA0];
	_ =	sdelay $0x4  }
0x2c2: {  	s20 =	spop (v2sf);
	[tilespmem:$0xCCA0] =	vst v7  }
0x2c3: {  	p0 =	sgt.s32 s20, $0x0;
	v7 =	vld [tilespmem:s16+$0x11CB0]  }
.Ltmp43:
0x2c4: {  	_ = 	snop;
	(pc) =	sbr.rel @p0 .LBB2_64-.Ltmp43, $2  }
0x2c5: {  	_ =	sdelay $0x2  }
0x2c6: {  	[tilespmem:$0xCCB0] =	vst v7  }
0x2c7: {  	s16 =	simm.s32 $0x0  }
0x2c8: {  	s17 =	sand.u32 $0x70, s16;
	s18 =	sand.u32 $0x7C00, s16  }
0x2c9: {  	s18 =	sor.u32 s17, s18  }
0x2ca: {  	s17 =	simm.s32 $0x10;
	[tilespmem:s18+$0x8C80] =	vst v4  }
.LBB2_63:
0x2cb: {  	p0 =	sne.s32 s17, $0x830  }
.Ltmp44:
0x2cc: {  	_ = 	snop;
	(pc) =	sbr.rel @p0 .LBB2_63-.Ltmp44, $4  }
0x2cd: {  	s16 =	sadd.s32 $0x80, s16  }
0x2ce: {  	s18 =	sand.u32 $0x70, s17;
	s19 =	sand.u32 $0x7C00, s16  }
0x2cf: {  	s18 =	sor.u32 s18, s19  }
0x2d0: {  	s17 =	sadd.s32 $0x10, s17;
	[tilespmem:s18+$0x8C80] =	vst v4  }
.LBB2_64:
0x2d1: {  	(v2sf) =	vpush v5, $0x4;
	_ =	sdelay $0xe  }
0x2d2: {  	s16 =	spop (v2sf)  }
0x2d3: {  	s16 =	sshll.u32 s16, $0x6  }
0x2d4: {  	s16 =	sand.u32 $0x40, s16  }
0x2d5: {  	v7 =	vld [tilespmem:s16+$0x11D00];
	_ =	sdelay $0x1  }
0x2d6: {  	(v2sf) =	vpush v6, $0x4;
	_ =	sdelay $0x2  }
0x2d7: {  	[tilespmem:$0xCD00] =	vst v7  }
0x2d8: {  	v7 =	vld [tilespmem:s16+$0x11D10];
	_ =	sdelay $0x4  }
0x2d9: {  	[tilespmem:$0xCD10] =	vst v7  }
0x2da: {  	v7 =	vld [tilespmem:s16+$0x11D20];
	_ =	sdelay $0x4  }
0x2db: {  	s20 =	spop (v2sf);
	[tilespmem:$0xCD20] =	vst v7  }
0x2dc: {  	p0 =	sgt.s32 s20, $0x0;
	v7 =	vld [tilespmem:s16+$0x11D30]  }
.Ltmp45:
0x2dd: {  	_ = 	snop;
	(pc) =	sbr.rel @p0 .LBB2_67-.Ltmp45, $2  }
0x2de: {  	_ =	sdelay $0x2  }
0x2df: {  	[tilespmem:$0xCD30] =	vst v7  }
0x2e0: {  	s16 =	simm.s32 $0x0  }
0x2e1: {  	s17 =	sand.u32 $0x70, s16;
	s18 =	sand.u32 $0x7C00, s16  }
0x2e2: {  	s18 =	sor.u32 s17, s18  }
0x2e3: {  	s17 =	simm.s32 $0x10;
	[tilespmem:s18+$0x8D00] =	vst v4  }
.LBB2_66:
0x2e4: {  	p0 =	sne.s32 s17, $0x830  }
.Ltmp46:
0x2e5: {  	_ = 	snop;
	(pc) =	sbr.rel @p0 .LBB2_66-.Ltmp46, $4  }
0x2e6: {  	s16 =	sadd.s32 $0x80, s16  }
0x2e7: {  	s18 =	sand.u32 $0x70, s17;
	s19 =	sand.u32 $0x7C00, s16  }
0x2e8: {  	s18 =	sor.u32 s18, s19  }
0x2e9: {  	s17 =	sadd.s32 $0x10, s17;
	[tilespmem:s18+$0x8D00] =	vst v4  }
.LBB2_67:
0x2ea: {  	(v2sf) =	vpush v5, $0x5;
	_ =	sdelay $0xe  }
0x2eb: {  	s16 =	spop (v2sf)  }
0x2ec: {  	s16 =	sshll.u32 s16, $0x6  }
0x2ed: {  	s16 =	sand.u32 $0x40, s16  }
0x2ee: {  	v7 =	vld [tilespmem:s16+$0x11D80];
	_ =	sdelay $0x1  }
0x2ef: {  	(v2sf) =	vpush v6, $0x5;
	_ =	sdelay $0x2  }
0x2f0: {  	[tilespmem:$0xCD80] =	vst v7  }
0x2f1: {  	v7 =	vld [tilespmem:s16+$0x11D90];
	_ =	sdelay $0x4  }
0x2f2: {  	[tilespmem:$0xCD90] =	vst v7  }
0x2f3: {  	v7 =	vld [tilespmem:s16+$0x11DA0];
	_ =	sdelay $0x4  }
0x2f4: {  	s20 =	spop (v2sf);
	[tilespmem:$0xCDA0] =	vst v7  }
0x2f5: {  	p0 =	sgt.s32 s20, $0x0;
	v7 =	vld [tilespmem:s16+$0x11DB0]  }
.Ltmp47:
0x2f6: {  	_ = 	snop;
	(pc) =	sbr.rel @p0 .LBB2_70-.Ltmp47, $2  }
0x2f7: {  	_ =	sdelay $0x2  }
0x2f8: {  	[tilespmem:$0xCDB0] =	vst v7  }
0x2f9: {  	s16 =	simm.s32 $0x0  }
0x2fa: {  	s17 =	sand.u32 $0x70, s16;
	s18 =	sand.u32 $0x7C00, s16  }
0x2fb: {  	s18 =	sor.u32 s17, s18  }
0x2fc: {  	s17 =	simm.s32 $0x10;
	[tilespmem:s18+$0x8D80] =	vst v4  }
.LBB2_69:
0x2fd: {  	p0 =	sne.s32 s17, $0x830  }
.Ltmp48:
0x2fe: {  	_ = 	snop;
	(pc) =	sbr.rel @p0 .LBB2_69-.Ltmp48, $4  }
0x2ff: {  	s16 =	sadd.s32 $0x80, s16  }
0x300: {  	s18 =	sand.u32 $0x70, s17;
	s19 =	sand.u32 $0x7C00, s16  }
0x301: {  	s18 =	sor.u32 s18, s19  }
0x302: {  	s17 =	sadd.s32 $0x10, s17;
	[tilespmem:s18+$0x8D80] =	vst v4  }
.LBB2_70:
0x303: {  	(v2sf) =	vpush v5, $0x6;
	_ =	sdelay $0xe  }
0x304: {  	s16 =	spop (v2sf)  }
0x305: {  	s16 =	sshll.u32 s16, $0x6  }
0x306: {  	s16 =	sand.u32 $0x40, s16  }
0x307: {  	v7 =	vld [tilespmem:s16+$0x11E00];
	_ =	sdelay $0x1  }
0x308: {  	(v2sf) =	vpush v6, $0x6;
	_ =	sdelay $0x2  }
0x309: {  	[tilespmem:$0xCE00] =	vst v7  }
0x30a: {  	v7 =	vld [tilespmem:s16+$0x11E10];
	_ =	sdelay $0x4  }
0x30b: {  	[tilespmem:$0xCE10] =	vst v7  }
0x30c: {  	v7 =	vld [tilespmem:s16+$0x11E20];
	_ =	sdelay $0x4  }
0x30d: {  	s20 =	spop (v2sf);
	[tilespmem:$0xCE20] =	vst v7  }
0x30e: {  	p0 =	sgt.s32 s20, $0x0;
	v7 =	vld [tilespmem:s16+$0x11E30]  }
.Ltmp49:
0x30f: {  	_ = 	snop;
	(pc) =	sbr.rel @p0 .LBB2_73-.Ltmp49, $2  }
0x310: {  	_ =	sdelay $0x2  }
0x311: {  	[tilespmem:$0xCE30] =	vst v7  }
0x312: {  	s16 =	simm.s32 $0x0  }
0x313: {  	s17 =	sand.u32 $0x70, s16;
	s18 =	sand.u32 $0x7C00, s16  }
0x314: {  	s18 =	sor.u32 s17, s18  }
0x315: {  	s17 =	simm.s32 $0x10;
	[tilespmem:s18+$0x8E00] =	vst v4  }
.LBB2_72:
0x316: {  	p0 =	sne.s32 s17, $0x830  }
.Ltmp50:
0x317: {  	_ = 	snop;
	(pc) =	sbr.rel @p0 .LBB2_72-.Ltmp50, $4  }
0x318: {  	s16 =	sadd.s32 $0x80, s16  }
0x319: {  	s18 =	sand.u32 $0x70, s17;
	s19 =	sand.u32 $0x7C00, s16  }
0x31a: {  	s18 =	sor.u32 s18, s19  }
0x31b: {  	s17 =	sadd.s32 $0x10, s17;
	[tilespmem:s18+$0x8E00] =	vst v4  }
.LBB2_73:
0x31c: {  	(v2sf) =	vpush v5, $0x7;
	_ =	sdelay $0xe  }
0x31d: {  	s16 =	spop (v2sf)  }
0x31e: {  	s16 =	sshll.u32 s16, $0x6  }
0x31f: {  	s16 =	sand.u32 $0x40, s16  }
0x320: {  	v7 =	vld [tilespmem:s16+$0x11E80];
	_ =	sdelay $0x1  }
0x321: {  	(v2sf) =	vpush v6, $0x7;
	_ =	sdelay $0x2  }
0x322: {  	[tilespmem:$0xCE80] =	vst v7  }
0x323: {  	v7 =	vld [tilespmem:s16+$0x11E90];
	_ =	sdelay $0x4  }
0x324: {  	[tilespmem:$0xCE90] =	vst v7  }
0x325: {  	v7 =	vld [tilespmem:s16+$0x11EA0];
	_ =	sdelay $0x4  }
0x326: {  	s20 =	spop (v2sf);
	[tilespmem:$0xCEA0] =	vst v7  }
0x327: {  	p0 =	sgt.s32 s20, $0x0;
	v7 =	vld [tilespmem:s16+$0x11EB0]  }
.Ltmp51:
0x328: {  	_ = 	snop;
	(pc) =	sbr.rel @p0 .LBB2_76-.Ltmp51, $2  }
0x329: {  	_ =	sdelay $0x2  }
0x32a: {  	[tilespmem:$0xCEB0] =	vst v7  }
0x32b: {  	s16 =	simm.s32 $0x0  }
0x32c: {  	s17 =	sand.u32 $0x7, s16  }
0x32d: {  	s17 =	sshll.u32 s17, $0x4  }
0x32e: {  	s17 =	sadd.s32 $0x0, s17  }
0x32f: {  	s18 =	sor.u32 $0x380, s17  }
0x330: {  	s17 =	simm.s32 $0x10;
	[tilespmem:s18+$0x8B00] =	vst v4;
	s18 =	simm.s32 $0x1  }
.LBB2_75:
0x331: {  	s19 =	sand.u32 $0x7, s18;
	p0 =	sne.s32 s17, $0x830;
	s17 =	sadd.s32 $0x10, s17  }
.Ltmp52:
0x332: {  	s16 =	sadd.s32 $0x80, s16;
	s19 =	sshll.u32 s19, $0x4;
	(pc) =	sbr.rel @p0 .LBB2_75-.Ltmp52, $4  }
0x333: {  	s19 =	sadd.s32 s19, s16  }
0x334: {  	s19 =	sor.u32 $0x380, s19  }
0x335: {  	[tilespmem:s19+$0x8B00] =	vst v4  }
0x336: {  	s18 =	sadd.s32 $0x1, s18  }
.LBB2_76:
0x337: {  	(v2sf) =	vpush v5, $0x8;
	_ =	sdelay $0xe  }
0x338: {  	s16 =	spop (v2sf)  }
0x339: {  	s16 =	sshll.u32 s16, $0x6  }
0x33a: {  	s16 =	sand.u32 $0x40, s16  }
0x33b: {  	v7 =	vld [tilespmem:s16+$0x11F00];
	_ =	sdelay $0x1  }
0x33c: {  	(v2sf) =	vpush v6, $0x8;
	_ =	sdelay $0x2  }
0x33d: {  	[tilespmem:$0x10F00] =	vst v7  }
0x33e: {  	v7 =	vld [tilespmem:s16+$0x11F10];
	_ =	sdelay $0x4  }
0x33f: {  	[tilespmem:$0x10F10] =	vst v7  }
0x340: {  	v7 =	vld [tilespmem:s16+$0x11F20];
	_ =	sdelay $0x4  }
0x341: {  	s20 =	spop (v2sf);
	[tilespmem:$0x10F20] =	vst v7  }
0x342: {  	p0 =	sgt.s32 s20, $0x0;
	v7 =	vld [tilespmem:s16+$0x11F30]  }
.Ltmp53:
0x343: {  	_ = 	snop;
	(pc) =	sbr.rel @p0 .LBB2_79-.Ltmp53, $2  }
0x344: {  	_ =	sdelay $0x2  }
0x345: {  	[tilespmem:$0x10F30] =	vst v7  }
0x346: {  	s16 =	simm.s32 $0x0  }
0x347: {  	s17 =	sand.u32 $0x70, s16;
	s18 =	sand.u32 $0x7C00, s16  }
0x348: {  	s18 =	sor.u32 s17, s18  }
0x349: {  	s17 =	simm.s32 $0x10;
	[tilespmem:s18+$0xCF00] =	vst v4  }
.LBB2_78:
0x34a: {  	p0 =	sne.s32 s17, $0x830  }
.Ltmp54:
0x34b: {  	_ = 	snop;
	(pc) =	sbr.rel @p0 .LBB2_78-.Ltmp54, $4  }
0x34c: {  	s16 =	sadd.s32 $0x80, s16  }
0x34d: {  	s18 =	sand.u32 $0x70, s17;
	s19 =	sand.u32 $0x7C00, s16  }
0x34e: {  	s18 =	sor.u32 s18, s19  }
0x34f: {  	s17 =	sadd.s32 $0x10, s17;
	[tilespmem:s18+$0xCF00] =	vst v4  }
.LBB2_79:
0x350: {  	(v2sf) =	vpush v5, $0x9;
	_ =	sdelay $0xe  }
0x351: {  	s16 =	spop (v2sf)  }
0x352: {  	s16 =	sshll.u32 s16, $0x6  }
0x353: {  	s16 =	sand.u32 $0x40, s16  }
0x354: {  	v7 =	vld [tilespmem:s16+$0x11F80];
	_ =	sdelay $0x1  }
0x355: {  	(v2sf) =	vpush v6, $0x9;
	_ =	sdelay $0x2  }
0x356: {  	[tilespmem:$0x10F80] =	vst v7  }
0x357: {  	v7 =	vld [tilespmem:s16+$0x11F90];
	_ =	sdelay $0x4  }
0x358: {  	[tilespmem:$0x10F90] =	vst v7  }
0x359: {  	v7 =	vld [tilespmem:s16+$0x11FA0];
	_ =	sdelay $0x4  }
0x35a: {  	s20 =	spop (v2sf);
	[tilespmem:$0x10FA0] =	vst v7  }
0x35b: {  	p0 =	sgt.s32 s20, $0x0;
	v7 =	vld [tilespmem:s16+$0x11FB0]  }
.Ltmp55:
0x35c: {  	_ = 	snop;
	(pc) =	sbr.rel @p0 .LBB2_82-.Ltmp55, $2  }
0x35d: {  	_ =	sdelay $0x2  }
0x35e: {  	[tilespmem:$0x10FB0] =	vst v7  }
0x35f: {  	s16 =	simm.s32 $0x0  }
0x360: {  	s17 =	sand.u32 $0x70, s16;
	s18 =	sand.u32 $0x7C00, s16  }
0x361: {  	s18 =	sor.u32 s17, s18  }
0x362: {  	s17 =	simm.s32 $0x10;
	[tilespmem:s18+$0xCF80] =	vst v4  }
.LBB2_81:
0x363: {  	p0 =	sne.s32 s17, $0x830  }
.Ltmp56:
0x364: {  	_ = 	snop;
	(pc) =	sbr.rel @p0 .LBB2_81-.Ltmp56, $4  }
0x365: {  	s16 =	sadd.s32 $0x80, s16  }
0x366: {  	s18 =	sand.u32 $0x70, s17;
	s19 =	sand.u32 $0x7C00, s16  }
0x367: {  	s18 =	sor.u32 s18, s19  }
0x368: {  	s17 =	sadd.s32 $0x10, s17;
	[tilespmem:s18+$0xCF80] =	vst v4  }
.LBB2_82:
0x369: {  	(v2sf) =	vpush v5, $0xA;
	_ =	sdelay $0xe  }
0x36a: {  	s16 =	spop (v2sf)  }
0x36b: {  	s16 =	sshll.u32 s16, $0x6  }
0x36c: {  	s16 =	sand.u32 $0x40, s16  }
0x36d: {  	v7 =	vld [tilespmem:s16+$0x12000];
	_ =	sdelay $0x1  }
0x36e: {  	(v2sf) =	vpush v6, $0xA;
	_ =	sdelay $0x2  }
0x36f: {  	[tilespmem:$0x11000] =	vst v7  }
0x370: {  	v7 =	vld [tilespmem:s16+$0x12010];
	_ =	sdelay $0x4  }
0x371: {  	[tilespmem:$0x11010] =	vst v7  }
0x372: {  	v7 =	vld [tilespmem:s16+$0x12020];
	_ =	sdelay $0x4  }
0x373: {  	s20 =	spop (v2sf);
	[tilespmem:$0x11020] =	vst v7  }
0x374: {  	p0 =	sgt.s32 s20, $0x0;
	v7 =	vld [tilespmem:s16+$0x12030]  }
.Ltmp57:
0x375: {  	_ = 	snop;
	(pc) =	sbr.rel @p0 .LBB2_85-.Ltmp57, $2  }
0x376: {  	_ =	sdelay $0x2  }
0x377: {  	[tilespmem:$0x11030] =	vst v7  }
0x378: {  	s16 =	simm.s32 $0x0  }
0x379: {  	s17 =	sand.u32 $0x70, s16;
	s18 =	sand.u32 $0x7C00, s16  }
0x37a: {  	s18 =	sor.u32 s17, s18  }
0x37b: {  	s17 =	simm.s32 $0x10;
	[tilespmem:s18+$0xD000] =	vst v4  }
.LBB2_84:
0x37c: {  	p0 =	sne.s32 s17, $0x830  }
.Ltmp58:
0x37d: {  	_ = 	snop;
	(pc) =	sbr.rel @p0 .LBB2_84-.Ltmp58, $4  }
0x37e: {  	s16 =	sadd.s32 $0x80, s16  }
0x37f: {  	s18 =	sand.u32 $0x70, s17;
	s19 =	sand.u32 $0x7C00, s16  }
0x380: {  	s18 =	sor.u32 s18, s19  }
0x381: {  	s17 =	sadd.s32 $0x10, s17;
	[tilespmem:s18+$0xD000] =	vst v4  }
.LBB2_85:
0x382: {  	(v2sf) =	vpush v5, $0xB;
	_ =	sdelay $0xe  }
0x383: {  	s16 =	spop (v2sf)  }
0x384: {  	s16 =	sshll.u32 s16, $0x6  }
0x385: {  	s16 =	sand.u32 $0x40, s16  }
0x386: {  	v7 =	vld [tilespmem:s16+$0x12080];
	_ =	sdelay $0x1  }
0x387: {  	(v2sf) =	vpush v6, $0xB;
	_ =	sdelay $0x2  }
0x388: {  	[tilespmem:$0x11080] =	vst v7  }
0x389: {  	v7 =	vld [tilespmem:s16+$0x12090];
	_ =	sdelay $0x4  }
0x38a: {  	[tilespmem:$0x11090] =	vst v7  }
0x38b: {  	v7 =	vld [tilespmem:s16+$0x120A0];
	_ =	sdelay $0x4  }
0x38c: {  	s20 =	spop (v2sf);
	[tilespmem:$0x110A0] =	vst v7  }
0x38d: {  	p0 =	sgt.s32 s20, $0x0;
	v7 =	vld [tilespmem:s16+$0x120B0]  }
.Ltmp59:
0x38e: {  	_ = 	snop;
	(pc) =	sbr.rel @p0 .LBB2_88-.Ltmp59, $2  }
0x38f: {  	_ =	sdelay $0x2  }
0x390: {  	[tilespmem:$0x110B0] =	vst v7  }
0x391: {  	s16 =	simm.s32 $0x0  }
0x392: {  	s17 =	sand.u32 $0x70, s16;
	s18 =	sand.u32 $0x7C00, s16  }
0x393: {  	s18 =	sor.u32 s17, s18  }
0x394: {  	s17 =	simm.s32 $0x10;
	[tilespmem:s18+$0xD080] =	vst v4  }
.LBB2_87:
0x395: {  	p0 =	sne.s32 s17, $0x830  }
.Ltmp60:
0x396: {  	_ = 	snop;
	(pc) =	sbr.rel @p0 .LBB2_87-.Ltmp60, $4  }
0x397: {  	s16 =	sadd.s32 $0x80, s16  }
0x398: {  	s18 =	sand.u32 $0x70, s17;
	s19 =	sand.u32 $0x7C00, s16  }
0x399: {  	s18 =	sor.u32 s18, s19  }
0x39a: {  	s17 =	sadd.s32 $0x10, s17;
	[tilespmem:s18+$0xD080] =	vst v4  }
.LBB2_88:
0x39b: {  	(v2sf) =	vpush v5, $0xC;
	_ =	sdelay $0xe  }
0x39c: {  	s16 =	spop (v2sf)  }
0x39d: {  	s16 =	sshll.u32 s16, $0x6  }
0x39e: {  	s16 =	sand.u32 $0x40, s16  }
0x39f: {  	v7 =	vld [tilespmem:s16+$0x12100];
	_ =	sdelay $0x1  }
0x3a0: {  	(v2sf) =	vpush v6, $0xC;
	_ =	sdelay $0x2  }
0x3a1: {  	[tilespmem:$0x11100] =	vst v7  }
0x3a2: {  	v7 =	vld [tilespmem:s16+$0x12110];
	_ =	sdelay $0x4  }
0x3a3: {  	[tilespmem:$0x11110] =	vst v7  }
0x3a4: {  	v7 =	vld [tilespmem:s16+$0x12120];
	_ =	sdelay $0x4  }
0x3a5: {  	s20 =	spop (v2sf);
	[tilespmem:$0x11120] =	vst v7  }
0x3a6: {  	p0 =	sgt.s32 s20, $0x0;
	v7 =	vld [tilespmem:s16+$0x12130]  }
.Ltmp61:
0x3a7: {  	_ = 	snop;
	(pc) =	sbr.rel @p0 .LBB2_91-.Ltmp61, $2  }
0x3a8: {  	_ =	sdelay $0x2  }
0x3a9: {  	[tilespmem:$0x11130] =	vst v7  }
0x3aa: {  	s16 =	simm.s32 $0x0  }
0x3ab: {  	s17 =	sand.u32 $0x70, s16;
	s18 =	sand.u32 $0x7C00, s16  }
0x3ac: {  	s18 =	sor.u32 s17, s18  }
0x3ad: {  	s17 =	simm.s32 $0x10;
	[tilespmem:s18+$0xD100] =	vst v4  }
.LBB2_90:
0x3ae: {  	p0 =	sne.s32 s17, $0x830  }
.Ltmp62:
0x3af: {  	_ = 	snop;
	(pc) =	sbr.rel @p0 .LBB2_90-.Ltmp62, $4  }
0x3b0: {  	s16 =	sadd.s32 $0x80, s16  }
0x3b1: {  	s18 =	sand.u32 $0x70, s17;
	s19 =	sand.u32 $0x7C00, s16  }
0x3b2: {  	s18 =	sor.u32 s18, s19  }
0x3b3: {  	s17 =	sadd.s32 $0x10, s17;
	[tilespmem:s18+$0xD100] =	vst v4  }
.LBB2_91:
0x3b4: {  	(v2sf) =	vpush v5, $0xD;
	_ =	sdelay $0xe  }
0x3b5: {  	s16 =	spop (v2sf)  }
0x3b6: {  	s16 =	sshll.u32 s16, $0x6  }
0x3b7: {  	s16 =	sand.u32 $0x40, s16  }
0x3b8: {  	v7 =	vld [tilespmem:s16+$0x12180];
	_ =	sdelay $0x1  }
0x3b9: {  	(v2sf) =	vpush v6, $0xD;
	_ =	sdelay $0x2  }
0x3ba: {  	[tilespmem:$0x11180] =	vst v7  }
0x3bb: {  	v7 =	vld [tilespmem:s16+$0x12190];
	_ =	sdelay $0x4  }
0x3bc: {  	[tilespmem:$0x11190] =	vst v7  }
0x3bd: {  	v7 =	vld [tilespmem:s16+$0x121A0];
	_ =	sdelay $0x4  }
0x3be: {  	s20 =	spop (v2sf);
	[tilespmem:$0x111A0] =	vst v7  }
0x3bf: {  	p0 =	sgt.s32 s20, $0x0;
	v7 =	vld [tilespmem:s16+$0x121B0]  }
.Ltmp63:
0x3c0: {  	_ = 	snop;
	(pc) =	sbr.rel @p0 .LBB2_94-.Ltmp63, $2  }
0x3c1: {  	_ =	sdelay $0x2  }
0x3c2: {  	[tilespmem:$0x111B0] =	vst v7  }
0x3c3: {  	s16 =	simm.s32 $0x0  }
0x3c4: {  	s17 =	sand.u32 $0x70, s16;
	s18 =	sand.u32 $0x7C00, s16  }
0x3c5: {  	s18 =	sor.u32 s17, s18  }
0x3c6: {  	s17 =	simm.s32 $0x10;
	[tilespmem:s18+$0xD180] =	vst v4  }
.LBB2_93:
0x3c7: {  	p0 =	sne.s32 s17, $0x830  }
.Ltmp64:
0x3c8: {  	_ = 	snop;
	(pc) =	sbr.rel @p0 .LBB2_93-.Ltmp64, $4  }
0x3c9: {  	s16 =	sadd.s32 $0x80, s16  }
0x3ca: {  	s18 =	sand.u32 $0x70, s17;
	s19 =	sand.u32 $0x7C00, s16  }
0x3cb: {  	s18 =	sor.u32 s18, s19  }
0x3cc: {  	s17 =	sadd.s32 $0x10, s17;
	[tilespmem:s18+$0xD180] =	vst v4  }
.LBB2_94:
0x3cd: {  	(v2sf) =	vpush v5, $0xE;
	_ =	sdelay $0xe  }
0x3ce: {  	s16 =	spop (v2sf)  }
0x3cf: {  	s16 =	sshll.u32 s16, $0x6  }
0x3d0: {  	s16 =	sand.u32 $0x40, s16  }
0x3d1: {  	v7 =	vld [tilespmem:s16+$0x12200];
	_ =	sdelay $0x1  }
0x3d2: {  	(v2sf) =	vpush v6, $0xE;
	_ =	sdelay $0x2  }
0x3d3: {  	[tilespmem:$0x11200] =	vst v7  }
0x3d4: {  	v7 =	vld [tilespmem:s16+$0x12210];
	_ =	sdelay $0x4  }
0x3d5: {  	[tilespmem:$0x11210] =	vst v7  }
0x3d6: {  	v7 =	vld [tilespmem:s16+$0x12220];
	_ =	sdelay $0x4  }
0x3d7: {  	s20 =	spop (v2sf);
	[tilespmem:$0x11220] =	vst v7  }
0x3d8: {  	p0 =	sgt.s32 s20, $0x0;
	v7 =	vld [tilespmem:s16+$0x12230]  }
.Ltmp65:
0x3d9: {  	_ = 	snop;
	(pc) =	sbr.rel @p0 .LBB2_97-.Ltmp65, $2  }
0x3da: {  	_ =	sdelay $0x2  }
0x3db: {  	[tilespmem:$0x11230] =	vst v7  }
0x3dc: {  	s16 =	simm.s32 $0x0  }
0x3dd: {  	s17 =	sand.u32 $0x70, s16;
	s18 =	sand.u32 $0x7C00, s16  }
0x3de: {  	s18 =	sor.u32 s17, s18  }
0x3df: {  	s17 =	simm.s32 $0x10;
	[tilespmem:s18+$0xD200] =	vst v4  }
.LBB2_96:
0x3e0: {  	p0 =	sne.s32 s17, $0x830  }
.Ltmp66:
0x3e1: {  	_ = 	snop;
	(pc) =	sbr.rel @p0 .LBB2_96-.Ltmp66, $4  }
0x3e2: {  	s16 =	sadd.s32 $0x80, s16  }
0x3e3: {  	s18 =	sand.u32 $0x70, s17;
	s19 =	sand.u32 $0x7C00, s16  }
0x3e4: {  	s18 =	sor.u32 s18, s19  }
0x3e5: {  	s17 =	sadd.s32 $0x10, s17;
	[tilespmem:s18+$0xD200] =	vst v4  }
.LBB2_97:
0x3e6: {  	(v2sf) =	vpush v5, $0xF;
	_ =	sdelay $0xe  }
0x3e7: {  	s16 =	spop (v2sf)  }
0x3e8: {  	s16 =	sshll.u32 s16, $0x6  }
0x3e9: {  	s16 =	sand.u32 $0x40, s16  }
0x3ea: {  	v5 =	vld [tilespmem:s16+$0x12280];
	_ =	sdelay $0x1  }
0x3eb: {  	(v2sf) =	vpush v6, $0xF;
	_ =	sdelay $0x2  }
0x3ec: {  	[tilespmem:$0x11280] =	vst v5  }
0x3ed: {  	v5 =	vld [tilespmem:s16+$0x12290];
	_ =	sdelay $0x4  }
0x3ee: {  	[tilespmem:$0x11290] =	vst v5  }
0x3ef: {  	v5 =	vld [tilespmem:s16+$0x122A0];
	_ =	sdelay $0x4  }
0x3f0: {  	s20 =	spop (v2sf);
	[tilespmem:$0x112A0] =	vst v5  }
0x3f1: {  	p0 =	sgt.s32 s20, $0x0;
	v5 =	vld [tilespmem:s16+$0x122B0]  }
.Ltmp67:
0x3f2: {  	_ = 	snop;
	(pc) =	sbr.rel @p0 .LBB2_100-.Ltmp67, $2  }
0x3f3: {  	_ =	sdelay $0x2  }
0x3f4: {  	[tilespmem:$0x112B0] =	vst v5  }
0x3f5: {  	s16 =	simm.s32 $0x0  }
0x3f6: {  	s17 =	sand.u32 $0x70, s16;
	s18 =	sand.u32 $0x7C00, s16  }
0x3f7: {  	s18 =	sor.u32 s17, s18  }
0x3f8: {  	s17 =	simm.s32 $0x10;
	[tilespmem:s18+$0xD280] =	vst v4  }
.LBB2_99:
0x3f9: {  	p0 =	sne.s32 s17, $0x830  }
.Ltmp68:
0x3fa: {  	_ = 	snop;
	(pc) =	sbr.rel @p0 .LBB2_99-.Ltmp68, $4  }
0x3fb: {  	s16 =	sadd.s32 $0x80, s16  }
0x3fc: {  	s18 =	sand.u32 $0x70, s17;
	s19 =	sand.u32 $0x7C00, s16  }
0x3fd: {  	s18 =	sor.u32 s18, s19  }
0x3fe: {  	s17 =	sadd.s32 $0x10, s17;
	[tilespmem:s18+$0xD280] =	vst v4  }
.Ltmp69:
0x3ff: {  	_ = 	snop;
	(pc) =	sbr.rel .LBB2_100-.Ltmp69, $1  }
0x400: {  	_ =	sdelay $0x3  }
.LBB2_102:
0x401: {  	_ =	sfence.sel $0x180000  }
0x402: {  	[bflag:$0x0] =	sbarrier.arrive $0xFFFF  }
0x403: {  	_ =	strace $0x90000047  }
0x404: {  	s0 =	stileid.u32;
	[bflag:$0x2] =	sbarrier.arrive $0xFFFF  }
0x405: {  	p0 =	sne.s32 s0, $0x0;
	s0 =	rddreg [dreg:$0x3]  }
0x406: {  	s0 =	sadd.s32 @!p0 $0x100000, s0  }
0x407: {  	[sflag:s0] =	ssyncadd.tile.s32 @!p0 $0x1;
	_ =	shalt  }
.Lfunc_end2:
_tile_overlayer_lowered:
.L_overlay_start_2:
0x408: {  	(tag) =	ssettag $0x2  }
0x409: {  	s0 =	rddreg [dreg:$0x0];
	s2 =	stileid.u32  }
0x40a: {  	s1 =	rddreg [dreg:$0x1];
	p0 =	sne.s32 s2, $0x0  }
0x40b: {  	s3 =	rddreg [dreg:$0x2];
	[bflag:$0x3] =	sbarrier.arrive $0xFFFF;
	s2 =	simm.s32 @!p0 $0x1C05  }
0x40c: {  	[timem:s3], [sflag:s2] =	dma.local @!p0 [hbm:s0], s1  }
0x40d: {  	s0 =	simm.s32 @!p0 $0x5  }
0x40e: {  	_ =	swait.ge @!p0 [sflag:s0], s1  }
0x40f: {  	s1 =	ssub.s32 @!p0 $0x0, s1;
	[sflag:s0] =	ssyncset.done @!p0 $0x0  }
0x410: {  	[sflag:s0] =	ssyncadd.s32 @!p0 s1  }
0x411: {  	[bflag:$0x3] =	sbarrier.arrive $0xFFFF  }
0x412: {  	_ =	shalt  }

// kernel: sparse-core-data-format-call.cloned.1.call-start
scs
called_computation_lowered:
.L_overlay_start_0:
0x0: {  	s2 =	sld [smem:$0x3FD9]  }
0x1: {  	s3 =	sld [smem:$0x3FFE];
	_ =	sdelay $0x1  }
0x2: {  	s1 =	srdreg.scid  }
0x3: {  	s0 =	sand.u32 $0x1, s1  }
0x4: {  	s18 =	sshll.u32 s0, $0xA;
	s2 =	sadd.s32 s3, s2  }
0x5: {  	s2 =	sadd.s32 s2, s18  }
0x6: {  	[smem:$0x3FC5] =	sst s2  }
0x7: {  	_ = 	snop  }
0x8: {  	s2 =	sld [smem:$0x3FD0];
	(tm) =	ssettm $0x1  }
0x9: {  	s19 =	sld [smem:$0x3FFB];
	_ =	sdelay $0x3  }
0xa: {  	_ =	strace s19  }
0xb: {  	s3 =	sld [smem:$0x3FFC];
	_ =	sdelay $0x3  }
0xc: {  	_ =	strace s3  }
0xd: {  	s3 =	sld [smem:$0x3FFD];
	_ =	sdelay $0x3  }
0xe: {  	_ =	strace s3  }
0xf: {  	_ =	strace $0x8FFFFFFF  }
0x10: {  	s20 =	sld [smem:$0x3FDB];
	_ =	sdelay $0x1  }
0x11: {  	s4 =	simm.s32 $_scs_section_size  }
0x12: {  	s5 =	simm.s32 $_size__tile_overlayer_lowered;
	s6 =	simm.s32 $_tile_overlayer_lowered  }
0x13: {  	s23 =	simm.s32 $0x1BFF;
	s22 =	sshll.u32 s6, $0x1;
	s3 =	sadd.s32 s4, s20  }
0x14: {  	s7 =	simm.s32 $0x0;
	s21 =	sshll.u32 s5, $0x1;
	s5 =	sadd.s32 s22, s3  }
0x15: {  	[timem:s7], [sflag:s23] =	dma.local [hbm:s5], s21  }
0x16: {  	_ =	swait.ge [sflag:s23], s21  }
0x17: {  	s4 =	ssub.s32 $0x0, s21;
	[sflag:s23] =	ssyncset.done $0x0  }
0x18: {  	[sflag:s23] =	ssyncadd.s32 s4;
	_ =	sdelay $0x1  }
0x19: {  	s24 =	simm.s32 $0x1B8B  }
0x1a: {  	_ =	swait.ge [sflag:s24], $0x1  }
0x1b: {  	[sflag:s24] =	ssyncset.done $0x0  }
0x1c: {  	s26 =	simm.s32 $0x1B8E;
	s25 =	sld [smem:$0x3FFE];
	[sflag:s24] =	ssyncadd.s32 $0xFFFFFFFF  }
0x1d: {  	s27 =	simm.s32 $execute0_lowered;
	[smem:$0x3FD2] =	sst s26  }
0x1e: {  	s5 =	sshll.u32 s27, $0x1;
	_ =	strace $0x80000049;
	[dreg:$0x1] =	wrdreg $0xFFFFFFFF  }
0x1f: {  	s28 =	simm.s32 $_size_execute0_lowered;
	s3 =	sadd.s32 s3, s5;
	[dreg:$0x0] =	wrdreg $0x0  }
0x20: {  	s5 =	sshll.u32 s28, $0x1;
	[dreg:$0x2] =	wrdreg s3  }
0x21: {  	[dreg:$0x3] =	wrdreg s5  }
0x22: {  	[dreg:$0x4] =	wrdreg $0xC0  }
0x23: {  	_ =	task [dreg:s7], $0x5FFFF  }
0x24: {  	[dreg:$0x1] =	wrdreg $0xFFFFFFFF  }
0x25: {  	[dreg:$0x0] =	wrdreg $0x60  }
0x26: {  	[dreg:$0x2] =	wrdreg s25  }
0x27: {  	[dreg:$0x3] =	wrdreg s2  }
0x28: {  	[dreg:$0x4] =	wrdreg $0x9  }
0x29: {  	_ =	task.clear_ibuf [dreg:s7], $0x5FFFF;
	_ =	strace $0x90000049  }
0x2a: {  	s29 =	simm.s32 $0x9;
	_ =	strace $0x8000004B  }
0x2b: {  	_ =	swait.ge [sflag:s29], $0x1  }
0x2c: {  	[sflag:s29] =	ssyncadd.s32 $0xFFFFFFFF  }
0x2d: {  	_ =	strace $0x9000004B  }
0x2e: {  	_ =	sfence  }
0x2f: {  	s30 =	sld [smem:$0x0];
	_ =	sdelay $0x2  }
0x30: {  	s31 =	sshll.u32 s1, $0xD;
	s1 =	sshrl.u32 s1, $0x2  }
0x31: {  	s3 =	sand.u32 $0x4000, s31;
	s1 =	sadd.s32 s1, s30  }
0x32: {  	s0 =	sor.u32 s3, s0;
	s1 =	sshll.u32 s1, $0x11  }
0x33: {  	s0 =	sor.u32 s1, s0  }
0x34: {  	s0 =	sadd.s32 $0x8F2B, s0  }
0x35: {  	[sflag:s0] =	ssyncadd.remote.s32 $0x1  }
0x36: {  	_ =	sfence.sel $0xFFFF  }
0x37: {  	[dreg:$0x0] =	wrdreg $0xFFFFFFFF;
	(pc) =	sbr.abs _section_cstart, $3  }
0x38: {  	[dreg:$0x1] =	wrdreg $0xFFFFFFFF  }
0x39: {  	_ =	task.clear_ibuf [dreg:s7], $0x2FFFF;
	_ =	strace $0x9FFFFFFF  }
0x3a: {  	(tm) =	ssettm $0x7FFFFFFF  }
0x3b: {  	_ =	shalt  }
tec
execute0_lowered:
.L_overlay_start_1:
0x0: {  	(tag) =	ssettag $0x1  }
0x1: {  	s0 =	stileid.u32;
	s5 =	rddreg [dreg:$0x0]  }
0x2: {  	s1 =	srdreg.scid;
	s3 =	rddreg [dreg:$0x1];
	s6 =	simm.s32 $0x1  }
0x3: {  	s8 =	simm.s32 $0x2;
	s2 =	sshll.u32 s0, $0x5;
	s1 =	sshll.u32 s1, $0x9  }
0x4: {  	s17 =	simm.s32 $0x0;
	s9 =	simm.s32 $0x2000;
	s1 =	sor.u32 s2, s1  }
0x5: {  	s18 =	simm.s32 $0x0;
	s19 =	simm.s32 $0x0;
	s2 =	sand.u32 $0x380, s1  }
0x6: {  	s10 =	simm.s32 $0x0;
	s11 =	simm.s32 $0x0;
	s4 =	ssub.s32 $0x400, s2  }
0x7: {  	s12 =	simm.s32 $0x0;
	s13 =	simm.s32 $0x0;
	s31 =	sand.u32 $0x380, s4  }
0x8: {  	s16 =	simm.s32 $0x0;
	s7 =	sand.u32 $0x3, s0;
	p0 =	sne.s32 s31, $0x0  }
.Ltmp0:
0x9: {  	s4 =	sshrl.u32 s4, $0xA;
	s6 =	simm.s32 @!p0 $0x0;
	(pc) =	sbr.rel .LBB1_1-.Ltmp0, $4  }
0xa: {  	s1 =	rddreg [dreg:$0x2];
	_ =	strace $0x8000004A;
	s6 =	sadd.s32 s6, s4  }
0xb: {  	s4 =	sadd.s32 $0x1400, s5;
	s5 =	simm.s32 $0x1;
	s6 =	smul.u32 $0x11, s6  }
0xc: {  	s15 =	smov.u32 s7;
	s14 =	smov.u32 s2;
	[sflag:s5] =	ssyncpa.u1 $0x0  }
0xd: {  	p0 =	por $0x0, $0x0;
	[sflag:s8] =	ssyncpa.u1 $0x0;
	s8 =	sadd.s32 $0x1, s6  }
.LBB1_4:
0xe: {  	s25 =	sshll.u32 s10, $0xA;
	s24 =	sshra.s32 s24, $0x2;
	s26 =	sshll.u32 s11, $0x3  }
0xf: {  	p1 =	sgt.s32 s12, $0x3;
	s27 =	smov.u32 s12;
	s28 =	sshra.s32 s12, $0x1F  }
0x10: {  	p2 =	sgt.s32 s11, $0x380;
	s31 =	sshra.s32 s11, $0x1F;
	s25 =	sand.u32 $0xFFFFE000, s25  }
0x11: {  	s26 =	sand.u32 $0xFFFFFC00, s26;
	s27 =	simm.s32 @!p1 $0x3;
	s28 =	sand.u32 s28, s12  }
0x12: {  	[tilespmem:s22+$0x2040 ss:$0x81] =	vst.msk $0xffff, v4;
	s23 =	sadd.s32 s24, s23;
	s29 =	sadd.s32 s26, s25;
	s25 =	ssub.s32 s27, s28  }
0x13: {  	[tilespmem:s22+$0x2850 ss:$0x81] =	vst.msk $0xffff, v3;
	s27 =	smov.u32 s11;
	s28 =	smov.u32 s10;
	s26 =	sand.u32 s31, s11  }
0x14: {  	[tilespmem:s22+$0x3060 ss:$0x81] =	vst.msk $0xffff, v2;
	s24 =	sshrl.u32 s29, $0xA;
	s30 =	sadd.s32 $0xFFFFFFFD, s25;
	s27 =	simm.s32 @!p2 $0x380  }
0x15: {  	v5 =	vld [tilespmem:s21+$0xFFFFFFD0];
	[tilespmem:s22+$0x0 ss:$0x81] =	vst.msk $0xffff, v1;
	p2 =	sgt.s32 s10, $0x7C0;
	s29 =	sshra.s32 s10, $0x1F;
	s22 =	ssub.s32 $0x4, s25  }
0x16: {  	v58 =	vld [tilespmem:s21+$0xFFFFFFE0];
	p1 =	sgt.s32 s30, $0x0;
	s28 =	simm.s32 @!p2 $0x7C0;
	s29 =	sand.u32 s29, s10  }
0x17: {  	v59 =	vld [tilespmem:s21+$0xFFFFFFF0];
	s26 =	ssub.s32 s27, s26;
	s27 =	smulhi.u32 $0x1F07C2, s24;
	s28 =	ssub.s32 s28, s29  }
0x18: {  	v60 =	vld [tilespmem:s21+$0x0];
	s30 =	sadd.s32 $0xFFFFFC80, s26;
	s25 =	ssub.s32 $0x400, s26;
	s22 =	simm.s32 @p1 $0x0  }
0x19: {  	v61 =	vld [tilespmem:s21+$0x10];
	[tilespmem:s23+$0x3870 ss:$0x81] =	vst.msk $0xffff, v0;
	s29 =	sand.u32 $0x78, s11;
	p2 =	sgt.s32 s30, $0x7F;
	s31 =	sadd.s32 $0xFFFFF840, s28  }
0x1a: {  	v62 =	vld [tilespmem:s21+$0x20];
	[tilespmem:s23+$0x810 ss:$0x81] =	vst.msk $0xffff, v5;
	s27 =	smul.u32 $0x840, s27;
	s30 =	sshll.u32 s10, $0x7;
	s28 =	ssub.s32 $0x840, s28  }
0x1b: {  	v63 =	vld [tilespmem:s21+$0xFFFFFFC0];
	[tilespmem:s23+$0x1020 ss:$0x81] =	vst.msk $0xffff, v58;
	s25 =	simm.s32 @p2 $0x0;
	p1 =	sgt.s32 s31, $0x7F;
	s31 =	smul.u32 $0x42000, s12  }
0x1c: {  	[tilespmem:s23+$0x1830 ss:$0x81] =	vst.msk $0xffff, v59;
	s21 =	sand.u32 $0x380, s30;
	s22 =	smul.u32 s22, s25;
	s28 =	simm.s32 @p1 $0x0  }
0x1d: {  	[tilespmem:s23+$0x2040 ss:$0x81] =	vst.msk $0xffff, v60;
	s21 =	sor.u32 s29, s21;
	s24 =	ssub.s32 s24, s27;
	s29 =	sand.u32 $0x7, s11  }
0x1e: {  	[tilespmem:s23+$0x2850 ss:$0x81] =	vst.msk $0xffff, v61;
	s21 =	sshrl.u32 s21, $0x3;
	s25 =	sadd.s32 s3, s31;
	s22 =	smul.u32 s28, s22  }
0x1f: {  	[tilespmem:s23+$0x3060 ss:$0x81] =	vst.msk $0xffff, v62;
	s24 =	sshll.u32 s24, $0x7;
	s30 =	sshll.u32 s29, $0x12;
	s21 =	sadd.s32 s21, s25  }
0x20: {  	[tilespmem:s23+$0x0 ss:$0x81] =	vst.msk $0xffff, v63;
	s31 =	sor.u32 $0x400, s30;
	s21 =	sadd.s32 s24, s21;
	s22 =	sand.u32 $0x3FFFFFFF, s22  }
0x21: {  	[hbm4b:s21+s31] =	stream.strided.scatter [tilespmem:s20], [sflag:$0x2], s22, s9, s31, $0x20;
	[tilespmem:$0x10100] =	vst v63  }
.LBB1_5:
0x22: {  	p1 =	slt.u32 s16, $0x2  }
0x23: {  	p2 =	sgt.s32 @!p1 s19, $0x3  }
0x24: {  	s20 =	smov.u32 s19;
	s21 =	sshra.s32 @!p1 s19, $0x1F;
	p2 =	por !p2, p1  }
0x25: {  	s19 =	sand.u32 @!p1 s21, s19;
	s20 =	simm.s32 @p2 $0x3  }
0x26: {  	p3 =	sgt.s32 @!p1 s18, $0x380;
	s19 =	ssub.s32 @!p1 s20, s19  }
0x27: {  	p3 =	por !p3, p1;
	s21 =	sshra.s32 @!p1 s18, $0x1F;
	s20 =	sadd.s32 @!p1 $0xFFFFFFFD, s19  }
0x28: {  	s19 =	ssub.s32 @!p1 $0x4, s19;
	p2 =	sgt.s32 @!p1 s20, $0x0;
	s20 =	smov.u32 s18  }
0x29: {  	s18 =	sand.u32 @!p1 s21, s18;
	s20 =	simm.s32 @p3 $0x380;
	p3 =	sgt.s32 @!p1 s17, $0x7C0  }
0x2a: {  	s21 =	smov.u32 s17;
	p2 =	por !p2, p1;
	p3 =	por !p3, p1  }
0x2b: {  	s18 =	ssub.s32 @!p1 s20, s18;
	s20 =	sshra.s32 @!p1 s17, $0x1F;
	s19 =	simm.s32 @!p2 $0x0  }
0x2c: {  	s21 =	simm.s32 @p3 $0x7C0;
	s17 =	sand.u32 @!p1 s20, s17;
	s20 =	sadd.s32 @!p1 $0xFFFFFC80, s18  }
0x2d: {  	s18 =	ssub.s32 @!p1 $0x400, s18;
	s17 =	ssub.s32 @!p1 s21, s17;
	p2 =	sgt.s32 @!p1 s20, $0x7F  }
0x2e: {  	s21 =	smov.u32 s14;
	s20 =	sadd.s32 @!p1 $0xFFFFF840, s17;
	p2 =	por !p2, p1  }
0x2f: {  	s17 =	ssub.s32 @!p1 $0x840, s17;
	p3 =	sgt.s32 @!p1 s20, $0x7F;
	s18 =	simm.s32 @!p2 $0x0  }
0x30: {  	s20 =	sadd.s32 $0x80, s13;
	p2 =	por !p3, p1;
	s18 =	smul.u32 @!p1 s19, s18  }
0x31: {  	s19 =	sadd.s32 $0x400, s14;
	s17 =	simm.s32 @!p2 $0x0;
	p2 =	sgt.s32 s20, $0x83F  }
0x32: {  	s22 =	smov.u32 s15;
	s21 =	smov.u32 @p2 s19  }
0x33: {  	s17 =	smul.u32 @!p1 s17, s18;
	s18 =	sadd.s32 $0x4, s15;
	p3 =	sgt.s32 s21, $0x3FF  }
0x34: {  	p0 =	por !p0, !p0;
	s23 =	simm.s32 @!p1 $0x2;
	s22 =	smov.u32 @p3 s18  }
0x35: {  	s20 =	simm.s32 @p2 $0x0;
	s19 =	smov.u32 s12;
	p2 =	sgt.s32 s22, $0x3  }
0x36: {  	s12 =	smov.u32 s15;
	s22 =	smov.u32 @p2 s7;
	p2 =	sne.s32 s16, s8  }
.Ltmp1:
0x37: {  	s17 =	sand.u32 @!p1 $0x3FFFFFFF, s17;
	s21 =	smov.u32 @p3 s2;
	(pc) =	sbr.rel @!p2 .LBB1_6-.Ltmp1, $4  }
0x38: {  	s18 =	smov.u32 s11;
	s11 =	smov.u32 s14;
	_ =	swait.ge @!p1 [sflag:s23], s17  }
0x39: {  	s24 =	ssub.s32 @!p1 $0x0, s17;
	s17 =	smov.u32 s10;
	s10 =	smov.u32 s13  }
0x3a: {  	s13 =	smov.u32 s20;
	s14 =	smov.u32 s21;
	[sflag:s23] =	ssyncset.done @!p1 $0x0  }
0x3b: {  	s16 =	sadd.s32 $0x1, s16;
	[sflag:s23] =	ssyncadd.s32 @!p1 s24;
	s15 =	smov.u32 s22  }
.LBB1_1:
0x3c: {  	p1 =	sge.u32 s16, s6  }
0x3d: {  	s20 =	sshrl.u32 @!p1 s14, $0x3  }
0x3e: {  	s21 =	sshll.u32 @!p1 s13, $0x3;
	s20 =	smul.u32 @!p1 $0x4400, s20  }
0x3f: {  	s22 =	sshll.u32 @!p1 s14, $0x7;
	s21 =	sand.u32 @!p1 $0xFFFFFC00, s21  }
0x40: {  	s20 =	sadd.s32 @!p1 s20, s21;
	s21 =	sand.u32 @!p1 $0x380, s22  }
0x41: {  	s22 =	sand.u32 @!p1 $0x7F, s13;
	s20 =	sor.u32 @!p1 s21, s20  }
0x42: {  	s21 =	sor.u32 @!p1 s22, s20  }
0x43: {  	s22 =	smulhi.u32 @!p1 $0xF0F0F0F1, s21  }
0x44: {  	s20 =	smulhi.u32 @!p1 $0xF0F0F0F1, s20  }
0x45: {  	s22 =	sshrl.u32 @!p1 s22, $0xB  }
0x46: {  	s31 =	sadd.s32 $0xFFFFFFFF, s16;
	s20 =	sshrl.u32 @!p1 s20, $0xB;
	s22 =	smul.u32 @!p1 $0x880, s22  }
0x47: {  	s23 =	sxor.u32 @!p1 $0xFFFFFFFF, s16;
	s24 =	smul.u32 @!p1 $0x44000, s15;
	s20 =	sand.u32 @!p1 $0x3FF, s20  }
0x48: {  	s23 =	sshll.u32 @!p1 s23, $0xE;
	s20 =	smul.u32 @!p1 $0x110, s20;
	s21 =	ssub.s32 @!p1 s21, s22  }
0x49: {  	s22 =	sand.u32 @!p1 $0x4000, s23;
	s23 =	sadd.s32 @!p1 s4, s24;
	s24 =	sand.u32 @!p1 $0x7, s21  }
0x4a: {  	s21 =	sshrl.u32 @!p1 s21, $0x3;
	s20 =	sadd.s32 @!p1 s20, s23;
	s23 =	sshll.u32 @!p1 s24, $0x12  }
0x4b: {  	s20 =	sadd.s32 @!p1 s21, s20;
	s21 =	sor.u32 @!p1 $0x400, s23;
	s23 =	simm.s32 @!p1 $0x4400  }
0x4c: {  	[tilespmem:s22], [sflag:$0x1] =	stream.strided.gather @!p1 [hbm4b:s20+s21], $0x4000, s23, s21, $0x38;
	[tilespmem:$0x10100] =	vst v63  }
0x4d: {  	p1 =	sge.u32 s31, s6  }
.Ltmp2:
0x4e: {  	_ = 	snop;
	(pc) =	sbr.rel @p1 .LBB1_5-.Ltmp2, $1  }
0x4f: {  	_ =	sdelay $0x3  }
0x50: {  	s20 =	simm.s32 $0x1  }
0x51: {  	_ =	swait.ge [sflag:s5], $0x4000;
	s20 =	simm.s32 @!p0 $0x0  }
0x52: {  	[sflag:s5] =	ssyncset.done $0x0;
	s21 =	sshll.u32 s20, $0xE  }
0x53: {  	[sflag:s5] =	ssyncadd.s32 $0xFFFFC000;
	s21 =	sor.u32 $0x40, s21  }
0x54: {  	s20 =	smul.u32 $0x10200, s20;
	v0 =	vld [tilespmem:s21+$0x30]  }
0x55: {  	v1 =	vld [tilespmem:s21+$0xFFFFFFD0]  }
0x56: {  	s20 =	sshrl.u32 s20, $0x2;
	v5 =	vld [tilespmem:s21+$0xFFFFFFE0]  }
0x57: {  	v6 =	vld [tilespmem:s21+$0xFFFFFFF0];
	s23 =	sor.u32 $0x8000, s20  }
0x58: {  	s31 =	sand.u32 $0x1, s16;
	v4 =	vld [tilespmem:s21+$0x0];
	s22 =	sadd.s32 $0x0, s23  }
0x59: {  	v3 =	vld [tilespmem:s21+$0x10];
	s20 =	smul.u32 $0x10200, s31;
	[tilespmem:s22+$0x3870 ss:$0x81] =	vst.msk $0xffff, v0  }
0x5a: {  	v2 =	vld [tilespmem:s21+$0x20];
	[tilespmem:s22+$0x810 ss:$0x81] =	vst.msk $0xffff, v1  }
0x5b: {  	s20 =	sshrl.u32 s20, $0x2;
	v1 =	vld [tilespmem:s21+$0xFFFFFFC0];
	[tilespmem:s22+$0x1020 ss:$0x81] =	vst.msk $0xffff, v5;
	s21 =	sadd.s32 $0x80, s21  }
0x5c: {  	s24 =	simm.s32 $0x4;
	s25 =	simm.s32 $0x8;
	s20 =	sor.u32 $0x8000, s20;
	[tilespmem:s22+$0x1830 ss:$0x81] =	vst.msk $0xffff, v6;
	v0 =	vld [tilespmem:s21+$0x30]  }
.LBB1_3:
0x5d: {  	p1 =	sne.s32 s25, $0x1FC;
	v5 =	vld [tilespmem:s21+$0xFFFFFFD0];
	[tilespmem:s22+$0x2040 ss:$0x81] =	vst.msk $0xffff, v4  }
0x5e: {  	v6 =	vld [tilespmem:s21+$0xFFFFFFE0];
	[tilespmem:s22+$0x2850 ss:$0x81] =	vst.msk $0xffff, v3  }
0x5f: {  	s26 =	sshra.s32 s24, $0x2;
	s24 =	smov.u32 s25;
	v7 =	vld [tilespmem:s21+$0xFFFFFFF0];
	[tilespmem:s22+$0x3060 ss:$0x81] =	vst.msk $0xffff, v2  }
.Ltmp3:
0x60: {  	v4 =	vld [tilespmem:s21+$0x0];
	[tilespmem:s22+$0x0 ss:$0x81] =	vst.msk $0xffff, v1;
	s22 =	sadd.s32 s26, s23;
	(pc) =	sbr.rel @p1 .LBB1_3-.Ltmp3, $4  }
0x61: {  	v3 =	vld [tilespmem:s21+$0x10];
	[tilespmem:s22+$0x3870 ss:$0x81] =	vst.msk $0xffff, v0  }
0x62: {  	[tilespmem:s22+$0x810 ss:$0x81] =	vst.msk $0xffff, v5;
	v2 =	vld [tilespmem:s21+$0x20]  }
0x63: {  	v1 =	vld [tilespmem:s21+$0xFFFFFFC0];
	[tilespmem:s22+$0x1020 ss:$0x81] =	vst.msk $0xffff, v6;
	s21 =	sadd.s32 $0x80, s21  }
0x64: {  	s25 =	sadd.s32 $0x4, s25;
	v0 =	vld [tilespmem:s21+$0x30];
	[tilespmem:s22+$0x1830 ss:$0x81] =	vst.msk $0xffff, v7  }
.Ltmp4:
0x65: {  	_ = 	snop;
	(pc) =	sbr.rel .LBB1_4-.Ltmp4, $1  }
0x66: {  	_ =	sdelay $0x3  }
.LBB1_6:
0x67: {  	_ =	sfence.sel $0x180000  }
0x68: {  	s2 =	simm.s32 $0x1;
	[bflag:$0x0] =	sbarrier.arrive $0xFFFF  }
0x69: {  	s31 =	simm.s32 $0x2;
	[sflag:s2] =	ssyncpa.u1 $0x1  }
0x6a: {  	[sflag:s31] =	ssyncpa.u1 $0x1  }
0x6b: {  	p0 =	sne.s32 s0, $0x0;
	_ =	strace $0x9000004A  }
0x6c: {  	s0 =	sadd.s32 @!p0 $0x100000, s1;
	[bflag:$0x2] =	sbarrier.arrive $0xFFFF  }
0x6d: {  	[sflag:s0] =	ssyncadd.tile.s32 @!p0 $0x1;
	_ =	shalt  }
.Lfunc_end1:
_tile_overlayer_lowered:
.L_overlay_start_2:
0x6e: {  	(tag) =	ssettag $0x2  }
0x6f: {  	s0 =	rddreg [dreg:$0x0];
	s2 =	stileid.u32  }
0x70: {  	s1 =	rddreg [dreg:$0x1];
	p0 =	sne.s32 s2, $0x0  }
0x71: {  	s3 =	rddreg [dreg:$0x2];
	[bflag:$0x3] =	sbarrier.arrive $0xFFFF;
	s2 =	simm.s32 @!p0 $0x1C01  }
0x72: {  	[timem:s3], [sflag:s2] =	dma.local @!p0 [hbm:s0], s1  }
0x73: {  	s0 =	simm.s32 @!p0 $0x1  }
0x74: {  	_ =	swait.ge @!p0 [sflag:s0], s1  }
0x75: {  	s1 =	ssub.s32 @!p0 $0x0, s1;
	[sflag:s0] =	ssyncset.done @!p0 $0x0  }
0x76: {  	[sflag:s0] =	ssyncadd.s32 @!p0 s1  }
0x77: {  	[bflag:$0x3] =	sbarrier.arrive $0xFFFF  }
0x78: {  	_ =	shalt  }

</sc_bundles>
